<compile_context>
chip_gen: v7x
topology: tpu7x:2x2x1
jax: 0.10.2.dev20260603
libtpu: 0.0.44.dev20260713+nightly
codegen_flags: <defaults>
</compile_context>

<pallas_src>
import functools

import jax
import jax.numpy as jnp
from jax import lax
from jax.experimental import pallas as pl
from jax.experimental.pallas import tpu as pltpu
from jax.experimental.pallas import tpu_sc as plsc

B = 16384
NCAT = 26
NNUM = 13
D = 32
CARD = 100000
NW = 32
CB = B // NW
L = 16
TS = CB + 1

_mesh = plsc.VectorSubcoreMesh(core_axis_name="c", subcore_axis_name="s")


@functools.partial(
    pl.kernel,
    out_type=jax.ShapeDtypeStruct((NNUM + NCAT, D, B), jnp.float32),
    mesh=_mesh,
    compiler_params=pltpu.CompilerParams(
        needs_layout_passes=False, use_tc_tiling_on_sc=False),
    scratch_types=[
        pltpu.VMEM((2, CB), jnp.int32),
        pltpu.VMEM((2, CB, D), jnp.float32),
        pltpu.VMEM((2, D, TS), jnp.float32),
        pltpu.VMEM((NNUM * CB,), jnp.float32),
        pltpu.VMEM((NNUM * D * L,), jnp.float32),
        pltpu.VMEM((NNUM * D * L,), jnp.float32),
        pltpu.VMEM((NCAT * D,), jnp.float32),
        pltpu.SemaphoreType.DMA((2,)),
        pltpu.SemaphoreType.DMA((2,)),
        pltpu.SemaphoreType.DMA,
    ],
)
def _emb(xnT, xcT, wrep, brep, table, cbf, out,
         idx_v, rows_v, tbuf, xn_v, wrep_v, brep_v, cb_v, gsem, osem, xsem):
    c = lax.axis_index("c")
    s = lax.axis_index("s")
    wid = s * 2 + c
    b0 = wid * CB

    pltpu.sync_copy(wrep, wrep_v)
    pltpu.sync_copy(brep, brep_v)
    pltpu.sync_copy(cbf, cb_v)

    lane = lax.broadcasted_iota(jnp.int32, (L,), 0)
    lane2 = lane + L

    def load_idx_and_gather(j, buf):
        pltpu.sync_copy(xcT.at[pl.ds(j * B + b0, CB)], idx_v.at[buf])
        off = jnp.full((L,), j * CARD, jnp.int32)

        @plsc.parallel_loop(0, CB // L, unroll=8)
        def off_p(p):
            idx_v[buf, pl.ds(p * L, L)] = idx_v[buf, pl.ds(p * L, L)] + off
        pltpu.async_copy(table.at[idx_v.at[buf]], rows_v.at[buf],
                         gsem.at[buf])

    def wait_gather(buf):
        pltpu.make_async_copy(table.at[idx_v.at[buf]], rows_v.at[buf],
                              gsem.at[buf]).wait()

    def issue_out(j, buf):
        pltpu.async_copy(tbuf.at[buf, :, pl.ds(0, CB)],
                         out.at[NNUM + j, :, pl.ds(b0, CB)],
                         osem.at[buf])

    def wait_out(j, buf):
        pltpu.make_async_copy(tbuf.at[buf, :, pl.ds(0, CB)],
                              out.at[NNUM + j, :, pl.ds(b0, CB)],
                              osem.at[buf]).wait()

    def issue_num_out(i, buf):
        pltpu.async_copy(tbuf.at[buf, :, pl.ds(0, CB)],
                         out.at[i, :, pl.ds(b0, CB)],
                         osem.at[buf])

    def wait_num_out(i, buf):
        pltpu.make_async_copy(tbuf.at[buf, :, pl.ds(0, CB)],
                              out.at[i, :, pl.ds(b0, CB)],
                              osem.at[buf]).wait()

    load_idx_and_gather(0, 0)
    load_idx_and_gather(1, 1)
    for i in range(NNUM):
        pltpu.async_copy(xnT.at[pl.ds(i * B + b0, CB)],
                         xn_v.at[pl.ds(i * CB, CB)], xsem)

    for i in range(NNUM):
        buf = i % 2
        pltpu.make_async_copy(xnT.at[pl.ds(i * B + b0, CB)],
                              xn_v.at[pl.ds(i * CB, CB)], xsem).wait()
        if i >= 2:
            wait_num_out(i - 2, buf)

        def num_d(d, carry2, _i=i, _buf=buf):
            base = (_i * D + d) * L
            wv = wrep_v[pl.ds(base, L)]
            bv = brep_v[pl.ds(base, L)]

            @plsc.parallel_loop(0, CB // L, unroll=8)
            def num_p(p):
                tbuf[_buf, d, pl.ds(p * L, L)] = (
                    xn_v[pl.ds(_i * CB + p * L, L)] * wv + bv)

            return carry2

        lax.fori_loop(0, D, num_d, 0)
        issue_num_out(i, buf)

    wait_num_out(NNUM - 2, (NNUM - 2) % 2)
    wait_num_out(NNUM - 1, (NNUM - 1) % 2)

    def pair(k, carry):
        for buf in (0, 1):
            j = 2 * k + buf
            wait_gather(buf)

            @pl.when(k >= 1)
            def _(buf=buf, j=j):
                wait_out(j - 2, buf)

            cl = cb_v[pl.ds(j * D, L)]
            ch = cb_v[pl.ds(j * D + L, L)]

            @plsc.parallel_loop(0, CB, unroll=16)
            def trans_r(r, _buf=buf, _cl=cl, _ch=ch):
                rv = jnp.full((L,), r, jnp.int32)
                v0 = rows_v[_buf, r, pl.ds(0, L)] + _cl
                plsc.store_scatter(tbuf.at[_buf], [lane, rv], v0)
                v1 = rows_v[_buf, r, pl.ds(L, L)] + _ch
                plsc.store_scatter(tbuf.at[_buf], [lane2, rv], v1)

            @pl.when(k < (NCAT // 2) - 1)
            def _(buf=buf, j=j):
                load_idx_and_gather(j + 2, buf)

            issue_out(j, buf)
        return carry

    lax.fori_loop(0, NCAT // 2, pair, 0)

    wait_out(NCAT - 2, 0)
    wait_out(NCAT - 1, 1)


def kernel(x_num, x_cat, W_num, b_num, table, cat_bias):
    xnT = x_num.T.reshape(-1)
    xcT = x_cat.T.reshape(-1)
    wrep = jnp.repeat(W_num.reshape(-1)[:, None], L, axis=1).reshape(-1)
    brep = jnp.repeat(b_num.reshape(-1)[:, None], L, axis=1).reshape(-1)
    cbf = cat_bias.reshape(-1)
    outT = _emb(xnT, xcT, wrep, brep, table, cbf)
    return jnp.transpose(outT, (2, 0, 1))

# --- scband reference (transcript-rebuilt; emitter-appended) ---
"""Pipeline reference for scband-fttransformer-embeddings-82669530514295 (READ-ONLY COPY).

The authoritative reference and input builder live on the scoring server;
editing this copy changes nothing except your own understanding.
"""

import jax, jax.numpy as jnp
import numpy as np

CARDS = [100000] * 26
N_NUM = 13
D_EMB = 32
BATCH = 16384


def setup_inputs(seed: int = 0) -> dict:
    key = jax.random.key(seed)
    k0, k1, k2, k3, k4, k5 = jax.random.split(key, 6)
    total_rows = sum(CARDS)
    x_num = jax.random.normal(k0, (BATCH, N_NUM), dtype=jnp.float32)
    x_cat = jax.random.randint(k1, (BATCH, len(CARDS)), 0, 100000, dtype=jnp.int32)
    # LinearEmbeddings params: per-feature weight and bias of shape [n_num, d]
    W_num = jax.random.normal(k2, (N_NUM, D_EMB), dtype=jnp.float32) * (1.0 / np.sqrt(D_EMB))
    b_num = jax.random.normal(k3, (N_NUM, D_EMB), dtype=jnp.float32) * (1.0 / np.sqrt(D_EMB))
    # CatEmbeddings params: one concatenated table [sum(cards), d] + per-feature bias [n_cat, d]
    table = jax.random.normal(k4, (total_rows, D_EMB), dtype=jnp.float32) * 0.02
    cat_bias = jax.random.normal(k5, (len(CARDS), D_EMB), dtype=jnp.float32) * 0.02
    return {"x_num": x_num, "x_cat": x_cat, "W_num": W_num, "b_num": b_num, "table": table, "cat_bias": cat_bias}


def reference(x_num, x_cat, W_num, b_num, table, cat_bias):
    # numerical embeddings: x[..., None] * W + b  -> [B, n_num, d]
    num_out = x_num[:, :, None] * W_num[None, :, :] + b_num[None, :, :]
    # categorical embeddings: offset indices into the concatenated table, gather, add per-feature bias
    offsets = jnp.asarray(np.cumsum([0] + CARDS[:-1]), dtype=jnp.int32)
    idx = x_cat + offsets[None, :]
    cat_out = jnp.take(table, idx, axis=0) + cat_bias[None, :, :]  # [B, n_cat, d]
    return jnp.concatenate([num_out, cat_out], axis=1)  # [B, n_num + n_cat, d]

if __name__ == "__main__":
    import jax
    _d = setup_inputs()
    print(jax.jit(kernel)(*tuple(_d.values())))

</pallas_src>

<mosaic_0001>
#map = affine_map<(d0, d1) -> (0)>
#map1 = affine_map<(d0, d1) -> (0, 0)>
#map2 = affine_map<(d0, d1) -> (0, 0, 0)>
module attributes {stable_mosaic.version = 14 : i64} {
  func.func @_emb(%arg0: i32, %arg1: i32, %arg2: memref<212992xf32, #tpu.memory_space<hbm>>, %arg3: memref<425984xi32, #tpu.memory_space<hbm>>, %arg4: memref<6656xf32, #tpu.memory_space<hbm>>, %arg5: memref<6656xf32, #tpu.memory_space<hbm>>, %arg6: memref<2600000x32xf32, #tpu.memory_space<hbm>>, %arg7: memref<832xf32, #tpu.memory_space<hbm>>, %arg8: memref<39x32x16384xf32, #tpu.memory_space<hbm>>, %arg9: memref<2x512xi32, #tpu.memory_space<vmem>>, %arg10: memref<2x512x32xf32, #tpu.memory_space<vmem>>, %arg11: memref<2x32x513xf32, #tpu.memory_space<vmem>>, %arg12: memref<6656xf32, #tpu.memory_space<vmem>>, %arg13: memref<6656xf32, #tpu.memory_space<vmem>>, %arg14: memref<6656xf32, #tpu.memory_space<vmem>>, %arg15: memref<832xf32, #tpu.memory_space<vmem>>, %arg16: memref<2x!tpu.dma_semaphore, #tpu.memory_space<semaphore_mem>>, %arg17: memref<2x!tpu.dma_semaphore, #tpu.memory_space<semaphore_mem>>, %arg18: memref<!tpu.dma_semaphore, #tpu.memory_space<semaphore_mem>>) attributes {dimension_semantics = [#tpu.dimension_semantics<core_parallel>, #tpu.dimension_semantics<subcore_parallel>], iteration_bounds = array<i64: 2, 16>, scalar_prefetch = 0 : i64, scratch_operands = 10 : i64, tpu.core_type = #tpu.core_type<sc_vector_subcore>, window_params = [{transform_indices = #map}, {transform_indices = #map}, {transform_indices = #map}, {transform_indices = #map}, {transform_indices = #map1}, {transform_indices = #map}, {transform_indices = #map2}]} {
    %mul3A = arith.constant 2 : i32
    %mul3A_0 = arith.muli %arg1, %mul3A : i32
    %add3A = arith.addi %mul3A_0, %arg0 : i32
    %mul3A_1 = arith.constant 512 : i32
    %mul3A_2 = arith.muli %add3A, %mul3A_1 : i32
    "tpu.region"() ({
      %run_scoped3A_870 = tpu.sem_alloc : memref<!tpu.dma_semaphore, #tpu.memory_space<semaphore_mem>>
      tpu.enqueue_dma source(%arg4 : memref<6656xf32, #tpu.memory_space<hbm>>) target(%arg13 : memref<6656xf32, #tpu.memory_space<vmem>>) target_semaphore(%run_scoped3A_870 : memref<!tpu.dma_semaphore, #tpu.memory_space<semaphore_mem>>)
      tpu.wait_dma2 semaphore(%run_scoped3A_870 : memref<!tpu.dma_semaphore, #tpu.memory_space<semaphore_mem>>) src(%arg4 : memref<6656xf32, #tpu.memory_space<hbm>>) dst(%arg13 : memref<6656xf32, #tpu.memory_space<vmem>>)
      tpu.yield
    }) : () -> ()
    "tpu.region"() ({
      %run_scoped3A_870 = tpu.sem_alloc : memref<!tpu.dma_semaphore, #tpu.memory_space<semaphore_mem>>
      tpu.enqueue_dma source(%arg5 : memref<6656xf32, #tpu.memory_space<hbm>>) target(%arg14 : memref<6656xf32, #tpu.memory_space<vmem>>) target_semaphore(%run_scoped3A_870 : memref<!tpu.dma_semaphore, #tpu.memory_space<semaphore_mem>>)
      tpu.wait_dma2 semaphore(%run_scoped3A_870 : memref<!tpu.dma_semaphore, #tpu.memory_space<semaphore_mem>>) src(%arg5 : memref<6656xf32, #tpu.memory_space<hbm>>) dst(%arg14 : memref<6656xf32, #tpu.memory_space<vmem>>)
      tpu.yield
    }) : () -> ()
    "tpu.region"() ({
      %run_scoped3A_870 = tpu.sem_alloc : memref<!tpu.dma_semaphore, #tpu.memory_space<semaphore_mem>>
      tpu.enqueue_dma source(%arg7 : memref<832xf32, #tpu.memory_space<hbm>>) target(%arg15 : memref<832xf32, #tpu.memory_space<vmem>>) target_semaphore(%run_scoped3A_870 : memref<!tpu.dma_semaphore, #tpu.memory_space<semaphore_mem>>)
      tpu.wait_dma2 semaphore(%run_scoped3A_870 : memref<!tpu.dma_semaphore, #tpu.memory_space<semaphore_mem>>) src(%arg7 : memref<832xf32, #tpu.memory_space<hbm>>) dst(%arg15 : memref<832xf32, #tpu.memory_space<vmem>>)
      tpu.yield
    }) : () -> ()
    %iota3A = tpu.iota {dimensions = array<i32: 0>} : vector<16xi32>
    %add3A_3 = arith.constant 16 : i32
    %add3A_4 = vector.broadcast %add3A_3 : i32 to vector<16xi32>
    %add3A_5 = arith.addi %iota3A, %add3A_4 : vector<16xi32>
    %add3A_6 = arith.constant 0 : i32
    %add3A_7 = arith.addi %add3A_6, %mul3A_2 : i32
    %run_scoped3A = arith.constant 0 : i32
    "tpu.region"() ({
      %run_scoped3A_870 = tpu.sem_alloc : memref<!tpu.dma_semaphore, #tpu.memory_space<semaphore_mem>>
      %dma_start3A_871 = arith.constant 0 : i32
      %dma_start3A_872 = tpu.memref_slice %arg9[%run_scoped3A, %dma_start3A_871] : memref<2x512xi32, #tpu.memory_space<vmem>> -> memref<1x512xi32, #tpu.memory_space<vmem>>
      %dma_start3A_873 = tpu.memref_squeeze %dma_start3A_872 : memref<1x512xi32, #tpu.memory_space<vmem>> -> memref<512xi32, #tpu.memory_space<vmem>>
      %dma_start3A_874 = tpu.memref_slice %arg3[%add3A_7] : memref<425984xi32, #tpu.memory_space<hbm>> -> memref<512xi32, #tpu.memory_space<hbm>>
      %dma_start3A_875 = arith.constant 0 : i32
      %dma_start3A_876 = tpu.memref_slice %arg9[%run_scoped3A, %dma_start3A_875] : memref<2x512xi32, #tpu.memory_space<vmem>> -> memref<1x512xi32, #tpu.memory_space<vmem>>
      %dma_start3A_877 = tpu.memref_squeeze %dma_start3A_876 : memref<1x512xi32, #tpu.memory_space<vmem>> -> memref<512xi32, #tpu.memory_space<vmem>>
      %dma_start3A_878 = tpu.memref_slice %arg3[%add3A_7] : memref<425984xi32, #tpu.memory_space<hbm>> -> memref<512xi32, #tpu.memory_space<hbm>>
      tpu.enqueue_dma source(%dma_start3A_878 : memref<512xi32, #tpu.memory_space<hbm>>) target(%dma_start3A_877 : memref<512xi32, #tpu.memory_space<vmem>>) target_semaphore(%run_scoped3A_870 : memref<!tpu.dma_semaphore, #tpu.memory_space<semaphore_mem>>)
      %dma_wait3A_879 = arith.constant 0 : i32
      %dma_wait3A_880 = tpu.memref_slice %arg9[%run_scoped3A, %dma_wait3A_879] : memref<2x512xi32, #tpu.memory_space<vmem>> -> memref<1x512xi32, #tpu.memory_space<vmem>>
      %dma_wait3A_881 = tpu.memref_squeeze %dma_wait3A_880 : memref<1x512xi32, #tpu.memory_space<vmem>> -> memref<512xi32, #tpu.memory_space<vmem>>
      %dma_wait3A_882 = tpu.memref_slice %arg3[%add3A_7] : memref<425984xi32, #tpu.memory_space<hbm>> -> memref<512xi32, #tpu.memory_space<hbm>>
      %dma_wait3A_883 = arith.constant 0 : i32
      %dma_wait3A_884 = tpu.memref_slice %arg9[%run_scoped3A, %dma_wait3A_883] : memref<2x512xi32, #tpu.memory_space<vmem>> -> memref<1x512xi32, #tpu.memory_space<vmem>>
      %dma_wait3A_885 = tpu.memref_squeeze %dma_wait3A_884 : memref<1x512xi32, #tpu.memory_space<vmem>> -> memref<512xi32, #tpu.memory_space<vmem>>
      %dma_wait3A_886 = tpu.memref_slice %arg3[%add3A_7] : memref<425984xi32, #tpu.memory_space<hbm>> -> memref<512xi32, #tpu.memory_space<hbm>>
      tpu.wait_dma2 semaphore(%run_scoped3A_870 : memref<!tpu.dma_semaphore, #tpu.memory_space<semaphore_mem>>) src(%dma_wait3A_886 : memref<512xi32, #tpu.memory_space<hbm>>) dst(%dma_wait3A_885 : memref<512xi32, #tpu.memory_space<vmem>>)
      tpu.yield
    }) : () -> ()
    %broadcast_in_dim3A = arith.constant 0 : i32
    %broadcast_in_dim3A_8 = vector.broadcast %broadcast_in_dim3A : i32 to vector<16xi32>
    %parallel_loop3A = arith.constant 0 : i32
    %parallel_loop3A_9 = arith.constant 32 : i32
    %parallel_loop3A_10 = arith.constant 1 : i32
    scf.for %parallel_loop3A_870 = %parallel_loop3A to %parallel_loop3A_9 step %parallel_loop3A_10  : i32 {
      %parallel_loop3A_871 = arith.constant 16 : i32
      %parallel_loop3A_872 = arith.muli %parallel_loop3A_870, %parallel_loop3A_871 : i32
      %parallel_loop3A_873 = arith.constant 0 : i32
      %parallel_loop3A_874 = arith.index_cast %parallel_loop3A_873 : i32 to index
      %parallel_loop3A_875 = arith.index_cast %parallel_loop3A_872 : i32 to index
      %parallel_loop3A_876 = tpu.vector_load %arg9[%parallel_loop3A_874, %parallel_loop3A_875] {strides = array<i32>} : memref<2x512xi32, #tpu.memory_space<vmem>>, vector<16xi32>,
      %parallel_loop3A_877 = arith.addi %parallel_loop3A_876, %broadcast_in_dim3A_8 : vector<16xi32>
      %parallel_loop3A_878 = arith.constant 16 : i32
      %parallel_loop3A_879 = arith.muli %parallel_loop3A_870, %parallel_loop3A_878 : i32
      %parallel_loop3A_880 = arith.constant 0 : i32
      %parallel_loop3A_881 = arith.index_cast %parallel_loop3A_880 : i32 to index
      %parallel_loop3A_882 = arith.index_cast %parallel_loop3A_879 : i32 to index
      %parallel_loop3A_883 = tpu.vector_load %arg9[%parallel_loop3A_881, %parallel_loop3A_882] {strides = array<i32>} : memref<2x512xi32, #tpu.memory_space<vmem>>, vector<16xi32>,
      tpu.vector_store %arg9[%parallel_loop3A_881, %parallel_loop3A_882], %parallel_loop3A_877 {strides = array<i32>} : memref<2x512xi32, #tpu.memory_space<vmem>>, vector<16xi32>,
    } {sc.loop_unroll_factor = 8 : i64, sc.parallel_access}
    %dma_start3A = arith.constant 0 : i32
    %dma_start3A_11 = arith.constant 0 : i32
    %dma_start3A_12 = arith.constant 0 : i32
    %dma_start3A_13 = arith.constant 0 : i32
    %dma_start3A_14 = arith.constant 0 : i32
    %dma_start3A_15 = tpu.memref_slice %arg10[%dma_start3A_11, %dma_start3A_13, %dma_start3A_14] : memref<2x512x32xf32, #tpu.memory_space<vmem>> -> memref<1x512x32xf32, #tpu.memory_space<vmem>>
    %dma_start3A_16 = tpu.memref_squeeze %dma_start3A_15 : memref<1x512x32xf32, #tpu.memory_space<vmem>> -> memref<512x32xf32, #tpu.memory_space<vmem>>
    %dma_start3A_17 = arith.constant 0 : i32
    %dma_start3A_18 = tpu.memref_slice %arg9[%dma_start3A, %dma_start3A_17] : memref<2x512xi32, #tpu.memory_space<vmem>> -> memref<1x512xi32, #tpu.memory_space<vmem>>
    %dma_start3A_19 = tpu.memref_squeeze %dma_start3A_18 : memref<1x512xi32, #tpu.memory_space<vmem>> -> memref<512xi32, #tpu.memory_space<vmem>>
    %dma_start3A_20 = arith.constant 0 : i32
    %dma_start3A_21 = arith.constant 0 : i32
    %dma_start3A_22 = tpu.memref_slice %arg6[%dma_start3A_20, %dma_start3A_21] : memref<2600000x32xf32, #tpu.memory_space<hbm>> -> memref<2600000x32xf32, #tpu.memory_space<hbm>>
    %dma_start3A_23 = tpu.memref_slice %arg16[%dma_start3A_12] : memref<2x!tpu.dma_semaphore, #tpu.memory_space<semaphore_mem>> -> memref<1x!tpu.dma_semaphore, #tpu.memory_space<semaphore_mem>>
    %dma_start3A_24 = tpu.memref_squeeze %dma_start3A_23 : memref<1x!tpu.dma_semaphore, #tpu.memory_space<semaphore_mem>> -> memref<!tpu.dma_semaphore, #tpu.memory_space<semaphore_mem>>
    tpu.enqueue_indirect_dma source(%dma_start3A_22 : memref<2600000x32xf32, #tpu.memory_space<hbm>>) target(%dma_start3A_16 : memref<512x32xf32, #tpu.memory_space<vmem>>) offsets(%dma_start3A_19 : memref<512xi32, #tpu.memory_space<vmem>>) semaphore(%dma_start3A_24 : memref<!tpu.dma_semaphore, #tpu.memory_space<semaphore_mem>>)
    %add3A_25 = arith.constant 16384 : i32
    %add3A_26 = arith.addi %add3A_25, %mul3A_2 : i32
    %run_scoped3A_27 = arith.constant 1 : i32
    "tpu.region"() ({
      %run_scoped3A_870 = tpu.sem_alloc : memref<!tpu.dma_semaphore, #tpu.memory_space<semaphore_mem>>
      %dma_start3A_871 = arith.constant 0 : i32
      %dma_start3A_872 = tpu.memref_slice %arg9[%run_scoped3A_27, %dma_start3A_871] : memref<2x512xi32, #tpu.memory_space<vmem>> -> memref<1x512xi32, #tpu.memory_space<vmem>>
      %dma_start3A_873 = tpu.memref_squeeze %dma_start3A_872 : memref<1x512xi32, #tpu.memory_space<vmem>> -> memref<512xi32, #tpu.memory_space<vmem>>
      %dma_start3A_874 = tpu.memref_slice %arg3[%add3A_26] : memref<425984xi32, #tpu.memory_space<hbm>> -> memref<512xi32, #tpu.memory_space<hbm>>
      %dma_start3A_875 = arith.constant 0 : i32
      %dma_start3A_876 = tpu.memref_slice %arg9[%run_scoped3A_27, %dma_start3A_875] : memref<2x512xi32, #tpu.memory_space<vmem>> -> memref<1x512xi32, #tpu.memory_space<vmem>>
      %dma_start3A_877 = tpu.memref_squeeze %dma_start3A_876 : memref<1x512xi32, #tpu.memory_space<vmem>> -> memref<512xi32, #tpu.memory_space<vmem>>
      %dma_start3A_878 = tpu.memref_slice %arg3[%add3A_26] : memref<425984xi32, #tpu.memory_space<hbm>> -> memref<512xi32, #tpu.memory_space<hbm>>
      tpu.enqueue_dma source(%dma_start3A_878 : memref<512xi32, #tpu.memory_space<hbm>>) target(%dma_start3A_877 : memref<512xi32, #tpu.memory_space<vmem>>) target_semaphore(%run_scoped3A_870 : memref<!tpu.dma_semaphore, #tpu.memory_space<semaphore_mem>>)
      %dma_wait3A_879 = arith.constant 0 : i32
      %dma_wait3A_880 = tpu.memref_slice %arg9[%run_scoped3A_27, %dma_wait3A_879] : memref<2x512xi32, #tpu.memory_space<vmem>> -> memref<1x512xi32, #tpu.memory_space<vmem>>
      %dma_wait3A_881 = tpu.memref_squeeze %dma_wait3A_880 : memref<1x512xi32, #tpu.memory_space<vmem>> -> memref<512xi32, #tpu.memory_space<vmem>>
      %dma_wait3A_882 = tpu.memref_slice %arg3[%add3A_26] : memref<425984xi32, #tpu.memory_space<hbm>> -> memref<512xi32, #tpu.memory_space<hbm>>
      %dma_wait3A_883 = arith.constant 0 : i32
      %dma_wait3A_884 = tpu.memref_slice %arg9[%run_scoped3A_27, %dma_wait3A_883] : memref<2x512xi32, #tpu.memory_space<vmem>> -> memref<1x512xi32, #tpu.memory_space<vmem>>
      %dma_wait3A_885 = tpu.memref_squeeze %dma_wait3A_884 : memref<1x512xi32, #tpu.memory_space<vmem>> -> memref<512xi32, #tpu.memory_space<vmem>>
      %dma_wait3A_886 = tpu.memref_slice %arg3[%add3A_26] : memref<425984xi32, #tpu.memory_space<hbm>> -> memref<512xi32, #tpu.memory_space<hbm>>
      tpu.wait_dma2 semaphore(%run_scoped3A_870 : memref<!tpu.dma_semaphore, #tpu.memory_space<semaphore_mem>>) src(%dma_wait3A_886 : memref<512xi32, #tpu.memory_space<hbm>>) dst(%dma_wait3A_885 : memref<512xi32, #tpu.memory_space<vmem>>)
      tpu.yield
    }) : () -> ()
    %broadcast_in_dim3A_28 = arith.constant 100000 : i32
    %broadcast_in_dim3A_29 = vector.broadcast %broadcast_in_dim3A_28 : i32 to vector<16xi32>
    %parallel_loop3A_30 = arith.constant 0 : i32
    %parallel_loop3A_31 = arith.constant 32 : i32
    %parallel_loop3A_32 = arith.constant 1 : i32
    scf.for %parallel_loop3A_870 = %parallel_loop3A_30 to %parallel_loop3A_31 step %parallel_loop3A_32  : i32 {
      %parallel_loop3A_871 = arith.constant 16 : i32
      %parallel_loop3A_872 = arith.muli %parallel_loop3A_870, %parallel_loop3A_871 : i32
      %parallel_loop3A_873 = arith.constant 1 : i32
      %parallel_loop3A_874 = arith.index_cast %parallel_loop3A_873 : i32 to index
      %parallel_loop3A_875 = arith.index_cast %parallel_loop3A_872 : i32 to index
      %parallel_loop3A_876 = tpu.vector_load %arg9[%parallel_loop3A_874, %parallel_loop3A_875] {strides = array<i32>} : memref<2x512xi32, #tpu.memory_space<vmem>>, vector<16xi32>,
      %parallel_loop3A_877 = arith.addi %parallel_loop3A_876, %broadcast_in_dim3A_29 : vector<16xi32>
      %parallel_loop3A_878 = arith.constant 16 : i32
      %parallel_loop3A_879 = arith.muli %parallel_loop3A_870, %parallel_loop3A_878 : i32
      %parallel_loop3A_880 = arith.constant 1 : i32
      %parallel_loop3A_881 = arith.index_cast %parallel_loop3A_880 : i32 to index
      %parallel_loop3A_882 = arith.index_cast %parallel_loop3A_879 : i32 to index
      %parallel_loop3A_883 = tpu.vector_load %arg9[%parallel_loop3A_881, %parallel_loop3A_882] {strides = array<i32>} : memref<2x512xi32, #tpu.memory_space<vmem>>, vector<16xi32>,
      tpu.vector_store %arg9[%parallel_loop3A_881, %parallel_loop3A_882], %parallel_loop3A_877 {strides = array<i32>} : memref<2x512xi32, #tpu.memory_space<vmem>>, vector<16xi32>,
    } {sc.loop_unroll_factor = 8 : i64, sc.parallel_access}
    %dma_start3A_33 = arith.constant 1 : i32
    %dma_start3A_34 = arith.constant 1 : i32
    %dma_start3A_35 = arith.constant 1 : i32
    %dma_start3A_36 = arith.constant 0 : i32
    %dma_start3A_37 = arith.constant 0 : i32
    %dma_start3A_38 = tpu.memref_slice %arg10[%dma_start3A_34, %dma_start3A_36, %dma_start3A_37] : memref<2x512x32xf32, #tpu.memory_space<vmem>> -> memref<1x512x32xf32, #tpu.memory_space<vmem>>
    %dma_start3A_39 = tpu.memref_squeeze %dma_start3A_38 : memref<1x512x32xf32, #tpu.memory_space<vmem>> -> memref<512x32xf32, #tpu.memory_space<vmem>>
    %dma_start3A_40 = arith.constant 0 : i32
    %dma_start3A_41 = tpu.memref_slice %arg9[%dma_start3A_33, %dma_start3A_40] : memref<2x512xi32, #tpu.memory_space<vmem>> -> memref<1x512xi32, #tpu.memory_space<vmem>>
    %dma_start3A_42 = tpu.memref_squeeze %dma_start3A_41 : memref<1x512xi32, #tpu.memory_space<vmem>> -> memref<512xi32, #tpu.memory_space<vmem>>
    %dma_start3A_43 = arith.constant 0 : i32
    %dma_start3A_44 = arith.constant 0 : i32
    %dma_start3A_45 = tpu.memref_slice %arg6[%dma_start3A_43, %dma_start3A_44] : memref<2600000x32xf32, #tpu.memory_space<hbm>> -> memref<2600000x32xf32, #tpu.memory_space<hbm>>
    %dma_start3A_46 = tpu.memref_slice %arg16[%dma_start3A_35] : memref<2x!tpu.dma_semaphore, #tpu.memory_space<semaphore_mem>> -> memref<1x!tpu.dma_semaphore, #tpu.memory_space<semaphore_mem>>
    %dma_start3A_47 = tpu.memref_squeeze %dma_start3A_46 : memref<1x!tpu.dma_semaphore, #tpu.memory_space<semaphore_mem>> -> memref<!tpu.dma_semaphore, #tpu.memory_space<semaphore_mem>>
    tpu.enqueue_indirect_dma source(%dma_start3A_45 : memref<2600000x32xf32, #tpu.memory_space<hbm>>) target(%dma_start3A_39 : memref<512x32xf32, #tpu.memory_space<vmem>>) offsets(%dma_start3A_42 : memref<512xi32, #tpu.memory_space<vmem>>) semaphore(%dma_start3A_47 : memref<!tpu.dma_semaphore, #tpu.memory_space<semaphore_mem>>)
    %add3A_48 = arith.constant 0 : i32
    %add3A_49 = arith.addi %add3A_48, %mul3A_2 : i32
    %dma_start3A_50 = arith.constant 0 : i32
    %dma_start3A_51 = tpu.memref_slice %arg12[%dma_start3A_50] : memref<6656xf32, #tpu.memory_space<vmem>> -> memref<512xf32, #tpu.memory_space<vmem>>
    %dma_start3A_52 = tpu.memref_slice %arg2[%add3A_49] : memref<212992xf32, #tpu.memory_space<hbm>> -> memref<512xf32, #tpu.memory_space<hbm>>
    %dma_start3A_53 = arith.constant 0 : i32
    %dma_start3A_54 = tpu.memref_slice %arg12[%dma_start3A_53] : memref<6656xf32, #tpu.memory_space<vmem>> -> memref<512xf32, #tpu.memory_space<vmem>>
    %dma_start3A_55 = tpu.memref_slice %arg2[%add3A_49] : memref<212992xf32, #tpu.memory_space<hbm>> -> memref<512xf32, #tpu.memory_space<hbm>>
    tpu.enqueue_dma source(%dma_start3A_55 : memref<512xf32, #tpu.memory_space<hbm>>) target(%dma_start3A_54 : memref<512xf32, #tpu.memory_space<vmem>>) target_semaphore(%arg18 : memref<!tpu.dma_semaphore, #tpu.memory_space<semaphore_mem>>)
    %add3A_56 = arith.constant 16384 : i32
    %add3A_57 = arith.addi %add3A_56, %mul3A_2 : i32
    %dma_start3A_58 = arith.constant 512 : i32
    %dma_start3A_59 = tpu.memref_slice %arg12[%dma_start3A_58] : memref<6656xf32, #tpu.memory_space<vmem>> -> memref<512xf32, #tpu.memory_space<vmem>>
    %dma_start3A_60 = tpu.memref_slice %arg2[%add3A_57] : memref<212992xf32, #tpu.memory_space<hbm>> -> memref<512xf32, #tpu.memory_space<hbm>>
    %dma_start3A_61 = arith.constant 512 : i32
    %dma_start3A_62 = tpu.memref_slice %arg12[%dma_start3A_61] : memref<6656xf32, #tpu.memory_space<vmem>> -> memref<512xf32, #tpu.memory_space<vmem>>
    %dma_start3A_63 = tpu.memref_slice %arg2[%add3A_57] : memref<212992xf32, #tpu.memory_space<hbm>> -> memref<512xf32, #tpu.memory_space<hbm>>
    tpu.enqueue_dma source(%dma_start3A_63 : memref<512xf32, #tpu.memory_space<hbm>>) target(%dma_start3A_62 : memref<512xf32, #tpu.memory_space<vmem>>) target_semaphore(%arg18 : memref<!tpu.dma_semaphore, #tpu.memory_space<semaphore_mem>>)
    %add3A_64 = arith.constant 32768 : i32
    %add3A_65 = arith.addi %add3A_64, %mul3A_2 : i32
    %dma_start3A_66 = arith.constant 1024 : i32
    %dma_start3A_67 = tpu.memref_slice %arg12[%dma_start3A_66] : memref<6656xf32, #tpu.memory_space<vmem>> -> memref<512xf32, #tpu.memory_space<vmem>>
    %dma_start3A_68 = tpu.memref_slice %arg2[%add3A_65] : memref<212992xf32, #tpu.memory_space<hbm>> -> memref<512xf32, #tpu.memory_space<hbm>>
    %dma_start3A_69 = arith.constant 1024 : i32
    %dma_start3A_70 = tpu.memref_slice %arg12[%dma_start3A_69] : memref<6656xf32, #tpu.memory_space<vmem>> -> memref<512xf32, #tpu.memory_space<vmem>>
    %dma_start3A_71 = tpu.memref_slice %arg2[%add3A_65] : memref<212992xf32, #tpu.memory_space<hbm>> -> memref<512xf32, #tpu.memory_space<hbm>>
    tpu.enqueue_dma source(%dma_start3A_71 : memref<512xf32, #tpu.memory_space<hbm>>) target(%dma_start3A_70 : memref<512xf32, #tpu.memory_space<vmem>>) target_semaphore(%arg18 : memref<!tpu.dma_semaphore, #tpu.memory_space<semaphore_mem>>)
    %add3A_72 = arith.constant 49152 : i32
    %add3A_73 = arith.addi %add3A_72, %mul3A_2 : i32
    %dma_start3A_74 = arith.constant 1536 : i32
    %dma_start3A_75 = tpu.memref_slice %arg12[%dma_start3A_74] : memref<6656xf32, #tpu.memory_space<vmem>> -> memref<512xf32, #tpu.memory_space<vmem>>
    %dma_start3A_76 = tpu.memref_slice %arg2[%add3A_73] : memref<212992xf32, #tpu.memory_space<hbm>> -> memref<512xf32, #tpu.memory_space<hbm>>
    %dma_start3A_77 = arith.constant 1536 : i32
    %dma_start3A_78 = tpu.memref_slice %arg12[%dma_start3A_77] : memref<6656xf32, #tpu.memory_space<vmem>> -> memref<512xf32, #tpu.memory_space<vmem>>
    %dma_start3A_79 = tpu.memref_slice %arg2[%add3A_73] : memref<212992xf32, #tpu.memory_space<hbm>> -> memref<512xf32, #tpu.memory_space<hbm>>
    tpu.enqueue_dma source(%dma_start3A_79 : memref<512xf32, #tpu.memory_space<hbm>>) target(%dma_start3A_78 : memref<512xf32, #tpu.memory_space<vmem>>) target_semaphore(%arg18 : memref<!tpu.dma_semaphore, #tpu.memory_space<semaphore_mem>>)
    %add3A_80 = arith.constant 65536 : i32
    %add3A_81 = arith.addi %add3A_80, %mul3A_2 : i32
    %dma_start3A_82 = arith.constant 2048 : i32
    %dma_start3A_83 = tpu.memref_slice %arg12[%dma_start3A_82] : memref<6656xf32, #tpu.memory_space<vmem>> -> memref<512xf32, #tpu.memory_space<vmem>>
    %dma_start3A_84 = tpu.memref_slice %arg2[%add3A_81] : memref<212992xf32, #tpu.memory_space<hbm>> -> memref<512xf32, #tpu.memory_space<hbm>>
    %dma_start3A_85 = arith.constant 2048 : i32
    %dma_start3A_86 = tpu.memref_slice %arg12[%dma_start3A_85] : memref<6656xf32, #tpu.memory_space<vmem>> -> memref<512xf32, #tpu.memory_space<vmem>>
    %dma_start3A_87 = tpu.memref_slice %arg2[%add3A_81] : memref<212992xf32, #tpu.memory_space<hbm>> -> memref<512xf32, #tpu.memory_space<hbm>>
    tpu.enqueue_dma source(%dma_start3A_87 : memref<512xf32, #tpu.memory_space<hbm>>) target(%dma_start3A_86 : memref<512xf32, #tpu.memory_space<vmem>>) target_semaphore(%arg18 : memref<!tpu.dma_semaphore, #tpu.memory_space<semaphore_mem>>)
    %add3A_88 = arith.constant 81920 : i32
    %add3A_89 = arith.addi %add3A_88, %mul3A_2 : i32
    %dma_start3A_90 = arith.constant 2560 : i32
    %dma_start3A_91 = tpu.memref_slice %arg12[%dma_start3A_90] : memref<6656xf32, #tpu.memory_space<vmem>> -> memref<512xf32, #tpu.memory_space<vmem>>
    %dma_start3A_92 = tpu.memref_slice %arg2[%add3A_89] : memref<212992xf32, #tpu.memory_space<hbm>> -> memref<512xf32, #tpu.memory_space<hbm>>
    %dma_start3A_93 = arith.constant 2560 : i32
    %dma_start3A_94 = tpu.memref_slice %arg12[%dma_start3A_93] : memref<6656xf32, #tpu.memory_space<vmem>> -> memref<512xf32, #tpu.memory_space<vmem>>
    %dma_start3A_95 = tpu.memref_slice %arg2[%add3A_89] : memref<212992xf32, #tpu.memory_space<hbm>> -> memref<512xf32, #tpu.memory_space<hbm>>
    tpu.enqueue_dma source(%dma_start3A_95 : memref<512xf32, #tpu.memory_space<hbm>>) target(%dma_start3A_94 : memref<512xf32, #tpu.memory_space<vmem>>) target_semaphore(%arg18 : memref<!tpu.dma_semaphore, #tpu.memory_space<semaphore_mem>>)
    %add3A_96 = arith.constant 98304 : i32
    %add3A_97 = arith.addi %add3A_96, %mul3A_2 : i32
    %dma_start3A_98 = arith.constant 3072 : i32
    %dma_start3A_99 = tpu.memref_slice %arg12[%dma_start3A_98] : memref<6656xf32, #tpu.memory_space<vmem>> -> memref<512xf32, #tpu.memory_space<vmem>>
    %dma_start3A_100 = tpu.memref_slice %arg2[%add3A_97] : memref<212992xf32, #tpu.memory_space<hbm>> -> memref<512xf32, #tpu.memory_space<hbm>>
    %dma_start3A_101 = arith.constant 3072 : i32
    %dma_start3A_102 = tpu.memref_slice %arg12[%dma_start3A_101] : memref<6656xf32, #tpu.memory_space<vmem>> -> memref<512xf32, #tpu.memory_space<vmem>>
    %dma_start3A_103 = tpu.memref_slice %arg2[%add3A_97] : memref<212992xf32, #tpu.memory_space<hbm>> -> memref<512xf32, #tpu.memory_space<hbm>>
    tpu.enqueue_dma source(%dma_start3A_103 : memref<512xf32, #tpu.memory_space<hbm>>) target(%dma_start3A_102 : memref<512xf32, #tpu.memory_space<vmem>>) target_semaphore(%arg18 : memref<!tpu.dma_semaphore, #tpu.memory_space<semaphore_mem>>)
    %add3A_104 = arith.constant 114688 : i32
    %add3A_105 = arith.addi %add3A_104, %mul3A_2 : i32
    %dma_start3A_106 = arith.constant 3584 : i32
    %dma_start3A_107 = tpu.memref_slice %arg12[%dma_start3A_106] : memref<6656xf32, #tpu.memory_space<vmem>> -> memref<512xf32, #tpu.memory_space<vmem>>
    %dma_start3A_108 = tpu.memref_slice %arg2[%add3A_105] : memref<212992xf32, #tpu.memory_space<hbm>> -> memref<512xf32, #tpu.memory_space<hbm>>
    %dma_start3A_109 = arith.constant 3584 : i32
    %dma_start3A_110 = tpu.memref_slice %arg12[%dma_start3A_109] : memref<6656xf32, #tpu.memory_space<vmem>> -> memref<512xf32, #tpu.memory_space<vmem>>
    %dma_start3A_111 = tpu.memref_slice %arg2[%add3A_105] : memref<212992xf32, #tpu.memory_space<hbm>> -> memref<512xf32, #tpu.memory_space<hbm>>
    tpu.enqueue_dma source(%dma_start3A_111 : memref<512xf32, #tpu.memory_space<hbm>>) target(%dma_start3A_110 : memref<512xf32, #tpu.memory_space<vmem>>) target_semaphore(%arg18 : memref<!tpu.dma_semaphore, #tpu.memory_space<semaphore_mem>>)
    %add3A_112 = arith.constant 131072 : i32
    %add3A_113 = arith.addi %add3A_112, %mul3A_2 : i32
    %dma_start3A_114 = arith.constant 4096 : i32
    %dma_start3A_115 = tpu.memref_slice %arg12[%dma_start3A_114] : memref<6656xf32, #tpu.memory_space<vmem>> -> memref<512xf32, #tpu.memory_space<vmem>>
    %dma_start3A_116 = tpu.memref_slice %arg2[%add3A_113] : memref<212992xf32, #tpu.memory_space<hbm>> -> memref<512xf32, #tpu.memory_space<hbm>>
    %dma_start3A_117 = arith.constant 4096 : i32
    %dma_start3A_118 = tpu.memref_slice %arg12[%dma_start3A_117] : memref<6656xf32, #tpu.memory_space<vmem>> -> memref<512xf32, #tpu.memory_space<vmem>>
    %dma_start3A_119 = tpu.memref_slice %arg2[%add3A_113] : memref<212992xf32, #tpu.memory_space<hbm>> -> memref<512xf32, #tpu.memory_space<hbm>>
    tpu.enqueue_dma source(%dma_start3A_119 : memref<512xf32, #tpu.memory_space<hbm>>) target(%dma_start3A_118 : memref<512xf32, #tpu.memory_space<vmem>>) target_semaphore(%arg18 : memref<!tpu.dma_semaphore, #tpu.memory_space<semaphore_mem>>)
    %add3A_120 = arith.constant 147456 : i32
    %add3A_121 = arith.addi %add3A_120, %mul3A_2 : i32
    %dma_start3A_122 = arith.constant 4608 : i32
    %dma_start3A_123 = tpu.memref_slice %arg12[%dma_start3A_122] : memref<6656xf32, #tpu.memory_space<vmem>> -> memref<512xf32, #tpu.memory_space<vmem>>
    %dma_start3A_124 = tpu.memref_slice %arg2[%add3A_121] : memref<212992xf32, #tpu.memory_space<hbm>> -> memref<512xf32, #tpu.memory_space<hbm>>
    %dma_start3A_125 = arith.constant 4608 : i32
    %dma_start3A_126 = tpu.memref_slice %arg12[%dma_start3A_125] : memref<6656xf32, #tpu.memory_space<vmem>> -> memref<512xf32, #tpu.memory_space<vmem>>
    %dma_start3A_127 = tpu.memref_slice %arg2[%add3A_121] : memref<212992xf32, #tpu.memory_space<hbm>> -> memref<512xf32, #tpu.memory_space<hbm>>
    tpu.enqueue_dma source(%dma_start3A_127 : memref<512xf32, #tpu.memory_space<hbm>>) target(%dma_start3A_126 : memref<512xf32, #tpu.memory_space<vmem>>) target_semaphore(%arg18 : memref<!tpu.dma_semaphore, #tpu.memory_space<semaphore_mem>>)
    %add3A_128 = arith.constant 163840 : i32
    %add3A_129 = arith.addi %add3A_128, %mul3A_2 : i32
    %dma_start3A_130 = arith.constant 5120 : i32
    %dma_start3A_131 = tpu.memref_slice %arg12[%dma_start3A_130] : memref<6656xf32, #tpu.memory_space<vmem>> -> memref<512xf32, #tpu.memory_space<vmem>>
    %dma_start3A_132 = tpu.memref_slice %arg2[%add3A_129] : memref<212992xf32, #tpu.memory_space<hbm>> -> memref<512xf32, #tpu.memory_space<hbm>>
    %dma_start3A_133 = arith.constant 5120 : i32
    %dma_start3A_134 = tpu.memref_slice %arg12[%dma_start3A_133] : memref<6656xf32, #tpu.memory_space<vmem>> -> memref<512xf32, #tpu.memory_space<vmem>>
    %dma_start3A_135 = tpu.memref_slice %arg2[%add3A_129] : memref<212992xf32, #tpu.memory_space<hbm>> -> memref<512xf32, #tpu.memory_space<hbm>>
    tpu.enqueue_dma source(%dma_start3A_135 : memref<512xf32, #tpu.memory_space<hbm>>) target(%dma_start3A_134 : memref<512xf32, #tpu.memory_space<vmem>>) target_semaphore(%arg18 : memref<!tpu.dma_semaphore, #tpu.memory_space<semaphore_mem>>)
    %add3A_136 = arith.constant 180224 : i32
    %add3A_137 = arith.addi %add3A_136, %mul3A_2 : i32
    %dma_start3A_138 = arith.constant 5632 : i32
    %dma_start3A_139 = tpu.memref_slice %arg12[%dma_start3A_138] : memref<6656xf32, #tpu.memory_space<vmem>> -> memref<512xf32, #tpu.memory_space<vmem>>
    %dma_start3A_140 = tpu.memref_slice %arg2[%add3A_137] : memref<212992xf32, #tpu.memory_space<hbm>> -> memref<512xf32, #tpu.memory_space<hbm>>
    %dma_start3A_141 = arith.constant 5632 : i32
    %dma_start3A_142 = tpu.memref_slice %arg12[%dma_start3A_141] : memref<6656xf32, #tpu.memory_space<vmem>> -> memref<512xf32, #tpu.memory_space<vmem>>
    %dma_start3A_143 = tpu.memref_slice %arg2[%add3A_137] : memref<212992xf32, #tpu.memory_space<hbm>> -> memref<512xf32, #tpu.memory_space<hbm>>
    tpu.enqueue_dma source(%dma_start3A_143 : memref<512xf32, #tpu.memory_space<hbm>>) target(%dma_start3A_142 : memref<512xf32, #tpu.memory_space<vmem>>) target_semaphore(%arg18 : memref<!tpu.dma_semaphore, #tpu.memory_space<semaphore_mem>>)
    %add3A_144 = arith.constant 196608 : i32
    %add3A_145 = arith.addi %add3A_144, %mul3A_2 : i32
    %dma_start3A_146 = arith.constant 6144 : i32
    %dma_start3A_147 = tpu.memref_slice %arg12[%dma_start3A_146] : memref<6656xf32, #tpu.memory_space<vmem>> -> memref<512xf32, #tpu.memory_space<vmem>>
    %dma_start3A_148 = tpu.memref_slice %arg2[%add3A_145] : memref<212992xf32, #tpu.memory_space<hbm>> -> memref<512xf32, #tpu.memory_space<hbm>>
    %dma_start3A_149 = arith.constant 6144 : i32
    %dma_start3A_150 = tpu.memref_slice %arg12[%dma_start3A_149] : memref<6656xf32, #tpu.memory_space<vmem>> -> memref<512xf32, #tpu.memory_space<vmem>>
    %dma_start3A_151 = tpu.memref_slice %arg2[%add3A_145] : memref<212992xf32, #tpu.memory_space<hbm>> -> memref<512xf32, #tpu.memory_space<hbm>>
    tpu.enqueue_dma source(%dma_start3A_151 : memref<512xf32, #tpu.memory_space<hbm>>) target(%dma_start3A_150 : memref<512xf32, #tpu.memory_space<vmem>>) target_semaphore(%arg18 : memref<!tpu.dma_semaphore, #tpu.memory_space<semaphore_mem>>)
    %add3A_152 = arith.constant 0 : i32
    %add3A_153 = arith.addi %add3A_152, %mul3A_2 : i32
    %dma_wait3A = arith.constant 0 : i32
    %dma_wait3A_154 = tpu.memref_slice %arg12[%dma_wait3A] : memref<6656xf32, #tpu.memory_space<vmem>> -> memref<512xf32, #tpu.memory_space<vmem>>
    %dma_wait3A_155 = tpu.memref_slice %arg2[%add3A_153] : memref<212992xf32, #tpu.memory_space<hbm>> -> memref<512xf32, #tpu.memory_space<hbm>>
    %dma_wait3A_156 = arith.constant 0 : i32
    %dma_wait3A_157 = tpu.memref_slice %arg12[%dma_wait3A_156] : memref<6656xf32, #tpu.memory_space<vmem>> -> memref<512xf32, #tpu.memory_space<vmem>>
    %dma_wait3A_158 = tpu.memref_slice %arg2[%add3A_153] : memref<212992xf32, #tpu.memory_space<hbm>> -> memref<512xf32, #tpu.memory_space<hbm>>
    tpu.wait_dma2 semaphore(%arg18 : memref<!tpu.dma_semaphore, #tpu.memory_space<semaphore_mem>>) src(%dma_wait3A_158 : memref<512xf32, #tpu.memory_space<hbm>>) dst(%dma_wait3A_157 : memref<512xf32, #tpu.memory_space<vmem>>)
    %scan3A = arith.constant 0 : i32
    %scan3A_159 = arith.constant 0 : i32
    %scan3A_160 = arith.constant 32 : i32
    %scan3A_161 = arith.addi %scan3A_159, %scan3A_160 : i32
    %scan3A_162 = arith.constant 1 : i32
    scf.for %scan3A_870 = %scan3A_159 to %scan3A_161 step %scan3A_162  : i32 {
      %add3A_871 = arith.constant 0 : i32
      %add3A_872 = arith.addi %add3A_871, %scan3A_870 : i32
      %mul3A_873 = arith.constant 16 : i32
      %mul3A_874 = arith.muli %add3A_872, %mul3A_873 : i32
      %get3A = arith.index_cast %mul3A_874 : i32 to index
      %get3A_875 = tpu.vector_load %arg13[%get3A] {strides = array<i32>} : memref<6656xf32, #tpu.memory_space<vmem>>, vector<16xf32>,
      %get3A_876 = arith.index_cast %mul3A_874 : i32 to index
      %get3A_877 = tpu.vector_load %arg14[%get3A_876] {strides = array<i32>} : memref<6656xf32, #tpu.memory_space<vmem>>, vector<16xf32>,
      %parallel_loop3A_878 = arith.constant 0 : i32
      %parallel_loop3A_879 = arith.constant 32 : i32
      %parallel_loop3A_880 = arith.constant 1 : i32
      scf.for %parallel_loop3A_881 = %parallel_loop3A_878 to %parallel_loop3A_879 step %parallel_loop3A_880  : i32 {
        %parallel_loop3A_882 = arith.constant 16 : i32
        %parallel_loop3A_883 = arith.muli %parallel_loop3A_881, %parallel_loop3A_882 : i32
        %parallel_loop3A_884 = arith.constant 0 : i32
        %parallel_loop3A_885 = arith.addi %parallel_loop3A_884, %parallel_loop3A_883 : i32
        %parallel_loop3A_886 = arith.index_cast %parallel_loop3A_885 : i32 to index
        %parallel_loop3A_887 = tpu.vector_load %arg12[%parallel_loop3A_886] {strides = array<i32>} : memref<6656xf32, #tpu.memory_space<vmem>>, vector<16xf32>,
        %parallel_loop3A_888 = arith.mulf %parallel_loop3A_887, %get3A_875 : vector<16xf32>
        %parallel_loop3A_889 = arith.addf %parallel_loop3A_888, %get3A_877 : vector<16xf32>
        %parallel_loop3A_890 = arith.constant 16 : i32
        %parallel_loop3A_891 = arith.muli %parallel_loop3A_881, %parallel_loop3A_890 : i32
        %parallel_loop3A_892 = arith.constant 0 : i32
        %parallel_loop3A_893 = arith.index_cast %parallel_loop3A_892 : i32 to index
        %parallel_loop3A_894 = arith.index_cast %scan3A_870 : i32 to index
        %parallel_loop3A_895 = arith.index_cast %parallel_loop3A_891 : i32 to index
        %parallel_loop3A_896 = tpu.vector_load %arg11[%parallel_loop3A_893, %parallel_loop3A_894, %parallel_loop3A_895] {strides = array<i32>} : memref<2x32x513xf32, #tpu.memory_space<vmem>>, vector<16xf32>,
        tpu.vector_store %arg11[%parallel_loop3A_893, %parallel_loop3A_894, %parallel_loop3A_895], %parallel_loop3A_889 {strides = array<i32>} : memref<2x32x513xf32, #tpu.memory_space<vmem>>, vector<16xf32>,
      } {sc.loop_unroll_factor = 8 : i64, sc.parallel_access}
    }
    %scan3A_163 = arith.constant 32 : i32
    %dma_start3A_164 = arith.constant 0 : i32
    %dma_start3A_165 = arith.constant 0 : i32
    %dma_start3A_166 = arith.constant 0 : i32
    %dma_start3A_167 = arith.constant 0 : i32
    %dma_start3A_168 = arith.constant 0 : i32
    %dma_start3A_169 = tpu.memref_slice %arg11[%dma_start3A_164, %dma_start3A_167, %dma_start3A_168] : memref<2x32x513xf32, #tpu.memory_space<vmem>> -> memref<1x32x512xf32, #tpu.memory_space<vmem>>
    %dma_start3A_170 = tpu.memref_squeeze %dma_start3A_169 : memref<1x32x512xf32, #tpu.memory_space<vmem>> -> memref<32x512xf32, #tpu.memory_space<vmem>>
    %dma_start3A_171 = arith.constant 0 : i32
    %dma_start3A_172 = tpu.memref_slice %arg8[%dma_start3A_165, %dma_start3A_171, %mul3A_2] : memref<39x32x16384xf32, #tpu.memory_space<hbm>> -> memref<1x32x512xf32, #tpu.memory_space<hbm>>
    %dma_start3A_173 = tpu.memref_squeeze %dma_start3A_172 : memref<1x32x512xf32, #tpu.memory_space<hbm>> -> memref<32x512xf32, #tpu.memory_space<hbm>>
    %dma_start3A_174 = tpu.memref_slice %arg17[%dma_start3A_166] : memref<2x!tpu.dma_semaphore, #tpu.memory_space<semaphore_mem>> -> memref<1x!tpu.dma_semaphore, #tpu.memory_space<semaphore_mem>>
    %dma_start3A_175 = tpu.memref_squeeze %dma_start3A_174 : memref<1x!tpu.dma_semaphore, #tpu.memory_space<semaphore_mem>> -> memref<!tpu.dma_semaphore, #tpu.memory_space<semaphore_mem>>
    %dma_start3A_176 = arith.constant 0 : i32
    %dma_start3A_177 = tpu.memref_slice %arg8[%dma_start3A_165, %dma_start3A_176, %mul3A_2] : memref<39x32x16384xf32, #tpu.memory_space<hbm>> -> memref<1x32x512xf32, #tpu.memory_space<hbm>>
    %dma_start3A_178 = tpu.memref_squeeze %dma_start3A_177 : memref<1x32x512xf32, #tpu.memory_space<hbm>> -> memref<32x512xf32, #tpu.memory_space<hbm>>
    %dma_start3A_179 = arith.constant 0 : i32
    %dma_start3A_180 = arith.constant 0 : i32
    %dma_start3A_181 = tpu.memref_slice %arg11[%dma_start3A_164, %dma_start3A_179, %dma_start3A_180] : memref<2x32x513xf32, #tpu.memory_space<vmem>> -> memref<1x32x512xf32, #tpu.memory_space<vmem>>
    %dma_start3A_182 = tpu.memref_squeeze %dma_start3A_181 : memref<1x32x512xf32, #tpu.memory_space<vmem>> -> memref<32x512xf32, #tpu.memory_space<vmem>>
    tpu.enqueue_dma source(%dma_start3A_182 : memref<32x512xf32, #tpu.memory_space<vmem>>) target(%dma_start3A_178 : memref<32x512xf32, #tpu.memory_space<hbm>>) target_semaphore(%dma_start3A_175 : memref<!tpu.dma_semaphore, #tpu.memory_space<semaphore_mem>>)
    %add3A_183 = arith.constant 16384 : i32
    %add3A_184 = arith.addi %add3A_183, %mul3A_2 : i32
    %dma_wait3A_185 = arith.constant 512 : i32
    %dma_wait3A_186 = tpu.memref_slice %arg12[%dma_wait3A_185] : memref<6656xf32, #tpu.memory_space<vmem>> -> memref<512xf32, #tpu.memory_space<vmem>>
    %dma_wait3A_187 = tpu.memref_slice %arg2[%add3A_184] : memref<212992xf32, #tpu.memory_space<hbm>> -> memref<512xf32, #tpu.memory_space<hbm>>
    %dma_wait3A_188 = arith.constant 512 : i32
    %dma_wait3A_189 = tpu.memref_slice %arg12[%dma_wait3A_188] : memref<6656xf32, #tpu.memory_space<vmem>> -> memref<512xf32, #tpu.memory_space<vmem>>
    %dma_wait3A_190 = tpu.memref_slice %arg2[%add3A_184] : memref<212992xf32, #tpu.memory_space<hbm>> -> memref<512xf32, #tpu.memory_space<hbm>>
    tpu.wait_dma2 semaphore(%arg18 : memref<!tpu.dma_semaphore, #tpu.memory_space<semaphore_mem>>) src(%dma_wait3A_190 : memref<512xf32, #tpu.memory_space<hbm>>) dst(%dma_wait3A_189 : memref<512xf32, #tpu.memory_space<vmem>>)
    %scan3A_191 = arith.constant 0 : i32
    %scan3A_192 = arith.constant 0 : i32
    %scan3A_193 = arith.constant 32 : i32
    %scan3A_194 = arith.addi %scan3A_192, %scan3A_193 : i32
    %scan3A_195 = arith.constant 1 : i32
    scf.for %scan3A_870 = %scan3A_192 to %scan3A_194 step %scan3A_195  : i32 {
      %add3A_871 = arith.constant 32 : i32
      %add3A_872 = arith.addi %add3A_871, %scan3A_870 : i32
      %mul3A_873 = arith.constant 16 : i32
      %mul3A_874 = arith.muli %add3A_872, %mul3A_873 : i32
      %get3A = arith.index_cast %mul3A_874 : i32 to index
      %get3A_875 = tpu.vector_load %arg13[%get3A] {strides = array<i32>} : memref<6656xf32, #tpu.memory_space<vmem>>, vector<16xf32>,
      %get3A_876 = arith.index_cast %mul3A_874 : i32 to index
      %get3A_877 = tpu.vector_load %arg14[%get3A_876] {strides = array<i32>} : memref<6656xf32, #tpu.memory_space<vmem>>, vector<16xf32>,
      %parallel_loop3A_878 = arith.constant 0 : i32
      %parallel_loop3A_879 = arith.constant 32 : i32
      %parallel_loop3A_880 = arith.constant 1 : i32
      scf.for %parallel_loop3A_881 = %parallel_loop3A_878 to %parallel_loop3A_879 step %parallel_loop3A_880  : i32 {
        %parallel_loop3A_882 = arith.constant 16 : i32
        %parallel_loop3A_883 = arith.muli %parallel_loop3A_881, %parallel_loop3A_882 : i32
        %parallel_loop3A_884 = arith.constant 512 : i32
        %parallel_loop3A_885 = arith.addi %parallel_loop3A_884, %parallel_loop3A_883 : i32
        %parallel_loop3A_886 = arith.index_cast %parallel_loop3A_885 : i32 to index
        %parallel_loop3A_887 = tpu.vector_load %arg12[%parallel_loop3A_886] {strides = array<i32>} : memref<6656xf32, #tpu.memory_space<vmem>>, vector<16xf32>,
        %parallel_loop3A_888 = arith.mulf %parallel_loop3A_887, %get3A_875 : vector<16xf32>
        %parallel_loop3A_889 = arith.addf %parallel_loop3A_888, %get3A_877 : vector<16xf32>
        %parallel_loop3A_890 = arith.constant 16 : i32
        %parallel_loop3A_891 = arith.muli %parallel_loop3A_881, %parallel_loop3A_890 : i32
        %parallel_loop3A_892 = arith.constant 1 : i32
        %parallel_loop3A_893 = arith.index_cast %parallel_loop3A_892 : i32 to index
        %parallel_loop3A_894 = arith.index_cast %scan3A_870 : i32 to index
        %parallel_loop3A_895 = arith.index_cast %parallel_loop3A_891 : i32 to index
        %parallel_loop3A_896 = tpu.vector_load %arg11[%parallel_loop3A_893, %parallel_loop3A_894, %parallel_loop3A_895] {strides = array<i32>} : memref<2x32x513xf32, #tpu.memory_space<vmem>>, vector<16xf32>,
        tpu.vector_store %arg11[%parallel_loop3A_893, %parallel_loop3A_894, %parallel_loop3A_895], %parallel_loop3A_889 {strides = array<i32>} : memref<2x32x513xf32, #tpu.memory_space<vmem>>, vector<16xf32>,
      } {sc.loop_unroll_factor = 8 : i64, sc.parallel_access}
    }
    %scan3A_196 = arith.constant 32 : i32
    %dma_start3A_197 = arith.constant 1 : i32
    %dma_start3A_198 = arith.constant 1 : i32
    %dma_start3A_199 = arith.constant 1 : i32
    %dma_start3A_200 = arith.constant 0 : i32
    %dma_start3A_201 = arith.constant 0 : i32
    %dma_start3A_202 = tpu.memref_slice %arg11[%dma_start3A_197, %dma_start3A_200, %dma_start3A_201] : memref<2x32x513xf32, #tpu.memory_space<vmem>> -> memref<1x32x512xf32, #tpu.memory_space<vmem>>
    %dma_start3A_203 = tpu.memref_squeeze %dma_start3A_202 : memref<1x32x512xf32, #tpu.memory_space<vmem>> -> memref<32x512xf32, #tpu.memory_space<vmem>>
    %dma_start3A_204 = arith.constant 0 : i32
    %dma_start3A_205 = tpu.memref_slice %arg8[%dma_start3A_198, %dma_start3A_204, %mul3A_2] : memref<39x32x16384xf32, #tpu.memory_space<hbm>> -> memref<1x32x512xf32, #tpu.memory_space<hbm>>
    %dma_start3A_206 = tpu.memref_squeeze %dma_start3A_205 : memref<1x32x512xf32, #tpu.memory_space<hbm>> -> memref<32x512xf32, #tpu.memory_space<hbm>>
    %dma_start3A_207 = tpu.memref_slice %arg17[%dma_start3A_199] : memref<2x!tpu.dma_semaphore, #tpu.memory_space<semaphore_mem>> -> memref<1x!tpu.dma_semaphore, #tpu.memory_space<semaphore_mem>>
    %dma_start3A_208 = tpu.memref_squeeze %dma_start3A_207 : memref<1x!tpu.dma_semaphore, #tpu.memory_space<semaphore_mem>> -> memref<!tpu.dma_semaphore, #tpu.memory_space<semaphore_mem>>
    %dma_start3A_209 = arith.constant 0 : i32
    %dma_start3A_210 = tpu.memref_slice %arg8[%dma_start3A_198, %dma_start3A_209, %mul3A_2] : memref<39x32x16384xf32, #tpu.memory_space<hbm>> -> memref<1x32x512xf32, #tpu.memory_space<hbm>>
    %dma_start3A_211 = tpu.memref_squeeze %dma_start3A_210 : memref<1x32x512xf32, #tpu.memory_space<hbm>> -> memref<32x512xf32, #tpu.memory_space<hbm>>
    %dma_start3A_212 = arith.constant 0 : i32
    %dma_start3A_213 = arith.constant 0 : i32
    %dma_start3A_214 = tpu.memref_slice %arg11[%dma_start3A_197, %dma_start3A_212, %dma_start3A_213] : memref<2x32x513xf32, #tpu.memory_space<vmem>> -> memref<1x32x512xf32, #tpu.memory_space<vmem>>
    %dma_start3A_215 = tpu.memref_squeeze %dma_start3A_214 : memref<1x32x512xf32, #tpu.memory_space<vmem>> -> memref<32x512xf32, #tpu.memory_space<vmem>>
    tpu.enqueue_dma source(%dma_start3A_215 : memref<32x512xf32, #tpu.memory_space<vmem>>) target(%dma_start3A_211 : memref<32x512xf32, #tpu.memory_space<hbm>>) target_semaphore(%dma_start3A_208 : memref<!tpu.dma_semaphore, #tpu.memory_space<semaphore_mem>>)
    %add3A_216 = arith.constant 32768 : i32
    %add3A_217 = arith.addi %add3A_216, %mul3A_2 : i32
    %dma_wait3A_218 = arith.constant 1024 : i32
    %dma_wait3A_219 = tpu.memref_slice %arg12[%dma_wait3A_218] : memref<6656xf32, #tpu.memory_space<vmem>> -> memref<512xf32, #tpu.memory_space<vmem>>
    %dma_wait3A_220 = tpu.memref_slice %arg2[%add3A_217] : memref<212992xf32, #tpu.memory_space<hbm>> -> memref<512xf32, #tpu.memory_space<hbm>>
    %dma_wait3A_221 = arith.constant 1024 : i32
    %dma_wait3A_222 = tpu.memref_slice %arg12[%dma_wait3A_221] : memref<6656xf32, #tpu.memory_space<vmem>> -> memref<512xf32, #tpu.memory_space<vmem>>
    %dma_wait3A_223 = tpu.memref_slice %arg2[%add3A_217] : memref<212992xf32, #tpu.memory_space<hbm>> -> memref<512xf32, #tpu.memory_space<hbm>>
    tpu.wait_dma2 semaphore(%arg18 : memref<!tpu.dma_semaphore, #tpu.memory_space<semaphore_mem>>) src(%dma_wait3A_223 : memref<512xf32, #tpu.memory_space<hbm>>) dst(%dma_wait3A_222 : memref<512xf32, #tpu.memory_space<vmem>>)
    %dma_wait3A_224 = arith.constant 0 : i32
    %dma_wait3A_225 = arith.constant 0 : i32
    %dma_wait3A_226 = arith.constant 0 : i32
    %dma_wait3A_227 = arith.constant 0 : i32
    %dma_wait3A_228 = arith.constant 0 : i32
    %dma_wait3A_229 = tpu.memref_slice %arg11[%dma_wait3A_224, %dma_wait3A_227, %dma_wait3A_228] : memref<2x32x513xf32, #tpu.memory_space<vmem>> -> memref<1x32x512xf32, #tpu.memory_space<vmem>>
    %dma_wait3A_230 = tpu.memref_squeeze %dma_wait3A_229 : memref<1x32x512xf32, #tpu.memory_space<vmem>> -> memref<32x512xf32, #tpu.memory_space<vmem>>
    %dma_wait3A_231 = arith.constant 0 : i32
    %dma_wait3A_232 = tpu.memref_slice %arg8[%dma_wait3A_225, %dma_wait3A_231, %mul3A_2] : memref<39x32x16384xf32, #tpu.memory_space<hbm>> -> memref<1x32x512xf32, #tpu.memory_space<hbm>>
    %dma_wait3A_233 = tpu.memref_squeeze %dma_wait3A_232 : memref<1x32x512xf32, #tpu.memory_space<hbm>> -> memref<32x512xf32, #tpu.memory_space<hbm>>
    %dma_wait3A_234 = tpu.memref_slice %arg17[%dma_wait3A_226] : memref<2x!tpu.dma_semaphore, #tpu.memory_space<semaphore_mem>> -> memref<1x!tpu.dma_semaphore, #tpu.memory_space<semaphore_mem>>
    %dma_wait3A_235 = tpu.memref_squeeze %dma_wait3A_234 : memref<1x!tpu.dma_semaphore, #tpu.memory_space<semaphore_mem>> -> memref<!tpu.dma_semaphore, #tpu.memory_space<semaphore_mem>>
    %dma_wait3A_236 = arith.constant 0 : i32
    %dma_wait3A_237 = tpu.memref_slice %arg8[%dma_wait3A_225, %dma_wait3A_236, %mul3A_2] : memref<39x32x16384xf32, #tpu.memory_space<hbm>> -> memref<1x32x512xf32, #tpu.memory_space<hbm>>
    %dma_wait3A_238 = tpu.memref_squeeze %dma_wait3A_237 : memref<1x32x512xf32, #tpu.memory_space<hbm>> -> memref<32x512xf32, #tpu.memory_space<hbm>>
    %dma_wait3A_239 = arith.constant 0 : i32
    %dma_wait3A_240 = arith.constant 0 : i32
    %dma_wait3A_241 = tpu.memref_slice %arg11[%dma_wait3A_224, %dma_wait3A_239, %dma_wait3A_240] : memref<2x32x513xf32, #tpu.memory_space<vmem>> -> memref<1x32x512xf32, #tpu.memory_space<vmem>>
    %dma_wait3A_242 = tpu.memref_squeeze %dma_wait3A_241 : memref<1x32x512xf32, #tpu.memory_space<vmem>> -> memref<32x512xf32, #tpu.memory_space<vmem>>
    tpu.wait_dma2 semaphore(%dma_wait3A_235 : memref<!tpu.dma_semaphore, #tpu.memory_space<semaphore_mem>>) src(%dma_wait3A_242 : memref<32x512xf32, #tpu.memory_space<vmem>>) dst(%dma_wait3A_238 : memref<32x512xf32, #tpu.memory_space<hbm>>)
    %scan3A_243 = arith.constant 0 : i32
    %scan3A_244 = arith.constant 0 : i32
    %scan3A_245 = arith.constant 32 : i32
    %scan3A_246 = arith.addi %scan3A_244, %scan3A_245 : i32
    %scan3A_247 = arith.constant 1 : i32
    scf.for %scan3A_870 = %scan3A_244 to %scan3A_246 step %scan3A_247  : i32 {
      %add3A_871 = arith.constant 64 : i32
      %add3A_872 = arith.addi %add3A_871, %scan3A_870 : i32
      %mul3A_873 = arith.constant 16 : i32
      %mul3A_874 = arith.muli %add3A_872, %mul3A_873 : i32
      %get3A = arith.index_cast %mul3A_874 : i32 to index
      %get3A_875 = tpu.vector_load %arg13[%get3A] {strides = array<i32>} : memref<6656xf32, #tpu.memory_space<vmem>>, vector<16xf32>,
      %get3A_876 = arith.index_cast %mul3A_874 : i32 to index
      %get3A_877 = tpu.vector_load %arg14[%get3A_876] {strides = array<i32>} : memref<6656xf32, #tpu.memory_space<vmem>>, vector<16xf32>,
      %parallel_loop3A_878 = arith.constant 0 : i32
      %parallel_loop3A_879 = arith.constant 32 : i32
      %parallel_loop3A_880 = arith.constant 1 : i32
      scf.for %parallel_loop3A_881 = %parallel_loop3A_878 to %parallel_loop3A_879 step %parallel_loop3A_880  : i32 {
        %parallel_loop3A_882 = arith.constant 16 : i32
        %parallel_loop3A_883 = arith.muli %parallel_loop3A_881, %parallel_loop3A_882 : i32
        %parallel_loop3A_884 = arith.constant 1024 : i32
        %parallel_loop3A_885 = arith.addi %parallel_loop3A_884, %parallel_loop3A_883 : i32
        %parallel_loop3A_886 = arith.index_cast %parallel_loop3A_885 : i32 to index
        %parallel_loop3A_887 = tpu.vector_load %arg12[%parallel_loop3A_886] {strides = array<i32>} : memref<6656xf32, #tpu.memory_space<vmem>>, vector<16xf32>,
        %parallel_loop3A_888 = arith.mulf %parallel_loop3A_887, %get3A_875 : vector<16xf32>
        %parallel_loop3A_889 = arith.addf %parallel_loop3A_888, %get3A_877 : vector<16xf32>
        %parallel_loop3A_890 = arith.constant 16 : i32
        %parallel_loop3A_891 = arith.muli %parallel_loop3A_881, %parallel_loop3A_890 : i32
        %parallel_loop3A_892 = arith.constant 0 : i32
        %parallel_loop3A_893 = arith.index_cast %parallel_loop3A_892 : i32 to index
        %parallel_loop3A_894 = arith.index_cast %scan3A_870 : i32 to index
        %parallel_loop3A_895 = arith.index_cast %parallel_loop3A_891 : i32 to index
        %parallel_loop3A_896 = tpu.vector_load %arg11[%parallel_loop3A_893, %parallel_loop3A_894, %parallel_loop3A_895] {strides = array<i32>} : memref<2x32x513xf32, #tpu.memory_space<vmem>>, vector<16xf32>,
        tpu.vector_store %arg11[%parallel_loop3A_893, %parallel_loop3A_894, %parallel_loop3A_895], %parallel_loop3A_889 {strides = array<i32>} : memref<2x32x513xf32, #tpu.memory_space<vmem>>, vector<16xf32>,
      } {sc.loop_unroll_factor = 8 : i64, sc.parallel_access}
    }
    %scan3A_248 = arith.constant 32 : i32
    %dma_start3A_249 = arith.constant 0 : i32
    %dma_start3A_250 = arith.constant 2 : i32
    %dma_start3A_251 = arith.constant 0 : i32
    %dma_start3A_252 = arith.constant 0 : i32
    %dma_start3A_253 = arith.constant 0 : i32
    %dma_start3A_254 = tpu.memref_slice %arg11[%dma_start3A_249, %dma_start3A_252, %dma_start3A_253] : memref<2x32x513xf32, #tpu.memory_space<vmem>> -> memref<1x32x512xf32, #tpu.memory_space<vmem>>
    %dma_start3A_255 = tpu.memref_squeeze %dma_start3A_254 : memref<1x32x512xf32, #tpu.memory_space<vmem>> -> memref<32x512xf32, #tpu.memory_space<vmem>>
    %dma_start3A_256 = arith.constant 0 : i32
    %dma_start3A_257 = tpu.memref_slice %arg8[%dma_start3A_250, %dma_start3A_256, %mul3A_2] : memref<39x32x16384xf32, #tpu.memory_space<hbm>> -> memref<1x32x512xf32, #tpu.memory_space<hbm>>
    %dma_start3A_258 = tpu.memref_squeeze %dma_start3A_257 : memref<1x32x512xf32, #tpu.memory_space<hbm>> -> memref<32x512xf32, #tpu.memory_space<hbm>>
    %dma_start3A_259 = tpu.memref_slice %arg17[%dma_start3A_251] : memref<2x!tpu.dma_semaphore, #tpu.memory_space<semaphore_mem>> -> memref<1x!tpu.dma_semaphore, #tpu.memory_space<semaphore_mem>>
    %dma_start3A_260 = tpu.memref_squeeze %dma_start3A_259 : memref<1x!tpu.dma_semaphore, #tpu.memory_space<semaphore_mem>> -> memref<!tpu.dma_semaphore, #tpu.memory_space<semaphore_mem>>
    %dma_start3A_261 = arith.constant 0 : i32
    %dma_start3A_262 = tpu.memref_slice %arg8[%dma_start3A_250, %dma_start3A_261, %mul3A_2] : memref<39x32x16384xf32, #tpu.memory_space<hbm>> -> memref<1x32x512xf32, #tpu.memory_space<hbm>>
    %dma_start3A_263 = tpu.memref_squeeze %dma_start3A_262 : memref<1x32x512xf32, #tpu.memory_space<hbm>> -> memref<32x512xf32, #tpu.memory_space<hbm>>
    %dma_start3A_264 = arith.constant 0 : i32
    %dma_start3A_265 = arith.constant 0 : i32
    %dma_start3A_266 = tpu.memref_slice %arg11[%dma_start3A_249, %dma_start3A_264, %dma_start3A_265] : memref<2x32x513xf32, #tpu.memory_space<vmem>> -> memref<1x32x512xf32, #tpu.memory_space<vmem>>
    %dma_start3A_267 = tpu.memref_squeeze %dma_start3A_266 : memref<1x32x512xf32, #tpu.memory_space<vmem>> -> memref<32x512xf32, #tpu.memory_space<vmem>>
    tpu.enqueue_dma source(%dma_start3A_267 : memref<32x512xf32, #tpu.memory_space<vmem>>) target(%dma_start3A_263 : memref<32x512xf32, #tpu.memory_space<hbm>>) target_semaphore(%dma_start3A_260 : memref<!tpu.dma_semaphore, #tpu.memory_space<semaphore_mem>>)
    %add3A_268 = arith.constant 49152 : i32
    %add3A_269 = arith.addi %add3A_268, %mul3A_2 : i32
    %dma_wait3A_270 = arith.constant 1536 : i32
    %dma_wait3A_271 = tpu.memref_slice %arg12[%dma_wait3A_270] : memref<6656xf32, #tpu.memory_space<vmem>> -> memref<512xf32, #tpu.memory_space<vmem>>
    %dma_wait3A_272 = tpu.memref_slice %arg2[%add3A_269] : memref<212992xf32, #tpu.memory_space<hbm>> -> memref<512xf32, #tpu.memory_space<hbm>>
    %dma_wait3A_273 = arith.constant 1536 : i32
    %dma_wait3A_274 = tpu.memref_slice %arg12[%dma_wait3A_273] : memref<6656xf32, #tpu.memory_space<vmem>> -> memref<512xf32, #tpu.memory_space<vmem>>
    %dma_wait3A_275 = tpu.memref_slice %arg2[%add3A_269] : memref<212992xf32, #tpu.memory_space<hbm>> -> memref<512xf32, #tpu.memory_space<hbm>>
    tpu.wait_dma2 semaphore(%arg18 : memref<!tpu.dma_semaphore, #tpu.memory_space<semaphore_mem>>) src(%dma_wait3A_275 : memref<512xf32, #tpu.memory_space<hbm>>) dst(%dma_wait3A_274 : memref<512xf32, #tpu.memory_space<vmem>>)
    %dma_wait3A_276 = arith.constant 1 : i32
    %dma_wait3A_277 = arith.constant 1 : i32
    %dma_wait3A_278 = arith.constant 1 : i32
    %dma_wait3A_279 = arith.constant 0 : i32
    %dma_wait3A_280 = arith.constant 0 : i32
    %dma_wait3A_281 = tpu.memref_slice %arg11[%dma_wait3A_276, %dma_wait3A_279, %dma_wait3A_280] : memref<2x32x513xf32, #tpu.memory_space<vmem>> -> memref<1x32x512xf32, #tpu.memory_space<vmem>>
    %dma_wait3A_282 = tpu.memref_squeeze %dma_wait3A_281 : memref<1x32x512xf32, #tpu.memory_space<vmem>> -> memref<32x512xf32, #tpu.memory_space<vmem>>
    %dma_wait3A_283 = arith.constant 0 : i32
    %dma_wait3A_284 = tpu.memref_slice %arg8[%dma_wait3A_277, %dma_wait3A_283, %mul3A_2] : memref<39x32x16384xf32, #tpu.memory_space<hbm>> -> memref<1x32x512xf32, #tpu.memory_space<hbm>>
    %dma_wait3A_285 = tpu.memref_squeeze %dma_wait3A_284 : memref<1x32x512xf32, #tpu.memory_space<hbm>> -> memref<32x512xf32, #tpu.memory_space<hbm>>
    %dma_wait3A_286 = tpu.memref_slice %arg17[%dma_wait3A_278] : memref<2x!tpu.dma_semaphore, #tpu.memory_space<semaphore_mem>> -> memref<1x!tpu.dma_semaphore, #tpu.memory_space<semaphore_mem>>
    %dma_wait3A_287 = tpu.memref_squeeze %dma_wait3A_286 : memref<1x!tpu.dma_semaphore, #tpu.memory_space<semaphore_mem>> -> memref<!tpu.dma_semaphore, #tpu.memory_space<semaphore_mem>>
    %dma_wait3A_288 = arith.constant 0 : i32
    %dma_wait3A_289 = tpu.memref_slice %arg8[%dma_wait3A_277, %dma_wait3A_288, %mul3A_2] : memref<39x32x16384xf32, #tpu.memory_space<hbm>> -> memref<1x32x512xf32, #tpu.memory_space<hbm>>
    %dma_wait3A_290 = tpu.memref_squeeze %dma_wait3A_289 : memref<1x32x512xf32, #tpu.memory_space<hbm>> -> memref<32x512xf32, #tpu.memory_space<hbm>>
    %dma_wait3A_291 = arith.constant 0 : i32
    %dma_wait3A_292 = arith.constant 0 : i32
    %dma_wait3A_293 = tpu.memref_slice %arg11[%dma_wait3A_276, %dma_wait3A_291, %dma_wait3A_292] : memref<2x32x513xf32, #tpu.memory_space<vmem>> -> memref<1x32x512xf32, #tpu.memory_space<vmem>>
    %dma_wait3A_294 = tpu.memref_squeeze %dma_wait3A_293 : memref<1x32x512xf32, #tpu.memory_space<vmem>> -> memref<32x512xf32, #tpu.memory_space<vmem>>
    tpu.wait_dma2 semaphore(%dma_wait3A_287 : memref<!tpu.dma_semaphore, #tpu.memory_space<semaphore_mem>>) src(%dma_wait3A_294 : memref<32x512xf32, #tpu.memory_space<vmem>>) dst(%dma_wait3A_290 : memref<32x512xf32, #tpu.memory_space<hbm>>)
    %scan3A_295 = arith.constant 0 : i32
    %scan3A_296 = arith.constant 0 : i32
    %scan3A_297 = arith.constant 32 : i32
    %scan3A_298 = arith.addi %scan3A_296, %scan3A_297 : i32
    %scan3A_299 = arith.constant 1 : i32
    scf.for %scan3A_870 = %scan3A_296 to %scan3A_298 step %scan3A_299  : i32 {
      %add3A_871 = arith.constant 96 : i32
      %add3A_872 = arith.addi %add3A_871, %scan3A_870 : i32
      %mul3A_873 = arith.constant 16 : i32
      %mul3A_874 = arith.muli %add3A_872, %mul3A_873 : i32
      %get3A = arith.index_cast %mul3A_874 : i32 to index
      %get3A_875 = tpu.vector_load %arg13[%get3A] {strides = array<i32>} : memref<6656xf32, #tpu.memory_space<vmem>>, vector<16xf32>,
      %get3A_876 = arith.index_cast %mul3A_874 : i32 to index
      %get3A_877 = tpu.vector_load %arg14[%get3A_876] {strides = array<i32>} : memref<6656xf32, #tpu.memory_space<vmem>>, vector<16xf32>,
      %parallel_loop3A_878 = arith.constant 0 : i32
      %parallel_loop3A_879 = arith.constant 32 : i32
      %parallel_loop3A_880 = arith.constant 1 : i32
      scf.for %parallel_loop3A_881 = %parallel_loop3A_878 to %parallel_loop3A_879 step %parallel_loop3A_880  : i32 {
        %parallel_loop3A_882 = arith.constant 16 : i32
        %parallel_loop3A_883 = arith.muli %parallel_loop3A_881, %parallel_loop3A_882 : i32
        %parallel_loop3A_884 = arith.constant 1536 : i32
        %parallel_loop3A_885 = arith.addi %parallel_loop3A_884, %parallel_loop3A_883 : i32
        %parallel_loop3A_886 = arith.index_cast %parallel_loop3A_885 : i32 to index
        %parallel_loop3A_887 = tpu.vector_load %arg12[%parallel_loop3A_886] {strides = array<i32>} : memref<6656xf32, #tpu.memory_space<vmem>>, vector<16xf32>,
        %parallel_loop3A_888 = arith.mulf %parallel_loop3A_887, %get3A_875 : vector<16xf32>
        %parallel_loop3A_889 = arith.addf %parallel_loop3A_888, %get3A_877 : vector<16xf32>
        %parallel_loop3A_890 = arith.constant 16 : i32
        %parallel_loop3A_891 = arith.muli %parallel_loop3A_881, %parallel_loop3A_890 : i32
        %parallel_loop3A_892 = arith.constant 1 : i32
        %parallel_loop3A_893 = arith.index_cast %parallel_loop3A_892 : i32 to index
        %parallel_loop3A_894 = arith.index_cast %scan3A_870 : i32 to index
        %parallel_loop3A_895 = arith.index_cast %parallel_loop3A_891 : i32 to index
        %parallel_loop3A_896 = tpu.vector_load %arg11[%parallel_loop3A_893, %parallel_loop3A_894, %parallel_loop3A_895] {strides = array<i32>} : memref<2x32x513xf32, #tpu.memory_space<vmem>>, vector<16xf32>,
        tpu.vector_store %arg11[%parallel_loop3A_893, %parallel_loop3A_894, %parallel_loop3A_895], %parallel_loop3A_889 {strides = array<i32>} : memref<2x32x513xf32, #tpu.memory_space<vmem>>, vector<16xf32>,
      } {sc.loop_unroll_factor = 8 : i64, sc.parallel_access}
    }
    %scan3A_300 = arith.constant 32 : i32
    %dma_start3A_301 = arith.constant 1 : i32
    %dma_start3A_302 = arith.constant 3 : i32
    %dma_start3A_303 = arith.constant 1 : i32
    %dma_start3A_304 = arith.constant 0 : i32
    %dma_start3A_305 = arith.constant 0 : i32
    %dma_start3A_306 = tpu.memref_slice %arg11[%dma_start3A_301, %dma_start3A_304, %dma_start3A_305] : memref<2x32x513xf32, #tpu.memory_space<vmem>> -> memref<1x32x512xf32, #tpu.memory_space<vmem>>
    %dma_start3A_307 = tpu.memref_squeeze %dma_start3A_306 : memref<1x32x512xf32, #tpu.memory_space<vmem>> -> memref<32x512xf32, #tpu.memory_space<vmem>>
    %dma_start3A_308 = arith.constant 0 : i32
    %dma_start3A_309 = tpu.memref_slice %arg8[%dma_start3A_302, %dma_start3A_308, %mul3A_2] : memref<39x32x16384xf32, #tpu.memory_space<hbm>> -> memref<1x32x512xf32, #tpu.memory_space<hbm>>
    %dma_start3A_310 = tpu.memref_squeeze %dma_start3A_309 : memref<1x32x512xf32, #tpu.memory_space<hbm>> -> memref<32x512xf32, #tpu.memory_space<hbm>>
    %dma_start3A_311 = tpu.memref_slice %arg17[%dma_start3A_303] : memref<2x!tpu.dma_semaphore, #tpu.memory_space<semaphore_mem>> -> memref<1x!tpu.dma_semaphore, #tpu.memory_space<semaphore_mem>>
    %dma_start3A_312 = tpu.memref_squeeze %dma_start3A_311 : memref<1x!tpu.dma_semaphore, #tpu.memory_space<semaphore_mem>> -> memref<!tpu.dma_semaphore, #tpu.memory_space<semaphore_mem>>
    %dma_start3A_313 = arith.constant 0 : i32
    %dma_start3A_314 = tpu.memref_slice %arg8[%dma_start3A_302, %dma_start3A_313, %mul3A_2] : memref<39x32x16384xf32, #tpu.memory_space<hbm>> -> memref<1x32x512xf32, #tpu.memory_space<hbm>>
    %dma_start3A_315 = tpu.memref_squeeze %dma_start3A_314 : memref<1x32x512xf32, #tpu.memory_space<hbm>> -> memref<32x512xf32, #tpu.memory_space<hbm>>
    %dma_start3A_316 = arith.constant 0 : i32
    %dma_start3A_317 = arith.constant 0 : i32
    %dma_start3A_318 = tpu.memref_slice %arg11[%dma_start3A_301, %dma_start3A_316, %dma_start3A_317] : memref<2x32x513xf32, #tpu.memory_space<vmem>> -> memref<1x32x512xf32, #tpu.memory_space<vmem>>
    %dma_start3A_319 = tpu.memref_squeeze %dma_start3A_318 : memref<1x32x512xf32, #tpu.memory_space<vmem>> -> memref<32x512xf32, #tpu.memory_space<vmem>>
    tpu.enqueue_dma source(%dma_start3A_319 : memref<32x512xf32, #tpu.memory_space<vmem>>) target(%dma_start3A_315 : memref<32x512xf32, #tpu.memory_space<hbm>>) target_semaphore(%dma_start3A_312 : memref<!tpu.dma_semaphore, #tpu.memory_space<semaphore_mem>>)
    %add3A_320 = arith.constant 65536 : i32
    %add3A_321 = arith.addi %add3A_320, %mul3A_2 : i32
    %dma_wait3A_322 = arith.constant 2048 : i32
    %dma_wait3A_323 = tpu.memref_slice %arg12[%dma_wait3A_322] : memref<6656xf32, #tpu.memory_space<vmem>> -> memref<512xf32, #tpu.memory_space<vmem>>
    %dma_wait3A_324 = tpu.memref_slice %arg2[%add3A_321] : memref<212992xf32, #tpu.memory_space<hbm>> -> memref<512xf32, #tpu.memory_space<hbm>>
    %dma_wait3A_325 = arith.constant 2048 : i32
    %dma_wait3A_326 = tpu.memref_slice %arg12[%dma_wait3A_325] : memref<6656xf32, #tpu.memory_space<vmem>> -> memref<512xf32, #tpu.memory_space<vmem>>
    %dma_wait3A_327 = tpu.memref_slice %arg2[%add3A_321] : memref<212992xf32, #tpu.memory_space<hbm>> -> memref<512xf32, #tpu.memory_space<hbm>>
    tpu.wait_dma2 semaphore(%arg18 : memref<!tpu.dma_semaphore, #tpu.memory_space<semaphore_mem>>) src(%dma_wait3A_327 : memref<512xf32, #tpu.memory_space<hbm>>) dst(%dma_wait3A_326 : memref<512xf32, #tpu.memory_space<vmem>>)
    %dma_wait3A_328 = arith.constant 0 : i32
    %dma_wait3A_329 = arith.constant 2 : i32
    %dma_wait3A_330 = arith.constant 0 : i32
    %dma_wait3A_331 = arith.constant 0 : i32
    %dma_wait3A_332 = arith.constant 0 : i32
    %dma_wait3A_333 = tpu.memref_slice %arg11[%dma_wait3A_328, %dma_wait3A_331, %dma_wait3A_332] : memref<2x32x513xf32, #tpu.memory_space<vmem>> -> memref<1x32x512xf32, #tpu.memory_space<vmem>>
    %dma_wait3A_334 = tpu.memref_squeeze %dma_wait3A_333 : memref<1x32x512xf32, #tpu.memory_space<vmem>> -> memref<32x512xf32, #tpu.memory_space<vmem>>
    %dma_wait3A_335 = arith.constant 0 : i32
    %dma_wait3A_336 = tpu.memref_slice %arg8[%dma_wait3A_329, %dma_wait3A_335, %mul3A_2] : memref<39x32x16384xf32, #tpu.memory_space<hbm>> -> memref<1x32x512xf32, #tpu.memory_space<hbm>>
    %dma_wait3A_337 = tpu.memref_squeeze %dma_wait3A_336 : memref<1x32x512xf32, #tpu.memory_space<hbm>> -> memref<32x512xf32, #tpu.memory_space<hbm>>
    %dma_wait3A_338 = tpu.memref_slice %arg17[%dma_wait3A_330] : memref<2x!tpu.dma_semaphore, #tpu.memory_space<semaphore_mem>> -> memref<1x!tpu.dma_semaphore, #tpu.memory_space<semaphore_mem>>
    %dma_wait3A_339 = tpu.memref_squeeze %dma_wait3A_338 : memref<1x!tpu.dma_semaphore, #tpu.memory_space<semaphore_mem>> -> memref<!tpu.dma_semaphore, #tpu.memory_space<semaphore_mem>>
    %dma_wait3A_340 = arith.constant 0 : i32
    %dma_wait3A_341 = tpu.memref_slice %arg8[%dma_wait3A_329, %dma_wait3A_340, %mul3A_2] : memref<39x32x16384xf32, #tpu.memory_space<hbm>> -> memref<1x32x512xf32, #tpu.memory_space<hbm>>
    %dma_wait3A_342 = tpu.memref_squeeze %dma_wait3A_341 : memref<1x32x512xf32, #tpu.memory_space<hbm>> -> memref<32x512xf32, #tpu.memory_space<hbm>>
    %dma_wait3A_343 = arith.constant 0 : i32
    %dma_wait3A_344 = arith.constant 0 : i32
    %dma_wait3A_345 = tpu.memref_slice %arg11[%dma_wait3A_328, %dma_wait3A_343, %dma_wait3A_344] : memref<2x32x513xf32, #tpu.memory_space<vmem>> -> memref<1x32x512xf32, #tpu.memory_space<vmem>>
    %dma_wait3A_346 = tpu.memref_squeeze %dma_wait3A_345 : memref<1x32x512xf32, #tpu.memory_space<vmem>> -> memref<32x512xf32, #tpu.memory_space<vmem>>
    tpu.wait_dma2 semaphore(%dma_wait3A_339 : memref<!tpu.dma_semaphore, #tpu.memory_space<semaphore_mem>>) src(%dma_wait3A_346 : memref<32x512xf32, #tpu.memory_space<vmem>>) dst(%dma_wait3A_342 : memref<32x512xf32, #tpu.memory_space<hbm>>)
    %scan3A_347 = arith.constant 0 : i32
    %scan3A_348 = arith.constant 0 : i32
    %scan3A_349 = arith.constant 32 : i32
    %scan3A_350 = arith.addi %scan3A_348, %scan3A_349 : i32
    %scan3A_351 = arith.constant 1 : i32
    scf.for %scan3A_870 = %scan3A_348 to %scan3A_350 step %scan3A_351  : i32 {
      %add3A_871 = arith.constant 128 : i32
      %add3A_872 = arith.addi %add3A_871, %scan3A_870 : i32
      %mul3A_873 = arith.constant 16 : i32
      %mul3A_874 = arith.muli %add3A_872, %mul3A_873 : i32
      %get3A = arith.index_cast %mul3A_874 : i32 to index
      %get3A_875 = tpu.vector_load %arg13[%get3A] {strides = array<i32>} : memref<6656xf32, #tpu.memory_space<vmem>>, vector<16xf32>,
      %get3A_876 = arith.index_cast %mul3A_874 : i32 to index
      %get3A_877 = tpu.vector_load %arg14[%get3A_876] {strides = array<i32>} : memref<6656xf32, #tpu.memory_space<vmem>>, vector<16xf32>,
      %parallel_loop3A_878 = arith.constant 0 : i32
      %parallel_loop3A_879 = arith.constant 32 : i32
      %parallel_loop3A_880 = arith.constant 1 : i32
      scf.for %parallel_loop3A_881 = %parallel_loop3A_878 to %parallel_loop3A_879 step %parallel_loop3A_880  : i32 {
        %parallel_loop3A_882 = arith.constant 16 : i32
        %parallel_loop3A_883 = arith.muli %parallel_loop3A_881, %parallel_loop3A_882 : i32
        %parallel_loop3A_884 = arith.constant 2048 : i32
        %parallel_loop3A_885 = arith.addi %parallel_loop3A_884, %parallel_loop3A_883 : i32
        %parallel_loop3A_886 = arith.index_cast %parallel_loop3A_885 : i32 to index
        %parallel_loop3A_887 = tpu.vector_load %arg12[%parallel_loop3A_886] {strides = array<i32>} : memref<6656xf32, #tpu.memory_space<vmem>>, vector<16xf32>,
        %parallel_loop3A_888 = arith.mulf %parallel_loop3A_887, %get3A_875 : vector<16xf32>
        %parallel_loop3A_889 = arith.addf %parallel_loop3A_888, %get3A_877 : vector<16xf32>
        %parallel_loop3A_890 = arith.constant 16 : i32
        %parallel_loop3A_891 = arith.muli %parallel_loop3A_881, %parallel_loop3A_890 : i32
        %parallel_loop3A_892 = arith.constant 0 : i32
        %parallel_loop3A_893 = arith.index_cast %parallel_loop3A_892 : i32 to index
        %parallel_loop3A_894 = arith.index_cast %scan3A_870 : i32 to index
        %parallel_loop3A_895 = arith.index_cast %parallel_loop3A_891 : i32 to index
        %parallel_loop3A_896 = tpu.vector_load %arg11[%parallel_loop3A_893, %parallel_loop3A_894, %parallel_loop3A_895] {strides = array<i32>} : memref<2x32x513xf32, #tpu.memory_space<vmem>>, vector<16xf32>,
        tpu.vector_store %arg11[%parallel_loop3A_893, %parallel_loop3A_894, %parallel_loop3A_895], %parallel_loop3A_889 {strides = array<i32>} : memref<2x32x513xf32, #tpu.memory_space<vmem>>, vector<16xf32>,
      } {sc.loop_unroll_factor = 8 : i64, sc.parallel_access}
    }
    %scan3A_352 = arith.constant 32 : i32
    %dma_start3A_353 = arith.constant 0 : i32
    %dma_start3A_354 = arith.constant 4 : i32
    %dma_start3A_355 = arith.constant 0 : i32
    %dma_start3A_356 = arith.constant 0 : i32
    %dma_start3A_357 = arith.constant 0 : i32
    %dma_start3A_358 = tpu.memref_slice %arg11[%dma_start3A_353, %dma_start3A_356, %dma_start3A_357] : memref<2x32x513xf32, #tpu.memory_space<vmem>> -> memref<1x32x512xf32, #tpu.memory_space<vmem>>
    %dma_start3A_359 = tpu.memref_squeeze %dma_start3A_358 : memref<1x32x512xf32, #tpu.memory_space<vmem>> -> memref<32x512xf32, #tpu.memory_space<vmem>>
    %dma_start3A_360 = arith.constant 0 : i32
    %dma_start3A_361 = tpu.memref_slice %arg8[%dma_start3A_354, %dma_start3A_360, %mul3A_2] : memref<39x32x16384xf32, #tpu.memory_space<hbm>> -> memref<1x32x512xf32, #tpu.memory_space<hbm>>
    %dma_start3A_362 = tpu.memref_squeeze %dma_start3A_361 : memref<1x32x512xf32, #tpu.memory_space<hbm>> -> memref<32x512xf32, #tpu.memory_space<hbm>>
    %dma_start3A_363 = tpu.memref_slice %arg17[%dma_start3A_355] : memref<2x!tpu.dma_semaphore, #tpu.memory_space<semaphore_mem>> -> memref<1x!tpu.dma_semaphore, #tpu.memory_space<semaphore_mem>>
    %dma_start3A_364 = tpu.memref_squeeze %dma_start3A_363 : memref<1x!tpu.dma_semaphore, #tpu.memory_space<semaphore_mem>> -> memref<!tpu.dma_semaphore, #tpu.memory_space<semaphore_mem>>
    %dma_start3A_365 = arith.constant 0 : i32
    %dma_start3A_366 = tpu.memref_slice %arg8[%dma_start3A_354, %dma_start3A_365, %mul3A_2] : memref<39x32x16384xf32, #tpu.memory_space<hbm>> -> memref<1x32x512xf32, #tpu.memory_space<hbm>>
    %dma_start3A_367 = tpu.memref_squeeze %dma_start3A_366 : memref<1x32x512xf32, #tpu.memory_space<hbm>> -> memref<32x512xf32, #tpu.memory_space<hbm>>
    %dma_start3A_368 = arith.constant 0 : i32
    %dma_start3A_369 = arith.constant 0 : i32
    %dma_start3A_370 = tpu.memref_slice %arg11[%dma_start3A_353, %dma_start3A_368, %dma_start3A_369] : memref<2x32x513xf32, #tpu.memory_space<vmem>> -> memref<1x32x512xf32, #tpu.memory_space<vmem>>
    %dma_start3A_371 = tpu.memref_squeeze %dma_start3A_370 : memref<1x32x512xf32, #tpu.memory_space<vmem>> -> memref<32x512xf32, #tpu.memory_space<vmem>>
    tpu.enqueue_dma source(%dma_start3A_371 : memref<32x512xf32, #tpu.memory_space<vmem>>) target(%dma_start3A_367 : memref<32x512xf32, #tpu.memory_space<hbm>>) target_semaphore(%dma_start3A_364 : memref<!tpu.dma_semaphore, #tpu.memory_space<semaphore_mem>>)
    %add3A_372 = arith.constant 81920 : i32
    %add3A_373 = arith.addi %add3A_372, %mul3A_2 : i32
    %dma_wait3A_374 = arith.constant 2560 : i32
    %dma_wait3A_375 = tpu.memref_slice %arg12[%dma_wait3A_374] : memref<6656xf32, #tpu.memory_space<vmem>> -> memref<512xf32, #tpu.memory_space<vmem>>
    %dma_wait3A_376 = tpu.memref_slice %arg2[%add3A_373] : memref<212992xf32, #tpu.memory_space<hbm>> -> memref<512xf32, #tpu.memory_space<hbm>>
    %dma_wait3A_377 = arith.constant 2560 : i32
    %dma_wait3A_378 = tpu.memref_slice %arg12[%dma_wait3A_377] : memref<6656xf32, #tpu.memory_space<vmem>> -> memref<512xf32, #tpu.memory_space<vmem>>
    %dma_wait3A_379 = tpu.memref_slice %arg2[%add3A_373] : memref<212992xf32, #tpu.memory_space<hbm>> -> memref<512xf32, #tpu.memory_space<hbm>>
    tpu.wait_dma2 semaphore(%arg18 : memref<!tpu.dma_semaphore, #tpu.memory_space<semaphore_mem>>) src(%dma_wait3A_379 : memref<512xf32, #tpu.memory_space<hbm>>) dst(%dma_wait3A_378 : memref<512xf32, #tpu.memory_space<vmem>>)
    %dma_wait3A_380 = arith.constant 1 : i32
    %dma_wait3A_381 = arith.constant 3 : i32
    %dma_wait3A_382 = arith.constant 1 : i32
    %dma_wait3A_383 = arith.constant 0 : i32
    %dma_wait3A_384 = arith.constant 0 : i32
    %dma_wait3A_385 = tpu.memref_slice %arg11[%dma_wait3A_380, %dma_wait3A_383, %dma_wait3A_384] : memref<2x32x513xf32, #tpu.memory_space<vmem>> -> memref<1x32x512xf32, #tpu.memory_space<vmem>>
    %dma_wait3A_386 = tpu.memref_squeeze %dma_wait3A_385 : memref<1x32x512xf32, #tpu.memory_space<vmem>> -> memref<32x512xf32, #tpu.memory_space<vmem>>
    %dma_wait3A_387 = arith.constant 0 : i32
    %dma_wait3A_388 = tpu.memref_slice %arg8[%dma_wait3A_381, %dma_wait3A_387, %mul3A_2] : memref<39x32x16384xf32, #tpu.memory_space<hbm>> -> memref<1x32x512xf32, #tpu.memory_space<hbm>>
    %dma_wait3A_389 = tpu.memref_squeeze %dma_wait3A_388 : memref<1x32x512xf32, #tpu.memory_space<hbm>> -> memref<32x512xf32, #tpu.memory_space<hbm>>
    %dma_wait3A_390 = tpu.memref_slice %arg17[%dma_wait3A_382] : memref<2x!tpu.dma_semaphore, #tpu.memory_space<semaphore_mem>> -> memref<1x!tpu.dma_semaphore, #tpu.memory_space<semaphore_mem>>
    %dma_wait3A_391 = tpu.memref_squeeze %dma_wait3A_390 : memref<1x!tpu.dma_semaphore, #tpu.memory_space<semaphore_mem>> -> memref<!tpu.dma_semaphore, #tpu.memory_space<semaphore_mem>>
    %dma_wait3A_392 = arith.constant 0 : i32
    %dma_wait3A_393 = tpu.memref_slice %arg8[%dma_wait3A_381, %dma_wait3A_392, %mul3A_2] : memref<39x32x16384xf32, #tpu.memory_space<hbm>> -> memref<1x32x512xf32, #tpu.memory_space<hbm>>
    %dma_wait3A_394 = tpu.memref_squeeze %dma_wait3A_393 : memref<1x32x512xf32, #tpu.memory_space<hbm>> -> memref<32x512xf32, #tpu.memory_space<hbm>>
    %dma_wait3A_395 = arith.constant 0 : i32
    %dma_wait3A_396 = arith.constant 0 : i32
    %dma_wait3A_397 = tpu.memref_slice %arg11[%dma_wait3A_380, %dma_wait3A_395, %dma_wait3A_396] : memref<2x32x513xf32, #tpu.memory_space<vmem>> -> memref<1x32x512xf32, #tpu.memory_space<vmem>>
    %dma_wait3A_398 = tpu.memref_squeeze %dma_wait3A_397 : memref<1x32x512xf32, #tpu.memory_space<vmem>> -> memref<32x512xf32, #tpu.memory_space<vmem>>
    tpu.wait_dma2 semaphore(%dma_wait3A_391 : memref<!tpu.dma_semaphore, #tpu.memory_space<semaphore_mem>>) src(%dma_wait3A_398 : memref<32x512xf32, #tpu.memory_space<vmem>>) dst(%dma_wait3A_394 : memref<32x512xf32, #tpu.memory_space<hbm>>)
    %scan3A_399 = arith.constant 0 : i32
    %scan3A_400 = arith.constant 0 : i32
    %scan3A_401 = arith.constant 32 : i32
    %scan3A_402 = arith.addi %scan3A_400, %scan3A_401 : i32
    %scan3A_403 = arith.constant 1 : i32
    scf.for %scan3A_870 = %scan3A_400 to %scan3A_402 step %scan3A_403  : i32 {
      %add3A_871 = arith.constant 160 : i32
      %add3A_872 = arith.addi %add3A_871, %scan3A_870 : i32
      %mul3A_873 = arith.constant 16 : i32
      %mul3A_874 = arith.muli %add3A_872, %mul3A_873 : i32
      %get3A = arith.index_cast %mul3A_874 : i32 to index
      %get3A_875 = tpu.vector_load %arg13[%get3A] {strides = array<i32>} : memref<6656xf32, #tpu.memory_space<vmem>>, vector<16xf32>,
      %get3A_876 = arith.index_cast %mul3A_874 : i32 to index
      %get3A_877 = tpu.vector_load %arg14[%get3A_876] {strides = array<i32>} : memref<6656xf32, #tpu.memory_space<vmem>>, vector<16xf32>,
      %parallel_loop3A_878 = arith.constant 0 : i32
      %parallel_loop3A_879 = arith.constant 32 : i32
      %parallel_loop3A_880 = arith.constant 1 : i32
      scf.for %parallel_loop3A_881 = %parallel_loop3A_878 to %parallel_loop3A_879 step %parallel_loop3A_880  : i32 {
        %parallel_loop3A_882 = arith.constant 16 : i32
        %parallel_loop3A_883 = arith.muli %parallel_loop3A_881, %parallel_loop3A_882 : i32
        %parallel_loop3A_884 = arith.constant 2560 : i32
        %parallel_loop3A_885 = arith.addi %parallel_loop3A_884, %parallel_loop3A_883 : i32
        %parallel_loop3A_886 = arith.index_cast %parallel_loop3A_885 : i32 to index
        %parallel_loop3A_887 = tpu.vector_load %arg12[%parallel_loop3A_886] {strides = array<i32>} : memref<6656xf32, #tpu.memory_space<vmem>>, vector<16xf32>,
        %parallel_loop3A_888 = arith.mulf %parallel_loop3A_887, %get3A_875 : vector<16xf32>
        %parallel_loop3A_889 = arith.addf %parallel_loop3A_888, %get3A_877 : vector<16xf32>
        %parallel_loop3A_890 = arith.constant 16 : i32
        %parallel_loop3A_891 = arith.muli %parallel_loop3A_881, %parallel_loop3A_890 : i32
        %parallel_loop3A_892 = arith.constant 1 : i32
        %parallel_loop3A_893 = arith.index_cast %parallel_loop3A_892 : i32 to index
        %parallel_loop3A_894 = arith.index_cast %scan3A_870 : i32 to index
        %parallel_loop3A_895 = arith.index_cast %parallel_loop3A_891 : i32 to index
        %parallel_loop3A_896 = tpu.vector_load %arg11[%parallel_loop3A_893, %parallel_loop3A_894, %parallel_loop3A_895] {strides = array<i32>} : memref<2x32x513xf32, #tpu.memory_space<vmem>>, vector<16xf32>,
        tpu.vector_store %arg11[%parallel_loop3A_893, %parallel_loop3A_894, %parallel_loop3A_895], %parallel_loop3A_889 {strides = array<i32>} : memref<2x32x513xf32, #tpu.memory_space<vmem>>, vector<16xf32>,
      } {sc.loop_unroll_factor = 8 : i64, sc.parallel_access}
    }
    %scan3A_404 = arith.constant 32 : i32
    %dma_start3A_405 = arith.constant 1 : i32
    %dma_start3A_406 = arith.constant 5 : i32
    %dma_start3A_407 = arith.constant 1 : i32
    %dma_start3A_408 = arith.constant 0 : i32
    %dma_start3A_409 = arith.constant 0 : i32
    %dma_start3A_410 = tpu.memref_slice %arg11[%dma_start3A_405, %dma_start3A_408, %dma_start3A_409] : memref<2x32x513xf32, #tpu.memory_space<vmem>> -> memref<1x32x512xf32, #tpu.memory_space<vmem>>
    %dma_start3A_411 = tpu.memref_squeeze %dma_start3A_410 : memref<1x32x512xf32, #tpu.memory_space<vmem>> -> memref<32x512xf32, #tpu.memory_space<vmem>>
    %dma_start3A_412 = arith.constant 0 : i32
    %dma_start3A_413 = tpu.memref_slice %arg8[%dma_start3A_406, %dma_start3A_412, %mul3A_2] : memref<39x32x16384xf32, #tpu.memory_space<hbm>> -> memref<1x32x512xf32, #tpu.memory_space<hbm>>
    %dma_start3A_414 = tpu.memref_squeeze %dma_start3A_413 : memref<1x32x512xf32, #tpu.memory_space<hbm>> -> memref<32x512xf32, #tpu.memory_space<hbm>>
    %dma_start3A_415 = tpu.memref_slice %arg17[%dma_start3A_407] : memref<2x!tpu.dma_semaphore, #tpu.memory_space<semaphore_mem>> -> memref<1x!tpu.dma_semaphore, #tpu.memory_space<semaphore_mem>>
    %dma_start3A_416 = tpu.memref_squeeze %dma_start3A_415 : memref<1x!tpu.dma_semaphore, #tpu.memory_space<semaphore_mem>> -> memref<!tpu.dma_semaphore, #tpu.memory_space<semaphore_mem>>
    %dma_start3A_417 = arith.constant 0 : i32
    %dma_start3A_418 = tpu.memref_slice %arg8[%dma_start3A_406, %dma_start3A_417, %mul3A_2] : memref<39x32x16384xf32, #tpu.memory_space<hbm>> -> memref<1x32x512xf32, #tpu.memory_space<hbm>>
    %dma_start3A_419 = tpu.memref_squeeze %dma_start3A_418 : memref<1x32x512xf32, #tpu.memory_space<hbm>> -> memref<32x512xf32, #tpu.memory_space<hbm>>
    %dma_start3A_420 = arith.constant 0 : i32
    %dma_start3A_421 = arith.constant 0 : i32
    %dma_start3A_422 = tpu.memref_slice %arg11[%dma_start3A_405, %dma_start3A_420, %dma_start3A_421] : memref<2x32x513xf32, #tpu.memory_space<vmem>> -> memref<1x32x512xf32, #tpu.memory_space<vmem>>
    %dma_start3A_423 = tpu.memref_squeeze %dma_start3A_422 : memref<1x32x512xf32, #tpu.memory_space<vmem>> -> memref<32x512xf32, #tpu.memory_space<vmem>>
    tpu.enqueue_dma source(%dma_start3A_423 : memref<32x512xf32, #tpu.memory_space<vmem>>) target(%dma_start3A_419 : memref<32x512xf32, #tpu.memory_space<hbm>>) target_semaphore(%dma_start3A_416 : memref<!tpu.dma_semaphore, #tpu.memory_space<semaphore_mem>>)
    %add3A_424 = arith.constant 98304 : i32
    %add3A_425 = arith.addi %add3A_424, %mul3A_2 : i32
    %dma_wait3A_426 = arith.constant 3072 : i32
    %dma_wait3A_427 = tpu.memref_slice %arg12[%dma_wait3A_426] : memref<6656xf32, #tpu.memory_space<vmem>> -> memref<512xf32, #tpu.memory_space<vmem>>
    %dma_wait3A_428 = tpu.memref_slice %arg2[%add3A_425] : memref<212992xf32, #tpu.memory_space<hbm>> -> memref<512xf32, #tpu.memory_space<hbm>>
    %dma_wait3A_429 = arith.constant 3072 : i32
    %dma_wait3A_430 = tpu.memref_slice %arg12[%dma_wait3A_429] : memref<6656xf32, #tpu.memory_space<vmem>> -> memref<512xf32, #tpu.memory_space<vmem>>
    %dma_wait3A_431 = tpu.memref_slice %arg2[%add3A_425] : memref<212992xf32, #tpu.memory_space<hbm>> -> memref<512xf32, #tpu.memory_space<hbm>>
    tpu.wait_dma2 semaphore(%arg18 : memref<!tpu.dma_semaphore, #tpu.memory_space<semaphore_mem>>) src(%dma_wait3A_431 : memref<512xf32, #tpu.memory_space<hbm>>) dst(%dma_wait3A_430 : memref<512xf32, #tpu.memory_space<vmem>>)
    %dma_wait3A_432 = arith.constant 0 : i32
    %dma_wait3A_433 = arith.constant 4 : i32
    %dma_wait3A_434 = arith.constant 0 : i32
    %dma_wait3A_435 = arith.constant 0 : i32
    %dma_wait3A_436 = arith.constant 0 : i32
    %dma_wait3A_437 = tpu.memref_slice %arg11[%dma_wait3A_432, %dma_wait3A_435, %dma_wait3A_436] : memref<2x32x513xf32, #tpu.memory_space<vmem>> -> memref<1x32x512xf32, #tpu.memory_space<vmem>>
    %dma_wait3A_438 = tpu.memref_squeeze %dma_wait3A_437 : memref<1x32x512xf32, #tpu.memory_space<vmem>> -> memref<32x512xf32, #tpu.memory_space<vmem>>
    %dma_wait3A_439 = arith.constant 0 : i32
    %dma_wait3A_440 = tpu.memref_slice %arg8[%dma_wait3A_433, %dma_wait3A_439, %mul3A_2] : memref<39x32x16384xf32, #tpu.memory_space<hbm>> -> memref<1x32x512xf32, #tpu.memory_space<hbm>>
    %dma_wait3A_441 = tpu.memref_squeeze %dma_wait3A_440 : memref<1x32x512xf32, #tpu.memory_space<hbm>> -> memref<32x512xf32, #tpu.memory_space<hbm>>
    %dma_wait3A_442 = tpu.memref_slice %arg17[%dma_wait3A_434] : memref<2x!tpu.dma_semaphore, #tpu.memory_space<semaphore_mem>> -> memref<1x!tpu.dma_semaphore, #tpu.memory_space<semaphore_mem>>
    %dma_wait3A_443 = tpu.memref_squeeze %dma_wait3A_442 : memref<1x!tpu.dma_semaphore, #tpu.memory_space<semaphore_mem>> -> memref<!tpu.dma_semaphore, #tpu.memory_space<semaphore_mem>>
    %dma_wait3A_444 = arith.constant 0 : i32
    %dma_wait3A_445 = tpu.memref_slice %arg8[%dma_wait3A_433, %dma_wait3A_444, %mul3A_2] : memref<39x32x16384xf32, #tpu.memory_space<hbm>> -> memref<1x32x512xf32, #tpu.memory_space<hbm>>
    %dma_wait3A_446 = tpu.memref_squeeze %dma_wait3A_445 : memref<1x32x512xf32, #tpu.memory_space<hbm>> -> memref<32x512xf32, #tpu.memory_space<hbm>>
    %dma_wait3A_447 = arith.constant 0 : i32
    %dma_wait3A_448 = arith.constant 0 : i32
    %dma_wait3A_449 = tpu.memref_slice %arg11[%dma_wait3A_432, %dma_wait3A_447, %dma_wait3A_448] : memref<2x32x513xf32, #tpu.memory_space<vmem>> -> memref<1x32x512xf32, #tpu.memory_space<vmem>>
    %dma_wait3A_450 = tpu.memref_squeeze %dma_wait3A_449 : memref<1x32x512xf32, #tpu.memory_space<vmem>> -> memref<32x512xf32, #tpu.memory_space<vmem>>
    tpu.wait_dma2 semaphore(%dma_wait3A_443 : memref<!tpu.dma_semaphore, #tpu.memory_space<semaphore_mem>>) src(%dma_wait3A_450 : memref<32x512xf32, #tpu.memory_space<vmem>>) dst(%dma_wait3A_446 : memref<32x512xf32, #tpu.memory_space<hbm>>)
    %scan3A_451 = arith.constant 0 : i32
    %scan3A_452 = arith.constant 0 : i32
    %scan3A_453 = arith.constant 32 : i32
    %scan3A_454 = arith.addi %scan3A_452, %scan3A_453 : i32
    %scan3A_455 = arith.constant 1 : i32
    scf.for %scan3A_870 = %scan3A_452 to %scan3A_454 step %scan3A_455  : i32 {
      %add3A_871 = arith.constant 192 : i32
      %add3A_872 = arith.addi %add3A_871, %scan3A_870 : i32
      %mul3A_873 = arith.constant 16 : i32
      %mul3A_874 = arith.muli %add3A_872, %mul3A_873 : i32
      %get3A = arith.index_cast %mul3A_874 : i32 to index
      %get3A_875 = tpu.vector_load %arg13[%get3A] {strides = array<i32>} : memref<6656xf32, #tpu.memory_space<vmem>>, vector<16xf32>,
      %get3A_876 = arith.index_cast %mul3A_874 : i32 to index
      %get3A_877 = tpu.vector_load %arg14[%get3A_876] {strides = array<i32>} : memref<6656xf32, #tpu.memory_space<vmem>>, vector<16xf32>,
      %parallel_loop3A_878 = arith.constant 0 : i32
      %parallel_loop3A_879 = arith.constant 32 : i32
      %parallel_loop3A_880 = arith.constant 1 : i32
      scf.for %parallel_loop3A_881 = %parallel_loop3A_878 to %parallel_loop3A_879 step %parallel_loop3A_880  : i32 {
        %parallel_loop3A_882 = arith.constant 16 : i32
        %parallel_loop3A_883 = arith.muli %parallel_loop3A_881, %parallel_loop3A_882 : i32
        %parallel_loop3A_884 = arith.constant 3072 : i32
        %parallel_loop3A_885 = arith.addi %parallel_loop3A_884, %parallel_loop3A_883 : i32
        %parallel_loop3A_886 = arith.index_cast %parallel_loop3A_885 : i32 to index
        %parallel_loop3A_887 = tpu.vector_load %arg12[%parallel_loop3A_886] {strides = array<i32>} : memref<6656xf32, #tpu.memory_space<vmem>>, vector<16xf32>,
        %parallel_loop3A_888 = arith.mulf %parallel_loop3A_887, %get3A_875 : vector<16xf32>
        %parallel_loop3A_889 = arith.addf %parallel_loop3A_888, %get3A_877 : vector<16xf32>
        %parallel_loop3A_890 = arith.constant 16 : i32
        %parallel_loop3A_891 = arith.muli %parallel_loop3A_881, %parallel_loop3A_890 : i32
        %parallel_loop3A_892 = arith.constant 0 : i32
        %parallel_loop3A_893 = arith.index_cast %parallel_loop3A_892 : i32 to index
        %parallel_loop3A_894 = arith.index_cast %scan3A_870 : i32 to index
        %parallel_loop3A_895 = arith.index_cast %parallel_loop3A_891 : i32 to index
        %parallel_loop3A_896 = tpu.vector_load %arg11[%parallel_loop3A_893, %parallel_loop3A_894, %parallel_loop3A_895] {strides = array<i32>} : memref<2x32x513xf32, #tpu.memory_space<vmem>>, vector<16xf32>,
        tpu.vector_store %arg11[%parallel_loop3A_893, %parallel_loop3A_894, %parallel_loop3A_895], %parallel_loop3A_889 {strides = array<i32>} : memref<2x32x513xf32, #tpu.memory_space<vmem>>, vector<16xf32>,
      } {sc.loop_unroll_factor = 8 : i64, sc.parallel_access}
    }
    %scan3A_456 = arith.constant 32 : i32
    %dma_start3A_457 = arith.constant 0 : i32
    %dma_start3A_458 = arith.constant 6 : i32
    %dma_start3A_459 = arith.constant 0 : i32
    %dma_start3A_460 = arith.constant 0 : i32
    %dma_start3A_461 = arith.constant 0 : i32
    %dma_start3A_462 = tpu.memref_slice %arg11[%dma_start3A_457, %dma_start3A_460, %dma_start3A_461] : memref<2x32x513xf32, #tpu.memory_space<vmem>> -> memref<1x32x512xf32, #tpu.memory_space<vmem>>
    %dma_start3A_463 = tpu.memref_squeeze %dma_start3A_462 : memref<1x32x512xf32, #tpu.memory_space<vmem>> -> memref<32x512xf32, #tpu.memory_space<vmem>>
    %dma_start3A_464 = arith.constant 0 : i32
    %dma_start3A_465 = tpu.memref_slice %arg8[%dma_start3A_458, %dma_start3A_464, %mul3A_2] : memref<39x32x16384xf32, #tpu.memory_space<hbm>> -> memref<1x32x512xf32, #tpu.memory_space<hbm>>
    %dma_start3A_466 = tpu.memref_squeeze %dma_start3A_465 : memref<1x32x512xf32, #tpu.memory_space<hbm>> -> memref<32x512xf32, #tpu.memory_space<hbm>>
    %dma_start3A_467 = tpu.memref_slice %arg17[%dma_start3A_459] : memref<2x!tpu.dma_semaphore, #tpu.memory_space<semaphore_mem>> -> memref<1x!tpu.dma_semaphore, #tpu.memory_space<semaphore_mem>>
    %dma_start3A_468 = tpu.memref_squeeze %dma_start3A_467 : memref<1x!tpu.dma_semaphore, #tpu.memory_space<semaphore_mem>> -> memref<!tpu.dma_semaphore, #tpu.memory_space<semaphore_mem>>
    %dma_start3A_469 = arith.constant 0 : i32
    %dma_start3A_470 = tpu.memref_slice %arg8[%dma_start3A_458, %dma_start3A_469, %mul3A_2] : memref<39x32x16384xf32, #tpu.memory_space<hbm>> -> memref<1x32x512xf32, #tpu.memory_space<hbm>>
    %dma_start3A_471 = tpu.memref_squeeze %dma_start3A_470 : memref<1x32x512xf32, #tpu.memory_space<hbm>> -> memref<32x512xf32, #tpu.memory_space<hbm>>
    %dma_start3A_472 = arith.constant 0 : i32
    %dma_start3A_473 = arith.constant 0 : i32
    %dma_start3A_474 = tpu.memref_slice %arg11[%dma_start3A_457, %dma_start3A_472, %dma_start3A_473] : memref<2x32x513xf32, #tpu.memory_space<vmem>> -> memref<1x32x512xf32, #tpu.memory_space<vmem>>
    %dma_start3A_475 = tpu.memref_squeeze %dma_start3A_474 : memref<1x32x512xf32, #tpu.memory_space<vmem>> -> memref<32x512xf32, #tpu.memory_space<vmem>>
    tpu.enqueue_dma source(%dma_start3A_475 : memref<32x512xf32, #tpu.memory_space<vmem>>) target(%dma_start3A_471 : memref<32x512xf32, #tpu.memory_space<hbm>>) target_semaphore(%dma_start3A_468 : memref<!tpu.dma_semaphore, #tpu.memory_space<semaphore_mem>>)
    %add3A_476 = arith.constant 114688 : i32
    %add3A_477 = arith.addi %add3A_476, %mul3A_2 : i32
    %dma_wait3A_478 = arith.constant 3584 : i32
    %dma_wait3A_479 = tpu.memref_slice %arg12[%dma_wait3A_478] : memref<6656xf32, #tpu.memory_space<vmem>> -> memref<512xf32, #tpu.memory_space<vmem>>
    %dma_wait3A_480 = tpu.memref_slice %arg2[%add3A_477] : memref<212992xf32, #tpu.memory_space<hbm>> -> memref<512xf32, #tpu.memory_space<hbm>>
    %dma_wait3A_481 = arith.constant 3584 : i32
    %dma_wait3A_482 = tpu.memref_slice %arg12[%dma_wait3A_481] : memref<6656xf32, #tpu.memory_space<vmem>> -> memref<512xf32, #tpu.memory_space<vmem>>
    %dma_wait3A_483 = tpu.memref_slice %arg2[%add3A_477] : memref<212992xf32, #tpu.memory_space<hbm>> -> memref<512xf32, #tpu.memory_space<hbm>>
    tpu.wait_dma2 semaphore(%arg18 : memref<!tpu.dma_semaphore, #tpu.memory_space<semaphore_mem>>) src(%dma_wait3A_483 : memref<512xf32, #tpu.memory_space<hbm>>) dst(%dma_wait3A_482 : memref<512xf32, #tpu.memory_space<vmem>>)
    %dma_wait3A_484 = arith.constant 1 : i32
    %dma_wait3A_485 = arith.constant 5 : i32
    %dma_wait3A_486 = arith.constant 1 : i32
    %dma_wait3A_487 = arith.constant 0 : i32
    %dma_wait3A_488 = arith.constant 0 : i32
    %dma_wait3A_489 = tpu.memref_slice %arg11[%dma_wait3A_484, %dma_wait3A_487, %dma_wait3A_488] : memref<2x32x513xf32, #tpu.memory_space<vmem>> -> memref<1x32x512xf32, #tpu.memory_space<vmem>>
    %dma_wait3A_490 = tpu.memref_squeeze %dma_wait3A_489 : memref<1x32x512xf32, #tpu.memory_space<vmem>> -> memref<32x512xf32, #tpu.memory_space<vmem>>
    %dma_wait3A_491 = arith.constant 0 : i32
    %dma_wait3A_492 = tpu.memref_slice %arg8[%dma_wait3A_485, %dma_wait3A_491, %mul3A_2] : memref<39x32x16384xf32, #tpu.memory_space<hbm>> -> memref<1x32x512xf32, #tpu.memory_space<hbm>>
    %dma_wait3A_493 = tpu.memref_squeeze %dma_wait3A_492 : memref<1x32x512xf32, #tpu.memory_space<hbm>> -> memref<32x512xf32, #tpu.memory_space<hbm>>
    %dma_wait3A_494 = tpu.memref_slice %arg17[%dma_wait3A_486] : memref<2x!tpu.dma_semaphore, #tpu.memory_space<semaphore_mem>> -> memref<1x!tpu.dma_semaphore, #tpu.memory_space<semaphore_mem>>
    %dma_wait3A_495 = tpu.memref_squeeze %dma_wait3A_494 : memref<1x!tpu.dma_semaphore, #tpu.memory_space<semaphore_mem>> -> memref<!tpu.dma_semaphore, #tpu.memory_space<semaphore_mem>>
    %dma_wait3A_496 = arith.constant 0 : i32
    %dma_wait3A_497 = tpu.memref_slice %arg8[%dma_wait3A_485, %dma_wait3A_496, %mul3A_2] : memref<39x32x16384xf32, #tpu.memory_space<hbm>> -> memref<1x32x512xf32, #tpu.memory_space<hbm>>
    %dma_wait3A_498 = tpu.memref_squeeze %dma_wait3A_497 : memref<1x32x512xf32, #tpu.memory_space<hbm>> -> memref<32x512xf32, #tpu.memory_space<hbm>>
    %dma_wait3A_499 = arith.constant 0 : i32
    %dma_wait3A_500 = arith.constant 0 : i32
    %dma_wait3A_501 = tpu.memref_slice %arg11[%dma_wait3A_484, %dma_wait3A_499, %dma_wait3A_500] : memref<2x32x513xf32, #tpu.memory_space<vmem>> -> memref<1x32x512xf32, #tpu.memory_space<vmem>>
    %dma_wait3A_502 = tpu.memref_squeeze %dma_wait3A_501 : memref<1x32x512xf32, #tpu.memory_space<vmem>> -> memref<32x512xf32, #tpu.memory_space<vmem>>
    tpu.wait_dma2 semaphore(%dma_wait3A_495 : memref<!tpu.dma_semaphore, #tpu.memory_space<semaphore_mem>>) src(%dma_wait3A_502 : memref<32x512xf32, #tpu.memory_space<vmem>>) dst(%dma_wait3A_498 : memref<32x512xf32, #tpu.memory_space<hbm>>)
    %scan3A_503 = arith.constant 0 : i32
    %scan3A_504 = arith.constant 0 : i32
    %scan3A_505 = arith.constant 32 : i32
    %scan3A_506 = arith.addi %scan3A_504, %scan3A_505 : i32
    %scan3A_507 = arith.constant 1 : i32
    scf.for %scan3A_870 = %scan3A_504 to %scan3A_506 step %scan3A_507  : i32 {
      %add3A_871 = arith.constant 224 : i32
      %add3A_872 = arith.addi %add3A_871, %scan3A_870 : i32
      %mul3A_873 = arith.constant 16 : i32
      %mul3A_874 = arith.muli %add3A_872, %mul3A_873 : i32
      %get3A = arith.index_cast %mul3A_874 : i32 to index
      %get3A_875 = tpu.vector_load %arg13[%get3A] {strides = array<i32>} : memref<6656xf32, #tpu.memory_space<vmem>>, vector<16xf32>,
      %get3A_876 = arith.index_cast %mul3A_874 : i32 to index
      %get3A_877 = tpu.vector_load %arg14[%get3A_876] {strides = array<i32>} : memref<6656xf32, #tpu.memory_space<vmem>>, vector<16xf32>,
      %parallel_loop3A_878 = arith.constant 0 : i32
      %parallel_loop3A_879 = arith.constant 32 : i32
      %parallel_loop3A_880 = arith.constant 1 : i32
      scf.for %parallel_loop3A_881 = %parallel_loop3A_878 to %parallel_loop3A_879 step %parallel_loop3A_880  : i32 {
        %parallel_loop3A_882 = arith.constant 16 : i32
        %parallel_loop3A_883 = arith.muli %parallel_loop3A_881, %parallel_loop3A_882 : i32
        %parallel_loop3A_884 = arith.constant 3584 : i32
        %parallel_loop3A_885 = arith.addi %parallel_loop3A_884, %parallel_loop3A_883 : i32
        %parallel_loop3A_886 = arith.index_cast %parallel_loop3A_885 : i32 to index
        %parallel_loop3A_887 = tpu.vector_load %arg12[%parallel_loop3A_886] {strides = array<i32>} : memref<6656xf32, #tpu.memory_space<vmem>>, vector<16xf32>,
        %parallel_loop3A_888 = arith.mulf %parallel_loop3A_887, %get3A_875 : vector<16xf32>
        %parallel_loop3A_889 = arith.addf %parallel_loop3A_888, %get3A_877 : vector<16xf32>
        %parallel_loop3A_890 = arith.constant 16 : i32
        %parallel_loop3A_891 = arith.muli %parallel_loop3A_881, %parallel_loop3A_890 : i32
        %parallel_loop3A_892 = arith.constant 1 : i32
        %parallel_loop3A_893 = arith.index_cast %parallel_loop3A_892 : i32 to index
        %parallel_loop3A_894 = arith.index_cast %scan3A_870 : i32 to index
        %parallel_loop3A_895 = arith.index_cast %parallel_loop3A_891 : i32 to index
        %parallel_loop3A_896 = tpu.vector_load %arg11[%parallel_loop3A_893, %parallel_loop3A_894, %parallel_loop3A_895] {strides = array<i32>} : memref<2x32x513xf32, #tpu.memory_space<vmem>>, vector<16xf32>,
        tpu.vector_store %arg11[%parallel_loop3A_893, %parallel_loop3A_894, %parallel_loop3A_895], %parallel_loop3A_889 {strides = array<i32>} : memref<2x32x513xf32, #tpu.memory_space<vmem>>, vector<16xf32>,
      } {sc.loop_unroll_factor = 8 : i64, sc.parallel_access}
    }
    %scan3A_508 = arith.constant 32 : i32
    %dma_start3A_509 = arith.constant 1 : i32
    %dma_start3A_510 = arith.constant 7 : i32
    %dma_start3A_511 = arith.constant 1 : i32
    %dma_start3A_512 = arith.constant 0 : i32
    %dma_start3A_513 = arith.constant 0 : i32
    %dma_start3A_514 = tpu.memref_slice %arg11[%dma_start3A_509, %dma_start3A_512, %dma_start3A_513] : memref<2x32x513xf32, #tpu.memory_space<vmem>> -> memref<1x32x512xf32, #tpu.memory_space<vmem>>
    %dma_start3A_515 = tpu.memref_squeeze %dma_start3A_514 : memref<1x32x512xf32, #tpu.memory_space<vmem>> -> memref<32x512xf32, #tpu.memory_space<vmem>>
    %dma_start3A_516 = arith.constant 0 : i32
    %dma_start3A_517 = tpu.memref_slice %arg8[%dma_start3A_510, %dma_start3A_516, %mul3A_2] : memref<39x32x16384xf32, #tpu.memory_space<hbm>> -> memref<1x32x512xf32, #tpu.memory_space<hbm>>
    %dma_start3A_518 = tpu.memref_squeeze %dma_start3A_517 : memref<1x32x512xf32, #tpu.memory_space<hbm>> -> memref<32x512xf32, #tpu.memory_space<hbm>>
    %dma_start3A_519 = tpu.memref_slice %arg17[%dma_start3A_511] : memref<2x!tpu.dma_semaphore, #tpu.memory_space<semaphore_mem>> -> memref<1x!tpu.dma_semaphore, #tpu.memory_space<semaphore_mem>>
    %dma_start3A_520 = tpu.memref_squeeze %dma_start3A_519 : memref<1x!tpu.dma_semaphore, #tpu.memory_space<semaphore_mem>> -> memref<!tpu.dma_semaphore, #tpu.memory_space<semaphore_mem>>
    %dma_start3A_521 = arith.constant 0 : i32
    %dma_start3A_522 = tpu.memref_slice %arg8[%dma_start3A_510, %dma_start3A_521, %mul3A_2] : memref<39x32x16384xf32, #tpu.memory_space<hbm>> -> memref<1x32x512xf32, #tpu.memory_space<hbm>>
    %dma_start3A_523 = tpu.memref_squeeze %dma_start3A_522 : memref<1x32x512xf32, #tpu.memory_space<hbm>> -> memref<32x512xf32, #tpu.memory_space<hbm>>
    %dma_start3A_524 = arith.constant 0 : i32
    %dma_start3A_525 = arith.constant 0 : i32
    %dma_start3A_526 = tpu.memref_slice %arg11[%dma_start3A_509, %dma_start3A_524, %dma_start3A_525] : memref<2x32x513xf32, #tpu.memory_space<vmem>> -> memref<1x32x512xf32, #tpu.memory_space<vmem>>
    %dma_start3A_527 = tpu.memref_squeeze %dma_start3A_526 : memref<1x32x512xf32, #tpu.memory_space<vmem>> -> memref<32x512xf32, #tpu.memory_space<vmem>>
    tpu.enqueue_dma source(%dma_start3A_527 : memref<32x512xf32, #tpu.memory_space<vmem>>) target(%dma_start3A_523 : memref<32x512xf32, #tpu.memory_space<hbm>>) target_semaphore(%dma_start3A_520 : memref<!tpu.dma_semaphore, #tpu.memory_space<semaphore_mem>>)
    %add3A_528 = arith.constant 131072 : i32
    %add3A_529 = arith.addi %add3A_528, %mul3A_2 : i32
    %dma_wait3A_530 = arith.constant 4096 : i32
    %dma_wait3A_531 = tpu.memref_slice %arg12[%dma_wait3A_530] : memref<6656xf32, #tpu.memory_space<vmem>> -> memref<512xf32, #tpu.memory_space<vmem>>
    %dma_wait3A_532 = tpu.memref_slice %arg2[%add3A_529] : memref<212992xf32, #tpu.memory_space<hbm>> -> memref<512xf32, #tpu.memory_space<hbm>>
    %dma_wait3A_533 = arith.constant 4096 : i32
    %dma_wait3A_534 = tpu.memref_slice %arg12[%dma_wait3A_533] : memref<6656xf32, #tpu.memory_space<vmem>> -> memref<512xf32, #tpu.memory_space<vmem>>
    %dma_wait3A_535 = tpu.memref_slice %arg2[%add3A_529] : memref<212992xf32, #tpu.memory_space<hbm>> -> memref<512xf32, #tpu.memory_space<hbm>>
    tpu.wait_dma2 semaphore(%arg18 : memref<!tpu.dma_semaphore, #tpu.memory_space<semaphore_mem>>) src(%dma_wait3A_535 : memref<512xf32, #tpu.memory_space<hbm>>) dst(%dma_wait3A_534 : memref<512xf32, #tpu.memory_space<vmem>>)
    %dma_wait3A_536 = arith.constant 0 : i32
    %dma_wait3A_537 = arith.constant 6 : i32
    %dma_wait3A_538 = arith.constant 0 : i32
    %dma_wait3A_539 = arith.constant 0 : i32
    %dma_wait3A_540 = arith.constant 0 : i32
    %dma_wait3A_541 = tpu.memref_slice %arg11[%dma_wait3A_536, %dma_wait3A_539, %dma_wait3A_540] : memref<2x32x513xf32, #tpu.memory_space<vmem>> -> memref<1x32x512xf32, #tpu.memory_space<vmem>>
    %dma_wait3A_542 = tpu.memref_squeeze %dma_wait3A_541 : memref<1x32x512xf32, #tpu.memory_space<vmem>> -> memref<32x512xf32, #tpu.memory_space<vmem>>
    %dma_wait3A_543 = arith.constant 0 : i32
    %dma_wait3A_544 = tpu.memref_slice %arg8[%dma_wait3A_537, %dma_wait3A_543, %mul3A_2] : memref<39x32x16384xf32, #tpu.memory_space<hbm>> -> memref<1x32x512xf32, #tpu.memory_space<hbm>>
    %dma_wait3A_545 = tpu.memref_squeeze %dma_wait3A_544 : memref<1x32x512xf32, #tpu.memory_space<hbm>> -> memref<32x512xf32, #tpu.memory_space<hbm>>
    %dma_wait3A_546 = tpu.memref_slice %arg17[%dma_wait3A_538] : memref<2x!tpu.dma_semaphore, #tpu.memory_space<semaphore_mem>> -> memref<1x!tpu.dma_semaphore, #tpu.memory_space<semaphore_mem>>
    %dma_wait3A_547 = tpu.memref_squeeze %dma_wait3A_546 : memref<1x!tpu.dma_semaphore, #tpu.memory_space<semaphore_mem>> -> memref<!tpu.dma_semaphore, #tpu.memory_space<semaphore_mem>>
    %dma_wait3A_548 = arith.constant 0 : i32
    %dma_wait3A_549 = tpu.memref_slice %arg8[%dma_wait3A_537, %dma_wait3A_548, %mul3A_2] : memref<39x32x16384xf32, #tpu.memory_space<hbm>> -> memref<1x32x512xf32, #tpu.memory_space<hbm>>
    %dma_wait3A_550 = tpu.memref_squeeze %dma_wait3A_549 : memref<1x32x512xf32, #tpu.memory_space<hbm>> -> memref<32x512xf32, #tpu.memory_space<hbm>>
    %dma_wait3A_551 = arith.constant 0 : i32
    %dma_wait3A_552 = arith.constant 0 : i32
    %dma_wait3A_553 = tpu.memref_slice %arg11[%dma_wait3A_536, %dma_wait3A_551, %dma_wait3A_552] : memref<2x32x513xf32, #tpu.memory_space<vmem>> -> memref<1x32x512xf32, #tpu.memory_space<vmem>>
    %dma_wait3A_554 = tpu.memref_squeeze %dma_wait3A_553 : memref<1x32x512xf32, #tpu.memory_space<vmem>> -> memref<32x512xf32, #tpu.memory_space<vmem>>
    tpu.wait_dma2 semaphore(%dma_wait3A_547 : memref<!tpu.dma_semaphore, #tpu.memory_space<semaphore_mem>>) src(%dma_wait3A_554 : memref<32x512xf32, #tpu.memory_space<vmem>>) dst(%dma_wait3A_550 : memref<32x512xf32, #tpu.memory_space<hbm>>)
    %scan3A_555 = arith.constant 0 : i32
    %scan3A_556 = arith.constant 0 : i32
    %scan3A_557 = arith.constant 32 : i32
    %scan3A_558 = arith.addi %scan3A_556, %scan3A_557 : i32
    %scan3A_559 = arith.constant 1 : i32
    scf.for %scan3A_870 = %scan3A_556 to %scan3A_558 step %scan3A_559  : i32 {
      %add3A_871 = arith.constant 256 : i32
      %add3A_872 = arith.addi %add3A_871, %scan3A_870 : i32
      %mul3A_873 = arith.constant 16 : i32
      %mul3A_874 = arith.muli %add3A_872, %mul3A_873 : i32
      %get3A = arith.index_cast %mul3A_874 : i32 to index
      %get3A_875 = tpu.vector_load %arg13[%get3A] {strides = array<i32>} : memref<6656xf32, #tpu.memory_space<vmem>>, vector<16xf32>,
      %get3A_876 = arith.index_cast %mul3A_874 : i32 to index
      %get3A_877 = tpu.vector_load %arg14[%get3A_876] {strides = array<i32>} : memref<6656xf32, #tpu.memory_space<vmem>>, vector<16xf32>,
      %parallel_loop3A_878 = arith.constant 0 : i32
      %parallel_loop3A_879 = arith.constant 32 : i32
      %parallel_loop3A_880 = arith.constant 1 : i32
      scf.for %parallel_loop3A_881 = %parallel_loop3A_878 to %parallel_loop3A_879 step %parallel_loop3A_880  : i32 {
        %parallel_loop3A_882 = arith.constant 16 : i32
        %parallel_loop3A_883 = arith.muli %parallel_loop3A_881, %parallel_loop3A_882 : i32
        %parallel_loop3A_884 = arith.constant 4096 : i32
        %parallel_loop3A_885 = arith.addi %parallel_loop3A_884, %parallel_loop3A_883 : i32
        %parallel_loop3A_886 = arith.index_cast %parallel_loop3A_885 : i32 to index
        %parallel_loop3A_887 = tpu.vector_load %arg12[%parallel_loop3A_886] {strides = array<i32>} : memref<6656xf32, #tpu.memory_space<vmem>>, vector<16xf32>,
        %parallel_loop3A_888 = arith.mulf %parallel_loop3A_887, %get3A_875 : vector<16xf32>
        %parallel_loop3A_889 = arith.addf %parallel_loop3A_888, %get3A_877 : vector<16xf32>
        %parallel_loop3A_890 = arith.constant 16 : i32
        %parallel_loop3A_891 = arith.muli %parallel_loop3A_881, %parallel_loop3A_890 : i32
        %parallel_loop3A_892 = arith.constant 0 : i32
        %parallel_loop3A_893 = arith.index_cast %parallel_loop3A_892 : i32 to index
        %parallel_loop3A_894 = arith.index_cast %scan3A_870 : i32 to index
        %parallel_loop3A_895 = arith.index_cast %parallel_loop3A_891 : i32 to index
        %parallel_loop3A_896 = tpu.vector_load %arg11[%parallel_loop3A_893, %parallel_loop3A_894, %parallel_loop3A_895] {strides = array<i32>} : memref<2x32x513xf32, #tpu.memory_space<vmem>>, vector<16xf32>,
        tpu.vector_store %arg11[%parallel_loop3A_893, %parallel_loop3A_894, %parallel_loop3A_895], %parallel_loop3A_889 {strides = array<i32>} : memref<2x32x513xf32, #tpu.memory_space<vmem>>, vector<16xf32>,
      } {sc.loop_unroll_factor = 8 : i64, sc.parallel_access}
    }
    %scan3A_560 = arith.constant 32 : i32
    %dma_start3A_561 = arith.constant 0 : i32
    %dma_start3A_562 = arith.constant 8 : i32
    %dma_start3A_563 = arith.constant 0 : i32
    %dma_start3A_564 = arith.constant 0 : i32
    %dma_start3A_565 = arith.constant 0 : i32
    %dma_start3A_566 = tpu.memref_slice %arg11[%dma_start3A_561, %dma_start3A_564, %dma_start3A_565] : memref<2x32x513xf32, #tpu.memory_space<vmem>> -> memref<1x32x512xf32, #tpu.memory_space<vmem>>
    %dma_start3A_567 = tpu.memref_squeeze %dma_start3A_566 : memref<1x32x512xf32, #tpu.memory_space<vmem>> -> memref<32x512xf32, #tpu.memory_space<vmem>>
    %dma_start3A_568 = arith.constant 0 : i32
    %dma_start3A_569 = tpu.memref_slice %arg8[%dma_start3A_562, %dma_start3A_568, %mul3A_2] : memref<39x32x16384xf32, #tpu.memory_space<hbm>> -> memref<1x32x512xf32, #tpu.memory_space<hbm>>
    %dma_start3A_570 = tpu.memref_squeeze %dma_start3A_569 : memref<1x32x512xf32, #tpu.memory_space<hbm>> -> memref<32x512xf32, #tpu.memory_space<hbm>>
    %dma_start3A_571 = tpu.memref_slice %arg17[%dma_start3A_563] : memref<2x!tpu.dma_semaphore, #tpu.memory_space<semaphore_mem>> -> memref<1x!tpu.dma_semaphore, #tpu.memory_space<semaphore_mem>>
    %dma_start3A_572 = tpu.memref_squeeze %dma_start3A_571 : memref<1x!tpu.dma_semaphore, #tpu.memory_space<semaphore_mem>> -> memref<!tpu.dma_semaphore, #tpu.memory_space<semaphore_mem>>
    %dma_start3A_573 = arith.constant 0 : i32
    %dma_start3A_574 = tpu.memref_slice %arg8[%dma_start3A_562, %dma_start3A_573, %mul3A_2] : memref<39x32x16384xf32, #tpu.memory_space<hbm>> -> memref<1x32x512xf32, #tpu.memory_space<hbm>>
    %dma_start3A_575 = tpu.memref_squeeze %dma_start3A_574 : memref<1x32x512xf32, #tpu.memory_space<hbm>> -> memref<32x512xf32, #tpu.memory_space<hbm>>
    %dma_start3A_576 = arith.constant 0 : i32
    %dma_start3A_577 = arith.constant 0 : i32
    %dma_start3A_578 = tpu.memref_slice %arg11[%dma_start3A_561, %dma_start3A_576, %dma_start3A_577] : memref<2x32x513xf32, #tpu.memory_space<vmem>> -> memref<1x32x512xf32, #tpu.memory_space<vmem>>
    %dma_start3A_579 = tpu.memref_squeeze %dma_start3A_578 : memref<1x32x512xf32, #tpu.memory_space<vmem>> -> memref<32x512xf32, #tpu.memory_space<vmem>>
    tpu.enqueue_dma source(%dma_start3A_579 : memref<32x512xf32, #tpu.memory_space<vmem>>) target(%dma_start3A_575 : memref<32x512xf32, #tpu.memory_space<hbm>>) target_semaphore(%dma_start3A_572 : memref<!tpu.dma_semaphore, #tpu.memory_space<semaphore_mem>>)
    %add3A_580 = arith.constant 147456 : i32
    %add3A_581 = arith.addi %add3A_580, %mul3A_2 : i32
    %dma_wait3A_582 = arith.constant 4608 : i32
    %dma_wait3A_583 = tpu.memref_slice %arg12[%dma_wait3A_582] : memref<6656xf32, #tpu.memory_space<vmem>> -> memref<512xf32, #tpu.memory_space<vmem>>
    %dma_wait3A_584 = tpu.memref_slice %arg2[%add3A_581] : memref<212992xf32, #tpu.memory_space<hbm>> -> memref<512xf32, #tpu.memory_space<hbm>>
    %dma_wait3A_585 = arith.constant 4608 : i32
    %dma_wait3A_586 = tpu.memref_slice %arg12[%dma_wait3A_585] : memref<6656xf32, #tpu.memory_space<vmem>> -> memref<512xf32, #tpu.memory_space<vmem>>
    %dma_wait3A_587 = tpu.memref_slice %arg2[%add3A_581] : memref<212992xf32, #tpu.memory_space<hbm>> -> memref<512xf32, #tpu.memory_space<hbm>>
    tpu.wait_dma2 semaphore(%arg18 : memref<!tpu.dma_semaphore, #tpu.memory_space<semaphore_mem>>) src(%dma_wait3A_587 : memref<512xf32, #tpu.memory_space<hbm>>) dst(%dma_wait3A_586 : memref<512xf32, #tpu.memory_space<vmem>>)
    %dma_wait3A_588 = arith.constant 1 : i32
    %dma_wait3A_589 = arith.constant 7 : i32
    %dma_wait3A_590 = arith.constant 1 : i32
    %dma_wait3A_591 = arith.constant 0 : i32
    %dma_wait3A_592 = arith.constant 0 : i32
    %dma_wait3A_593 = tpu.memref_slice %arg11[%dma_wait3A_588, %dma_wait3A_591, %dma_wait3A_592] : memref<2x32x513xf32, #tpu.memory_space<vmem>> -> memref<1x32x512xf32, #tpu.memory_space<vmem>>
    %dma_wait3A_594 = tpu.memref_squeeze %dma_wait3A_593 : memref<1x32x512xf32, #tpu.memory_space<vmem>> -> memref<32x512xf32, #tpu.memory_space<vmem>>
    %dma_wait3A_595 = arith.constant 0 : i32
    %dma_wait3A_596 = tpu.memref_slice %arg8[%dma_wait3A_589, %dma_wait3A_595, %mul3A_2] : memref<39x32x16384xf32, #tpu.memory_space<hbm>> -> memref<1x32x512xf32, #tpu.memory_space<hbm>>
    %dma_wait3A_597 = tpu.memref_squeeze %dma_wait3A_596 : memref<1x32x512xf32, #tpu.memory_space<hbm>> -> memref<32x512xf32, #tpu.memory_space<hbm>>
    %dma_wait3A_598 = tpu.memref_slice %arg17[%dma_wait3A_590] : memref<2x!tpu.dma_semaphore, #tpu.memory_space<semaphore_mem>> -> memref<1x!tpu.dma_semaphore, #tpu.memory_space<semaphore_mem>>
    %dma_wait3A_599 = tpu.memref_squeeze %dma_wait3A_598 : memref<1x!tpu.dma_semaphore, #tpu.memory_space<semaphore_mem>> -> memref<!tpu.dma_semaphore, #tpu.memory_space<semaphore_mem>>
    %dma_wait3A_600 = arith.constant 0 : i32
    %dma_wait3A_601 = tpu.memref_slice %arg8[%dma_wait3A_589, %dma_wait3A_600, %mul3A_2] : memref<39x32x16384xf32, #tpu.memory_space<hbm>> -> memref<1x32x512xf32, #tpu.memory_space<hbm>>
    %dma_wait3A_602 = tpu.memref_squeeze %dma_wait3A_601 : memref<1x32x512xf32, #tpu.memory_space<hbm>> -> memref<32x512xf32, #tpu.memory_space<hbm>>
    %dma_wait3A_603 = arith.constant 0 : i32
    %dma_wait3A_604 = arith.constant 0 : i32
    %dma_wait3A_605 = tpu.memref_slice %arg11[%dma_wait3A_588, %dma_wait3A_603, %dma_wait3A_604] : memref<2x32x513xf32, #tpu.memory_space<vmem>> -> memref<1x32x512xf32, #tpu.memory_space<vmem>>
    %dma_wait3A_606 = tpu.memref_squeeze %dma_wait3A_605 : memref<1x32x512xf32, #tpu.memory_space<vmem>> -> memref<32x512xf32, #tpu.memory_space<vmem>>
    tpu.wait_dma2 semaphore(%dma_wait3A_599 : memref<!tpu.dma_semaphore, #tpu.memory_space<semaphore_mem>>) src(%dma_wait3A_606 : memref<32x512xf32, #tpu.memory_space<vmem>>) dst(%dma_wait3A_602 : memref<32x512xf32, #tpu.memory_space<hbm>>)
    %scan3A_607 = arith.constant 0 : i32
    %scan3A_608 = arith.constant 0 : i32
    %scan3A_609 = arith.constant 32 : i32
    %scan3A_610 = arith.addi %scan3A_608, %scan3A_609 : i32
    %scan3A_611 = arith.constant 1 : i32
    scf.for %scan3A_870 = %scan3A_608 to %scan3A_610 step %scan3A_611  : i32 {
      %add3A_871 = arith.constant 288 : i32
      %add3A_872 = arith.addi %add3A_871, %scan3A_870 : i32
      %mul3A_873 = arith.constant 16 : i32
      %mul3A_874 = arith.muli %add3A_872, %mul3A_873 : i32
      %get3A = arith.index_cast %mul3A_874 : i32 to index
      %get3A_875 = tpu.vector_load %arg13[%get3A] {strides = array<i32>} : memref<6656xf32, #tpu.memory_space<vmem>>, vector<16xf32>,
      %get3A_876 = arith.index_cast %mul3A_874 : i32 to index
      %get3A_877 = tpu.vector_load %arg14[%get3A_876] {strides = array<i32>} : memref<6656xf32, #tpu.memory_space<vmem>>, vector<16xf32>,
      %parallel_loop3A_878 = arith.constant 0 : i32
      %parallel_loop3A_879 = arith.constant 32 : i32
      %parallel_loop3A_880 = arith.constant 1 : i32
      scf.for %parallel_loop3A_881 = %parallel_loop3A_878 to %parallel_loop3A_879 step %parallel_loop3A_880  : i32 {
        %parallel_loop3A_882 = arith.constant 16 : i32
        %parallel_loop3A_883 = arith.muli %parallel_loop3A_881, %parallel_loop3A_882 : i32
        %parallel_loop3A_884 = arith.constant 4608 : i32
        %parallel_loop3A_885 = arith.addi %parallel_loop3A_884, %parallel_loop3A_883 : i32
        %parallel_loop3A_886 = arith.index_cast %parallel_loop3A_885 : i32 to index
        %parallel_loop3A_887 = tpu.vector_load %arg12[%parallel_loop3A_886] {strides = array<i32>} : memref<6656xf32, #tpu.memory_space<vmem>>, vector<16xf32>,
        %parallel_loop3A_888 = arith.mulf %parallel_loop3A_887, %get3A_875 : vector<16xf32>
        %parallel_loop3A_889 = arith.addf %parallel_loop3A_888, %get3A_877 : vector<16xf32>
        %parallel_loop3A_890 = arith.constant 16 : i32
        %parallel_loop3A_891 = arith.muli %parallel_loop3A_881, %parallel_loop3A_890 : i32
        %parallel_loop3A_892 = arith.constant 1 : i32
        %parallel_loop3A_893 = arith.index_cast %parallel_loop3A_892 : i32 to index
        %parallel_loop3A_894 = arith.index_cast %scan3A_870 : i32 to index
        %parallel_loop3A_895 = arith.index_cast %parallel_loop3A_891 : i32 to index
        %parallel_loop3A_896 = tpu.vector_load %arg11[%parallel_loop3A_893, %parallel_loop3A_894, %parallel_loop3A_895] {strides = array<i32>} : memref<2x32x513xf32, #tpu.memory_space<vmem>>, vector<16xf32>,
        tpu.vector_store %arg11[%parallel_loop3A_893, %parallel_loop3A_894, %parallel_loop3A_895], %parallel_loop3A_889 {strides = array<i32>} : memref<2x32x513xf32, #tpu.memory_space<vmem>>, vector<16xf32>,
      } {sc.loop_unroll_factor = 8 : i64, sc.parallel_access}
    }
    %scan3A_612 = arith.constant 32 : i32
    %dma_start3A_613 = arith.constant 1 : i32
    %dma_start3A_614 = arith.constant 9 : i32
    %dma_start3A_615 = arith.constant 1 : i32
    %dma_start3A_616 = arith.constant 0 : i32
    %dma_start3A_617 = arith.constant 0 : i32
    %dma_start3A_618 = tpu.memref_slice %arg11[%dma_start3A_613, %dma_start3A_616, %dma_start3A_617] : memref<2x32x513xf32, #tpu.memory_space<vmem>> -> memref<1x32x512xf32, #tpu.memory_space<vmem>>
    %dma_start3A_619 = tpu.memref_squeeze %dma_start3A_618 : memref<1x32x512xf32, #tpu.memory_space<vmem>> -> memref<32x512xf32, #tpu.memory_space<vmem>>
    %dma_start3A_620 = arith.constant 0 : i32
    %dma_start3A_621 = tpu.memref_slice %arg8[%dma_start3A_614, %dma_start3A_620, %mul3A_2] : memref<39x32x16384xf32, #tpu.memory_space<hbm>> -> memref<1x32x512xf32, #tpu.memory_space<hbm>>
    %dma_start3A_622 = tpu.memref_squeeze %dma_start3A_621 : memref<1x32x512xf32, #tpu.memory_space<hbm>> -> memref<32x512xf32, #tpu.memory_space<hbm>>
    %dma_start3A_623 = tpu.memref_slice %arg17[%dma_start3A_615] : memref<2x!tpu.dma_semaphore, #tpu.memory_space<semaphore_mem>> -> memref<1x!tpu.dma_semaphore, #tpu.memory_space<semaphore_mem>>
    %dma_start3A_624 = tpu.memref_squeeze %dma_start3A_623 : memref<1x!tpu.dma_semaphore, #tpu.memory_space<semaphore_mem>> -> memref<!tpu.dma_semaphore, #tpu.memory_space<semaphore_mem>>
    %dma_start3A_625 = arith.constant 0 : i32
    %dma_start3A_626 = tpu.memref_slice %arg8[%dma_start3A_614, %dma_start3A_625, %mul3A_2] : memref<39x32x16384xf32, #tpu.memory_space<hbm>> -> memref<1x32x512xf32, #tpu.memory_space<hbm>>
    %dma_start3A_627 = tpu.memref_squeeze %dma_start3A_626 : memref<1x32x512xf32, #tpu.memory_space<hbm>> -> memref<32x512xf32, #tpu.memory_space<hbm>>
    %dma_start3A_628 = arith.constant 0 : i32
    %dma_start3A_629 = arith.constant 0 : i32
    %dma_start3A_630 = tpu.memref_slice %arg11[%dma_start3A_613, %dma_start3A_628, %dma_start3A_629] : memref<2x32x513xf32, #tpu.memory_space<vmem>> -> memref<1x32x512xf32, #tpu.memory_space<vmem>>
    %dma_start3A_631 = tpu.memref_squeeze %dma_start3A_630 : memref<1x32x512xf32, #tpu.memory_space<vmem>> -> memref<32x512xf32, #tpu.memory_space<vmem>>
    tpu.enqueue_dma source(%dma_start3A_631 : memref<32x512xf32, #tpu.memory_space<vmem>>) target(%dma_start3A_627 : memref<32x512xf32, #tpu.memory_space<hbm>>) target_semaphore(%dma_start3A_624 : memref<!tpu.dma_semaphore, #tpu.memory_space<semaphore_mem>>)
    %add3A_632 = arith.constant 163840 : i32
    %add3A_633 = arith.addi %add3A_632, %mul3A_2 : i32
    %dma_wait3A_634 = arith.constant 5120 : i32
    %dma_wait3A_635 = tpu.memref_slice %arg12[%dma_wait3A_634] : memref<6656xf32, #tpu.memory_space<vmem>> -> memref<512xf32, #tpu.memory_space<vmem>>
    %dma_wait3A_636 = tpu.memref_slice %arg2[%add3A_633] : memref<212992xf32, #tpu.memory_space<hbm>> -> memref<512xf32, #tpu.memory_space<hbm>>
    %dma_wait3A_637 = arith.constant 5120 : i32
    %dma_wait3A_638 = tpu.memref_slice %arg12[%dma_wait3A_637] : memref<6656xf32, #tpu.memory_space<vmem>> -> memref<512xf32, #tpu.memory_space<vmem>>
    %dma_wait3A_639 = tpu.memref_slice %arg2[%add3A_633] : memref<212992xf32, #tpu.memory_space<hbm>> -> memref<512xf32, #tpu.memory_space<hbm>>
    tpu.wait_dma2 semaphore(%arg18 : memref<!tpu.dma_semaphore, #tpu.memory_space<semaphore_mem>>) src(%dma_wait3A_639 : memref<512xf32, #tpu.memory_space<hbm>>) dst(%dma_wait3A_638 : memref<512xf32, #tpu.memory_space<vmem>>)
    %dma_wait3A_640 = arith.constant 0 : i32
    %dma_wait3A_641 = arith.constant 8 : i32
    %dma_wait3A_642 = arith.constant 0 : i32
    %dma_wait3A_643 = arith.constant 0 : i32
    %dma_wait3A_644 = arith.constant 0 : i32
    %dma_wait3A_645 = tpu.memref_slice %arg11[%dma_wait3A_640, %dma_wait3A_643, %dma_wait3A_644] : memref<2x32x513xf32, #tpu.memory_space<vmem>> -> memref<1x32x512xf32, #tpu.memory_space<vmem>>
    %dma_wait3A_646 = tpu.memref_squeeze %dma_wait3A_645 : memref<1x32x512xf32, #tpu.memory_space<vmem>> -> memref<32x512xf32, #tpu.memory_space<vmem>>
    %dma_wait3A_647 = arith.constant 0 : i32
    %dma_wait3A_648 = tpu.memref_slice %arg8[%dma_wait3A_641, %dma_wait3A_647, %mul3A_2] : memref<39x32x16384xf32, #tpu.memory_space<hbm>> -> memref<1x32x512xf32, #tpu.memory_space<hbm>>
    %dma_wait3A_649 = tpu.memref_squeeze %dma_wait3A_648 : memref<1x32x512xf32, #tpu.memory_space<hbm>> -> memref<32x512xf32, #tpu.memory_space<hbm>>
    %dma_wait3A_650 = tpu.memref_slice %arg17[%dma_wait3A_642] : memref<2x!tpu.dma_semaphore, #tpu.memory_space<semaphore_mem>> -> memref<1x!tpu.dma_semaphore, #tpu.memory_space<semaphore_mem>>
    %dma_wait3A_651 = tpu.memref_squeeze %dma_wait3A_650 : memref<1x!tpu.dma_semaphore, #tpu.memory_space<semaphore_mem>> -> memref<!tpu.dma_semaphore, #tpu.memory_space<semaphore_mem>>
    %dma_wait3A_652 = arith.constant 0 : i32
    %dma_wait3A_653 = tpu.memref_slice %arg8[%dma_wait3A_641, %dma_wait3A_652, %mul3A_2] : memref<39x32x16384xf32, #tpu.memory_space<hbm>> -> memref<1x32x512xf32, #tpu.memory_space<hbm>>
    %dma_wait3A_654 = tpu.memref_squeeze %dma_wait3A_653 : memref<1x32x512xf32, #tpu.memory_space<hbm>> -> memref<32x512xf32, #tpu.memory_space<hbm>>
    %dma_wait3A_655 = arith.constant 0 : i32
    %dma_wait3A_656 = arith.constant 0 : i32
    %dma_wait3A_657 = tpu.memref_slice %arg11[%dma_wait3A_640, %dma_wait3A_655, %dma_wait3A_656] : memref<2x32x513xf32, #tpu.memory_space<vmem>> -> memref<1x32x512xf32, #tpu.memory_space<vmem>>
    %dma_wait3A_658 = tpu.memref_squeeze %dma_wait3A_657 : memref<1x32x512xf32, #tpu.memory_space<vmem>> -> memref<32x512xf32, #tpu.memory_space<vmem>>
    tpu.wait_dma2 semaphore(%dma_wait3A_651 : memref<!tpu.dma_semaphore, #tpu.memory_space<semaphore_mem>>) src(%dma_wait3A_658 : memref<32x512xf32, #tpu.memory_space<vmem>>) dst(%dma_wait3A_654 : memref<32x512xf32, #tpu.memory_space<hbm>>)
    %scan3A_659 = arith.constant 0 : i32
    %scan3A_660 = arith.constant 0 : i32
    %scan3A_661 = arith.constant 32 : i32
    %scan3A_662 = arith.addi %scan3A_660, %scan3A_661 : i32
    %scan3A_663 = arith.constant 1 : i32
    scf.for %scan3A_870 = %scan3A_660 to %scan3A_662 step %scan3A_663  : i32 {
      %add3A_871 = arith.constant 320 : i32
      %add3A_872 = arith.addi %add3A_871, %scan3A_870 : i32
      %mul3A_873 = arith.constant 16 : i32
      %mul3A_874 = arith.muli %add3A_872, %mul3A_873 : i32
      %get3A = arith.index_cast %mul3A_874 : i32 to index
      %get3A_875 = tpu.vector_load %arg13[%get3A] {strides = array<i32>} : memref<6656xf32, #tpu.memory_space<vmem>>, vector<16xf32>,
      %get3A_876 = arith.index_cast %mul3A_874 : i32 to index
      %get3A_877 = tpu.vector_load %arg14[%get3A_876] {strides = array<i32>} : memref<6656xf32, #tpu.memory_space<vmem>>, vector<16xf32>,
      %parallel_loop3A_878 = arith.constant 0 : i32
      %parallel_loop3A_879 = arith.constant 32 : i32
      %parallel_loop3A_880 = arith.constant 1 : i32
      scf.for %parallel_loop3A_881 = %parallel_loop3A_878 to %parallel_loop3A_879 step %parallel_loop3A_880  : i32 {
        %parallel_loop3A_882 = arith.constant 16 : i32
        %parallel_loop3A_883 = arith.muli %parallel_loop3A_881, %parallel_loop3A_882 : i32
        %parallel_loop3A_884 = arith.constant 5120 : i32
        %parallel_loop3A_885 = arith.addi %parallel_loop3A_884, %parallel_loop3A_883 : i32
        %parallel_loop3A_886 = arith.index_cast %parallel_loop3A_885 : i32 to index
        %parallel_loop3A_887 = tpu.vector_load %arg12[%parallel_loop3A_886] {strides = array<i32>} : memref<6656xf32, #tpu.memory_space<vmem>>, vector<16xf32>,
        %parallel_loop3A_888 = arith.mulf %parallel_loop3A_887, %get3A_875 : vector<16xf32>
        %parallel_loop3A_889 = arith.addf %parallel_loop3A_888, %get3A_877 : vector<16xf32>
        %parallel_loop3A_890 = arith.constant 16 : i32
        %parallel_loop3A_891 = arith.muli %parallel_loop3A_881, %parallel_loop3A_890 : i32
        %parallel_loop3A_892 = arith.constant 0 : i32
        %parallel_loop3A_893 = arith.index_cast %parallel_loop3A_892 : i32 to index
        %parallel_loop3A_894 = arith.index_cast %scan3A_870 : i32 to index
        %parallel_loop3A_895 = arith.index_cast %parallel_loop3A_891 : i32 to index
        %parallel_loop3A_896 = tpu.vector_load %arg11[%parallel_loop3A_893, %parallel_loop3A_894, %parallel_loop3A_895] {strides = array<i32>} : memref<2x32x513xf32, #tpu.memory_space<vmem>>, vector<16xf32>,
        tpu.vector_store %arg11[%parallel_loop3A_893, %parallel_loop3A_894, %parallel_loop3A_895], %parallel_loop3A_889 {strides = array<i32>} : memref<2x32x513xf32, #tpu.memory_space<vmem>>, vector<16xf32>,
      } {sc.loop_unroll_factor = 8 : i64, sc.parallel_access}
    }
    %scan3A_664 = arith.constant 32 : i32
    %dma_start3A_665 = arith.constant 0 : i32
    %dma_start3A_666 = arith.constant 10 : i32
    %dma_start3A_667 = arith.constant 0 : i32
    %dma_start3A_668 = arith.constant 0 : i32
    %dma_start3A_669 = arith.constant 0 : i32
    %dma_start3A_670 = tpu.memref_slice %arg11[%dma_start3A_665, %dma_start3A_668, %dma_start3A_669] : memref<2x32x513xf32, #tpu.memory_space<vmem>> -> memref<1x32x512xf32, #tpu.memory_space<vmem>>
    %dma_start3A_671 = tpu.memref_squeeze %dma_start3A_670 : memref<1x32x512xf32, #tpu.memory_space<vmem>> -> memref<32x512xf32, #tpu.memory_space<vmem>>
    %dma_start3A_672 = arith.constant 0 : i32
    %dma_start3A_673 = tpu.memref_slice %arg8[%dma_start3A_666, %dma_start3A_672, %mul3A_2] : memref<39x32x16384xf32, #tpu.memory_space<hbm>> -> memref<1x32x512xf32, #tpu.memory_space<hbm>>
    %dma_start3A_674 = tpu.memref_squeeze %dma_start3A_673 : memref<1x32x512xf32, #tpu.memory_space<hbm>> -> memref<32x512xf32, #tpu.memory_space<hbm>>
    %dma_start3A_675 = tpu.memref_slice %arg17[%dma_start3A_667] : memref<2x!tpu.dma_semaphore, #tpu.memory_space<semaphore_mem>> -> memref<1x!tpu.dma_semaphore, #tpu.memory_space<semaphore_mem>>
    %dma_start3A_676 = tpu.memref_squeeze %dma_start3A_675 : memref<1x!tpu.dma_semaphore, #tpu.memory_space<semaphore_mem>> -> memref<!tpu.dma_semaphore, #tpu.memory_space<semaphore_mem>>
    %dma_start3A_677 = arith.constant 0 : i32
    %dma_start3A_678 = tpu.memref_slice %arg8[%dma_start3A_666, %dma_start3A_677, %mul3A_2] : memref<39x32x16384xf32, #tpu.memory_space<hbm>> -> memref<1x32x512xf32, #tpu.memory_space<hbm>>
    %dma_start3A_679 = tpu.memref_squeeze %dma_start3A_678 : memref<1x32x512xf32, #tpu.memory_space<hbm>> -> memref<32x512xf32, #tpu.memory_space<hbm>>
    %dma_start3A_680 = arith.constant 0 : i32
    %dma_start3A_681 = arith.constant 0 : i32
    %dma_start3A_682 = tpu.memref_slice %arg11[%dma_start3A_665, %dma_start3A_680, %dma_start3A_681] : memref<2x32x513xf32, #tpu.memory_space<vmem>> -> memref<1x32x512xf32, #tpu.memory_space<vmem>>
    %dma_start3A_683 = tpu.memref_squeeze %dma_start3A_682 : memref<1x32x512xf32, #tpu.memory_space<vmem>> -> memref<32x512xf32, #tpu.memory_space<vmem>>
    tpu.enqueue_dma source(%dma_start3A_683 : memref<32x512xf32, #tpu.memory_space<vmem>>) target(%dma_start3A_679 : memref<32x512xf32, #tpu.memory_space<hbm>>) target_semaphore(%dma_start3A_676 : memref<!tpu.dma_semaphore, #tpu.memory_space<semaphore_mem>>)
    %add3A_684 = arith.constant 180224 : i32
    %add3A_685 = arith.addi %add3A_684, %mul3A_2 : i32
    %dma_wait3A_686 = arith.constant 5632 : i32
    %dma_wait3A_687 = tpu.memref_slice %arg12[%dma_wait3A_686] : memref<6656xf32, #tpu.memory_space<vmem>> -> memref<512xf32, #tpu.memory_space<vmem>>
    %dma_wait3A_688 = tpu.memref_slice %arg2[%add3A_685] : memref<212992xf32, #tpu.memory_space<hbm>> -> memref<512xf32, #tpu.memory_space<hbm>>
    %dma_wait3A_689 = arith.constant 5632 : i32
    %dma_wait3A_690 = tpu.memref_slice %arg12[%dma_wait3A_689] : memref<6656xf32, #tpu.memory_space<vmem>> -> memref<512xf32, #tpu.memory_space<vmem>>
    %dma_wait3A_691 = tpu.memref_slice %arg2[%add3A_685] : memref<212992xf32, #tpu.memory_space<hbm>> -> memref<512xf32, #tpu.memory_space<hbm>>
    tpu.wait_dma2 semaphore(%arg18 : memref<!tpu.dma_semaphore, #tpu.memory_space<semaphore_mem>>) src(%dma_wait3A_691 : memref<512xf32, #tpu.memory_space<hbm>>) dst(%dma_wait3A_690 : memref<512xf32, #tpu.memory_space<vmem>>)
    %dma_wait3A_692 = arith.constant 1 : i32
    %dma_wait3A_693 = arith.constant 9 : i32
    %dma_wait3A_694 = arith.constant 1 : i32
    %dma_wait3A_695 = arith.constant 0 : i32
    %dma_wait3A_696 = arith.constant 0 : i32
    %dma_wait3A_697 = tpu.memref_slice %arg11[%dma_wait3A_692, %dma_wait3A_695, %dma_wait3A_696] : memref<2x32x513xf32, #tpu.memory_space<vmem>> -> memref<1x32x512xf32, #tpu.memory_space<vmem>>
    %dma_wait3A_698 = tpu.memref_squeeze %dma_wait3A_697 : memref<1x32x512xf32, #tpu.memory_space<vmem>> -> memref<32x512xf32, #tpu.memory_space<vmem>>
    %dma_wait3A_699 = arith.constant 0 : i32
    %dma_wait3A_700 = tpu.memref_slice %arg8[%dma_wait3A_693, %dma_wait3A_699, %mul3A_2] : memref<39x32x16384xf32, #tpu.memory_space<hbm>> -> memref<1x32x512xf32, #tpu.memory_space<hbm>>
    %dma_wait3A_701 = tpu.memref_squeeze %dma_wait3A_700 : memref<1x32x512xf32, #tpu.memory_space<hbm>> -> memref<32x512xf32, #tpu.memory_space<hbm>>
    %dma_wait3A_702 = tpu.memref_slice %arg17[%dma_wait3A_694] : memref<2x!tpu.dma_semaphore, #tpu.memory_space<semaphore_mem>> -> memref<1x!tpu.dma_semaphore, #tpu.memory_space<semaphore_mem>>
    %dma_wait3A_703 = tpu.memref_squeeze %dma_wait3A_702 : memref<1x!tpu.dma_semaphore, #tpu.memory_space<semaphore_mem>> -> memref<!tpu.dma_semaphore, #tpu.memory_space<semaphore_mem>>
    %dma_wait3A_704 = arith.constant 0 : i32
    %dma_wait3A_705 = tpu.memref_slice %arg8[%dma_wait3A_693, %dma_wait3A_704, %mul3A_2] : memref<39x32x16384xf32, #tpu.memory_space<hbm>> -> memref<1x32x512xf32, #tpu.memory_space<hbm>>
    %dma_wait3A_706 = tpu.memref_squeeze %dma_wait3A_705 : memref<1x32x512xf32, #tpu.memory_space<hbm>> -> memref<32x512xf32, #tpu.memory_space<hbm>>
    %dma_wait3A_707 = arith.constant 0 : i32
    %dma_wait3A_708 = arith.constant 0 : i32
    %dma_wait3A_709 = tpu.memref_slice %arg11[%dma_wait3A_692, %dma_wait3A_707, %dma_wait3A_708] : memref<2x32x513xf32, #tpu.memory_space<vmem>> -> memref<1x32x512xf32, #tpu.memory_space<vmem>>
    %dma_wait3A_710 = tpu.memref_squeeze %dma_wait3A_709 : memref<1x32x512xf32, #tpu.memory_space<vmem>> -> memref<32x512xf32, #tpu.memory_space<vmem>>
    tpu.wait_dma2 semaphore(%dma_wait3A_703 : memref<!tpu.dma_semaphore, #tpu.memory_space<semaphore_mem>>) src(%dma_wait3A_710 : memref<32x512xf32, #tpu.memory_space<vmem>>) dst(%dma_wait3A_706 : memref<32x512xf32, #tpu.memory_space<hbm>>)
    %scan3A_711 = arith.constant 0 : i32
    %scan3A_712 = arith.constant 0 : i32
    %scan3A_713 = arith.constant 32 : i32
    %scan3A_714 = arith.addi %scan3A_712, %scan3A_713 : i32
    %scan3A_715 = arith.constant 1 : i32
    scf.for %scan3A_870 = %scan3A_712 to %scan3A_714 step %scan3A_715  : i32 {
      %add3A_871 = arith.constant 352 : i32
      %add3A_872 = arith.addi %add3A_871, %scan3A_870 : i32
      %mul3A_873 = arith.constant 16 : i32
      %mul3A_874 = arith.muli %add3A_872, %mul3A_873 : i32
      %get3A = arith.index_cast %mul3A_874 : i32 to index
      %get3A_875 = tpu.vector_load %arg13[%get3A] {strides = array<i32>} : memref<6656xf32, #tpu.memory_space<vmem>>, vector<16xf32>,
      %get3A_876 = arith.index_cast %mul3A_874 : i32 to index
      %get3A_877 = tpu.vector_load %arg14[%get3A_876] {strides = array<i32>} : memref<6656xf32, #tpu.memory_space<vmem>>, vector<16xf32>,
      %parallel_loop3A_878 = arith.constant 0 : i32
      %parallel_loop3A_879 = arith.constant 32 : i32
      %parallel_loop3A_880 = arith.constant 1 : i32
      scf.for %parallel_loop3A_881 = %parallel_loop3A_878 to %parallel_loop3A_879 step %parallel_loop3A_880  : i32 {
        %parallel_loop3A_882 = arith.constant 16 : i32
        %parallel_loop3A_883 = arith.muli %parallel_loop3A_881, %parallel_loop3A_882 : i32
        %parallel_loop3A_884 = arith.constant 5632 : i32
        %parallel_loop3A_885 = arith.addi %parallel_loop3A_884, %parallel_loop3A_883 : i32
        %parallel_loop3A_886 = arith.index_cast %parallel_loop3A_885 : i32 to index
        %parallel_loop3A_887 = tpu.vector_load %arg12[%parallel_loop3A_886] {strides = array<i32>} : memref<6656xf32, #tpu.memory_space<vmem>>, vector<16xf32>,
        %parallel_loop3A_888 = arith.mulf %parallel_loop3A_887, %get3A_875 : vector<16xf32>
        %parallel_loop3A_889 = arith.addf %parallel_loop3A_888, %get3A_877 : vector<16xf32>
        %parallel_loop3A_890 = arith.constant 16 : i32
        %parallel_loop3A_891 = arith.muli %parallel_loop3A_881, %parallel_loop3A_890 : i32
        %parallel_loop3A_892 = arith.constant 1 : i32
        %parallel_loop3A_893 = arith.index_cast %parallel_loop3A_892 : i32 to index
        %parallel_loop3A_894 = arith.index_cast %scan3A_870 : i32 to index
        %parallel_loop3A_895 = arith.index_cast %parallel_loop3A_891 : i32 to index
        %parallel_loop3A_896 = tpu.vector_load %arg11[%parallel_loop3A_893, %parallel_loop3A_894, %parallel_loop3A_895] {strides = array<i32>} : memref<2x32x513xf32, #tpu.memory_space<vmem>>, vector<16xf32>,
        tpu.vector_store %arg11[%parallel_loop3A_893, %parallel_loop3A_894, %parallel_loop3A_895], %parallel_loop3A_889 {strides = array<i32>} : memref<2x32x513xf32, #tpu.memory_space<vmem>>, vector<16xf32>,
      } {sc.loop_unroll_factor = 8 : i64, sc.parallel_access}
    }
    %scan3A_716 = arith.constant 32 : i32
    %dma_start3A_717 = arith.constant 1 : i32
    %dma_start3A_718 = arith.constant 11 : i32
    %dma_start3A_719 = arith.constant 1 : i32
    %dma_start3A_720 = arith.constant 0 : i32
    %dma_start3A_721 = arith.constant 0 : i32
    %dma_start3A_722 = tpu.memref_slice %arg11[%dma_start3A_717, %dma_start3A_720, %dma_start3A_721] : memref<2x32x513xf32, #tpu.memory_space<vmem>> -> memref<1x32x512xf32, #tpu.memory_space<vmem>>
    %dma_start3A_723 = tpu.memref_squeeze %dma_start3A_722 : memref<1x32x512xf32, #tpu.memory_space<vmem>> -> memref<32x512xf32, #tpu.memory_space<vmem>>
    %dma_start3A_724 = arith.constant 0 : i32
    %dma_start3A_725 = tpu.memref_slice %arg8[%dma_start3A_718, %dma_start3A_724, %mul3A_2] : memref<39x32x16384xf32, #tpu.memory_space<hbm>> -> memref<1x32x512xf32, #tpu.memory_space<hbm>>
    %dma_start3A_726 = tpu.memref_squeeze %dma_start3A_725 : memref<1x32x512xf32, #tpu.memory_space<hbm>> -> memref<32x512xf32, #tpu.memory_space<hbm>>
    %dma_start3A_727 = tpu.memref_slice %arg17[%dma_start3A_719] : memref<2x!tpu.dma_semaphore, #tpu.memory_space<semaphore_mem>> -> memref<1x!tpu.dma_semaphore, #tpu.memory_space<semaphore_mem>>
    %dma_start3A_728 = tpu.memref_squeeze %dma_start3A_727 : memref<1x!tpu.dma_semaphore, #tpu.memory_space<semaphore_mem>> -> memref<!tpu.dma_semaphore, #tpu.memory_space<semaphore_mem>>
    %dma_start3A_729 = arith.constant 0 : i32
    %dma_start3A_730 = tpu.memref_slice %arg8[%dma_start3A_718, %dma_start3A_729, %mul3A_2] : memref<39x32x16384xf32, #tpu.memory_space<hbm>> -> memref<1x32x512xf32, #tpu.memory_space<hbm>>
    %dma_start3A_731 = tpu.memref_squeeze %dma_start3A_730 : memref<1x32x512xf32, #tpu.memory_space<hbm>> -> memref<32x512xf32, #tpu.memory_space<hbm>>
    %dma_start3A_732 = arith.constant 0 : i32
    %dma_start3A_733 = arith.constant 0 : i32
    %dma_start3A_734 = tpu.memref_slice %arg11[%dma_start3A_717, %dma_start3A_732, %dma_start3A_733] : memref<2x32x513xf32, #tpu.memory_space<vmem>> -> memref<1x32x512xf32, #tpu.memory_space<vmem>>
    %dma_start3A_735 = tpu.memref_squeeze %dma_start3A_734 : memref<1x32x512xf32, #tpu.memory_space<vmem>> -> memref<32x512xf32, #tpu.memory_space<vmem>>
    tpu.enqueue_dma source(%dma_start3A_735 : memref<32x512xf32, #tpu.memory_space<vmem>>) target(%dma_start3A_731 : memref<32x512xf32, #tpu.memory_space<hbm>>) target_semaphore(%dma_start3A_728 : memref<!tpu.dma_semaphore, #tpu.memory_space<semaphore_mem>>)
    %add3A_736 = arith.constant 196608 : i32
    %add3A_737 = arith.addi %add3A_736, %mul3A_2 : i32
    %dma_wait3A_738 = arith.constant 6144 : i32
    %dma_wait3A_739 = tpu.memref_slice %arg12[%dma_wait3A_738] : memref<6656xf32, #tpu.memory_space<vmem>> -> memref<512xf32, #tpu.memory_space<vmem>>
    %dma_wait3A_740 = tpu.memref_slice %arg2[%add3A_737] : memref<212992xf32, #tpu.memory_space<hbm>> -> memref<512xf32, #tpu.memory_space<hbm>>
    %dma_wait3A_741 = arith.constant 6144 : i32
    %dma_wait3A_742 = tpu.memref_slice %arg12[%dma_wait3A_741] : memref<6656xf32, #tpu.memory_space<vmem>> -> memref<512xf32, #tpu.memory_space<vmem>>
    %dma_wait3A_743 = tpu.memref_slice %arg2[%add3A_737] : memref<212992xf32, #tpu.memory_space<hbm>> -> memref<512xf32, #tpu.memory_space<hbm>>
    tpu.wait_dma2 semaphore(%arg18 : memref<!tpu.dma_semaphore, #tpu.memory_space<semaphore_mem>>) src(%dma_wait3A_743 : memref<512xf32, #tpu.memory_space<hbm>>) dst(%dma_wait3A_742 : memref<512xf32, #tpu.memory_space<vmem>>)
    %dma_wait3A_744 = arith.constant 0 : i32
    %dma_wait3A_745 = arith.constant 10 : i32
    %dma_wait3A_746 = arith.constant 0 : i32
    %dma_wait3A_747 = arith.constant 0 : i32
    %dma_wait3A_748 = arith.constant 0 : i32
    %dma_wait3A_749 = tpu.memref_slice %arg11[%dma_wait3A_744, %dma_wait3A_747, %dma_wait3A_748] : memref<2x32x513xf32, #tpu.memory_space<vmem>> -> memref<1x32x512xf32, #tpu.memory_space<vmem>>
    %dma_wait3A_750 = tpu.memref_squeeze %dma_wait3A_749 : memref<1x32x512xf32, #tpu.memory_space<vmem>> -> memref<32x512xf32, #tpu.memory_space<vmem>>
    %dma_wait3A_751 = arith.constant 0 : i32
    %dma_wait3A_752 = tpu.memref_slice %arg8[%dma_wait3A_745, %dma_wait3A_751, %mul3A_2] : memref<39x32x16384xf32, #tpu.memory_space<hbm>> -> memref<1x32x512xf32, #tpu.memory_space<hbm>>
    %dma_wait3A_753 = tpu.memref_squeeze %dma_wait3A_752 : memref<1x32x512xf32, #tpu.memory_space<hbm>> -> memref<32x512xf32, #tpu.memory_space<hbm>>
    %dma_wait3A_754 = tpu.memref_slice %arg17[%dma_wait3A_746] : memref<2x!tpu.dma_semaphore, #tpu.memory_space<semaphore_mem>> -> memref<1x!tpu.dma_semaphore, #tpu.memory_space<semaphore_mem>>
    %dma_wait3A_755 = tpu.memref_squeeze %dma_wait3A_754 : memref<1x!tpu.dma_semaphore, #tpu.memory_space<semaphore_mem>> -> memref<!tpu.dma_semaphore, #tpu.memory_space<semaphore_mem>>
    %dma_wait3A_756 = arith.constant 0 : i32
    %dma_wait3A_757 = tpu.memref_slice %arg8[%dma_wait3A_745, %dma_wait3A_756, %mul3A_2] : memref<39x32x16384xf32, #tpu.memory_space<hbm>> -> memref<1x32x512xf32, #tpu.memory_space<hbm>>
    %dma_wait3A_758 = tpu.memref_squeeze %dma_wait3A_757 : memref<1x32x512xf32, #tpu.memory_space<hbm>> -> memref<32x512xf32, #tpu.memory_space<hbm>>
    %dma_wait3A_759 = arith.constant 0 : i32
    %dma_wait3A_760 = arith.constant 0 : i32
    %dma_wait3A_761 = tpu.memref_slice %arg11[%dma_wait3A_744, %dma_wait3A_759, %dma_wait3A_760] : memref<2x32x513xf32, #tpu.memory_space<vmem>> -> memref<1x32x512xf32, #tpu.memory_space<vmem>>
    %dma_wait3A_762 = tpu.memref_squeeze %dma_wait3A_761 : memref<1x32x512xf32, #tpu.memory_space<vmem>> -> memref<32x512xf32, #tpu.memory_space<vmem>>
    tpu.wait_dma2 semaphore(%dma_wait3A_755 : memref<!tpu.dma_semaphore, #tpu.memory_space<semaphore_mem>>) src(%dma_wait3A_762 : memref<32x512xf32, #tpu.memory_space<vmem>>) dst(%dma_wait3A_758 : memref<32x512xf32, #tpu.memory_space<hbm>>)
    %scan3A_763 = arith.constant 0 : i32
    %scan3A_764 = arith.constant 0 : i32
    %scan3A_765 = arith.constant 32 : i32
    %scan3A_766 = arith.addi %scan3A_764, %scan3A_765 : i32
    %scan3A_767 = arith.constant 1 : i32
    scf.for %scan3A_870 = %scan3A_764 to %scan3A_766 step %scan3A_767  : i32 {
      %add3A_871 = arith.constant 384 : i32
      %add3A_872 = arith.addi %add3A_871, %scan3A_870 : i32
      %mul3A_873 = arith.constant 16 : i32
      %mul3A_874 = arith.muli %add3A_872, %mul3A_873 : i32
      %get3A = arith.index_cast %mul3A_874 : i32 to index
      %get3A_875 = tpu.vector_load %arg13[%get3A] {strides = array<i32>} : memref<6656xf32, #tpu.memory_space<vmem>>, vector<16xf32>,
      %get3A_876 = arith.index_cast %mul3A_874 : i32 to index
      %get3A_877 = tpu.vector_load %arg14[%get3A_876] {strides = array<i32>} : memref<6656xf32, #tpu.memory_space<vmem>>, vector<16xf32>,
      %parallel_loop3A_878 = arith.constant 0 : i32
      %parallel_loop3A_879 = arith.constant 32 : i32
      %parallel_loop3A_880 = arith.constant 1 : i32
      scf.for %parallel_loop3A_881 = %parallel_loop3A_878 to %parallel_loop3A_879 step %parallel_loop3A_880  : i32 {
        %parallel_loop3A_882 = arith.constant 16 : i32
        %parallel_loop3A_883 = arith.muli %parallel_loop3A_881, %parallel_loop3A_882 : i32
        %parallel_loop3A_884 = arith.constant 6144 : i32
        %parallel_loop3A_885 = arith.addi %parallel_loop3A_884, %parallel_loop3A_883 : i32
        %parallel_loop3A_886 = arith.index_cast %parallel_loop3A_885 : i32 to index
        %parallel_loop3A_887 = tpu.vector_load %arg12[%parallel_loop3A_886] {strides = array<i32>} : memref<6656xf32, #tpu.memory_space<vmem>>, vector<16xf32>,
        %parallel_loop3A_888 = arith.mulf %parallel_loop3A_887, %get3A_875 : vector<16xf32>
        %parallel_loop3A_889 = arith.addf %parallel_loop3A_888, %get3A_877 : vector<16xf32>
        %parallel_loop3A_890 = arith.constant 16 : i32
        %parallel_loop3A_891 = arith.muli %parallel_loop3A_881, %parallel_loop3A_890 : i32
        %parallel_loop3A_892 = arith.constant 0 : i32
        %parallel_loop3A_893 = arith.index_cast %parallel_loop3A_892 : i32 to index
        %parallel_loop3A_894 = arith.index_cast %scan3A_870 : i32 to index
        %parallel_loop3A_895 = arith.index_cast %parallel_loop3A_891 : i32 to index
        %parallel_loop3A_896 = tpu.vector_load %arg11[%parallel_loop3A_893, %parallel_loop3A_894, %parallel_loop3A_895] {strides = array<i32>} : memref<2x32x513xf32, #tpu.memory_space<vmem>>, vector<16xf32>,
        tpu.vector_store %arg11[%parallel_loop3A_893, %parallel_loop3A_894, %parallel_loop3A_895], %parallel_loop3A_889 {strides = array<i32>} : memref<2x32x513xf32, #tpu.memory_space<vmem>>, vector<16xf32>,
      } {sc.loop_unroll_factor = 8 : i64, sc.parallel_access}
    }
    %scan3A_768 = arith.constant 32 : i32
    %dma_start3A_769 = arith.constant 0 : i32
    %dma_start3A_770 = arith.constant 12 : i32
    %dma_start3A_771 = arith.constant 0 : i32
    %dma_start3A_772 = arith.constant 0 : i32
    %dma_start3A_773 = arith.constant 0 : i32
    %dma_start3A_774 = tpu.memref_slice %arg11[%dma_start3A_769, %dma_start3A_772, %dma_start3A_773] : memref<2x32x513xf32, #tpu.memory_space<vmem>> -> memref<1x32x512xf32, #tpu.memory_space<vmem>>
    %dma_start3A_775 = tpu.memref_squeeze %dma_start3A_774 : memref<1x32x512xf32, #tpu.memory_space<vmem>> -> memref<32x512xf32, #tpu.memory_space<vmem>>
    %dma_start3A_776 = arith.constant 0 : i32
    %dma_start3A_777 = tpu.memref_slice %arg8[%dma_start3A_770, %dma_start3A_776, %mul3A_2] : memref<39x32x16384xf32, #tpu.memory_space<hbm>> -> memref<1x32x512xf32, #tpu.memory_space<hbm>>
    %dma_start3A_778 = tpu.memref_squeeze %dma_start3A_777 : memref<1x32x512xf32, #tpu.memory_space<hbm>> -> memref<32x512xf32, #tpu.memory_space<hbm>>
    %dma_start3A_779 = tpu.memref_slice %arg17[%dma_start3A_771] : memref<2x!tpu.dma_semaphore, #tpu.memory_space<semaphore_mem>> -> memref<1x!tpu.dma_semaphore, #tpu.memory_space<semaphore_mem>>
    %dma_start3A_780 = tpu.memref_squeeze %dma_start3A_779 : memref<1x!tpu.dma_semaphore, #tpu.memory_space<semaphore_mem>> -> memref<!tpu.dma_semaphore, #tpu.memory_space<semaphore_mem>>
    %dma_start3A_781 = arith.constant 0 : i32
    %dma_start3A_782 = tpu.memref_slice %arg8[%dma_start3A_770, %dma_start3A_781, %mul3A_2] : memref<39x32x16384xf32, #tpu.memory_space<hbm>> -> memref<1x32x512xf32, #tpu.memory_space<hbm>>
    %dma_start3A_783 = tpu.memref_squeeze %dma_start3A_782 : memref<1x32x512xf32, #tpu.memory_space<hbm>> -> memref<32x512xf32, #tpu.memory_space<hbm>>
    %dma_start3A_784 = arith.constant 0 : i32
    %dma_start3A_785 = arith.constant 0 : i32
    %dma_start3A_786 = tpu.memref_slice %arg11[%dma_start3A_769, %dma_start3A_784, %dma_start3A_785] : memref<2x32x513xf32, #tpu.memory_space<vmem>> -> memref<1x32x512xf32, #tpu.memory_space<vmem>>
    %dma_start3A_787 = tpu.memref_squeeze %dma_start3A_786 : memref<1x32x512xf32, #tpu.memory_space<vmem>> -> memref<32x512xf32, #tpu.memory_space<vmem>>
    tpu.enqueue_dma source(%dma_start3A_787 : memref<32x512xf32, #tpu.memory_space<vmem>>) target(%dma_start3A_783 : memref<32x512xf32, #tpu.memory_space<hbm>>) target_semaphore(%dma_start3A_780 : memref<!tpu.dma_semaphore, #tpu.memory_space<semaphore_mem>>)
    %dma_wait3A_788 = arith.constant 1 : i32
    %dma_wait3A_789 = arith.constant 11 : i32
    %dma_wait3A_790 = arith.constant 1 : i32
    %dma_wait3A_791 = arith.constant 0 : i32
    %dma_wait3A_792 = arith.constant 0 : i32
    %dma_wait3A_793 = tpu.memref_slice %arg11[%dma_wait3A_788, %dma_wait3A_791, %dma_wait3A_792] : memref<2x32x513xf32, #tpu.memory_space<vmem>> -> memref<1x32x512xf32, #tpu.memory_space<vmem>>
    %dma_wait3A_794 = tpu.memref_squeeze %dma_wait3A_793 : memref<1x32x512xf32, #tpu.memory_space<vmem>> -> memref<32x512xf32, #tpu.memory_space<vmem>>
    %dma_wait3A_795 = arith.constant 0 : i32
    %dma_wait3A_796 = tpu.memref_slice %arg8[%dma_wait3A_789, %dma_wait3A_795, %mul3A_2] : memref<39x32x16384xf32, #tpu.memory_space<hbm>> -> memref<1x32x512xf32, #tpu.memory_space<hbm>>
    %dma_wait3A_797 = tpu.memref_squeeze %dma_wait3A_796 : memref<1x32x512xf32, #tpu.memory_space<hbm>> -> memref<32x512xf32, #tpu.memory_space<hbm>>
    %dma_wait3A_798 = tpu.memref_slice %arg17[%dma_wait3A_790] : memref<2x!tpu.dma_semaphore, #tpu.memory_space<semaphore_mem>> -> memref<1x!tpu.dma_semaphore, #tpu.memory_space<semaphore_mem>>
    %dma_wait3A_799 = tpu.memref_squeeze %dma_wait3A_798 : memref<1x!tpu.dma_semaphore, #tpu.memory_space<semaphore_mem>> -> memref<!tpu.dma_semaphore, #tpu.memory_space<semaphore_mem>>
    %dma_wait3A_800 = arith.constant 0 : i32
    %dma_wait3A_801 = tpu.memref_slice %arg8[%dma_wait3A_789, %dma_wait3A_800, %mul3A_2] : memref<39x32x16384xf32, #tpu.memory_space<hbm>> -> memref<1x32x512xf32, #tpu.memory_space<hbm>>
    %dma_wait3A_802 = tpu.memref_squeeze %dma_wait3A_801 : memref<1x32x512xf32, #tpu.memory_space<hbm>> -> memref<32x512xf32, #tpu.memory_space<hbm>>
    %dma_wait3A_803 = arith.constant 0 : i32
    %dma_wait3A_804 = arith.constant 0 : i32
    %dma_wait3A_805 = tpu.memref_slice %arg11[%dma_wait3A_788, %dma_wait3A_803, %dma_wait3A_804] : memref<2x32x513xf32, #tpu.memory_space<vmem>> -> memref<1x32x512xf32, #tpu.memory_space<vmem>>
    %dma_wait3A_806 = tpu.memref_squeeze %dma_wait3A_805 : memref<1x32x512xf32, #tpu.memory_space<vmem>> -> memref<32x512xf32, #tpu.memory_space<vmem>>
    tpu.wait_dma2 semaphore(%dma_wait3A_799 : memref<!tpu.dma_semaphore, #tpu.memory_space<semaphore_mem>>) src(%dma_wait3A_806 : memref<32x512xf32, #tpu.memory_space<vmem>>) dst(%dma_wait3A_802 : memref<32x512xf32, #tpu.memory_space<hbm>>)
    %dma_wait3A_807 = arith.constant 0 : i32
    %dma_wait3A_808 = arith.constant 12 : i32
    %dma_wait3A_809 = arith.constant 0 : i32
    %dma_wait3A_810 = arith.constant 0 : i32
    %dma_wait3A_811 = arith.constant 0 : i32
    %dma_wait3A_812 = tpu.memref_slice %arg11[%dma_wait3A_807, %dma_wait3A_810, %dma_wait3A_811] : memref<2x32x513xf32, #tpu.memory_space<vmem>> -> memref<1x32x512xf32, #tpu.memory_space<vmem>>
    %dma_wait3A_813 = tpu.memref_squeeze %dma_wait3A_812 : memref<1x32x512xf32, #tpu.memory_space<vmem>> -> memref<32x512xf32, #tpu.memory_space<vmem>>
    %dma_wait3A_814 = arith.constant 0 : i32
    %dma_wait3A_815 = tpu.memref_slice %arg8[%dma_wait3A_808, %dma_wait3A_814, %mul3A_2] : memref<39x32x16384xf32, #tpu.memory_space<hbm>> -> memref<1x32x512xf32, #tpu.memory_space<hbm>>
    %dma_wait3A_816 = tpu.memref_squeeze %dma_wait3A_815 : memref<1x32x512xf32, #tpu.memory_space<hbm>> -> memref<32x512xf32, #tpu.memory_space<hbm>>
    %dma_wait3A_817 = tpu.memref_slice %arg17[%dma_wait3A_809] : memref<2x!tpu.dma_semaphore, #tpu.memory_space<semaphore_mem>> -> memref<1x!tpu.dma_semaphore, #tpu.memory_space<semaphore_mem>>
    %dma_wait3A_818 = tpu.memref_squeeze %dma_wait3A_817 : memref<1x!tpu.dma_semaphore, #tpu.memory_space<semaphore_mem>> -> memref<!tpu.dma_semaphore, #tpu.memory_space<semaphore_mem>>
    %dma_wait3A_819 = arith.constant 0 : i32
    %dma_wait3A_820 = tpu.memref_slice %arg8[%dma_wait3A_808, %dma_wait3A_819, %mul3A_2] : memref<39x32x16384xf32, #tpu.memory_space<hbm>> -> memref<1x32x512xf32, #tpu.memory_space<hbm>>
    %dma_wait3A_821 = tpu.memref_squeeze %dma_wait3A_820 : memref<1x32x512xf32, #tpu.memory_space<hbm>> -> memref<32x512xf32, #tpu.memory_space<hbm>>
    %dma_wait3A_822 = arith.constant 0 : i32
    %dma_wait3A_823 = arith.constant 0 : i32
    %dma_wait3A_824 = tpu.memref_slice %arg11[%dma_wait3A_807, %dma_wait3A_822, %dma_wait3A_823] : memref<2x32x513xf32, #tpu.memory_space<vmem>> -> memref<1x32x512xf32, #tpu.memory_space<vmem>>
    %dma_wait3A_825 = tpu.memref_squeeze %dma_wait3A_824 : memref<1x32x512xf32, #tpu.memory_space<vmem>> -> memref<32x512xf32, #tpu.memory_space<vmem>>
    tpu.wait_dma2 semaphore(%dma_wait3A_818 : memref<!tpu.dma_semaphore, #tpu.memory_space<semaphore_mem>>) src(%dma_wait3A_825 : memref<32x512xf32, #tpu.memory_space<vmem>>) dst(%dma_wait3A_821 : memref<32x512xf32, #tpu.memory_space<hbm>>)
    %scan3A_826 = arith.constant 0 : i32
    %scan3A_827 = arith.constant 0 : i32
    %scan3A_828 = arith.constant 13 : i32
    %scan3A_829 = arith.addi %scan3A_827, %scan3A_828 : i32
    %scan3A_830 = arith.constant 1 : i32
    scf.for %scan3A_870 = %scan3A_827 to %scan3A_829 step %scan3A_830  : i32 {
      %mul3A_871 = arith.constant 2 : i32
      %mul3A_872 = arith.muli %mul3A_871, %scan3A_870 : i32
      %add3A_873 = arith.constant 0 : i32
      %add3A_874 = arith.addi %mul3A_872, %add3A_873 : i32
      %dma_wait3A_875 = arith.constant 0 : i32
      %dma_wait3A_876 = arith.constant 0 : i32
      %dma_wait3A_877 = arith.constant 0 : i32
      %dma_wait3A_878 = arith.constant 0 : i32
      %dma_wait3A_879 = arith.constant 0 : i32
      %dma_wait3A_880 = tpu.memref_slice %arg10[%dma_wait3A_876, %dma_wait3A_878, %dma_wait3A_879] : memref<2x512x32xf32, #tpu.memory_space<vmem>> -> memref<1x512x32xf32, #tpu.memory_space<vmem>>
      %dma_wait3A_881 = tpu.memref_squeeze %dma_wait3A_880 : memref<1x512x32xf32, #tpu.memory_space<vmem>> -> memref<512x32xf32, #tpu.memory_space<vmem>>
      %dma_wait3A_882 = arith.constant 0 : i32
      %dma_wait3A_883 = tpu.memref_slice %arg9[%dma_wait3A_875, %dma_wait3A_882] : memref<2x512xi32, #tpu.memory_space<vmem>> -> memref<1x512xi32, #tpu.memory_space<vmem>>
      %dma_wait3A_884 = tpu.memref_squeeze %dma_wait3A_883 : memref<1x512xi32, #tpu.memory_space<vmem>> -> memref<512xi32, #tpu.memory_space<vmem>>
      %dma_wait3A_885 = arith.constant 0 : i32
      %dma_wait3A_886 = arith.constant 0 : i32
      %dma_wait3A_887 = tpu.memref_slice %arg6[%dma_wait3A_885, %dma_wait3A_886] : memref<2600000x32xf32, #tpu.memory_space<hbm>> -> memref<2600000x32xf32, #tpu.memory_space<hbm>>
      %dma_wait3A_888 = tpu.memref_slice %arg16[%dma_wait3A_877] : memref<2x!tpu.dma_semaphore, #tpu.memory_space<semaphore_mem>> -> memref<1x!tpu.dma_semaphore, #tpu.memory_space<semaphore_mem>>
      %dma_wait3A_889 = tpu.memref_squeeze %dma_wait3A_888 : memref<1x!tpu.dma_semaphore, #tpu.memory_space<semaphore_mem>> -> memref<!tpu.dma_semaphore, #tpu.memory_space<semaphore_mem>>
      tpu.wait_indirect_dma semaphore(%dma_wait3A_889 : memref<!tpu.dma_semaphore, #tpu.memory_space<semaphore_mem>>) src(%dma_wait3A_887 : memref<2600000x32xf32, #tpu.memory_space<hbm>>) dst(%dma_wait3A_881 : memref<512x32xf32, #tpu.memory_space<vmem>>)
      %ge3A = arith.constant 1 : i32
      %ge3A_890 = arith.cmpi sge, %scan3A_870, %ge3A : i32
      %convert_element_type3A = arith.extui %ge3A_890 : i1 to i32
      %cond3A = arith.constant 0 : i32
      %cond3A_891 = arith.cmpi ne, %convert_element_type3A, %cond3A : i32
      scf.if %cond3A_891 {
        %sub3A = arith.constant 2 : i32
        %sub3A_990 = arith.subi %add3A_874, %sub3A : i32
        %add3A_991 = arith.constant 13 : i32
        %add3A_992 = arith.addi %add3A_991, %sub3A_990 : i32
        %dma_wait3A_993 = arith.constant 0 : i32
        %dma_wait3A_994 = arith.constant 0 : i32
        %dma_wait3A_995 = arith.constant 0 : i32
        %dma_wait3A_996 = arith.constant 0 : i32
        %dma_wait3A_997 = tpu.memref_slice %arg11[%dma_wait3A_993, %dma_wait3A_995, %dma_wait3A_996] : memref<2x32x513xf32, #tpu.memory_space<vmem>> -> memref<1x32x512xf32, #tpu.memory_space<vmem>>
        %dma_wait3A_998 = tpu.memref_squeeze %dma_wait3A_997 : memref<1x32x512xf32, #tpu.memory_space<vmem>> -> memref<32x512xf32, #tpu.memory_space<vmem>>
        %dma_wait3A_999 = arith.constant 0 : i32
        %dma_wait3A_1000 = tpu.memref_slice %arg8[%add3A_992, %dma_wait3A_999, %mul3A_2] : memref<39x32x16384xf32, #tpu.memory_space<hbm>> -> memref<1x32x512xf32, #tpu.memory_space<hbm>>
        %dma_wait3A_1001 = tpu.memref_squeeze %dma_wait3A_1000 : memref<1x32x512xf32, #tpu.memory_space<hbm>> -> memref<32x512xf32, #tpu.memory_space<hbm>>
        %dma_wait3A_1002 = tpu.memref_slice %arg17[%dma_wait3A_994] : memref<2x!tpu.dma_semaphore, #tpu.memory_space<semaphore_mem>> -> memref<1x!tpu.dma_semaphore, #tpu.memory_space<semaphore_mem>>
        %dma_wait3A_1003 = tpu.memref_squeeze %dma_wait3A_1002 : memref<1x!tpu.dma_semaphore, #tpu.memory_space<semaphore_mem>> -> memref<!tpu.dma_semaphore, #tpu.memory_space<semaphore_mem>>
        %dma_wait3A_1004 = arith.constant 0 : i32
        %dma_wait3A_1005 = tpu.memref_slice %arg8[%add3A_992, %dma_wait3A_1004, %mul3A_2] : memref<39x32x16384xf32, #tpu.memory_space<hbm>> -> memref<1x32x512xf32, #tpu.memory_space<hbm>>
        %dma_wait3A_1006 = tpu.memref_squeeze %dma_wait3A_1005 : memref<1x32x512xf32, #tpu.memory_space<hbm>> -> memref<32x512xf32, #tpu.memory_space<hbm>>
        %dma_wait3A_1007 = arith.constant 0 : i32
        %dma_wait3A_1008 = arith.constant 0 : i32
        %dma_wait3A_1009 = tpu.memref_slice %arg11[%dma_wait3A_993, %dma_wait3A_1007, %dma_wait3A_1008] : memref<2x32x513xf32, #tpu.memory_space<vmem>> -> memref<1x32x512xf32, #tpu.memory_space<vmem>>
        %dma_wait3A_1010 = tpu.memref_squeeze %dma_wait3A_1009 : memref<1x32x512xf32, #tpu.memory_space<vmem>> -> memref<32x512xf32, #tpu.memory_space<vmem>>
        tpu.wait_dma2 semaphore(%dma_wait3A_1003 : memref<!tpu.dma_semaphore, #tpu.memory_space<semaphore_mem>>) src(%dma_wait3A_1010 : memref<32x512xf32, #tpu.memory_space<vmem>>) dst(%dma_wait3A_1006 : memref<32x512xf32, #tpu.memory_space<hbm>>)
      } else {
      }
      %mul3A_892 = arith.constant 32 : i32
      %mul3A_893 = arith.muli %add3A_874, %mul3A_892 : i32
      %get3A = arith.index_cast %mul3A_893 : i32 to index
      %get3A_894 = tpu.vector_load %arg15[%get3A] {strides = array<i32>} : memref<832xf32, #tpu.memory_space<vmem>>, vector<16xf32>,
      %mul3A_895 = arith.constant 32 : i32
      %mul3A_896 = arith.muli %add3A_874, %mul3A_895 : i32
      %add3A_897 = arith.constant 16 : i32
      %add3A_898 = arith.addi %mul3A_896, %add3A_897 : i32
      %get3A_899 = arith.index_cast %add3A_898 : i32 to index
      %get3A_900 = tpu.vector_load %arg15[%get3A_899] {strides = array<i32>} : memref<832xf32, #tpu.memory_space<vmem>>, vector<16xf32>,
      %parallel_loop3A_901 = arith.constant 0 : i32
      %parallel_loop3A_902 = arith.constant 512 : i32
      %parallel_loop3A_903 = arith.constant 1 : i32
      scf.for %parallel_loop3A_990 = %parallel_loop3A_901 to %parallel_loop3A_902 step %parallel_loop3A_903  : i32 {
        %parallel_loop3A_991 = vector.broadcast %parallel_loop3A_990 : i32 to vector<16xi32>
        %parallel_loop3A_992 = arith.constant 0 : i32
        %parallel_loop3A_993 = arith.index_cast %parallel_loop3A_992 : i32 to index
        %parallel_loop3A_994 = arith.index_cast %parallel_loop3A_990 : i32 to index
        %parallel_loop3A_995 = arith.constant 0 : index
        %parallel_loop3A_996 = tpu.vector_load %arg10[%parallel_loop3A_993, %parallel_loop3A_994, %parallel_loop3A_995] {strides = array<i32>} : memref<2x512x32xf32, #tpu.memory_space<vmem>>, vector<16xf32>,
        %parallel_loop3A_997 = arith.addf %parallel_loop3A_996, %get3A_894 : vector<16xf32>
        %parallel_loop3A_998 = arith.constant 0 : i32
        %parallel_loop3A_999 = arith.constant 0 : i32
        %parallel_loop3A_1000 = arith.constant 0 : i32
        %parallel_loop3A_1001 = tpu.memref_slice %arg11[%parallel_loop3A_998, %parallel_loop3A_999, %parallel_loop3A_1000] : memref<2x32x513xf32, #tpu.memory_space<vmem>> -> memref<1x32x513xf32, #tpu.memory_space<vmem>>
        %parallel_loop3A_1002 = tpu.memref_squeeze %parallel_loop3A_1001 : memref<1x32x513xf32, #tpu.memory_space<vmem>> -> memref<32x513xf32, #tpu.memory_space<vmem>>
        tpu.vector_store_idx %parallel_loop3A_1002[%iota3A, %parallel_loop3A_991], %parallel_loop3A_997 : memref<32x513xf32, #tpu.memory_space<vmem>>[vector<16xi32>, vector<16xi32>], vector<16xf32>,
        %parallel_loop3A_1003 = arith.constant 0 : i32
        %parallel_loop3A_1004 = arith.index_cast %parallel_loop3A_1003 : i32 to index
        %parallel_loop3A_1005 = arith.index_cast %parallel_loop3A_990 : i32 to index
        %parallel_loop3A_1006 = arith.constant 16 : index
        %parallel_loop3A_1007 = tpu.vector_load %arg10[%parallel_loop3A_1004, %parallel_loop3A_1005, %parallel_loop3A_1006] {strides = array<i32>} : memref<2x512x32xf32, #tpu.memory_space<vmem>>, vector<16xf32>,
        %parallel_loop3A_1008 = arith.addf %parallel_loop3A_1007, %get3A_900 : vector<16xf32>
        %parallel_loop3A_1009 = arith.constant 0 : i32
        %parallel_loop3A_1010 = arith.constant 0 : i32
        %parallel_loop3A_1011 = arith.constant 0 : i32
        %parallel_loop3A_1012 = tpu.memref_slice %arg11[%parallel_loop3A_1009, %parallel_loop3A_1010, %parallel_loop3A_1011] : memref<2x32x513xf32, #tpu.memory_space<vmem>> -> memref<1x32x513xf32, #tpu.memory_space<vmem>>
        %parallel_loop3A_1013 = tpu.memref_squeeze %parallel_loop3A_1012 : memref<1x32x513xf32, #tpu.memory_space<vmem>> -> memref<32x513xf32, #tpu.memory_space<vmem>>
        tpu.vector_store_idx %parallel_loop3A_1013[%add3A_5, %parallel_loop3A_991], %parallel_loop3A_1008 : memref<32x513xf32, #tpu.memory_space<vmem>>[vector<16xi32>, vector<16xi32>], vector<16xf32>,
      } {sc.loop_unroll_factor = 16 : i64, sc.parallel_access}
      %lt3A = arith.constant 12 : i32
      %lt3A_904 = arith.cmpi slt, %scan3A_870, %lt3A : i32
      %convert_element_type3A_905 = arith.extui %lt3A_904 : i1 to i32
      %cond3A_906 = arith.constant 0 : i32
      %cond3A_907 = arith.cmpi ne, %convert_element_type3A_905, %cond3A_906 : i32
      scf.if %cond3A_907 {
        %add3A_990 = arith.constant 2 : i32
        %add3A_991 = arith.addi %add3A_874, %add3A_990 : i32
        %mul3A_992 = arith.constant 16384 : i32
        %mul3A_993 = arith.muli %add3A_991, %mul3A_992 : i32
        %add3A_994 = arith.addi %mul3A_993, %mul3A_2 : i32
        %run_scoped3A_995 = arith.constant 0 : i32
        "tpu.region"() ({
          %run_scoped3A_1017 = tpu.sem_alloc : memref<!tpu.dma_semaphore, #tpu.memory_space<semaphore_mem>>
          %dma_start3A_1018 = arith.constant 0 : i32
          %dma_start3A_1019 = tpu.memref_slice %arg9[%run_scoped3A_995, %dma_start3A_1018] : memref<2x512xi32, #tpu.memory_space<vmem>> -> memref<1x512xi32, #tpu.memory_space<vmem>>
          %dma_start3A_1020 = tpu.memref_squeeze %dma_start3A_1019 : memref<1x512xi32, #tpu.memory_space<vmem>> -> memref<512xi32, #tpu.memory_space<vmem>>
          %dma_start3A_1021 = tpu.memref_slice %arg3[%add3A_994] : memref<425984xi32, #tpu.memory_space<hbm>> -> memref<512xi32, #tpu.memory_space<hbm>>
          %dma_start3A_1022 = arith.constant 0 : i32
          %dma_start3A_1023 = tpu.memref_slice %arg9[%run_scoped3A_995, %dma_start3A_1022] : memref<2x512xi32, #tpu.memory_space<vmem>> -> memref<1x512xi32, #tpu.memory_space<vmem>>
          %dma_start3A_1024 = tpu.memref_squeeze %dma_start3A_1023 : memref<1x512xi32, #tpu.memory_space<vmem>> -> memref<512xi32, #tpu.memory_space<vmem>>
          %dma_start3A_1025 = tpu.memref_slice %arg3[%add3A_994] : memref<425984xi32, #tpu.memory_space<hbm>> -> memref<512xi32, #tpu.memory_space<hbm>>
          tpu.enqueue_dma source(%dma_start3A_1025 : memref<512xi32, #tpu.memory_space<hbm>>) target(%dma_start3A_1024 : memref<512xi32, #tpu.memory_space<vmem>>) target_semaphore(%run_scoped3A_1017 : memref<!tpu.dma_semaphore, #tpu.memory_space<semaphore_mem>>)
          %dma_wait3A_1026 = arith.constant 0 : i32
          %dma_wait3A_1027 = tpu.memref_slice %arg9[%run_scoped3A_995, %dma_wait3A_1026] : memref<2x512xi32, #tpu.memory_space<vmem>> -> memref<1x512xi32, #tpu.memory_space<vmem>>
          %dma_wait3A_1028 = tpu.memref_squeeze %dma_wait3A_1027 : memref<1x512xi32, #tpu.memory_space<vmem>> -> memref<512xi32, #tpu.memory_space<vmem>>
          %dma_wait3A_1029 = tpu.memref_slice %arg3[%add3A_994] : memref<425984xi32, #tpu.memory_space<hbm>> -> memref<512xi32, #tpu.memory_space<hbm>>
          %dma_wait3A_1030 = arith.constant 0 : i32
          %dma_wait3A_1031 = tpu.memref_slice %arg9[%run_scoped3A_995, %dma_wait3A_1030] : memref<2x512xi32, #tpu.memory_space<vmem>> -> memref<1x512xi32, #tpu.memory_space<vmem>>
          %dma_wait3A_1032 = tpu.memref_squeeze %dma_wait3A_1031 : memref<1x512xi32, #tpu.memory_space<vmem>> -> memref<512xi32, #tpu.memory_space<vmem>>
          %dma_wait3A_1033 = tpu.memref_slice %arg3[%add3A_994] : memref<425984xi32, #tpu.memory_space<hbm>> -> memref<512xi32, #tpu.memory_space<hbm>>
          tpu.wait_dma2 semaphore(%run_scoped3A_1017 : memref<!tpu.dma_semaphore, #tpu.memory_space<semaphore_mem>>) src(%dma_wait3A_1033 : memref<512xi32, #tpu.memory_space<hbm>>) dst(%dma_wait3A_1032 : memref<512xi32, #tpu.memory_space<vmem>>)
          tpu.yield
        }) : () -> ()
        %mul3A_996 = arith.constant 100000 : i32
        %mul3A_997 = arith.muli %add3A_991, %mul3A_996 : i32
        %broadcast_in_dim3A_998 = vector.broadcast %mul3A_997 : i32 to vector<16xi32>
        %parallel_loop3A_999 = arith.constant 0 : i32
        %parallel_loop3A_1000 = arith.constant 32 : i32
        %parallel_loop3A_1001 = arith.constant 1 : i32
        scf.for %parallel_loop3A_1017 = %parallel_loop3A_999 to %parallel_loop3A_1000 step %parallel_loop3A_1001  : i32 {
          %parallel_loop3A_1018 = arith.constant 16 : i32
          %parallel_loop3A_1019 = arith.muli %parallel_loop3A_1017, %parallel_loop3A_1018 : i32
          %parallel_loop3A_1020 = arith.constant 0 : i32
          %parallel_loop3A_1021 = arith.index_cast %parallel_loop3A_1020 : i32 to index
          %parallel_loop3A_1022 = arith.index_cast %parallel_loop3A_1019 : i32 to index
          %parallel_loop3A_1023 = tpu.vector_load %arg9[%parallel_loop3A_1021, %parallel_loop3A_1022] {strides = array<i32>} : memref<2x512xi32, #tpu.memory_space<vmem>>, vector<16xi32>,
          %parallel_loop3A_1024 = arith.addi %parallel_loop3A_1023, %broadcast_in_dim3A_998 : vector<16xi32>
          %parallel_loop3A_1025 = arith.constant 16 : i32
          %parallel_loop3A_1026 = arith.muli %parallel_loop3A_1017, %parallel_loop3A_1025 : i32
          %parallel_loop3A_1027 = arith.constant 0 : i32
          %parallel_loop3A_1028 = arith.index_cast %parallel_loop3A_1027 : i32 to index
          %parallel_loop3A_1029 = arith.index_cast %parallel_loop3A_1026 : i32 to index
          %parallel_loop3A_1030 = tpu.vector_load %arg9[%parallel_loop3A_1028, %parallel_loop3A_1029] {strides = array<i32>} : memref<2x512xi32, #tpu.memory_space<vmem>>, vector<16xi32>,
          tpu.vector_store %arg9[%parallel_loop3A_1028, %parallel_loop3A_1029], %parallel_loop3A_1024 {strides = array<i32>} : memref<2x512xi32, #tpu.memory_space<vmem>>, vector<16xi32>,
        } {sc.loop_unroll_factor = 8 : i64, sc.parallel_access}
        %dma_start3A_1002 = arith.constant 0 : i32
        %dma_start3A_1003 = arith.constant 0 : i32
        %dma_start3A_1004 = arith.constant 0 : i32
        %dma_start3A_1005 = arith.constant 0 : i32
        %dma_start3A_1006 = arith.constant 0 : i32
        %dma_start3A_1007 = tpu.memref_slice %arg10[%dma_start3A_1003, %dma_start3A_1005, %dma_start3A_1006] : memref<2x512x32xf32, #tpu.memory_space<vmem>> -> memref<1x512x32xf32, #tpu.memory_space<vmem>>
        %dma_start3A_1008 = tpu.memref_squeeze %dma_start3A_1007 : memref<1x512x32xf32, #tpu.memory_space<vmem>> -> memref<512x32xf32, #tpu.memory_space<vmem>>
        %dma_start3A_1009 = arith.constant 0 : i32
        %dma_start3A_1010 = tpu.memref_slice %arg9[%dma_start3A_1002, %dma_start3A_1009] : memref<2x512xi32, #tpu.memory_space<vmem>> -> memref<1x512xi32, #tpu.memory_space<vmem>>
        %dma_start3A_1011 = tpu.memref_squeeze %dma_start3A_1010 : memref<1x512xi32, #tpu.memory_space<vmem>> -> memref<512xi32, #tpu.memory_space<vmem>>
        %dma_start3A_1012 = arith.constant 0 : i32
        %dma_start3A_1013 = arith.constant 0 : i32
        %dma_start3A_1014 = tpu.memref_slice %arg6[%dma_start3A_1012, %dma_start3A_1013] : memref<2600000x32xf32, #tpu.memory_space<hbm>> -> memref<2600000x32xf32, #tpu.memory_space<hbm>>
        %dma_start3A_1015 = tpu.memref_slice %arg16[%dma_start3A_1004] : memref<2x!tpu.dma_semaphore, #tpu.memory_space<semaphore_mem>> -> memref<1x!tpu.dma_semaphore, #tpu.memory_space<semaphore_mem>>
        %dma_start3A_1016 = tpu.memref_squeeze %dma_start3A_1015 : memref<1x!tpu.dma_semaphore, #tpu.memory_space<semaphore_mem>> -> memref<!tpu.dma_semaphore, #tpu.memory_space<semaphore_mem>>
        tpu.enqueue_indirect_dma source(%dma_start3A_1014 : memref<2600000x32xf32, #tpu.memory_space<hbm>>) target(%dma_start3A_1008 : memref<512x32xf32, #tpu.memory_space<vmem>>) offsets(%dma_start3A_1011 : memref<512xi32, #tpu.memory_space<vmem>>) semaphore(%dma_start3A_1016 : memref<!tpu.dma_semaphore, #tpu.memory_space<semaphore_mem>>)
      } else {
      }
      %add3A_908 = arith.constant 13 : i32
      %add3A_909 = arith.addi %add3A_908, %add3A_874 : i32
      %dma_start3A_910 = arith.constant 0 : i32
      %dma_start3A_911 = arith.constant 0 : i32
      %dma_start3A_912 = arith.constant 0 : i32
      %dma_start3A_913 = arith.constant 0 : i32
      %dma_start3A_914 = tpu.memref_slice %arg11[%dma_start3A_910, %dma_start3A_912, %dma_start3A_913] : memref<2x32x513xf32, #tpu.memory_space<vmem>> -> memref<1x32x512xf32, #tpu.memory_space<vmem>>
      %dma_start3A_915 = tpu.memref_squeeze %dma_start3A_914 : memref<1x32x512xf32, #tpu.memory_space<vmem>> -> memref<32x512xf32, #tpu.memory_space<vmem>>
      %dma_start3A_916 = arith.constant 0 : i32
      %dma_start3A_917 = tpu.memref_slice %arg8[%add3A_909, %dma_start3A_916, %mul3A_2] : memref<39x32x16384xf32, #tpu.memory_space<hbm>> -> memref<1x32x512xf32, #tpu.memory_space<hbm>>
      %dma_start3A_918 = tpu.memref_squeeze %dma_start3A_917 : memref<1x32x512xf32, #tpu.memory_space<hbm>> -> memref<32x512xf32, #tpu.memory_space<hbm>>
      %dma_start3A_919 = tpu.memref_slice %arg17[%dma_start3A_911] : memref<2x!tpu.dma_semaphore, #tpu.memory_space<semaphore_mem>> -> memref<1x!tpu.dma_semaphore, #tpu.memory_space<semaphore_mem>>
      %dma_start3A_920 = tpu.memref_squeeze %dma_start3A_919 : memref<1x!tpu.dma_semaphore, #tpu.memory_space<semaphore_mem>> -> memref<!tpu.dma_semaphore, #tpu.memory_space<semaphore_mem>>
      %dma_start3A_921 = arith.constant 0 : i32
      %dma_start3A_922 = tpu.memref_slice %arg8[%add3A_909, %dma_start3A_921, %mul3A_2] : memref<39x32x16384xf32, #tpu.memory_space<hbm>> -> memref<1x32x512xf32, #tpu.memory_space<hbm>>
      %dma_start3A_923 = tpu.memref_squeeze %dma_start3A_922 : memref<1x32x512xf32, #tpu.memory_space<hbm>> -> memref<32x512xf32, #tpu.memory_space<hbm>>
      %dma_start3A_924 = arith.constant 0 : i32
      %dma_start3A_925 = arith.constant 0 : i32
      %dma_start3A_926 = tpu.memref_slice %arg11[%dma_start3A_910, %dma_start3A_924, %dma_start3A_925] : memref<2x32x513xf32, #tpu.memory_space<vmem>> -> memref<1x32x512xf32, #tpu.memory_space<vmem>>
      %dma_start3A_927 = tpu.memref_squeeze %dma_start3A_926 : memref<1x32x512xf32, #tpu.memory_space<vmem>> -> memref<32x512xf32, #tpu.memory_space<vmem>>
      tpu.enqueue_dma source(%dma_start3A_927 : memref<32x512xf32, #tpu.memory_space<vmem>>) target(%dma_start3A_923 : memref<32x512xf32, #tpu.memory_space<hbm>>) target_semaphore(%dma_start3A_920 : memref<!tpu.dma_semaphore, #tpu.memory_space<semaphore_mem>>)
      %mul3A_928 = arith.constant 2 : i32
      %mul3A_929 = arith.muli %mul3A_928, %scan3A_870 : i32
      %add3A_930 = arith.constant 1 : i32
      %add3A_931 = arith.addi %mul3A_929, %add3A_930 : i32
      %dma_wait3A_932 = arith.constant 1 : i32
      %dma_wait3A_933 = arith.constant 1 : i32
      %dma_wait3A_934 = arith.constant 1 : i32
      %dma_wait3A_935 = arith.constant 0 : i32
      %dma_wait3A_936 = arith.constant 0 : i32
      %dma_wait3A_937 = tpu.memref_slice %arg10[%dma_wait3A_933, %dma_wait3A_935, %dma_wait3A_936] : memref<2x512x32xf32, #tpu.memory_space<vmem>> -> memref<1x512x32xf32, #tpu.memory_space<vmem>>
      %dma_wait3A_938 = tpu.memref_squeeze %dma_wait3A_937 : memref<1x512x32xf32, #tpu.memory_space<vmem>> -> memref<512x32xf32, #tpu.memory_space<vmem>>
      %dma_wait3A_939 = arith.constant 0 : i32
      %dma_wait3A_940 = tpu.memref_slice %arg9[%dma_wait3A_932, %dma_wait3A_939] : memref<2x512xi32, #tpu.memory_space<vmem>> -> memref<1x512xi32, #tpu.memory_space<vmem>>
      %dma_wait3A_941 = tpu.memref_squeeze %dma_wait3A_940 : memref<1x512xi32, #tpu.memory_space<vmem>> -> memref<512xi32, #tpu.memory_space<vmem>>
      %dma_wait3A_942 = arith.constant 0 : i32
      %dma_wait3A_943 = arith.constant 0 : i32
      %dma_wait3A_944 = tpu.memref_slice %arg6[%dma_wait3A_942, %dma_wait3A_943] : memref<2600000x32xf32, #tpu.memory_space<hbm>> -> memref<2600000x32xf32, #tpu.memory_space<hbm>>
      %dma_wait3A_945 = tpu.memref_slice %arg16[%dma_wait3A_934] : memref<2x!tpu.dma_semaphore, #tpu.memory_space<semaphore_mem>> -> memref<1x!tpu.dma_semaphore, #tpu.memory_space<semaphore_mem>>
      %dma_wait3A_946 = tpu.memref_squeeze %dma_wait3A_945 : memref<1x!tpu.dma_semaphore, #tpu.memory_space<semaphore_mem>> -> memref<!tpu.dma_semaphore, #tpu.memory_space<semaphore_mem>>
      tpu.wait_indirect_dma semaphore(%dma_wait3A_946 : memref<!tpu.dma_semaphore, #tpu.memory_space<semaphore_mem>>) src(%dma_wait3A_944 : memref<2600000x32xf32, #tpu.memory_space<hbm>>) dst(%dma_wait3A_938 : memref<512x32xf32, #tpu.memory_space<vmem>>)
      %ge3A_947 = arith.constant 1 : i32
      %ge3A_948 = arith.cmpi sge, %scan3A_870, %ge3A_947 : i32
      %convert_element_type3A_949 = arith.extui %ge3A_948 : i1 to i32
      %cond3A_950 = arith.constant 0 : i32
      %cond3A_951 = arith.cmpi ne, %convert_element_type3A_949, %cond3A_950 : i32
      scf.if %cond3A_951 {
        %sub3A = arith.constant 2 : i32
        %sub3A_990 = arith.subi %add3A_931, %sub3A : i32
        %add3A_991 = arith.constant 13 : i32
        %add3A_992 = arith.addi %add3A_991, %sub3A_990 : i32
        %dma_wait3A_993 = arith.constant 1 : i32
        %dma_wait3A_994 = arith.constant 1 : i32
        %dma_wait3A_995 = arith.constant 0 : i32
        %dma_wait3A_996 = arith.constant 0 : i32
        %dma_wait3A_997 = tpu.memref_slice %arg11[%dma_wait3A_993, %dma_wait3A_995, %dma_wait3A_996] : memref<2x32x513xf32, #tpu.memory_space<vmem>> -> memref<1x32x512xf32, #tpu.memory_space<vmem>>
        %dma_wait3A_998 = tpu.memref_squeeze %dma_wait3A_997 : memref<1x32x512xf32, #tpu.memory_space<vmem>> -> memref<32x512xf32, #tpu.memory_space<vmem>>
        %dma_wait3A_999 = arith.constant 0 : i32
        %dma_wait3A_1000 = tpu.memref_slice %arg8[%add3A_992, %dma_wait3A_999, %mul3A_2] : memref<39x32x16384xf32, #tpu.memory_space<hbm>> -> memref<1x32x512xf32, #tpu.memory_space<hbm>>
        %dma_wait3A_1001 = tpu.memref_squeeze %dma_wait3A_1000 : memref<1x32x512xf32, #tpu.memory_space<hbm>> -> memref<32x512xf32, #tpu.memory_space<hbm>>
        %dma_wait3A_1002 = tpu.memref_slice %arg17[%dma_wait3A_994] : memref<2x!tpu.dma_semaphore, #tpu.memory_space<semaphore_mem>> -> memref<1x!tpu.dma_semaphore, #tpu.memory_space<semaphore_mem>>
        %dma_wait3A_1003 = tpu.memref_squeeze %dma_wait3A_1002 : memref<1x!tpu.dma_semaphore, #tpu.memory_space<semaphore_mem>> -> memref<!tpu.dma_semaphore, #tpu.memory_space<semaphore_mem>>
        %dma_wait3A_1004 = arith.constant 0 : i32
        %dma_wait3A_1005 = tpu.memref_slice %arg8[%add3A_992, %dma_wait3A_1004, %mul3A_2] : memref<39x32x16384xf32, #tpu.memory_space<hbm>> -> memref<1x32x512xf32, #tpu.memory_space<hbm>>
        %dma_wait3A_1006 = tpu.memref_squeeze %dma_wait3A_1005 : memref<1x32x512xf32, #tpu.memory_space<hbm>> -> memref<32x512xf32, #tpu.memory_space<hbm>>
        %dma_wait3A_1007 = arith.constant 0 : i32
        %dma_wait3A_1008 = arith.constant 0 : i32
        %dma_wait3A_1009 = tpu.memref_slice %arg11[%dma_wait3A_993, %dma_wait3A_1007, %dma_wait3A_1008] : memref<2x32x513xf32, #tpu.memory_space<vmem>> -> memref<1x32x512xf32, #tpu.memory_space<vmem>>
        %dma_wait3A_1010 = tpu.memref_squeeze %dma_wait3A_1009 : memref<1x32x512xf32, #tpu.memory_space<vmem>> -> memref<32x512xf32, #tpu.memory_space<vmem>>
        tpu.wait_dma2 semaphore(%dma_wait3A_1003 : memref<!tpu.dma_semaphore, #tpu.memory_space<semaphore_mem>>) src(%dma_wait3A_1010 : memref<32x512xf32, #tpu.memory_space<vmem>>) dst(%dma_wait3A_1006 : memref<32x512xf32, #tpu.memory_space<hbm>>)
      } else {
      }
      %mul3A_952 = arith.constant 32 : i32
      %mul3A_953 = arith.muli %add3A_931, %mul3A_952 : i32
      %get3A_954 = arith.index_cast %mul3A_953 : i32 to index
      %get3A_955 = tpu.vector_load %arg15[%get3A_954] {strides = array<i32>} : memref<832xf32, #tpu.memory_space<vmem>>, vector<16xf32>,
      %mul3A_956 = arith.constant 32 : i32
      %mul3A_957 = arith.muli %add3A_931, %mul3A_956 : i32
      %add3A_958 = arith.constant 16 : i32
      %add3A_959 = arith.addi %mul3A_957, %add3A_958 : i32
      %get3A_960 = arith.index_cast %add3A_959 : i32 to index
      %get3A_961 = tpu.vector_load %arg15[%get3A_960] {strides = array<i32>} : memref<832xf32, #tpu.memory_space<vmem>>, vector<16xf32>,
      %parallel_loop3A_962 = arith.constant 0 : i32
      %parallel_loop3A_963 = arith.constant 512 : i32
      %parallel_loop3A_964 = arith.constant 1 : i32
      scf.for %parallel_loop3A_990 = %parallel_loop3A_962 to %parallel_loop3A_963 step %parallel_loop3A_964  : i32 {
        %parallel_loop3A_991 = vector.broadcast %parallel_loop3A_990 : i32 to vector<16xi32>
        %parallel_loop3A_992 = arith.constant 1 : i32
        %parallel_loop3A_993 = arith.index_cast %parallel_loop3A_992 : i32 to index
        %parallel_loop3A_994 = arith.index_cast %parallel_loop3A_990 : i32 to index
        %parallel_loop3A_995 = arith.constant 0 : index
        %parallel_loop3A_996 = tpu.vector_load %arg10[%parallel_loop3A_993, %parallel_loop3A_994, %parallel_loop3A_995] {strides = array<i32>} : memref<2x512x32xf32, #tpu.memory_space<vmem>>, vector<16xf32>,
        %parallel_loop3A_997 = arith.addf %parallel_loop3A_996, %get3A_955 : vector<16xf32>
        %parallel_loop3A_998 = arith.constant 1 : i32
        %parallel_loop3A_999 = arith.constant 0 : i32
        %parallel_loop3A_1000 = arith.constant 0 : i32
        %parallel_loop3A_1001 = tpu.memref_slice %arg11[%parallel_loop3A_998, %parallel_loop3A_999, %parallel_loop3A_1000] : memref<2x32x513xf32, #tpu.memory_space<vmem>> -> memref<1x32x513xf32, #tpu.memory_space<vmem>>
        %parallel_loop3A_1002 = tpu.memref_squeeze %parallel_loop3A_1001 : memref<1x32x513xf32, #tpu.memory_space<vmem>> -> memref<32x513xf32, #tpu.memory_space<vmem>>
        tpu.vector_store_idx %parallel_loop3A_1002[%iota3A, %parallel_loop3A_991], %parallel_loop3A_997 : memref<32x513xf32, #tpu.memory_space<vmem>>[vector<16xi32>, vector<16xi32>], vector<16xf32>,
        %parallel_loop3A_1003 = arith.constant 1 : i32
        %parallel_loop3A_1004 = arith.index_cast %parallel_loop3A_1003 : i32 to index
        %parallel_loop3A_1005 = arith.index_cast %parallel_loop3A_990 : i32 to index
        %parallel_loop3A_1006 = arith.constant 16 : index
        %parallel_loop3A_1007 = tpu.vector_load %arg10[%parallel_loop3A_1004, %parallel_loop3A_1005, %parallel_loop3A_1006] {strides = array<i32>} : memref<2x512x32xf32, #tpu.memory_space<vmem>>, vector<16xf32>,
        %parallel_loop3A_1008 = arith.addf %parallel_loop3A_1007, %get3A_961 : vector<16xf32>
        %parallel_loop3A_1009 = arith.constant 1 : i32
        %parallel_loop3A_1010 = arith.constant 0 : i32
        %parallel_loop3A_1011 = arith.constant 0 : i32
        %parallel_loop3A_1012 = tpu.memref_slice %arg11[%parallel_loop3A_1009, %parallel_loop3A_1010, %parallel_loop3A_1011] : memref<2x32x513xf32, #tpu.memory_space<vmem>> -> memref<1x32x513xf32, #tpu.memory_space<vmem>>
        %parallel_loop3A_1013 = tpu.memref_squeeze %parallel_loop3A_1012 : memref<1x32x513xf32, #tpu.memory_space<vmem>> -> memref<32x513xf32, #tpu.memory_space<vmem>>
        tpu.vector_store_idx %parallel_loop3A_1013[%add3A_5, %parallel_loop3A_991], %parallel_loop3A_1008 : memref<32x513xf32, #tpu.memory_space<vmem>>[vector<16xi32>, vector<16xi32>], vector<16xf32>,
      } {sc.loop_unroll_factor = 16 : i64, sc.parallel_access}
      %lt3A_965 = arith.constant 12 : i32
      %lt3A_966 = arith.cmpi slt, %scan3A_870, %lt3A_965 : i32
      %convert_element_type3A_967 = arith.extui %lt3A_966 : i1 to i32
      %cond3A_968 = arith.constant 0 : i32
      %cond3A_969 = arith.cmpi ne, %convert_element_type3A_967, %cond3A_968 : i32
      scf.if %cond3A_969 {
        %add3A_990 = arith.constant 2 : i32
        %add3A_991 = arith.addi %add3A_931, %add3A_990 : i32
        %mul3A_992 = arith.constant 16384 : i32
        %mul3A_993 = arith.muli %add3A_991, %mul3A_992 : i32
        %add3A_994 = arith.addi %mul3A_993, %mul3A_2 : i32
        %run_scoped3A_995 = arith.constant 1 : i32
        "tpu.region"() ({
          %run_scoped3A_1017 = tpu.sem_alloc : memref<!tpu.dma_semaphore, #tpu.memory_space<semaphore_mem>>
          %dma_start3A_1018 = arith.constant 0 : i32
          %dma_start3A_1019 = tpu.memref_slice %arg9[%run_scoped3A_995, %dma_start3A_1018] : memref<2x512xi32, #tpu.memory_space<vmem>> -> memref<1x512xi32, #tpu.memory_space<vmem>>
          %dma_start3A_1020 = tpu.memref_squeeze %dma_start3A_1019 : memref<1x512xi32, #tpu.memory_space<vmem>> -> memref<512xi32, #tpu.memory_space<vmem>>
          %dma_start3A_1021 = tpu.memref_slice %arg3[%add3A_994] : memref<425984xi32, #tpu.memory_space<hbm>> -> memref<512xi32, #tpu.memory_space<hbm>>
          %dma_start3A_1022 = arith.constant 0 : i32
          %dma_start3A_1023 = tpu.memref_slice %arg9[%run_scoped3A_995, %dma_start3A_1022] : memref<2x512xi32, #tpu.memory_space<vmem>> -> memref<1x512xi32, #tpu.memory_space<vmem>>
          %dma_start3A_1024 = tpu.memref_squeeze %dma_start3A_1023 : memref<1x512xi32, #tpu.memory_space<vmem>> -> memref<512xi32, #tpu.memory_space<vmem>>
          %dma_start3A_1025 = tpu.memref_slice %arg3[%add3A_994] : memref<425984xi32, #tpu.memory_space<hbm>> -> memref<512xi32, #tpu.memory_space<hbm>>
          tpu.enqueue_dma source(%dma_start3A_1025 : memref<512xi32, #tpu.memory_space<hbm>>) target(%dma_start3A_1024 : memref<512xi32, #tpu.memory_space<vmem>>) target_semaphore(%run_scoped3A_1017 : memref<!tpu.dma_semaphore, #tpu.memory_space<semaphore_mem>>)
          %dma_wait3A_1026 = arith.constant 0 : i32
          %dma_wait3A_1027 = tpu.memref_slice %arg9[%run_scoped3A_995, %dma_wait3A_1026] : memref<2x512xi32, #tpu.memory_space<vmem>> -> memref<1x512xi32, #tpu.memory_space<vmem>>
          %dma_wait3A_1028 = tpu.memref_squeeze %dma_wait3A_1027 : memref<1x512xi32, #tpu.memory_space<vmem>> -> memref<512xi32, #tpu.memory_space<vmem>>
          %dma_wait3A_1029 = tpu.memref_slice %arg3[%add3A_994] : memref<425984xi32, #tpu.memory_space<hbm>> -> memref<512xi32, #tpu.memory_space<hbm>>
          %dma_wait3A_1030 = arith.constant 0 : i32
          %dma_wait3A_1031 = tpu.memref_slice %arg9[%run_scoped3A_995, %dma_wait3A_1030] : memref<2x512xi32, #tpu.memory_space<vmem>> -> memref<1x512xi32, #tpu.memory_space<vmem>>
          %dma_wait3A_1032 = tpu.memref_squeeze %dma_wait3A_1031 : memref<1x512xi32, #tpu.memory_space<vmem>> -> memref<512xi32, #tpu.memory_space<vmem>>
          %dma_wait3A_1033 = tpu.memref_slice %arg3[%add3A_994] : memref<425984xi32, #tpu.memory_space<hbm>> -> memref<512xi32, #tpu.memory_space<hbm>>
          tpu.wait_dma2 semaphore(%run_scoped3A_1017 : memref<!tpu.dma_semaphore, #tpu.memory_space<semaphore_mem>>) src(%dma_wait3A_1033 : memref<512xi32, #tpu.memory_space<hbm>>) dst(%dma_wait3A_1032 : memref<512xi32, #tpu.memory_space<vmem>>)
          tpu.yield
        }) : () -> ()
        %mul3A_996 = arith.constant 100000 : i32
        %mul3A_997 = arith.muli %add3A_991, %mul3A_996 : i32
        %broadcast_in_dim3A_998 = vector.broadcast %mul3A_997 : i32 to vector<16xi32>
        %parallel_loop3A_999 = arith.constant 0 : i32
        %parallel_loop3A_1000 = arith.constant 32 : i32
        %parallel_loop3A_1001 = arith.constant 1 : i32
        scf.for %parallel_loop3A_1017 = %parallel_loop3A_999 to %parallel_loop3A_1000 step %parallel_loop3A_1001  : i32 {
          %parallel_loop3A_1018 = arith.constant 16 : i32
          %parallel_loop3A_1019 = arith.muli %parallel_loop3A_1017, %parallel_loop3A_1018 : i32
          %parallel_loop3A_1020 = arith.constant 1 : i32
          %parallel_loop3A_1021 = arith.index_cast %parallel_loop3A_1020 : i32 to index
          %parallel_loop3A_1022 = arith.index_cast %parallel_loop3A_1019 : i32 to index
          %parallel_loop3A_1023 = tpu.vector_load %arg9[%parallel_loop3A_1021, %parallel_loop3A_1022] {strides = array<i32>} : memref<2x512xi32, #tpu.memory_space<vmem>>, vector<16xi32>,
          %parallel_loop3A_1024 = arith.addi %parallel_loop3A_1023, %broadcast_in_dim3A_998 : vector<16xi32>
          %parallel_loop3A_1025 = arith.constant 16 : i32
          %parallel_loop3A_1026 = arith.muli %parallel_loop3A_1017, %parallel_loop3A_1025 : i32
          %parallel_loop3A_1027 = arith.constant 1 : i32
          %parallel_loop3A_1028 = arith.index_cast %parallel_loop3A_1027 : i32 to index
          %parallel_loop3A_1029 = arith.index_cast %parallel_loop3A_1026 : i32 to index
          %parallel_loop3A_1030 = tpu.vector_load %arg9[%parallel_loop3A_1028, %parallel_loop3A_1029] {strides = array<i32>} : memref<2x512xi32, #tpu.memory_space<vmem>>, vector<16xi32>,
          tpu.vector_store %arg9[%parallel_loop3A_1028, %parallel_loop3A_1029], %parallel_loop3A_1024 {strides = array<i32>} : memref<2x512xi32, #tpu.memory_space<vmem>>, vector<16xi32>,
        } {sc.loop_unroll_factor = 8 : i64, sc.parallel_access}
        %dma_start3A_1002 = arith.constant 1 : i32
        %dma_start3A_1003 = arith.constant 1 : i32
        %dma_start3A_1004 = arith.constant 1 : i32
        %dma_start3A_1005 = arith.constant 0 : i32
        %dma_start3A_1006 = arith.constant 0 : i32
        %dma_start3A_1007 = tpu.memref_slice %arg10[%dma_start3A_1003, %dma_start3A_1005, %dma_start3A_1006] : memref<2x512x32xf32, #tpu.memory_space<vmem>> -> memref<1x512x32xf32, #tpu.memory_space<vmem>>
        %dma_start3A_1008 = tpu.memref_squeeze %dma_start3A_1007 : memref<1x512x32xf32, #tpu.memory_space<vmem>> -> memref<512x32xf32, #tpu.memory_space<vmem>>
        %dma_start3A_1009 = arith.constant 0 : i32
        %dma_start3A_1010 = tpu.memref_slice %arg9[%dma_start3A_1002, %dma_start3A_1009] : memref<2x512xi32, #tpu.memory_space<vmem>> -> memref<1x512xi32, #tpu.memory_space<vmem>>
        %dma_start3A_1011 = tpu.memref_squeeze %dma_start3A_1010 : memref<1x512xi32, #tpu.memory_space<vmem>> -> memref<512xi32, #tpu.memory_space<vmem>>
        %dma_start3A_1012 = arith.constant 0 : i32
        %dma_start3A_1013 = arith.constant 0 : i32
        %dma_start3A_1014 = tpu.memref_slice %arg6[%dma_start3A_1012, %dma_start3A_1013] : memref<2600000x32xf32, #tpu.memory_space<hbm>> -> memref<2600000x32xf32, #tpu.memory_space<hbm>>
        %dma_start3A_1015 = tpu.memref_slice %arg16[%dma_start3A_1004] : memref<2x!tpu.dma_semaphore, #tpu.memory_space<semaphore_mem>> -> memref<1x!tpu.dma_semaphore, #tpu.memory_space<semaphore_mem>>
        %dma_start3A_1016 = tpu.memref_squeeze %dma_start3A_1015 : memref<1x!tpu.dma_semaphore, #tpu.memory_space<semaphore_mem>> -> memref<!tpu.dma_semaphore, #tpu.memory_space<semaphore_mem>>
        tpu.enqueue_indirect_dma source(%dma_start3A_1014 : memref<2600000x32xf32, #tpu.memory_space<hbm>>) target(%dma_start3A_1008 : memref<512x32xf32, #tpu.memory_space<vmem>>) offsets(%dma_start3A_1011 : memref<512xi32, #tpu.memory_space<vmem>>) semaphore(%dma_start3A_1016 : memref<!tpu.dma_semaphore, #tpu.memory_space<semaphore_mem>>)
      } else {
      }
      %add3A_970 = arith.constant 13 : i32
      %add3A_971 = arith.addi %add3A_970, %add3A_931 : i32
      %dma_start3A_972 = arith.constant 1 : i32
      %dma_start3A_973 = arith.constant 1 : i32
      %dma_start3A_974 = arith.constant 0 : i32
      %dma_start3A_975 = arith.constant 0 : i32
      %dma_start3A_976 = tpu.memref_slice %arg11[%dma_start3A_972, %dma_start3A_974, %dma_start3A_975] : memref<2x32x513xf32, #tpu.memory_space<vmem>> -> memref<1x32x512xf32, #tpu.memory_space<vmem>>
      %dma_start3A_977 = tpu.memref_squeeze %dma_start3A_976 : memref<1x32x512xf32, #tpu.memory_space<vmem>> -> memref<32x512xf32, #tpu.memory_space<vmem>>
      %dma_start3A_978 = arith.constant 0 : i32
      %dma_start3A_979 = tpu.memref_slice %arg8[%add3A_971, %dma_start3A_978, %mul3A_2] : memref<39x32x16384xf32, #tpu.memory_space<hbm>> -> memref<1x32x512xf32, #tpu.memory_space<hbm>>
      %dma_start3A_980 = tpu.memref_squeeze %dma_start3A_979 : memref<1x32x512xf32, #tpu.memory_space<hbm>> -> memref<32x512xf32, #tpu.memory_space<hbm>>
      %dma_start3A_981 = tpu.memref_slice %arg17[%dma_start3A_973] : memref<2x!tpu.dma_semaphore, #tpu.memory_space<semaphore_mem>> -> memref<1x!tpu.dma_semaphore, #tpu.memory_space<semaphore_mem>>
      %dma_start3A_982 = tpu.memref_squeeze %dma_start3A_981 : memref<1x!tpu.dma_semaphore, #tpu.memory_space<semaphore_mem>> -> memref<!tpu.dma_semaphore, #tpu.memory_space<semaphore_mem>>
      %dma_start3A_983 = arith.constant 0 : i32
      %dma_start3A_984 = tpu.memref_slice %arg8[%add3A_971, %dma_start3A_983, %mul3A_2] : memref<39x32x16384xf32, #tpu.memory_space<hbm>> -> memref<1x32x512xf32, #tpu.memory_space<hbm>>
      %dma_start3A_985 = tpu.memref_squeeze %dma_start3A_984 : memref<1x32x512xf32, #tpu.memory_space<hbm>> -> memref<32x512xf32, #tpu.memory_space<hbm>>
      %dma_start3A_986 = arith.constant 0 : i32
      %dma_start3A_987 = arith.constant 0 : i32
      %dma_start3A_988 = tpu.memref_slice %arg11[%dma_start3A_972, %dma_start3A_986, %dma_start3A_987] : memref<2x32x513xf32, #tpu.memory_space<vmem>> -> memref<1x32x512xf32, #tpu.memory_space<vmem>>
      %dma_start3A_989 = tpu.memref_squeeze %dma_start3A_988 : memref<1x32x512xf32, #tpu.memory_space<vmem>> -> memref<32x512xf32, #tpu.memory_space<vmem>>
      tpu.enqueue_dma source(%dma_start3A_989 : memref<32x512xf32, #tpu.memory_space<vmem>>) target(%dma_start3A_985 : memref<32x512xf32, #tpu.memory_space<hbm>>) target_semaphore(%dma_start3A_982 : memref<!tpu.dma_semaphore, #tpu.memory_space<semaphore_mem>>)
    }
    %scan3A_831 = arith.constant 13 : i32
    %dma_wait3A_832 = arith.constant 0 : i32
    %dma_wait3A_833 = arith.constant 37 : i32
    %dma_wait3A_834 = arith.constant 0 : i32
    %dma_wait3A_835 = arith.constant 0 : i32
    %dma_wait3A_836 = arith.constant 0 : i32
    %dma_wait3A_837 = tpu.memref_slice %arg11[%dma_wait3A_832, %dma_wait3A_835, %dma_wait3A_836] : memref<2x32x513xf32, #tpu.memory_space<vmem>> -> memref<1x32x512xf32, #tpu.memory_space<vmem>>
    %dma_wait3A_838 = tpu.memref_squeeze %dma_wait3A_837 : memref<1x32x512xf32, #tpu.memory_space<vmem>> -> memref<32x512xf32, #tpu.memory_space<vmem>>
    %dma_wait3A_839 = arith.constant 0 : i32
    %dma_wait3A_840 = tpu.memref_slice %arg8[%dma_wait3A_833, %dma_wait3A_839, %mul3A_2] : memref<39x32x16384xf32, #tpu.memory_space<hbm>> -> memref<1x32x512xf32, #tpu.memory_space<hbm>>
    %dma_wait3A_841 = tpu.memref_squeeze %dma_wait3A_840 : memref<1x32x512xf32, #tpu.memory_space<hbm>> -> memref<32x512xf32, #tpu.memory_space<hbm>>
    %dma_wait3A_842 = tpu.memref_slice %arg17[%dma_wait3A_834] : memref<2x!tpu.dma_semaphore, #tpu.memory_space<semaphore_mem>> -> memref<1x!tpu.dma_semaphore, #tpu.memory_space<semaphore_mem>>
    %dma_wait3A_843 = tpu.memref_squeeze %dma_wait3A_842 : memref<1x!tpu.dma_semaphore, #tpu.memory_space<semaphore_mem>> -> memref<!tpu.dma_semaphore, #tpu.memory_space<semaphore_mem>>
    %dma_wait3A_844 = arith.constant 0 : i32
    %dma_wait3A_845 = tpu.memref_slice %arg8[%dma_wait3A_833, %dma_wait3A_844, %mul3A_2] : memref<39x32x16384xf32, #tpu.memory_space<hbm>> -> memref<1x32x512xf32, #tpu.memory_space<hbm>>
    %dma_wait3A_846 = tpu.memref_squeeze %dma_wait3A_845 : memref<1x32x512xf32, #tpu.memory_space<hbm>> -> memref<32x512xf32, #tpu.memory_space<hbm>>
    %dma_wait3A_847 = arith.constant 0 : i32
    %dma_wait3A_848 = arith.constant 0 : i32
    %dma_wait3A_849 = tpu.memref_slice %arg11[%dma_wait3A_832, %dma_wait3A_847, %dma_wait3A_848] : memref<2x32x513xf32, #tpu.memory_space<vmem>> -> memref<1x32x512xf32, #tpu.memory_space<vmem>>
    %dma_wait3A_850 = tpu.memref_squeeze %dma_wait3A_849 : memref<1x32x512xf32, #tpu.memory_space<vmem>> -> memref<32x512xf32, #tpu.memory_space<vmem>>
    tpu.wait_dma2 semaphore(%dma_wait3A_843 : memref<!tpu.dma_semaphore, #tpu.memory_space<semaphore_mem>>) src(%dma_wait3A_850 : memref<32x512xf32, #tpu.memory_space<vmem>>) dst(%dma_wait3A_846 : memref<32x512xf32, #tpu.memory_space<hbm>>)
    %dma_wait3A_851 = arith.constant 1 : i32
    %dma_wait3A_852 = arith.constant 38 : i32
    %dma_wait3A_853 = arith.constant 1 : i32
    %dma_wait3A_854 = arith.constant 0 : i32
    %dma_wait3A_855 = arith.constant 0 : i32
    %dma_wait3A_856 = tpu.memref_slice %arg11[%dma_wait3A_851, %dma_wait3A_854, %dma_wait3A_855] : memref<2x32x513xf32, #tpu.memory_space<vmem>> -> memref<1x32x512xf32, #tpu.memory_space<vmem>>
    %dma_wait3A_857 = tpu.memref_squeeze %dma_wait3A_856 : memref<1x32x512xf32, #tpu.memory_space<vmem>> -> memref<32x512xf32, #tpu.memory_space<vmem>>
    %dma_wait3A_858 = arith.constant 0 : i32
    %dma_wait3A_859 = tpu.memref_slice %arg8[%dma_wait3A_852, %dma_wait3A_858, %mul3A_2] : memref<39x32x16384xf32, #tpu.memory_space<hbm>> -> memref<1x32x512xf32, #tpu.memory_space<hbm>>
    %dma_wait3A_860 = tpu.memref_squeeze %dma_wait3A_859 : memref<1x32x512xf32, #tpu.memory_space<hbm>> -> memref<32x512xf32, #tpu.memory_space<hbm>>
    %dma_wait3A_861 = tpu.memref_slice %arg17[%dma_wait3A_853] : memref<2x!tpu.dma_semaphore, #tpu.memory_space<semaphore_mem>> -> memref<1x!tpu.dma_semaphore, #tpu.memory_space<semaphore_mem>>
    %dma_wait3A_862 = tpu.memref_squeeze %dma_wait3A_861 : memref<1x!tpu.dma_semaphore, #tpu.memory_space<semaphore_mem>> -> memref<!tpu.dma_semaphore, #tpu.memory_space<semaphore_mem>>
    %dma_wait3A_863 = arith.constant 0 : i32
    %dma_wait3A_864 = tpu.memref_slice %arg8[%dma_wait3A_852, %dma_wait3A_863, %mul3A_2] : memref<39x32x16384xf32, #tpu.memory_space<hbm>> -> memref<1x32x512xf32, #tpu.memory_space<hbm>>
    %dma_wait3A_865 = tpu.memref_squeeze %dma_wait3A_864 : memref<1x32x512xf32, #tpu.memory_space<hbm>> -> memref<32x512xf32, #tpu.memory_space<hbm>>
    %dma_wait3A_866 = arith.constant 0 : i32
    %dma_wait3A_867 = arith.constant 0 : i32
    %dma_wait3A_868 = tpu.memref_slice %arg11[%dma_wait3A_851, %dma_wait3A_866, %dma_wait3A_867] : memref<2x32x513xf32, #tpu.memory_space<vmem>> -> memref<1x32x512xf32, #tpu.memory_space<vmem>>
    %dma_wait3A_869 = tpu.memref_squeeze %dma_wait3A_868 : memref<1x32x512xf32, #tpu.memory_space<vmem>> -> memref<32x512xf32, #tpu.memory_space<vmem>>
    tpu.wait_dma2 semaphore(%dma_wait3A_862 : memref<!tpu.dma_semaphore, #tpu.memory_space<semaphore_mem>>) src(%dma_wait3A_869 : memref<32x512xf32, #tpu.memory_space<vmem>>) dst(%dma_wait3A_865 : memref<32x512xf32, #tpu.memory_space<hbm>>)
    return
  }
}

</mosaic_0001>

<sc_bundles>
// kernel: kernel.3.cloned.1.call-start
scs
__scs_entry_jumppad:
0x0: {  	(pc) =	sbr.rel $0x88, $3  }
0x1: {  	(tag) =	ssettag $0x0;
	lr =	simm.s32 $0x1  }
0x2: {  	[smem:$0x3F9B] =	sst lr;
	_ =	strace $0xD0000000  }
0x3: {  	_ = 	snop  }
0x4: {  	_ = 	snop  }
0x5: {  	_ = 	snop  }
0x6: {  	_ = 	snop  }
0x7: {  	_ = 	snop  }
__scs_overlays_trampoline_lowered:
0x8: {  	[smem:$0x3FAA] =	sst s0  }
0x9: {  	[smem:$0x3FAB] =	sst s1  }
0xa: {  	[smem:$0x3FAC] =	sst s2  }
0xb: {  	[smem:$0x3FAD] =	sst s3  }
0xc: {  	[smem:$0x3FAE] =	sst s4  }
0xd: {  	[smem:$0x3FAF] =	sst s5  }
0xe: {  	[smem:$0x3FB0] =	sst s6  }
0xf: {  	[smem:$0x3FB1] =	sst s7  }
0x10: {  	[smem:$0x3FB2] =	sst s8  }
0x11: {  	[smem:$0x3FB3] =	sst s9;
	s0 =	simm.s32 @!p0 $0x0  }
0x12: {  	s1 =	sld [smem:$0x3F99];
	s0 =	simm.s32 @p0 $0x1  }
0x13: {  	[smem:$0x3FB4] =	sst s0;
	s0 =	simm.s32 @!p1 $0x0  }
0x14: {  	s2 =	sld [smem:$0x3F98];
	s0 =	simm.s32 @p1 $0x1  }
0x15: {  	[smem:$0x3FB5] =	sst s0;
	s0 =	simm.s32 @!p2 $0x0  }
0x16: {  	s3 =	sld [smem:$0x3FDB];
	s0 =	simm.s32 @p2 $0x1  }
0x17: {  	s4 =	simm.s32 $0x1BF5;
	[smem:$0x3FB7] =	sst s0  }
0x18: {  	s0 =	sld [smem:$0x3F9A];
	_ =	swait.ge [sflag:s4], $0x0  }
0x19: {  	s7 =	sld [smem:$0x3F9B]  }
0x1a: {  	s8 =	sadd.s32 $0xFFFFE003, lr  }
0x1b: {  	s9 =	sadd.s32 $0xFFFFFEF7, lr;
	s5 =	simm.s32 $0xFFFFFFFF;
	p2 =	slt.u32 s8, $0xFFFFF086  }
0x1c: {  	p1 =	slt.u32 s9, $0xF7A;
	s5 =	simm.s32 @!p2 $0x0  }
0x1d: {  	s5 =	simm.s32 @p1 $0x1;
	p0 =	seq.s32 s7, s2  }
0x1e: {  	s7 =	smul.u32 @!p0 $0xF7A, s2;
	p2 =	seq.s32 @!p0 s5, $0x0  }
0x1f: {  	s9 =	smul.u32 $0xF7A, s1;
	s8 =	simm.s32 @!p0 $0x1BF5;
	p2 =	por !p2, p0  }
0x20: {  	[sflag:s8] =	ssyncset.s32 @!p0 $0xFFFFF086;
	s6 =	sadd.s32 @!p0 s3, s7;
	s7 =	simm.s32 @!p0 $0x108  }
0x21: {  	s3 =	sadd.s32 s3, s9;
	s6 =	sadd.s32 @!p0 $0x88, s6;
	s7 =	simm.s32 @p2 $0x1082  }
0x22: {  	[simem:s7], [sflag:s8] =	dma.local @!p0 [hbm:s6], $0xF7A  }
0x23: {  	s9 =	sor.u32 $0xD0000000, s2;
	s6 =	simm.s32 $0x108;
	_ =	swait.ge @!p0 [sflag:s8], $0x0  }
0x24: {  	s3 =	sadd.s32 $0x88, s3;
	s6 =	simm.s32 @!p1 $0x1082;
	[sflag:s4] =	ssyncset.s32 $0xFFFFF086  }
0x25: {  	[simem:s6], [sflag:s4] =	dma.local [hbm:s3], $0xF7A  }
0x26: {  	[smem:$0x3F9B] =	sst s1;
	(tag) =	ssettag s2;
	_ =	strace s9  }
0x27: {  	s1 =	sld [smem:$0x3FAB]  }
0x28: {  	s2 =	sld [smem:$0x3FAC]  }
0x29: {  	s4 =	sld [smem:$0x3FAE]  }
0x2a: {  	p0 =	seq.s32 s5, $0x0;
	s5 =	sld [smem:$0x3FAF]  }
0x2b: {  	s6 =	sld [smem:$0x3FB0]  }
0x2c: {  	s7 =	sld [smem:$0x3FB1]  }
0x2d: {  	s3 =	simm.s32 $0x108;
	s8 =	sld [smem:$0x3FB2]  }
0x2e: {  	s3 =	simm.s32 @!p0 $0x1082;
	s9 =	sld [smem:$0x3FB3]  }
0x2f: {  	lr =	sadd.s32 s0, s3;
	s0 =	sld [smem:$0x3FAA]  }
0x30: {  	s3 =	sld [smem:$0x3FAD]  }
0x31: {  	[smem:$0x3FB6] =	sst s10  }
0x32: {  	s10 =	sld [smem:$0x3FB4];
	_ =	sdelay $0x3  }
0x33: {  	p0 =	seq.s32 s10, $0x1;
	s10 =	sld [smem:$0x3FB6];
	_ =	sdelay $0x3  }
0x34: {  	[smem:$0x3FB6] =	sst s10  }
0x35: {  	s10 =	sld [smem:$0x3FB5];
	_ =	sdelay $0x3  }
0x36: {  	p1 =	seq.s32 s10, $0x1;
	s10 =	sld [smem:$0x3FB6];
	_ =	sdelay $0x3  }
0x37: {  	[smem:$0x3FB6] =	sst s10  }
0x38: {  	s10 =	sld [smem:$0x3FB7]  }
0x39: {  	_ = 	snop;
	(pc) =	sbr.ind lr, $3  }
0x3a: {  	_ = 	snop  }
0x3b: {  	_ = 	snop  }
0x3c: {  	p2 =	seq.s32 s10, $0x1;
	s10 =	sld [smem:$0x3FB6]  }
0x3d: {  	_ =	shalt  }
0x3e: {  	_ =	shalt  }
0x3f: {  	_ =	shalt  }
0x40: {  	_ =	shalt  }
0x41: {  	_ =	shalt  }
0x42: {  	_ =	shalt  }
0x43: {  	_ =	shalt  }
0x44: {  	_ =	shalt  }
0x45: {  	_ =	shalt  }
0x46: {  	_ =	shalt  }
0x47: {  	_ =	shalt  }
0x48: {  	_ =	shalt  }
0x49: {  	_ =	shalt  }
0x4a: {  	_ =	shalt  }
0x4b: {  	_ =	shalt  }
0x4c: {  	_ =	shalt  }
0x4d: {  	_ =	shalt  }
0x4e: {  	_ =	shalt  }
0x4f: {  	_ =	shalt  }
0x50: {  	_ =	shalt  }
0x51: {  	_ =	shalt  }
0x52: {  	_ =	shalt  }
0x53: {  	_ =	shalt  }
0x54: {  	_ =	shalt  }
0x55: {  	_ =	shalt  }
0x56: {  	_ =	shalt  }
0x57: {  	_ =	shalt  }
0x58: {  	_ =	shalt  }
0x59: {  	_ =	shalt  }
0x5a: {  	_ =	shalt  }
0x5b: {  	_ =	shalt  }
0x5c: {  	_ =	shalt  }
0x5d: {  	_ =	shalt  }
0x5e: {  	_ =	shalt  }
0x5f: {  	_ =	shalt  }
0x60: {  	_ =	shalt  }
0x61: {  	_ =	shalt  }
0x62: {  	_ =	shalt  }
0x63: {  	_ =	shalt  }
0x64: {  	_ =	shalt  }
0x65: {  	_ =	shalt  }
0x66: {  	_ =	shalt  }
0x67: {  	_ =	shalt  }
0x68: {  	_ =	shalt  }
0x69: {  	_ =	shalt  }
0x6a: {  	_ =	shalt  }
0x6b: {  	_ =	shalt  }
0x6c: {  	_ =	shalt  }
0x6d: {  	_ =	shalt  }
0x6e: {  	_ =	shalt  }
0x6f: {  	_ =	shalt  }
0x70: {  	_ =	shalt  }
0x71: {  	_ =	shalt  }
0x72: {  	_ =	shalt  }
0x73: {  	_ =	shalt  }
0x74: {  	_ =	shalt  }
0x75: {  	_ =	shalt  }
0x76: {  	_ =	shalt  }
0x77: {  	_ =	shalt  }
0x78: {  	_ =	shalt  }
0x79: {  	_ =	shalt  }
0x7a: {  	_ =	shalt  }
0x7b: {  	_ =	shalt  }
0x7c: {  	_ =	shalt  }
0x7d: {  	_ =	shalt  }
0x7e: {  	_ =	shalt  }
0x7f: {  	_ =	shalt  }
0x80: {  	_ =	shalt  }
0x81: {  	_ =	shalt  }
0x82: {  	_ =	shalt  }
0x83: {  	_ =	shalt  }
0x84: {  	_ =	shalt  }
0x85: {  	_ =	shalt  }
0x86: {  	_ =	shalt  }
0x87: {  	_ =	shalt  }
.Lfunc_end0:
.L_simem_size_0:
called_computation_lowered:
.L_overlay_start_0:
0x88: {  	s2 =	sld [smem:$0x3FD9]  }
0x89: {  	s3 =	sld [smem:$0x3FFE];
	_ =	sdelay $0x1  }
0x8a: {  	s1 =	srdreg.scid  }
0x8b: {  	s0 =	sand.u32 $0x1, s1  }
0x8c: {  	s17 =	sshll.u32 s0, $0xA;
	s2 =	sadd.s32 s3, s2  }
0x8d: {  	s2 =	sadd.s32 s2, s17  }
0x8e: {  	[smem:$0x3FC2] =	sst s2  }
0x8f: {  	_ = 	snop  }
0x90: {  	s2 =	sld [smem:$0x3FD0];
	(tm) =	ssettm $0x1  }
0x91: {  	s18 =	sld [smem:$0x3FFB];
	_ =	sdelay $0x3  }
0x92: {  	_ =	strace s18  }
0x93: {  	s3 =	sld [smem:$0x3FFC];
	_ =	sdelay $0x3  }
0x94: {  	_ =	strace s3  }
0x95: {  	s3 =	sld [smem:$0x3FFD];
	_ =	sdelay $0x3  }
0x96: {  	_ =	strace s3  }
0x97: {  	_ =	strace $0x8FFFFFFF  }
0x98: {  	s19 =	sld [smem:$0x3FDB];
	_ =	sdelay $0x1  }
0x99: {  	s4 =	simm.s32 $_scs_section_size  }
0x9a: {  	s5 =	simm.s32 $_size__tile_overlayer_lowered;
	s6 =	simm.s32 $_tile_overlayer_lowered  }
0x9b: {  	s22 =	simm.s32 $0x1BFF;
	s21 =	sshll.u32 s6, $0x1;
	s3 =	sadd.s32 s4, s19  }
0x9c: {  	s7 =	simm.s32 $0x0;
	s20 =	sshll.u32 s5, $0x1;
	s5 =	sadd.s32 s21, s3  }
0x9d: {  	[timem:s7], [sflag:s22] =	dma.local [hbm:s5], s20  }
0x9e: {  	_ =	swait.ge [sflag:s22], s20  }
0x9f: {  	s4 =	ssub.s32 $0x0, s20;
	[sflag:s22] =	ssyncset.done $0x0  }
0xa0: {  	[sflag:s22] =	ssyncadd.s32 s4;
	_ =	sdelay $0x1  }
0xa1: {  	s23 =	simm.s32 $0x1B8B  }
0xa2: {  	_ =	swait.ge [sflag:s23], $0x1  }
0xa3: {  	[sflag:s23] =	ssyncset.done $0x0  }
0xa4: {  	s25 =	simm.s32 $0x1B8E;
	s24 =	sld [smem:$0x3FFE];
	[sflag:s23] =	ssyncadd.s32 $0xFFFFFFFF  }
0xa5: {  	s26 =	simm.s32 $execute0_lowered;
	[smem:$0x3FD2] =	sst s25  }
0xa6: {  	s5 =	sshll.u32 s26, $0x1;
	_ =	strace $0x80000046;
	[dreg:$0x1] =	wrdreg $0xFFFFFFFF  }
0xa7: {  	s28 =	simm.s32 $_size_execute0_lowered;
	s3 =	sadd.s32 s3, s5;
	[dreg:$0x0] =	wrdreg $0x0  }
0xa8: {  	s5 =	sshll.u32 s28, $0x1;
	[dreg:$0x2] =	wrdreg s3  }
0xa9: {  	[dreg:$0x3] =	wrdreg s5  }
0xaa: {  	[dreg:$0x4] =	wrdreg $0xC0  }
0xab: {  	_ =	task [dreg:s7], $0x5FFFF  }
0xac: {  	[dreg:$0x1] =	wrdreg $0xFFFFFFFF  }
0xad: {  	[dreg:$0x0] =	wrdreg $0x60  }
0xae: {  	[dreg:$0x2] =	wrdreg s24  }
0xaf: {  	[dreg:$0x3] =	wrdreg s2  }
0xb0: {  	[dreg:$0x4] =	wrdreg $0x9  }
0xb1: {  	_ =	task.clear_ibuf [dreg:s7], $0x5FFFF;
	_ =	strace $0x90000046  }
0xb2: {  	s29 =	simm.s32 $0x9;
	_ =	strace $0x80000048  }
0xb3: {  	_ =	swait.ge [sflag:s29], $0x1  }
0xb4: {  	[sflag:s29] =	ssyncadd.s32 $0xFFFFFFFF  }
0xb5: {  	_ =	strace $0x90000048  }
0xb6: {  	_ =	sfence  }
0xb7: {  	s30 =	sld [smem:$0x0];
	_ =	sdelay $0x2  }
0xb8: {  	s31 =	sshll.u32 s1, $0xD;
	s1 =	sshrl.u32 s1, $0x2  }
0xb9: {  	s3 =	sand.u32 $0x4000, s31;
	s1 =	sadd.s32 s1, s30  }
0xba: {  	s0 =	sor.u32 s3, s0;
	s1 =	sshll.u32 s1, $0x11  }
0xbb: {  	s0 =	sor.u32 s1, s0  }
0xbc: {  	s0 =	sadd.s32 $0x8F2B, s0  }
0xbd: {  	[sflag:s0] =	ssyncadd.remote.s32 $0x1  }
0xbe: {  	_ =	sfence.sel $0xFFFF  }
0xbf: {  	[dreg:$0x0] =	wrdreg $0xFFFFFFFF;
	(pc) =	sbr.abs _section_cstart, $3  }
0xc0: {  	[dreg:$0x1] =	wrdreg $0xFFFFFFFF  }
0xc1: {  	_ =	task.clear_ibuf [dreg:s7], $0x2FFFF;
	_ =	strace $0x9FFFFFFF  }
0xc2: {  	(tm) =	ssettm $0x7FFFFFFF  }
0xc3: {  	_ =	shalt  }
tec
execute0_lowered:
.L_overlay_start_1:
0x0: {  	(tag) =	ssettag $0x1  }
0x1: {  	s0 =	rddreg [dreg:$0x0]  }
0x2: {  	s7 =	rddreg [dreg:$0x1];
	s2 =	simm.s32 $0x0;
	s24 =	srdreg.scid  }
0x3: {  	s5 =	stileid.u32;
	[smem:$0x7FF] =	sst s2;
	s1 =	sadd.s32 $0xE00, s0  }
0x4: {  	s3 =	sadd.s32 $0x7A00, s0;
	s23 =	sadd.s32 $0x7600, s0;
	s4 =	sadd.s32 $0x27AD200, s0  }
0x5: {  	s5 =	sshll.u32 s5, $0xA;
	_ =	strace $0x80000047;
	[dreg:$0x3] =	wrdreg s3  }
0x6: {  	s6 =	sadd.s32 $0x7E00, s0;
	[dreg:$0x4] =	wrdreg s23;
	s3 =	sand.u32 $0x1, s24  }
0x7: {  	[dreg:$0x5] =	wrdreg s4;
	s25 =	ssub.s32 $0x2, s3;
	s3 =	sshll.u32 s3, $0x9  }
0x8: {  	[dreg:$0x6] =	wrdreg s6;
	s26 =	sshrl.u32 s25, $0x1;
	s8 =	sor.u32 s3, s5  }
0x9: {  	s5 =	ssub.s32 s25, s26;
	s25 =	sor.u32 $0x680000, s8;
	[dreg:$0x7] =	wrdreg s8  }
0xa: {  	v0 =	vlaneseq.u32;
	s3 =	sshrl.u32 s8, $0x3;
	s26 =	sor.u32 $0x700000, s8;
	[dreg:$0x18] =	wrdreg s25  }
0xb: {  	s9 =	sadd.s32 $0x8000, s0;
	v15 =	vmul.u32 $0x208, v0;
	s6 =	sadd.s32 s7, s3;
	[dreg:$0x19] =	wrdreg s26  }
0xc: {  	s10 =	sor.u32 $0x800, s3;
	s0 =	smax.u32 s5, $0x1;
	[dreg:$0x8] =	wrdreg s6  }
0xd: {  	v0 =	vadd.s32 $0x2080, v15;
	v4 =	vor.u32 $0x1, v15;
	v5 =	vadd.s32 $0x2081, v15;
	[tilespmem:$0x1FF00] =	vst v15;
	s11 =	sadd.s32 s1, s3;
	s24 =	sadd.s32 s9, s3;
	[dreg:$0x16] =	wrdreg s0  }
0xe: {  	v2 =	vor.u32 $0x2, v15;
	v3 =	vadd.s32 $0x2082, v15;
	v6 =	vor.u32 $0x3, v15;
	[tilespmem:$0x1FF10] =	vst v0;
	s25 =	simm.s32 $0x8400;
	s12 =	sadd.s32 s7, s10;
	[dreg:$0x9] =	wrdreg s11  }
0xf: {  	v7 =	vadd.s32 $0x2083, v15;
	v8 =	vor.u32 $0x4, v15;
	v9 =	vadd.s32 $0x2084, v15;
	[tilespmem:$0x1FF20] =	vst v2;
	s1 =	sadd.s32 s1, s10;
	s13 =	sadd.s32 $0x1000, s11;
	[dreg:$0xa] =	wrdreg s12  }
0x10: {  	v11 =	vor.u32 $0x5, v15;
	v12 =	vadd.s32 $0x2085, v15;
	v10 =	vor.u32 $0x7, v15;
	[tilespmem:$0x1FF30] =	vst v3;
	s14 =	sadd.s32 $0x1800, s11;
	s15 =	sadd.s32 $0x2000, s11;
	[dreg:$0xb] =	wrdreg s1  }
0x11: {  	v13 =	vor.u32 $0x6, v15;
	v14 =	vadd.s32 $0x2086, v15;
	v15 =	vadd.s32 $0x2087, v15;
	[tilespmem:$0x1FF40] =	vst v10;
	s16 =	sadd.s32 $0x2800, s11;
	s17 =	sadd.s32 $0x3000, s11;
	[dreg:$0xc] =	wrdreg s13  }
0x12: {  	[tilespmem:$0x1FF50] =	vst v15;
	s18 =	sadd.s32 $0x3800, s11;
	s19 =	sadd.s32 $0x4000, s11;
	[dreg:$0xd] =	wrdreg s14  }
0x13: {  	[tilespmem:$0x1FF60] =	vst v14;
	s20 =	sadd.s32 $0x4800, s11;
	s21 =	sadd.s32 $0x5000, s11;
	[dreg:$0xe] =	wrdreg s15  }
0x14: {  	[tilespmem:$0x1FF70] =	vst v11;
	s22 =	sadd.s32 $0x5800, s11;
	s23 =	sadd.s32 $0x6000, s11;
	[dreg:$0xf] =	wrdreg s16  }
0x15: {  	[tilespmem:$0x1FF80] =	vst v12;
	s28 =	sadd.s32 $0x10000, s24;
	s29 =	sadd.s32 $0x20000, s24;
	[dreg:$0x10] =	wrdreg s17  }
0x16: {  	[tilespmem:$0x1FF90] =	vst v13;
	s30 =	sadd.s32 $0x30000, s24;
	s31 =	sadd.s32 $0x40000, s24;
	[dreg:$0x11] =	wrdreg s18  }
0x17: {  	[tilespmem:$0x1FFA0] =	vst v8;
	s0 =	sadd.s32 $0x50000, s24;
	s3 =	sadd.s32 $0x60000, s24;
	[dreg:$0x12] =	wrdreg s19  }
0x18: {  	[tilespmem:$0x1FFB0] =	vst v7;
	s4 =	sadd.s32 $0x70000, s24;
	s5 =	sadd.s32 $0x80000, s24;
	[dreg:$0x13] =	wrdreg s20  }
0x19: {  	[tilespmem:$0x1FFC0] =	vst v6;
	s7 =	sadd.s32 $0x90000, s24;
	s10 =	sadd.s32 $0xA0000, s24;
	[dreg:$0x14] =	wrdreg s21  }
0x1a: {  	[tilespmem:$0x1FFD0] =	vst v4;
	s11 =	simm.s32 $0xC500;
	s6 =	simm.s32 $0x0;
	[dreg:$0x15] =	wrdreg s22  }
0x1b: {  	v1 =	vimm.s32 $0x0;
	vm0 =	vcmask $0x300;
	[tilespmem:$0x1FFE0] =	vst v9;
	[dreg:$0x17] =	wrdreg s23;
	s12 =	sadd.s32 $0xB0000, s24;
	s13 =	sadd.s32 $0xC0000, s24  }
0x1c: {  	v1 =	vsel vm0, $0x3, v1;
	[tilespmem:$0x1FFF0] =	vst v5;
	s16 =	simm.s32 $0x5;
	s19 =	simm.s32 $0x3;
	s20 =	simm.s32 $0x4  }
.LBB2_1:
0x1d: {  	[dreg:$0x1a] =	wrdreg s6  }
0x1e: {  	s1 =	rddreg [dreg:$0x3];
	s14 =	simm.s32 $0x12000;
	s6 =	simm.s32 $0x6  }
0x1f: {  	[tilespmem:s14], [sflag:$0x6] =	stream.linear.gather [hbm4b:s1+s2], $0x1A00, $0x38;
	[tilespmem:$0x15740] =	vst v63  }
0x20: {  	_ =	swait.ge [sflag:s6], $0x1A00  }
0x21: {  	[sflag:s6] =	ssyncset.done $0x0  }
0x22: {  	s8 =	simm.s32 $0x13A00;
	s15 =	rddreg [dreg:$0x4];
	[sflag:s6] =	ssyncadd.s32 $0xFFFFE600  }
0x23: {  	[tilespmem:s8], [sflag:$0x6] =	stream.linear.gather [hbm4b:s15+s2], $0x1A00, $0x38;
	[tilespmem:$0x15740] =	vst v63  }
0x24: {  	_ =	swait.ge [sflag:s6], $0x1A00  }
0x25: {  	[sflag:s6] =	ssyncset.done $0x0  }
0x26: {  	s18 =	simm.s32 $0x15400;
	s17 =	rddreg [dreg:$0x6];
	[sflag:s6] =	ssyncadd.s32 $0xFFFFE600  }
0x27: {  	[tilespmem:s18], [sflag:$0x6] =	stream.linear.gather [hbm4b:s17+s2], $0x340, $0x38;
	[tilespmem:$0x15740] =	vst v63  }
0x28: {  	_ =	swait.ge [sflag:s6], $0x340  }
0x29: {  	[sflag:s6] =	ssyncset.done $0x0  }
0x2a: {  	s21 =	rddreg [dreg:$0x8];
	[sflag:s6] =	ssyncadd.s32 $0xFFFFFCC0  }
0x2b: {  	[tilespmem:s2], [sflag:$0x6] =	stream.linear.gather [hbm4b:s21+s2], $0x200, $0x38;
	[tilespmem:$0x15740] =	vst v63  }
0x2c: {  	_ =	swait.ge [sflag:s6], $0x200  }
0x2d: {  	s23 =	simm.s32 $0x200;
	[sflag:s6] =	ssyncset.done $0x0  }
0x2e: {  	s14 =	simm.s32 $0x400;
	s22 =	rddreg [dreg:$0x5];
	[sflag:s6] =	ssyncadd.s32 $0xFFFFFE00  }
0x2f: {  	[tilespmem:s14], [sflag:$0x1] =	stream.indirect.gather [hbm4b:s22+s23], $0x20, s2, s23, $0xb8;
	[tilespmem:$0x15740] =	vst v63  }
0x30: {  	s26 =	rddreg [dreg:$0xa]  }
0x31: {  	[tilespmem:s23], [sflag:$0x6] =	stream.linear.gather [hbm4b:s26+s2], $0x200, $0x38;
	[tilespmem:$0x15740] =	vst v63  }
0x32: {  	_ =	swait.ge [sflag:s6], $0x200  }
0x33: {  	[sflag:s6] =	ssyncset.done $0x0  }
0x34: {  	s1 =	simm.s32 $0x270;
	[sflag:s6] =	ssyncadd.s32 $0xFFFFFE00  }
0x35: {  	v20 =	vld [tilespmem:s1+$0x0]  }
0x36: {  	v21 =	vld [tilespmem:s1+$0xFFFFFFA0]  }
0x37: {  	v22 =	vld [tilespmem:s1+$0xFFFFFFB0]  }
0x38: {  	v19 =	vld [tilespmem:s1+$0xFFFFFFC0]  }
0x39: {  	v18 =	vld [tilespmem:s1+$0xFFFFFFD0]  }
0x3a: {  	v17 =	vld [tilespmem:s1+$0xFFFFFFE0];
	v23 =	vadd.s32 $0x186A0, v20  }
0x3b: {  	v24 =	vadd.s32 $0x186A0, v21;
	v20 =	vld [tilespmem:s1+$0xFFFFFFF0];
	[tilespmem:s1+$0x0] =	vst v23  }
0x3c: {  	s8 =	simm.s32 $0x2F0;
	s6 =	simm.s32 $0x0;
	v21 =	vld [tilespmem:s1+$0xFFFFFF90];
	v22 =	vadd.s32 $0x186A0, v22;
	[tilespmem:s1+$0xFFFFFFA0] =	vst v24  }
.LBB2_2:
0x3d: {  	v23 =	vld [tilespmem:s8+$0x0];
	s6 =	sadd.s32 $0x8, s6;
	[tilespmem:s1+$0xFFFFFFB0] =	vst v22;
	v19 =	vadd.s32 $0x186A0, v19  }
0x3e: {  	v22 =	vld [tilespmem:s8+$0xFFFFFFA0];
	p0 =	slt.u32 s6, $0x18;
	[tilespmem:s1+$0xFFFFFFC0] =	vst v19;
	v18 =	vadd.s32 $0x186A0, v18  }
0x3f: {  	v24 =	vld [tilespmem:s8+$0xFFFFFFB0];
	[tilespmem:s1+$0xFFFFFFD0] =	vst v18;
	v17 =	vadd.s32 $0x186A0, v17  }
.Ltmp0:
0x40: {  	v19 =	vld [tilespmem:s8+$0xFFFFFFC0];
	[tilespmem:s1+$0xFFFFFFE0] =	vst v17;
	v17 =	vadd.s32 $0x186A0, v20;
	(pc) =	sbr.rel @p0 .LBB2_2-.Ltmp0, $4  }
0x41: {  	v18 =	vld [tilespmem:s8+$0xFFFFFFD0];
	v20 =	vadd.s32 $0x186A0, v21;
	[tilespmem:s1+$0xFFFFFFF0] =	vst v17  }
0x42: {  	v17 =	vld [tilespmem:s8+$0xFFFFFFE0];
	v21 =	vadd.s32 $0x186A0, v23;
	[tilespmem:s1+$0xFFFFFF90] =	vst v20;
	s1 =	smov.u32 s8  }
0x43: {  	v22 =	vadd.s32 $0x186A0, v22;
	v20 =	vld [tilespmem:s8+$0xFFFFFFF0];
	[tilespmem:s8+$0x0] =	vst v21  }
0x44: {  	s8 =	sadd.s32 $0x80, s8;
	v21 =	vld [tilespmem:s1+$0xFFFFFF90];
	[tilespmem:s1+$0xFFFFFFA0] =	vst v22;
	v22 =	vadd.s32 $0x186A0, v24  }
0x45: {  	[tilespmem:s1+$0xFFFFFFB0] =	vst v22;
	v19 =	vadd.s32 $0x186A0, v19  }
0x46: {  	[tilespmem:s1+$0xFFFFFFC0] =	vst v19;
	v18 =	vadd.s32 $0x186A0, v18  }
0x47: {  	[tilespmem:s1+$0xFFFFFFD0] =	vst v18;
	v17 =	vadd.s32 $0x186A0, v17  }
0x48: {  	[tilespmem:s1+$0xFFFFFFE0] =	vst v17;
	v17 =	vadd.s32 $0x186A0, v20  }
0x49: {  	v63 =	vadd.s32 $0x186A0, v21;
	[tilespmem:s1+$0xFFFFFFF0] =	vst v17  }
0x4a: {  	[tilespmem:s1+$0xFFFFFF90] =	vst v63  }
0x4b: {  	s6 =	simm.s32 $0x200;
	s8 =	simm.s32 $0x4400;
	s1 =	rddreg [dreg:$0x5]  }
0x4c: {  	[tilespmem:s8], [sflag:$0x2] =	stream.indirect.gather [hbm4b:s1+s6], $0x20, s6, s6, $0xb8;
	[tilespmem:$0x15740] =	vst v63  }
0x4d: {  	s26 =	simm.s32 $0x10600;
	s23 =	rddreg [dreg:$0x9];
	s1 =	simm.s32 $0x0  }
0x4e: {  	[tilespmem:s26], [sflag:$0x5] =	stream.linear.gather [hbm4b:s23+s1], $0x200, $0x38;
	[tilespmem:$0x15740] =	vst v63  }
0x4f: {  	s15 =	simm.s32 $0x10800;
	s14 =	rddreg [dreg:$0xb]  }
0x50: {  	[tilespmem:s15], [sflag:$0x5] =	stream.linear.gather [hbm4b:s14+s1], $0x200, $0x38;
	[tilespmem:$0x15740] =	vst v63  }
0x51: {  	s18 =	simm.s32 $0x10A00;
	s17 =	rddreg [dreg:$0xc]  }
0x52: {  	[tilespmem:s18], [sflag:$0x5] =	stream.linear.gather [hbm4b:s17+s1], $0x200, $0x38;
	[tilespmem:$0x15740] =	vst v63  }
0x53: {  	s22 =	simm.s32 $0x10C00;
	s21 =	rddreg [dreg:$0xd]  }
0x54: {  	[tilespmem:s22], [sflag:$0x5] =	stream.linear.gather [hbm4b:s21+s1], $0x200, $0x38;
	[tilespmem:$0x15740] =	vst v63  }
0x55: {  	s23 =	rddreg [dreg:$0xe];
	s26 =	simm.s32 $0x10E00  }
0x56: {  	[tilespmem:s26], [sflag:$0x5] =	stream.linear.gather [hbm4b:s23+s1], $0x200, $0x38;
	[tilespmem:$0x15740] =	vst v63  }
0x57: {  	s14 =	rddreg [dreg:$0xf];
	s15 =	simm.s32 $0x11000  }
0x58: {  	[tilespmem:s15], [sflag:$0x5] =	stream.linear.gather [hbm4b:s14+s1], $0x200, $0x38;
	[tilespmem:$0x15740] =	vst v63  }
0x59: {  	s17 =	rddreg [dreg:$0x10];
	s18 =	simm.s32 $0x11200  }
0x5a: {  	[tilespmem:s18], [sflag:$0x5] =	stream.linear.gather [hbm4b:s17+s1], $0x200, $0x38;
	[tilespmem:$0x15740] =	vst v63  }
0x5b: {  	s21 =	rddreg [dreg:$0x11];
	s22 =	simm.s32 $0x11400  }
0x5c: {  	[tilespmem:s22], [sflag:$0x5] =	stream.linear.gather [hbm4b:s21+s1], $0x200, $0x38;
	[tilespmem:$0x15740] =	vst v63  }
0x5d: {  	s23 =	rddreg [dreg:$0x12];
	s26 =	simm.s32 $0x11600  }
0x5e: {  	[tilespmem:s26], [sflag:$0x5] =	stream.linear.gather [hbm4b:s23+s1], $0x200, $0x38;
	[tilespmem:$0x15740] =	vst v63  }
0x5f: {  	s14 =	rddreg [dreg:$0x13];
	s15 =	simm.s32 $0x11800  }
0x60: {  	[tilespmem:s15], [sflag:$0x5] =	stream.linear.gather [hbm4b:s14+s1], $0x200, $0x38;
	[tilespmem:$0x15740] =	vst v63  }
0x61: {  	s17 =	rddreg [dreg:$0x14];
	s18 =	simm.s32 $0x11A00  }
0x62: {  	[tilespmem:s18], [sflag:$0x5] =	stream.linear.gather [hbm4b:s17+s1], $0x200, $0x38;
	[tilespmem:$0x15740] =	vst v63  }
0x63: {  	s21 =	rddreg [dreg:$0x15];
	s22 =	simm.s32 $0x11C00  }
0x64: {  	[tilespmem:s22], [sflag:$0x5] =	stream.linear.gather [hbm4b:s21+s1], $0x200, $0x38;
	[tilespmem:$0x15740] =	vst v63  }
0x65: {  	s23 =	rddreg [dreg:$0x17];
	s26 =	simm.s32 $0x11E00  }
0x66: {  	[tilespmem:s26], [sflag:$0x5] =	stream.linear.gather [hbm4b:s23+s1], $0x200, $0x38;
	[tilespmem:$0x15740] =	vst v63  }
0x67: {  	_ =	swait.ge [sflag:s16], $0x200  }
0x68: {  	[sflag:s16] =	ssyncset.done $0x0  }
0x69: {  	s8 =	simm.s32 $0x8440;
	[sflag:s16] =	ssyncadd.s32 $0xFFFFFE00  }
.LBB2_4:
0x6a: {  	s6 =	sshll.u32 s1, $0x4  }
0x6b: {  	v18 =	vld [tilespmem:s6+$0x12000]  }
0x6c: {  	s26 =	simm.s32 $0x10640;
	v17 =	vld [tilespmem:s6+$0x13A00]  }
0x6d: {  	v19 =	vld [tilespmem:s26+$0x30]  }
0x6e: {  	v20 =	vld [tilespmem:s26+$0xFFFFFFD0]  }
0x6f: {  	v21 =	vld [tilespmem:s26+$0xFFFFFFE0]  }
0x70: {  	v22 =	vld [tilespmem:s26+$0xFFFFFFF0]  }
0x71: {  	v23 =	vld [tilespmem:s26+$0x0];
	_ =	sdelay $0x1  }
0x72: {  	v24 =	vld [tilespmem:s26+$0x10];
	v19 =	vmul.f32 v19, v18  }
0x73: {  	v25 =	vld [tilespmem:s26+$0x20];
	v20 =	vmul.f32 v20, v18  }
0x74: {  	s14 =	simm.s32 $0x106C0;
	v26 =	vld [tilespmem:s26+$0xFFFFFFC0];
	v21 =	vmul.f32 v21, v18;
	v19 =	vadd.f32 v19, v17  }
0x75: {  	v27 =	vld [tilespmem:s14+$0x30];
	v22 =	vmul.f32 v22, v18;
	v23 =	vmul.f32 v23, v18;
	v20 =	vadd.f32 v20, v17  }
0x76: {  	v28 =	vld [tilespmem:s14+$0xFFFFFFD0];
	v29 =	vadd.f32 v21, v17;
	[tilespmem:s8+$0x30] =	vst v19  }
0x77: {  	v30 =	vld [tilespmem:s14+$0xFFFFFFE0];
	v23 =	vadd.f32 v23, v17;
	[tilespmem:s8+$0xFFFFFFD0] =	vst v20;
	v19 =	vadd.f32 v22, v17;
	v22 =	vmul.f32 v24, v18  }
0x78: {  	v21 =	vld [tilespmem:s14+$0xFFFFFFF0];
	[tilespmem:s8+$0xFFFFFFE0] =	vst v29;
	v24 =	vmul.f32 v25, v18  }
0x79: {  	v26 =	vmul.f32 v26, v18;
	v20 =	vld [tilespmem:s14+$0x0];
	[tilespmem:s8+$0x0] =	vst v23;
	v29 =	vadd.f32 v22, v17  }
0x7a: {  	v31 =	vmul.f32 v27, v18;
	[tilespmem:s8+$0xFFFFFFF0] =	vst v19;
	v19 =	vld [tilespmem:s14+$0x10];
	v32 =	vadd.f32 v24, v17  }
0x7b: {  	v27 =	vadd.f32 v26, v17;
	v25 =	vmul.f32 v28, v18;
	v22 =	vld [tilespmem:s14+$0x20];
	[tilespmem:s8+$0x10] =	vst v29  }
0x7c: {  	s15 =	simm.s32 $0x10740;
	s6 =	simm.s32 $0x8;
	v26 =	vmul.f32 v30, v18;
	v23 =	vld [tilespmem:s14+$0xFFFFFFC0];
	v24 =	vadd.f32 v31, v17;
	s14 =	smov.u32 s8;
	[tilespmem:s8+$0x20] =	vst v32  }
.LBB2_5:
0x7d: {  	v28 =	vld [tilespmem:s15+$0x30];
	s6 =	sadd.s32 $0x8, s6;
	v25 =	vadd.f32 v25, v17;
	v21 =	vmul.f32 v21, v18;
	[tilespmem:s14+$0xFFFFFFC0] =	vst v27;
	s14 =	sadd.s32 $0x80, s14  }
0x7e: {  	v27 =	vld [tilespmem:s15+$0xFFFFFFD0];
	p0 =	slt.u32 s6, $0x18;
	v26 =	vadd.f32 v26, v17;
	v20 =	vmul.f32 v20, v18;
	[tilespmem:s14+$0x30] =	vst v24  }
0x7f: {  	v24 =	vld [tilespmem:s15+$0xFFFFFFE0];
	[tilespmem:s14+$0xFFFFFFD0] =	vst v25;
	v25 =	vadd.f32 v21, v17;
	v19 =	vmul.f32 v19, v18  }
.Ltmp1:
0x80: {  	v21 =	vld [tilespmem:s15+$0xFFFFFFF0];
	[tilespmem:s14+$0xFFFFFFE0] =	vst v26;
	v26 =	vadd.f32 v20, v17;
	v22 =	vmul.f32 v22, v18;
	(pc) =	sbr.rel @p0 .LBB2_5-.Ltmp1, $4  }
0x81: {  	v20 =	vld [tilespmem:s15+$0x0];
	v23 =	vmul.f32 v23, v18;
	[tilespmem:s14+$0xFFFFFFF0] =	vst v25;
	v29 =	vadd.f32 v19, v17  }
0x82: {  	v19 =	vld [tilespmem:s15+$0x10];
	v28 =	vmul.f32 v28, v18;
	[tilespmem:s14+$0x0] =	vst v26;
	v30 =	vadd.f32 v22, v17  }
0x83: {  	v25 =	vmul.f32 v27, v18;
	v22 =	vld [tilespmem:s15+$0x20];
	v27 =	vadd.f32 v23, v17;
	[tilespmem:s14+$0x10] =	vst v29  }
0x84: {  	v23 =	vld [tilespmem:s15+$0xFFFFFFC0];
	v26 =	vmul.f32 v24, v18;
	v24 =	vadd.f32 v28, v17;
	s15 =	sadd.s32 $0x80, s15;
	[tilespmem:s14+$0x20] =	vst v30  }
0x85: {  	v25 =	vadd.f32 v25, v17;
	v21 =	vmul.f32 v21, v18;
	[tilespmem:s14+$0xFFFFFFC0] =	vst v27;
	s6 =	sadd.s32 $0x80, s14  }
0x86: {  	v26 =	vadd.f32 v26, v17;
	v20 =	vmul.f32 v20, v18;
	[tilespmem:s6+$0x30] =	vst v24  }
0x87: {  	s1 =	sadd.s32 $0x1, s1;
	[tilespmem:s6+$0xFFFFFFD0] =	vst v25;
	v21 =	vadd.f32 v21, v17;
	v19 =	vmul.f32 v19, v18  }
0x88: {  	p0 =	sne.s32 s1, $0x20;
	[tilespmem:s6+$0xFFFFFFE0] =	vst v26;
	v20 =	vadd.f32 v20, v17;
	v22 =	vmul.f32 v22, v18  }
.Ltmp2:
0x89: {  	v62 =	vmul.f32 v23, v18;
	[tilespmem:s6+$0xFFFFFFF0] =	vst v21;
	v19 =	vadd.f32 v19, v17;
	(pc) =	sbr.rel @p0 .LBB2_4-.Ltmp2, $4  }
0x8a: {  	[tilespmem:s6+$0x0] =	vst v20;
	v63 =	vadd.f32 v22, v17  }
0x8b: {  	v17 =	vadd.f32 v62, v17;
	[tilespmem:s6+$0x10] =	vst v19  }
0x8c: {  	[tilespmem:s6+$0x20] =	vst v63  }
0x8d: {  	s8 =	sadd.s32 $0x208, s8;
	[tilespmem:s6+$0xFFFFFFC0] =	vst v17  }
0x8e: {  	s1 =	simm.s32 $0x8400  }
0x8f: {  	s6 =	simm.s32 $0x800;
	s14 =	sadd.s32 $0x0, s24;
	s8 =	simm.s32 $0x8608  }
.LBB2_8:
0x90: {  	[hbm4b:s14+s2] =	stream.linear.scatter [tilespmem:s1], [sflag:$0x3], $0x200, $0x38;
	[tilespmem:$0x15740] =	vst v63  }
0x91: {  	s14 =	smov.u32 s6;
	s1 =	smov.u32 s8;
	p0 =	sne.s32 s6, $0xF800  }
.Ltmp3:
0x92: {  	s6 =	sadd.s32 $0x800, s6;
	(pc) =	sbr.rel @p0 .LBB2_8-.Ltmp3, $2  }
0x93: {  	_ =	sdelay $0x2  }
0x94: {  	s8 =	sadd.s32 $0x208, s8;
	s14 =	sadd.s32 s14, s24  }
0x95: {  	[hbm4b:s14+s2] =	stream.linear.scatter [tilespmem:s1], [sflag:$0x3], $0x200, $0x38;
	[tilespmem:$0x15740] =	vst v63  }
0x96: {  	_ =	swait.ge [sflag:s16], $0x200  }
0x97: {  	[sflag:s16] =	ssyncset.done $0x0  }
0x98: {  	s1 =	simm.s32 $0x0;
	s8 =	simm.s32 $0x8400;
	[sflag:s16] =	ssyncadd.s32 $0xFFFFFE00  }
.LBB2_10:
0x99: {  	s6 =	sshll.u32 s1, $0x4  }
0x9a: {  	v19 =	vld [tilespmem:s6+$0x12200]  }
0x9b: {  	v17 =	vld [tilespmem:s6+$0x13C00];
	s6 =	simm.s32 $0x0  }
0x9c: {  	v20 =	vld [tilespmem:s6+$0x10870]  }
0x9d: {  	v21 =	vld [tilespmem:s6+$0x10800]  }
0x9e: {  	v22 =	vld [tilespmem:s6+$0x10810]  }
0x9f: {  	v23 =	vld [tilespmem:s6+$0x10820]  }
0xa0: {  	v18 =	vmov s8;
	v24 =	vld [tilespmem:s6+$0x10830]  }
0xa1: {  	v25 =	vld [tilespmem:s6+$0x10840];
	v20 =	vmul.f32 v20, v19  }
0xa2: {  	v26 =	vld [tilespmem:s6+$0x10850];
	v21 =	vmul.f32 v21, v19  }
0xa3: {  	s14 =	simm.s32 $0x80;
	v27 =	vld [tilespmem:s6+$0x10860];
	v22 =	vmul.f32 v22, v19;
	v20 =	vadd.f32 v20, v17  }
0xa4: {  	v28 =	vld [tilespmem:s14+$0x10870];
	v23 =	vmul.f32 v23, v19;
	v21 =	vadd.f32 v21, v17  }
0xa5: {  	v29 =	vld [tilespmem:s14+$0x10800];
	v31 =	vmul.f32 v24, v19;
	v30 =	vadd.f32 v22, v17;
	[tilespmem:v18+s6+$0x4170 ss:$0x1] =	vst.idx.msk $0xffff, v20  }
0xa6: {  	v24 =	vld [tilespmem:s14+$0x10810];
	[tilespmem:v18+s6+$0x4100 ss:$0x1] =	vst.idx.msk $0xffff, v21;
	v20 =	vadd.f32 v23, v17;
	v23 =	vmul.f32 v25, v19  }
0xa7: {  	v26 =	vmul.f32 v26, v19;
	v22 =	vld [tilespmem:s14+$0x10820];
	[tilespmem:v18+s6+$0x4110 ss:$0x1] =	vst.idx.msk $0xffff, v30;
	v30 =	vadd.f32 v31, v17  }
0xa8: {  	v32 =	vmul.f32 v27, v19;
	v21 =	vld [tilespmem:s14+$0x10830];
	[tilespmem:v18+s6+$0x4120 ss:$0x1] =	vst.idx.msk $0xffff, v20;
	v31 =	vadd.f32 v23, v17  }
0xa9: {  	v27 =	vadd.f32 v26, v17;
	v25 =	vmul.f32 v28, v19;
	v20 =	vld [tilespmem:s14+$0x10840];
	[tilespmem:v18+s6+$0x4130 ss:$0x1] =	vst.idx.msk $0xffff, v30  }
0xaa: {  	s15 =	simm.s32 $0x8;
	s17 =	simm.s32 $0x400;
	v26 =	vmul.f32 v29, v19;
	v28 =	vadd.f32 v32, v17;
	v23 =	vld [tilespmem:s14+$0x10850];
	[tilespmem:v18+s6+$0x4140 ss:$0x1] =	vst.idx.msk $0xffff, v31  }
.LBB2_11:
0xab: {  	s18 =	sshra.s32 s17, $0x2;
	s15 =	sadd.s32 $0x8, s15;
	v24 =	vmul.f32 v24, v19;
	v29 =	vld [tilespmem:s14+$0x10860];
	v25 =	vadd.f32 v25, v17;
	[tilespmem:v18+s6+$0x4150 ss:$0x1] =	vst.idx.msk $0xffff, v27  }
0xac: {  	v27 =	vld [tilespmem:s18+$0x10870];
	p0 =	slt.u32 s15, $0x18;
	v26 =	vadd.f32 v26, v17;
	v22 =	vmul.f32 v22, v19;
	[tilespmem:v18+s6+$0x4160 ss:$0x1] =	vst.idx.msk $0xffff, v28;
	s6 =	smov.u32 s14;
	s14 =	smov.u32 s18  }
0xad: {  	v28 =	vld [tilespmem:s14+$0x10800];
	v30 =	vadd.f32 v24, v17;
	v21 =	vmul.f32 v21, v19;
	[tilespmem:v18+s6+$0x4170 ss:$0x1] =	vst.idx.msk $0xffff, v25  }
.Ltmp4:
0xae: {  	v24 =	vld [tilespmem:s14+$0x10810];
	[tilespmem:v18+s6+$0x4100 ss:$0x1] =	vst.idx.msk $0xffff, v26;
	v25 =	vadd.f32 v22, v17;
	v20 =	vmul.f32 v20, v19;
	(pc) =	sbr.rel @p0 .LBB2_11-.Ltmp4, $4  }
0xaf: {  	v22 =	vld [tilespmem:s14+$0x10820];
	[tilespmem:v18+s6+$0x4110 ss:$0x1] =	vst.idx.msk $0xffff, v30;
	v26 =	vadd.f32 v21, v17;
	v23 =	vmul.f32 v23, v19  }
0xb0: {  	v21 =	vld [tilespmem:s14+$0x10830];
	[tilespmem:v18+s6+$0x4120 ss:$0x1] =	vst.idx.msk $0xffff, v25;
	v30 =	vadd.f32 v20, v17;
	v29 =	vmul.f32 v29, v19  }
0xb1: {  	v20 =	vld [tilespmem:s14+$0x10840];
	v25 =	vmul.f32 v27, v19;
	[tilespmem:v18+s6+$0x4130 ss:$0x1] =	vst.idx.msk $0xffff, v26;
	v27 =	vadd.f32 v23, v17  }
0xb2: {  	s17 =	sadd.s32 $0x200, s17;
	v26 =	vmul.f32 v28, v19;
	v23 =	vld [tilespmem:s14+$0x10850];
	[tilespmem:v18+s6+$0x4140 ss:$0x1] =	vst.idx.msk $0xffff, v30;
	v28 =	vadd.f32 v29, v17  }
0xb3: {  	_ =	sdelay $0x3  }
0xb4: {  	v24 =	vmul.f32 v24, v19;
	v29 =	vld [tilespmem:s14+$0x10860];
	v25 =	vadd.f32 v25, v17;
	[tilespmem:v18+s6+$0x4150 ss:$0x1] =	vst.idx.msk $0xffff, v27  }
0xb5: {  	v26 =	vadd.f32 v26, v17;
	v22 =	vmul.f32 v22, v19;
	[tilespmem:v18+s6+$0x4160 ss:$0x1] =	vst.idx.msk $0xffff, v28  }
0xb6: {  	v24 =	vadd.f32 v24, v17;
	v21 =	vmul.f32 v21, v19;
	[tilespmem:v18+s14+$0x4170 ss:$0x1] =	vst.idx.msk $0xffff, v25  }
0xb7: {  	s1 =	sadd.s32 $0x1, s1;
	[tilespmem:v18+s14+$0x4100 ss:$0x1] =	vst.idx.msk $0xffff, v26;
	v22 =	vadd.f32 v22, v17;
	v20 =	vmul.f32 v20, v19  }
0xb8: {  	p0 =	sne.s32 s1, $0x20;
	[tilespmem:v18+s14+$0x4110 ss:$0x1] =	vst.idx.msk $0xffff, v24;
	v21 =	vadd.f32 v21, v17;
	v23 =	vmul.f32 v23, v19  }
.Ltmp5:
0xb9: {  	[tilespmem:v18+s14+$0x4120 ss:$0x1] =	vst.idx.msk $0xffff, v22;
	v20 =	vadd.f32 v20, v17;
	v62 =	vmul.f32 v29, v19;
	(pc) =	sbr.rel @p0 .LBB2_10-.Ltmp5, $4  }
0xba: {  	[tilespmem:v18+s14+$0x4130 ss:$0x1] =	vst.idx.msk $0xffff, v21;
	v63 =	vadd.f32 v23, v17  }
0xbb: {  	[tilespmem:v18+s14+$0x4140 ss:$0x1] =	vst.idx.msk $0xffff, v20;
	v17 =	vadd.f32 v62, v17  }
0xbc: {  	[tilespmem:v18+s14+$0x4150 ss:$0x1] =	vst.idx.msk $0xffff, v63  }
0xbd: {  	s8 =	sadd.s32 $0x208, s8;
	[tilespmem:v18+s14+$0x4160 ss:$0x1] =	vst.idx.msk $0xffff, v17  }
0xbe: {  	s1 =	simm.s32 $0xC500  }
0xbf: {  	s6 =	simm.s32 $0x800;
	s14 =	sadd.s32 $0x0, s28;
	s8 =	simm.s32 $0xC708  }
.LBB2_14:
0xc0: {  	[hbm4b:s14+s2] =	stream.linear.scatter [tilespmem:s1], [sflag:$0x4], $0x200, $0x38;
	[tilespmem:$0x15740] =	vst v63  }
0xc1: {  	s14 =	smov.u32 s6;
	s1 =	smov.u32 s8;
	p0 =	sne.s32 s6, $0xF800  }
.Ltmp6:
0xc2: {  	s6 =	sadd.s32 $0x800, s6;
	(pc) =	sbr.rel @p0 .LBB2_14-.Ltmp6, $2  }
0xc3: {  	_ =	sdelay $0x2  }
0xc4: {  	s8 =	sadd.s32 $0x208, s8;
	s14 =	sadd.s32 s14, s28  }
0xc5: {  	[hbm4b:s14+s2] =	stream.linear.scatter [tilespmem:s1], [sflag:$0x4], $0x200, $0x38;
	[tilespmem:$0x15740] =	vst v63  }
0xc6: {  	_ =	swait.ge [sflag:s16], $0x200  }
0xc7: {  	[sflag:s16] =	ssyncset.done $0x0  }
0xc8: {  	[sflag:s16] =	ssyncadd.s32 $0xFFFFFE00  }
0xc9: {  	_ =	swait.ge [sflag:s19], $0x4000  }
0xca: {  	[sflag:s19] =	ssyncset.done $0x0  }
0xcb: {  	s1 =	simm.s32 $0x0;
	s8 =	simm.s32 $0x8440;
	[sflag:s19] =	ssyncadd.s32 $0xFFFFC000  }
.LBB2_16:
0xcc: {  	s6 =	sshll.u32 s1, $0x4  }
0xcd: {  	v18 =	vld [tilespmem:s6+$0x12400]  }
0xce: {  	s26 =	simm.s32 $0x10A70;
	v17 =	vld [tilespmem:s6+$0x13E00]  }
0xcf: {  	v19 =	vld [tilespmem:s26+$0x0]  }
0xd0: {  	v20 =	vld [tilespmem:s26+$0xFFFFFFA0]  }
0xd1: {  	v21 =	vld [tilespmem:s26+$0xFFFFFFB0]  }
0xd2: {  	v22 =	vld [tilespmem:s26+$0xFFFFFFC0]  }
0xd3: {  	v23 =	vld [tilespmem:s26+$0xFFFFFFD0];
	_ =	sdelay $0x1  }
0xd4: {  	v24 =	vld [tilespmem:s26+$0xFFFFFFE0];
	v19 =	vmul.f32 v19, v18  }
0xd5: {  	v25 =	vld [tilespmem:s26+$0xFFFFFFF0];
	v20 =	vmul.f32 v20, v18  }
0xd6: {  	s14 =	simm.s32 $0x10AF0;
	v26 =	vld [tilespmem:s26+$0xFFFFFF90];
	v21 =	vmul.f32 v21, v18;
	v19 =	vadd.f32 v19, v17  }
0xd7: {  	v27 =	vld [tilespmem:s14+$0x0];
	v22 =	vmul.f32 v22, v18;
	v23 =	vmul.f32 v23, v18;
	v20 =	vadd.f32 v20, v17  }
0xd8: {  	v28 =	vld [tilespmem:s14+$0xFFFFFFA0];
	v29 =	vadd.f32 v21, v17;
	[tilespmem:s8+$0x30] =	vst v19  }
0xd9: {  	v30 =	vld [tilespmem:s14+$0xFFFFFFB0];
	v23 =	vadd.f32 v23, v17;
	[tilespmem:s8+$0xFFFFFFD0] =	vst v20;
	v19 =	vadd.f32 v22, v17;
	v22 =	vmul.f32 v24, v18  }
0xda: {  	v21 =	vld [tilespmem:s14+$0xFFFFFFC0];
	[tilespmem:s8+$0xFFFFFFE0] =	vst v29;
	v24 =	vmul.f32 v25, v18  }
0xdb: {  	v26 =	vmul.f32 v26, v18;
	v20 =	vld [tilespmem:s14+$0xFFFFFFD0];
	[tilespmem:s8+$0x0] =	vst v23;
	v29 =	vadd.f32 v22, v17  }
0xdc: {  	v31 =	vmul.f32 v27, v18;
	[tilespmem:s8+$0xFFFFFFF0] =	vst v19;
	v19 =	vld [tilespmem:s14+$0xFFFFFFE0];
	v32 =	vadd.f32 v24, v17  }
0xdd: {  	v27 =	vadd.f32 v26, v17;
	v25 =	vmul.f32 v28, v18;
	v22 =	vld [tilespmem:s14+$0xFFFFFFF0];
	[tilespmem:s8+$0x10] =	vst v29  }
0xde: {  	s15 =	simm.s32 $0x10B70;
	s6 =	simm.s32 $0x8;
	v26 =	vmul.f32 v30, v18;
	v23 =	vld [tilespmem:s14+$0xFFFFFF90];
	v24 =	vadd.f32 v31, v17;
	s14 =	smov.u32 s8;
	[tilespmem:s8+$0x20] =	vst v32  }
.LBB2_17:
0xdf: {  	v28 =	vld [tilespmem:s15+$0x0];
	s6 =	sadd.s32 $0x8, s6;
	v25 =	vadd.f32 v25, v17;
	v21 =	vmul.f32 v21, v18;
	[tilespmem:s14+$0xFFFFFFC0] =	vst v27;
	s14 =	sadd.s32 $0x80, s14  }
0xe0: {  	v27 =	vld [tilespmem:s15+$0xFFFFFFA0];
	p0 =	slt.u32 s6, $0x18;
	v26 =	vadd.f32 v26, v17;
	v20 =	vmul.f32 v20, v18;
	[tilespmem:s14+$0x30] =	vst v24  }
0xe1: {  	v24 =	vld [tilespmem:s15+$0xFFFFFFB0];
	[tilespmem:s14+$0xFFFFFFD0] =	vst v25;
	v25 =	vadd.f32 v21, v17;
	v19 =	vmul.f32 v19, v18  }
.Ltmp7:
0xe2: {  	v21 =	vld [tilespmem:s15+$0xFFFFFFC0];
	[tilespmem:s14+$0xFFFFFFE0] =	vst v26;
	v26 =	vadd.f32 v20, v17;
	v22 =	vmul.f32 v22, v18;
	(pc) =	sbr.rel @p0 .LBB2_17-.Ltmp7, $4  }
0xe3: {  	v20 =	vld [tilespmem:s15+$0xFFFFFFD0];
	v23 =	vmul.f32 v23, v18;
	[tilespmem:s14+$0xFFFFFFF0] =	vst v25;
	v29 =	vadd.f32 v19, v17  }
0xe4: {  	v19 =	vld [tilespmem:s15+$0xFFFFFFE0];
	v28 =	vmul.f32 v28, v18;
	[tilespmem:s14+$0x0] =	vst v26;
	v30 =	vadd.f32 v22, v17  }
0xe5: {  	v25 =	vmul.f32 v27, v18;
	v22 =	vld [tilespmem:s15+$0xFFFFFFF0];
	v27 =	vadd.f32 v23, v17;
	[tilespmem:s14+$0x10] =	vst v29  }
0xe6: {  	v23 =	vld [tilespmem:s15+$0xFFFFFF90];
	v26 =	vmul.f32 v24, v18;
	v24 =	vadd.f32 v28, v17;
	s15 =	sadd.s32 $0x80, s15;
	[tilespmem:s14+$0x20] =	vst v30  }
0xe7: {  	v25 =	vadd.f32 v25, v17;
	v21 =	vmul.f32 v21, v18;
	[tilespmem:s14+$0xFFFFFFC0] =	vst v27;
	s6 =	sadd.s32 $0x80, s14  }
0xe8: {  	v26 =	vadd.f32 v26, v17;
	v20 =	vmul.f32 v20, v18;
	[tilespmem:s6+$0x30] =	vst v24  }
0xe9: {  	s1 =	sadd.s32 $0x1, s1;
	[tilespmem:s6+$0xFFFFFFD0] =	vst v25;
	v21 =	vadd.f32 v21, v17;
	v19 =	vmul.f32 v19, v18  }
0xea: {  	p0 =	sne.s32 s1, $0x20;
	[tilespmem:s6+$0xFFFFFFE0] =	vst v26;
	v20 =	vadd.f32 v20, v17;
	v22 =	vmul.f32 v22, v18  }
.Ltmp8:
0xeb: {  	v62 =	vmul.f32 v23, v18;
	[tilespmem:s6+$0xFFFFFFF0] =	vst v21;
	v19 =	vadd.f32 v19, v17;
	(pc) =	sbr.rel @p0 .LBB2_16-.Ltmp8, $4  }
0xec: {  	[tilespmem:s6+$0x0] =	vst v20;
	v63 =	vadd.f32 v22, v17  }
0xed: {  	v17 =	vadd.f32 v62, v17;
	[tilespmem:s6+$0x10] =	vst v19  }
0xee: {  	[tilespmem:s6+$0x20] =	vst v63  }
0xef: {  	s8 =	sadd.s32 $0x208, s8;
	[tilespmem:s6+$0xFFFFFFC0] =	vst v17  }
0xf0: {  	s1 =	simm.s32 $0x8400  }
0xf1: {  	s6 =	simm.s32 $0x800;
	s14 =	sadd.s32 $0x0, s29;
	s8 =	simm.s32 $0x8608  }
.LBB2_20:
0xf2: {  	[hbm4b:s14+s2] =	stream.linear.scatter [tilespmem:s1], [sflag:$0x3], $0x200, $0x38;
	[tilespmem:$0x15740] =	vst v63  }
0xf3: {  	s14 =	smov.u32 s6;
	s1 =	smov.u32 s8;
	p0 =	sne.s32 s6, $0xF800  }
.Ltmp9:
0xf4: {  	s6 =	sadd.s32 $0x800, s6;
	(pc) =	sbr.rel @p0 .LBB2_20-.Ltmp9, $2  }
0xf5: {  	_ =	sdelay $0x2  }
0xf6: {  	s8 =	sadd.s32 $0x208, s8;
	s14 =	sadd.s32 s14, s29  }
0xf7: {  	[hbm4b:s14+s2] =	stream.linear.scatter [tilespmem:s1], [sflag:$0x3], $0x200, $0x38;
	[tilespmem:$0x15740] =	vst v63  }
0xf8: {  	_ =	swait.ge [sflag:s16], $0x200  }
0xf9: {  	[sflag:s16] =	ssyncset.done $0x0  }
0xfa: {  	[sflag:s16] =	ssyncadd.s32 $0xFFFFFE00  }
0xfb: {  	_ =	swait.ge [sflag:s20], $0x4000  }
0xfc: {  	[sflag:s20] =	ssyncset.done $0x0  }
0xfd: {  	s1 =	simm.s32 $0x0;
	s8 =	simm.s32 $0x8400;
	[sflag:s20] =	ssyncadd.s32 $0xFFFFC000  }
.LBB2_22:
0xfe: {  	s6 =	sshll.u32 s1, $0x4  }
0xff: {  	v19 =	vld [tilespmem:s6+$0x12600]  }
0x100: {  	v17 =	vld [tilespmem:s6+$0x14000];
	s6 =	simm.s32 $0x0  }
0x101: {  	v20 =	vld [tilespmem:s6+$0x10C70]  }
0x102: {  	v21 =	vld [tilespmem:s6+$0x10C00]  }
0x103: {  	v22 =	vld [tilespmem:s6+$0x10C10]  }
0x104: {  	v23 =	vld [tilespmem:s6+$0x10C20]  }
0x105: {  	v18 =	vmov s8;
	v24 =	vld [tilespmem:s6+$0x10C30]  }
0x106: {  	v25 =	vld [tilespmem:s6+$0x10C40];
	v20 =	vmul.f32 v20, v19  }
0x107: {  	v26 =	vld [tilespmem:s6+$0x10C50];
	v21 =	vmul.f32 v21, v19  }
0x108: {  	s14 =	simm.s32 $0x80;
	v27 =	vld [tilespmem:s6+$0x10C60];
	v22 =	vmul.f32 v22, v19;
	v20 =	vadd.f32 v20, v17  }
0x109: {  	v28 =	vld [tilespmem:s14+$0x10C70];
	v23 =	vmul.f32 v23, v19;
	v21 =	vadd.f32 v21, v17  }
0x10a: {  	v29 =	vld [tilespmem:s14+$0x10C00];
	v31 =	vmul.f32 v24, v19;
	v30 =	vadd.f32 v22, v17;
	[tilespmem:v18+s6+$0x4170 ss:$0x1] =	vst.idx.msk $0xffff, v20  }
0x10b: {  	v24 =	vld [tilespmem:s14+$0x10C10];
	[tilespmem:v18+s6+$0x4100 ss:$0x1] =	vst.idx.msk $0xffff, v21;
	v20 =	vadd.f32 v23, v17;
	v23 =	vmul.f32 v25, v19  }
0x10c: {  	v26 =	vmul.f32 v26, v19;
	v22 =	vld [tilespmem:s14+$0x10C20];
	[tilespmem:v18+s6+$0x4110 ss:$0x1] =	vst.idx.msk $0xffff, v30;
	v30 =	vadd.f32 v31, v17  }
0x10d: {  	v32 =	vmul.f32 v27, v19;
	v21 =	vld [tilespmem:s14+$0x10C30];
	[tilespmem:v18+s6+$0x4120 ss:$0x1] =	vst.idx.msk $0xffff, v20;
	v31 =	vadd.f32 v23, v17  }
0x10e: {  	v27 =	vadd.f32 v26, v17;
	v25 =	vmul.f32 v28, v19;
	v20 =	vld [tilespmem:s14+$0x10C40];
	[tilespmem:v18+s6+$0x4130 ss:$0x1] =	vst.idx.msk $0xffff, v30  }
0x10f: {  	s15 =	simm.s32 $0x8;
	s17 =	simm.s32 $0x400;
	v26 =	vmul.f32 v29, v19;
	v28 =	vadd.f32 v32, v17;
	v23 =	vld [tilespmem:s14+$0x10C50];
	[tilespmem:v18+s6+$0x4140 ss:$0x1] =	vst.idx.msk $0xffff, v31  }
.LBB2_23:
0x110: {  	s18 =	sshra.s32 s17, $0x2;
	s15 =	sadd.s32 $0x8, s15;
	v24 =	vmul.f32 v24, v19;
	v29 =	vld [tilespmem:s14+$0x10C60];
	v25 =	vadd.f32 v25, v17;
	[tilespmem:v18+s6+$0x4150 ss:$0x1] =	vst.idx.msk $0xffff, v27  }
0x111: {  	v27 =	vld [tilespmem:s18+$0x10C70];
	p0 =	slt.u32 s15, $0x18;
	v26 =	vadd.f32 v26, v17;
	v22 =	vmul.f32 v22, v19;
	[tilespmem:v18+s6+$0x4160 ss:$0x1] =	vst.idx.msk $0xffff, v28;
	s6 =	smov.u32 s14;
	s14 =	smov.u32 s18  }
0x112: {  	v28 =	vld [tilespmem:s14+$0x10C00];
	v30 =	vadd.f32 v24, v17;
	v21 =	vmul.f32 v21, v19;
	[tilespmem:v18+s6+$0x4170 ss:$0x1] =	vst.idx.msk $0xffff, v25  }
.Ltmp10:
0x113: {  	v24 =	vld [tilespmem:s14+$0x10C10];
	[tilespmem:v18+s6+$0x4100 ss:$0x1] =	vst.idx.msk $0xffff, v26;
	v25 =	vadd.f32 v22, v17;
	v20 =	vmul.f32 v20, v19;
	(pc) =	sbr.rel @p0 .LBB2_23-.Ltmp10, $4  }
0x114: {  	v22 =	vld [tilespmem:s14+$0x10C20];
	[tilespmem:v18+s6+$0x4110 ss:$0x1] =	vst.idx.msk $0xffff, v30;
	v26 =	vadd.f32 v21, v17;
	v23 =	vmul.f32 v23, v19  }
0x115: {  	v21 =	vld [tilespmem:s14+$0x10C30];
	[tilespmem:v18+s6+$0x4120 ss:$0x1] =	vst.idx.msk $0xffff, v25;
	v30 =	vadd.f32 v20, v17;
	v29 =	vmul.f32 v29, v19  }
0x116: {  	v20 =	vld [tilespmem:s14+$0x10C40];
	v25 =	vmul.f32 v27, v19;
	[tilespmem:v18+s6+$0x4130 ss:$0x1] =	vst.idx.msk $0xffff, v26;
	v27 =	vadd.f32 v23, v17  }
0x117: {  	s17 =	sadd.s32 $0x200, s17;
	v26 =	vmul.f32 v28, v19;
	v23 =	vld [tilespmem:s14+$0x10C50];
	[tilespmem:v18+s6+$0x4140 ss:$0x1] =	vst.idx.msk $0xffff, v30;
	v28 =	vadd.f32 v29, v17  }
0x118: {  	_ =	sdelay $0x3  }
0x119: {  	v24 =	vmul.f32 v24, v19;
	v29 =	vld [tilespmem:s14+$0x10C60];
	v25 =	vadd.f32 v25, v17;
	[tilespmem:v18+s6+$0x4150 ss:$0x1] =	vst.idx.msk $0xffff, v27  }
0x11a: {  	v26 =	vadd.f32 v26, v17;
	v22 =	vmul.f32 v22, v19;
	[tilespmem:v18+s6+$0x4160 ss:$0x1] =	vst.idx.msk $0xffff, v28  }
0x11b: {  	v24 =	vadd.f32 v24, v17;
	v21 =	vmul.f32 v21, v19;
	[tilespmem:v18+s14+$0x4170 ss:$0x1] =	vst.idx.msk $0xffff, v25  }
0x11c: {  	s1 =	sadd.s32 $0x1, s1;
	[tilespmem:v18+s14+$0x4100 ss:$0x1] =	vst.idx.msk $0xffff, v26;
	v22 =	vadd.f32 v22, v17;
	v20 =	vmul.f32 v20, v19  }
0x11d: {  	p0 =	sne.s32 s1, $0x20;
	[tilespmem:v18+s14+$0x4110 ss:$0x1] =	vst.idx.msk $0xffff, v24;
	v21 =	vadd.f32 v21, v17;
	v23 =	vmul.f32 v23, v19  }
.Ltmp11:
0x11e: {  	[tilespmem:v18+s14+$0x4120 ss:$0x1] =	vst.idx.msk $0xffff, v22;
	v20 =	vadd.f32 v20, v17;
	v62 =	vmul.f32 v29, v19;
	(pc) =	sbr.rel @p0 .LBB2_22-.Ltmp11, $4  }
0x11f: {  	[tilespmem:v18+s14+$0x4130 ss:$0x1] =	vst.idx.msk $0xffff, v21;
	v63 =	vadd.f32 v23, v17  }
0x120: {  	[tilespmem:v18+s14+$0x4140 ss:$0x1] =	vst.idx.msk $0xffff, v20;
	v17 =	vadd.f32 v62, v17  }
0x121: {  	[tilespmem:v18+s14+$0x4150 ss:$0x1] =	vst.idx.msk $0xffff, v63  }
0x122: {  	s8 =	sadd.s32 $0x208, s8;
	[tilespmem:v18+s14+$0x4160 ss:$0x1] =	vst.idx.msk $0xffff, v17  }
0x123: {  	s1 =	simm.s32 $0xC500  }
0x124: {  	s6 =	simm.s32 $0x800;
	s14 =	sadd.s32 $0x0, s30;
	s8 =	simm.s32 $0xC708  }
.LBB2_26:
0x125: {  	[hbm4b:s14+s2] =	stream.linear.scatter [tilespmem:s1], [sflag:$0x4], $0x200, $0x38;
	[tilespmem:$0x15740] =	vst v63  }
0x126: {  	s14 =	smov.u32 s6;
	s1 =	smov.u32 s8;
	p0 =	sne.s32 s6, $0xF800  }
.Ltmp12:
0x127: {  	s6 =	sadd.s32 $0x800, s6;
	(pc) =	sbr.rel @p0 .LBB2_26-.Ltmp12, $2  }
0x128: {  	_ =	sdelay $0x2  }
0x129: {  	s8 =	sadd.s32 $0x208, s8;
	s14 =	sadd.s32 s14, s30  }
0x12a: {  	[hbm4b:s14+s2] =	stream.linear.scatter [tilespmem:s1], [sflag:$0x4], $0x200, $0x38;
	[tilespmem:$0x15740] =	vst v63  }
0x12b: {  	_ =	swait.ge [sflag:s16], $0x200  }
0x12c: {  	[sflag:s16] =	ssyncset.done $0x0  }
0x12d: {  	[sflag:s16] =	ssyncadd.s32 $0xFFFFFE00  }
0x12e: {  	_ =	swait.ge [sflag:s19], $0x4000  }
0x12f: {  	[sflag:s19] =	ssyncset.done $0x0  }
0x130: {  	s1 =	simm.s32 $0x0;
	s8 =	simm.s32 $0x8440;
	[sflag:s19] =	ssyncadd.s32 $0xFFFFC000  }
.LBB2_28:
0x131: {  	s6 =	sshll.u32 s1, $0x4  }
0x132: {  	v18 =	vld [tilespmem:s6+$0x12800]  }
0x133: {  	s26 =	simm.s32 $0x10E70;
	v17 =	vld [tilespmem:s6+$0x14200]  }
0x134: {  	v19 =	vld [tilespmem:s26+$0x0]  }
0x135: {  	v20 =	vld [tilespmem:s26+$0xFFFFFFA0]  }
0x136: {  	v21 =	vld [tilespmem:s26+$0xFFFFFFB0]  }
0x137: {  	v22 =	vld [tilespmem:s26+$0xFFFFFFC0]  }
0x138: {  	v23 =	vld [tilespmem:s26+$0xFFFFFFD0];
	_ =	sdelay $0x1  }
0x139: {  	v24 =	vld [tilespmem:s26+$0xFFFFFFE0];
	v19 =	vmul.f32 v19, v18  }
0x13a: {  	v25 =	vld [tilespmem:s26+$0xFFFFFFF0];
	v20 =	vmul.f32 v20, v18  }
0x13b: {  	s14 =	simm.s32 $0x10EF0;
	v26 =	vld [tilespmem:s26+$0xFFFFFF90];
	v21 =	vmul.f32 v21, v18;
	v19 =	vadd.f32 v19, v17  }
0x13c: {  	v27 =	vld [tilespmem:s14+$0x0];
	v22 =	vmul.f32 v22, v18;
	v23 =	vmul.f32 v23, v18;
	v20 =	vadd.f32 v20, v17  }
0x13d: {  	v28 =	vld [tilespmem:s14+$0xFFFFFFA0];
	v29 =	vadd.f32 v21, v17;
	[tilespmem:s8+$0x30] =	vst v19  }
0x13e: {  	v30 =	vld [tilespmem:s14+$0xFFFFFFB0];
	v23 =	vadd.f32 v23, v17;
	[tilespmem:s8+$0xFFFFFFD0] =	vst v20;
	v19 =	vadd.f32 v22, v17;
	v22 =	vmul.f32 v24, v18  }
0x13f: {  	v21 =	vld [tilespmem:s14+$0xFFFFFFC0];
	[tilespmem:s8+$0xFFFFFFE0] =	vst v29;
	v24 =	vmul.f32 v25, v18  }
0x140: {  	v26 =	vmul.f32 v26, v18;
	v20 =	vld [tilespmem:s14+$0xFFFFFFD0];
	[tilespmem:s8+$0x0] =	vst v23;
	v29 =	vadd.f32 v22, v17  }
0x141: {  	v31 =	vmul.f32 v27, v18;
	[tilespmem:s8+$0xFFFFFFF0] =	vst v19;
	v19 =	vld [tilespmem:s14+$0xFFFFFFE0];
	v32 =	vadd.f32 v24, v17  }
0x142: {  	v27 =	vadd.f32 v26, v17;
	v25 =	vmul.f32 v28, v18;
	v22 =	vld [tilespmem:s14+$0xFFFFFFF0];
	[tilespmem:s8+$0x10] =	vst v29  }
0x143: {  	s15 =	simm.s32 $0x10F70;
	s6 =	simm.s32 $0x8;
	v26 =	vmul.f32 v30, v18;
	v23 =	vld [tilespmem:s14+$0xFFFFFF90];
	v24 =	vadd.f32 v31, v17;
	s14 =	smov.u32 s8;
	[tilespmem:s8+$0x20] =	vst v32  }
.LBB2_29:
0x144: {  	v28 =	vld [tilespmem:s15+$0x0];
	s6 =	sadd.s32 $0x8, s6;
	v25 =	vadd.f32 v25, v17;
	v21 =	vmul.f32 v21, v18;
	[tilespmem:s14+$0xFFFFFFC0] =	vst v27;
	s14 =	sadd.s32 $0x80, s14  }
0x145: {  	v27 =	vld [tilespmem:s15+$0xFFFFFFA0];
	p0 =	slt.u32 s6, $0x18;
	v26 =	vadd.f32 v26, v17;
	v20 =	vmul.f32 v20, v18;
	[tilespmem:s14+$0x30] =	vst v24  }
0x146: {  	v24 =	vld [tilespmem:s15+$0xFFFFFFB0];
	[tilespmem:s14+$0xFFFFFFD0] =	vst v25;
	v25 =	vadd.f32 v21, v17;
	v19 =	vmul.f32 v19, v18  }
.Ltmp13:
0x147: {  	v21 =	vld [tilespmem:s15+$0xFFFFFFC0];
	[tilespmem:s14+$0xFFFFFFE0] =	vst v26;
	v26 =	vadd.f32 v20, v17;
	v22 =	vmul.f32 v22, v18;
	(pc) =	sbr.rel @p0 .LBB2_29-.Ltmp13, $4  }
0x148: {  	v20 =	vld [tilespmem:s15+$0xFFFFFFD0];
	v23 =	vmul.f32 v23, v18;
	[tilespmem:s14+$0xFFFFFFF0] =	vst v25;
	v29 =	vadd.f32 v19, v17  }
0x149: {  	v19 =	vld [tilespmem:s15+$0xFFFFFFE0];
	v28 =	vmul.f32 v28, v18;
	[tilespmem:s14+$0x0] =	vst v26;
	v30 =	vadd.f32 v22, v17  }
0x14a: {  	v25 =	vmul.f32 v27, v18;
	v22 =	vld [tilespmem:s15+$0xFFFFFFF0];
	v27 =	vadd.f32 v23, v17;
	[tilespmem:s14+$0x10] =	vst v29  }
0x14b: {  	v23 =	vld [tilespmem:s15+$0xFFFFFF90];
	v26 =	vmul.f32 v24, v18;
	v24 =	vadd.f32 v28, v17;
	s15 =	sadd.s32 $0x80, s15;
	[tilespmem:s14+$0x20] =	vst v30  }
0x14c: {  	v25 =	vadd.f32 v25, v17;
	v21 =	vmul.f32 v21, v18;
	[tilespmem:s14+$0xFFFFFFC0] =	vst v27;
	s6 =	sadd.s32 $0x80, s14  }
0x14d: {  	v26 =	vadd.f32 v26, v17;
	v20 =	vmul.f32 v20, v18;
	[tilespmem:s6+$0x30] =	vst v24  }
0x14e: {  	s1 =	sadd.s32 $0x1, s1;
	[tilespmem:s6+$0xFFFFFFD0] =	vst v25;
	v21 =	vadd.f32 v21, v17;
	v19 =	vmul.f32 v19, v18  }
0x14f: {  	p0 =	sne.s32 s1, $0x20;
	[tilespmem:s6+$0xFFFFFFE0] =	vst v26;
	v20 =	vadd.f32 v20, v17;
	v22 =	vmul.f32 v22, v18  }
.Ltmp14:
0x150: {  	v62 =	vmul.f32 v23, v18;
	[tilespmem:s6+$0xFFFFFFF0] =	vst v21;
	v19 =	vadd.f32 v19, v17;
	(pc) =	sbr.rel @p0 .LBB2_28-.Ltmp14, $4  }
0x151: {  	[tilespmem:s6+$0x0] =	vst v20;
	v63 =	vadd.f32 v22, v17  }
0x152: {  	v17 =	vadd.f32 v62, v17;
	[tilespmem:s6+$0x10] =	vst v19  }
0x153: {  	[tilespmem:s6+$0x20] =	vst v63  }
0x154: {  	s8 =	sadd.s32 $0x208, s8;
	[tilespmem:s6+$0xFFFFFFC0] =	vst v17  }
0x155: {  	s1 =	simm.s32 $0x8400  }
0x156: {  	s6 =	simm.s32 $0x800;
	s14 =	sadd.s32 $0x0, s31;
	s8 =	simm.s32 $0x8608  }
.LBB2_32:
0x157: {  	[hbm4b:s14+s2] =	stream.linear.scatter [tilespmem:s1], [sflag:$0x3], $0x200, $0x38;
	[tilespmem:$0x15740] =	vst v63  }
0x158: {  	s14 =	smov.u32 s6;
	s1 =	smov.u32 s8;
	p0 =	sne.s32 s6, $0xF800  }
.Ltmp15:
0x159: {  	s6 =	sadd.s32 $0x800, s6;
	(pc) =	sbr.rel @p0 .LBB2_32-.Ltmp15, $2  }
0x15a: {  	_ =	sdelay $0x2  }
0x15b: {  	s8 =	sadd.s32 $0x208, s8;
	s14 =	sadd.s32 s14, s31  }
0x15c: {  	[hbm4b:s14+s2] =	stream.linear.scatter [tilespmem:s1], [sflag:$0x3], $0x200, $0x38;
	[tilespmem:$0x15740] =	vst v63  }
0x15d: {  	_ =	swait.ge [sflag:s16], $0x200  }
0x15e: {  	[sflag:s16] =	ssyncset.done $0x0  }
0x15f: {  	[sflag:s16] =	ssyncadd.s32 $0xFFFFFE00  }
0x160: {  	_ =	swait.ge [sflag:s20], $0x4000  }
0x161: {  	[sflag:s20] =	ssyncset.done $0x0  }
0x162: {  	s1 =	simm.s32 $0x0;
	s8 =	simm.s32 $0x8400;
	[sflag:s20] =	ssyncadd.s32 $0xFFFFC000  }
.LBB2_34:
0x163: {  	s6 =	sshll.u32 s1, $0x4  }
0x164: {  	v19 =	vld [tilespmem:s6+$0x12A00]  }
0x165: {  	v17 =	vld [tilespmem:s6+$0x14400];
	s6 =	simm.s32 $0x0  }
0x166: {  	v20 =	vld [tilespmem:s6+$0x11070]  }
0x167: {  	v21 =	vld [tilespmem:s6+$0x11000]  }
0x168: {  	v22 =	vld [tilespmem:s6+$0x11010]  }
0x169: {  	v23 =	vld [tilespmem:s6+$0x11020]  }
0x16a: {  	v18 =	vmov s8;
	v24 =	vld [tilespmem:s6+$0x11030]  }
0x16b: {  	v25 =	vld [tilespmem:s6+$0x11040];
	v20 =	vmul.f32 v20, v19  }
0x16c: {  	v26 =	vld [tilespmem:s6+$0x11050];
	v21 =	vmul.f32 v21, v19  }
0x16d: {  	s14 =	simm.s32 $0x80;
	v27 =	vld [tilespmem:s6+$0x11060];
	v22 =	vmul.f32 v22, v19;
	v20 =	vadd.f32 v20, v17  }
0x16e: {  	v28 =	vld [tilespmem:s14+$0x11070];
	v23 =	vmul.f32 v23, v19;
	v21 =	vadd.f32 v21, v17  }
0x16f: {  	v29 =	vld [tilespmem:s14+$0x11000];
	v31 =	vmul.f32 v24, v19;
	v30 =	vadd.f32 v22, v17;
	[tilespmem:v18+s6+$0x4170 ss:$0x1] =	vst.idx.msk $0xffff, v20  }
0x170: {  	v24 =	vld [tilespmem:s14+$0x11010];
	[tilespmem:v18+s6+$0x4100 ss:$0x1] =	vst.idx.msk $0xffff, v21;
	v20 =	vadd.f32 v23, v17;
	v23 =	vmul.f32 v25, v19  }
0x171: {  	v26 =	vmul.f32 v26, v19;
	v22 =	vld [tilespmem:s14+$0x11020];
	[tilespmem:v18+s6+$0x4110 ss:$0x1] =	vst.idx.msk $0xffff, v30;
	v30 =	vadd.f32 v31, v17  }
0x172: {  	v32 =	vmul.f32 v27, v19;
	v21 =	vld [tilespmem:s14+$0x11030];
	[tilespmem:v18+s6+$0x4120 ss:$0x1] =	vst.idx.msk $0xffff, v20;
	v31 =	vadd.f32 v23, v17  }
0x173: {  	v27 =	vadd.f32 v26, v17;
	v25 =	vmul.f32 v28, v19;
	v20 =	vld [tilespmem:s14+$0x11040];
	[tilespmem:v18+s6+$0x4130 ss:$0x1] =	vst.idx.msk $0xffff, v30  }
0x174: {  	s15 =	simm.s32 $0x8;
	s17 =	simm.s32 $0x400;
	v26 =	vmul.f32 v29, v19;
	v28 =	vadd.f32 v32, v17;
	v23 =	vld [tilespmem:s14+$0x11050];
	[tilespmem:v18+s6+$0x4140 ss:$0x1] =	vst.idx.msk $0xffff, v31  }
.LBB2_35:
0x175: {  	s18 =	sshra.s32 s17, $0x2;
	s15 =	sadd.s32 $0x8, s15;
	v24 =	vmul.f32 v24, v19;
	v29 =	vld [tilespmem:s14+$0x11060];
	v25 =	vadd.f32 v25, v17;
	[tilespmem:v18+s6+$0x4150 ss:$0x1] =	vst.idx.msk $0xffff, v27  }
0x176: {  	v27 =	vld [tilespmem:s18+$0x11070];
	p0 =	slt.u32 s15, $0x18;
	v26 =	vadd.f32 v26, v17;
	v22 =	vmul.f32 v22, v19;
	[tilespmem:v18+s6+$0x4160 ss:$0x1] =	vst.idx.msk $0xffff, v28;
	s6 =	smov.u32 s14;
	s14 =	smov.u32 s18  }
0x177: {  	v28 =	vld [tilespmem:s14+$0x11000];
	v30 =	vadd.f32 v24, v17;
	v21 =	vmul.f32 v21, v19;
	[tilespmem:v18+s6+$0x4170 ss:$0x1] =	vst.idx.msk $0xffff, v25  }
.Ltmp16:
0x178: {  	v24 =	vld [tilespmem:s14+$0x11010];
	[tilespmem:v18+s6+$0x4100 ss:$0x1] =	vst.idx.msk $0xffff, v26;
	v25 =	vadd.f32 v22, v17;
	v20 =	vmul.f32 v20, v19;
	(pc) =	sbr.rel @p0 .LBB2_35-.Ltmp16, $4  }
0x179: {  	v22 =	vld [tilespmem:s14+$0x11020];
	[tilespmem:v18+s6+$0x4110 ss:$0x1] =	vst.idx.msk $0xffff, v30;
	v26 =	vadd.f32 v21, v17;
	v23 =	vmul.f32 v23, v19  }
0x17a: {  	v21 =	vld [tilespmem:s14+$0x11030];
	[tilespmem:v18+s6+$0x4120 ss:$0x1] =	vst.idx.msk $0xffff, v25;
	v30 =	vadd.f32 v20, v17;
	v29 =	vmul.f32 v29, v19  }
0x17b: {  	v20 =	vld [tilespmem:s14+$0x11040];
	v25 =	vmul.f32 v27, v19;
	[tilespmem:v18+s6+$0x4130 ss:$0x1] =	vst.idx.msk $0xffff, v26;
	v27 =	vadd.f32 v23, v17  }
0x17c: {  	s17 =	sadd.s32 $0x200, s17;
	v26 =	vmul.f32 v28, v19;
	v23 =	vld [tilespmem:s14+$0x11050];
	[tilespmem:v18+s6+$0x4140 ss:$0x1] =	vst.idx.msk $0xffff, v30;
	v28 =	vadd.f32 v29, v17  }
0x17d: {  	_ =	sdelay $0x3  }
0x17e: {  	v24 =	vmul.f32 v24, v19;
	v29 =	vld [tilespmem:s14+$0x11060];
	v25 =	vadd.f32 v25, v17;
	[tilespmem:v18+s6+$0x4150 ss:$0x1] =	vst.idx.msk $0xffff, v27  }
0x17f: {  	v26 =	vadd.f32 v26, v17;
	v22 =	vmul.f32 v22, v19;
	[tilespmem:v18+s6+$0x4160 ss:$0x1] =	vst.idx.msk $0xffff, v28  }
0x180: {  	v24 =	vadd.f32 v24, v17;
	v21 =	vmul.f32 v21, v19;
	[tilespmem:v18+s14+$0x4170 ss:$0x1] =	vst.idx.msk $0xffff, v25  }
0x181: {  	s1 =	sadd.s32 $0x1, s1;
	[tilespmem:v18+s14+$0x4100 ss:$0x1] =	vst.idx.msk $0xffff, v26;
	v22 =	vadd.f32 v22, v17;
	v20 =	vmul.f32 v20, v19  }
0x182: {  	p0 =	sne.s32 s1, $0x20;
	[tilespmem:v18+s14+$0x4110 ss:$0x1] =	vst.idx.msk $0xffff, v24;
	v21 =	vadd.f32 v21, v17;
	v23 =	vmul.f32 v23, v19  }
.Ltmp17:
0x183: {  	[tilespmem:v18+s14+$0x4120 ss:$0x1] =	vst.idx.msk $0xffff, v22;
	v20 =	vadd.f32 v20, v17;
	v62 =	vmul.f32 v29, v19;
	(pc) =	sbr.rel @p0 .LBB2_34-.Ltmp17, $4  }
0x184: {  	[tilespmem:v18+s14+$0x4130 ss:$0x1] =	vst.idx.msk $0xffff, v21;
	v63 =	vadd.f32 v23, v17  }
0x185: {  	[tilespmem:v18+s14+$0x4140 ss:$0x1] =	vst.idx.msk $0xffff, v20;
	v17 =	vadd.f32 v62, v17  }
0x186: {  	[tilespmem:v18+s14+$0x4150 ss:$0x1] =	vst.idx.msk $0xffff, v63  }
0x187: {  	s8 =	sadd.s32 $0x208, s8;
	[tilespmem:v18+s14+$0x4160 ss:$0x1] =	vst.idx.msk $0xffff, v17  }
0x188: {  	s1 =	simm.s32 $0xC500  }
0x189: {  	s6 =	simm.s32 $0x800;
	s14 =	sadd.s32 $0x0, s0;
	s8 =	simm.s32 $0xC708  }
.LBB2_38:
0x18a: {  	[hbm4b:s14+s2] =	stream.linear.scatter [tilespmem:s1], [sflag:$0x4], $0x200, $0x38;
	[tilespmem:$0x15740] =	vst v63  }
0x18b: {  	s14 =	smov.u32 s6;
	s1 =	smov.u32 s8;
	p0 =	sne.s32 s6, $0xF800  }
.Ltmp18:
0x18c: {  	s6 =	sadd.s32 $0x800, s6;
	(pc) =	sbr.rel @p0 .LBB2_38-.Ltmp18, $2  }
0x18d: {  	_ =	sdelay $0x2  }
0x18e: {  	s8 =	sadd.s32 $0x208, s8;
	s14 =	sadd.s32 s14, s0  }
0x18f: {  	[hbm4b:s14+s2] =	stream.linear.scatter [tilespmem:s1], [sflag:$0x4], $0x200, $0x38;
	[tilespmem:$0x15740] =	vst v63  }
0x190: {  	_ =	swait.ge [sflag:s16], $0x200  }
0x191: {  	[sflag:s16] =	ssyncset.done $0x0  }
0x192: {  	[sflag:s16] =	ssyncadd.s32 $0xFFFFFE00  }
0x193: {  	_ =	swait.ge [sflag:s19], $0x4000  }
0x194: {  	[sflag:s19] =	ssyncset.done $0x0  }
0x195: {  	s1 =	simm.s32 $0x0;
	s8 =	simm.s32 $0x8440;
	[sflag:s19] =	ssyncadd.s32 $0xFFFFC000  }
.LBB2_40:
0x196: {  	s6 =	sshll.u32 s1, $0x4  }
0x197: {  	v18 =	vld [tilespmem:s6+$0x12C00]  }
0x198: {  	s26 =	simm.s32 $0x11270;
	v17 =	vld [tilespmem:s6+$0x14600]  }
0x199: {  	v19 =	vld [tilespmem:s26+$0x0]  }
0x19a: {  	v20 =	vld [tilespmem:s26+$0xFFFFFFA0]  }
0x19b: {  	v21 =	vld [tilespmem:s26+$0xFFFFFFB0]  }
0x19c: {  	v22 =	vld [tilespmem:s26+$0xFFFFFFC0]  }
0x19d: {  	v23 =	vld [tilespmem:s26+$0xFFFFFFD0];
	_ =	sdelay $0x1  }
0x19e: {  	v24 =	vld [tilespmem:s26+$0xFFFFFFE0];
	v19 =	vmul.f32 v19, v18  }
0x19f: {  	v25 =	vld [tilespmem:s26+$0xFFFFFFF0];
	v20 =	vmul.f32 v20, v18  }
0x1a0: {  	s14 =	simm.s32 $0x112F0;
	v26 =	vld [tilespmem:s26+$0xFFFFFF90];
	v21 =	vmul.f32 v21, v18;
	v19 =	vadd.f32 v19, v17  }
0x1a1: {  	v27 =	vld [tilespmem:s14+$0x0];
	v22 =	vmul.f32 v22, v18;
	v23 =	vmul.f32 v23, v18;
	v20 =	vadd.f32 v20, v17  }
0x1a2: {  	v28 =	vld [tilespmem:s14+$0xFFFFFFA0];
	v29 =	vadd.f32 v21, v17;
	[tilespmem:s8+$0x30] =	vst v19  }
0x1a3: {  	v30 =	vld [tilespmem:s14+$0xFFFFFFB0];
	v23 =	vadd.f32 v23, v17;
	[tilespmem:s8+$0xFFFFFFD0] =	vst v20;
	v19 =	vadd.f32 v22, v17;
	v22 =	vmul.f32 v24, v18  }
0x1a4: {  	v21 =	vld [tilespmem:s14+$0xFFFFFFC0];
	[tilespmem:s8+$0xFFFFFFE0] =	vst v29;
	v24 =	vmul.f32 v25, v18  }
0x1a5: {  	v26 =	vmul.f32 v26, v18;
	v20 =	vld [tilespmem:s14+$0xFFFFFFD0];
	[tilespmem:s8+$0x0] =	vst v23;
	v29 =	vadd.f32 v22, v17  }
0x1a6: {  	v31 =	vmul.f32 v27, v18;
	[tilespmem:s8+$0xFFFFFFF0] =	vst v19;
	v19 =	vld [tilespmem:s14+$0xFFFFFFE0];
	v32 =	vadd.f32 v24, v17  }
0x1a7: {  	v27 =	vadd.f32 v26, v17;
	v25 =	vmul.f32 v28, v18;
	v22 =	vld [tilespmem:s14+$0xFFFFFFF0];
	[tilespmem:s8+$0x10] =	vst v29  }
0x1a8: {  	s15 =	simm.s32 $0x11370;
	s6 =	simm.s32 $0x8;
	v26 =	vmul.f32 v30, v18;
	v23 =	vld [tilespmem:s14+$0xFFFFFF90];
	v24 =	vadd.f32 v31, v17;
	s14 =	smov.u32 s8;
	[tilespmem:s8+$0x20] =	vst v32  }
.LBB2_41:
0x1a9: {  	v28 =	vld [tilespmem:s15+$0x0];
	s6 =	sadd.s32 $0x8, s6;
	v25 =	vadd.f32 v25, v17;
	v21 =	vmul.f32 v21, v18;
	[tilespmem:s14+$0xFFFFFFC0] =	vst v27;
	s14 =	sadd.s32 $0x80, s14  }
0x1aa: {  	v27 =	vld [tilespmem:s15+$0xFFFFFFA0];
	p0 =	slt.u32 s6, $0x18;
	v26 =	vadd.f32 v26, v17;
	v20 =	vmul.f32 v20, v18;
	[tilespmem:s14+$0x30] =	vst v24  }
0x1ab: {  	v24 =	vld [tilespmem:s15+$0xFFFFFFB0];
	[tilespmem:s14+$0xFFFFFFD0] =	vst v25;
	v25 =	vadd.f32 v21, v17;
	v19 =	vmul.f32 v19, v18  }
.Ltmp19:
0x1ac: {  	v21 =	vld [tilespmem:s15+$0xFFFFFFC0];
	[tilespmem:s14+$0xFFFFFFE0] =	vst v26;
	v26 =	vadd.f32 v20, v17;
	v22 =	vmul.f32 v22, v18;
	(pc) =	sbr.rel @p0 .LBB2_41-.Ltmp19, $4  }
0x1ad: {  	v20 =	vld [tilespmem:s15+$0xFFFFFFD0];
	v23 =	vmul.f32 v23, v18;
	[tilespmem:s14+$0xFFFFFFF0] =	vst v25;
	v29 =	vadd.f32 v19, v17  }
0x1ae: {  	v19 =	vld [tilespmem:s15+$0xFFFFFFE0];
	v28 =	vmul.f32 v28, v18;
	[tilespmem:s14+$0x0] =	vst v26;
	v30 =	vadd.f32 v22, v17  }
0x1af: {  	v25 =	vmul.f32 v27, v18;
	v22 =	vld [tilespmem:s15+$0xFFFFFFF0];
	v27 =	vadd.f32 v23, v17;
	[tilespmem:s14+$0x10] =	vst v29  }
0x1b0: {  	v23 =	vld [tilespmem:s15+$0xFFFFFF90];
	v26 =	vmul.f32 v24, v18;
	v24 =	vadd.f32 v28, v17;
	s15 =	sadd.s32 $0x80, s15;
	[tilespmem:s14+$0x20] =	vst v30  }
0x1b1: {  	v25 =	vadd.f32 v25, v17;
	v21 =	vmul.f32 v21, v18;
	[tilespmem:s14+$0xFFFFFFC0] =	vst v27;
	s6 =	sadd.s32 $0x80, s14  }
0x1b2: {  	v26 =	vadd.f32 v26, v17;
	v20 =	vmul.f32 v20, v18;
	[tilespmem:s6+$0x30] =	vst v24  }
0x1b3: {  	s1 =	sadd.s32 $0x1, s1;
	[tilespmem:s6+$0xFFFFFFD0] =	vst v25;
	v21 =	vadd.f32 v21, v17;
	v19 =	vmul.f32 v19, v18  }
0x1b4: {  	p0 =	sne.s32 s1, $0x20;
	[tilespmem:s6+$0xFFFFFFE0] =	vst v26;
	v20 =	vadd.f32 v20, v17;
	v22 =	vmul.f32 v22, v18  }
.Ltmp20:
0x1b5: {  	v62 =	vmul.f32 v23, v18;
	[tilespmem:s6+$0xFFFFFFF0] =	vst v21;
	v19 =	vadd.f32 v19, v17;
	(pc) =	sbr.rel @p0 .LBB2_40-.Ltmp20, $4  }
0x1b6: {  	[tilespmem:s6+$0x0] =	vst v20;
	v63 =	vadd.f32 v22, v17  }
0x1b7: {  	v17 =	vadd.f32 v62, v17;
	[tilespmem:s6+$0x10] =	vst v19  }
0x1b8: {  	[tilespmem:s6+$0x20] =	vst v63  }
0x1b9: {  	s8 =	sadd.s32 $0x208, s8;
	[tilespmem:s6+$0xFFFFFFC0] =	vst v17  }
0x1ba: {  	s1 =	simm.s32 $0x8400  }
0x1bb: {  	s6 =	simm.s32 $0x800;
	s14 =	sadd.s32 $0x0, s3;
	s8 =	simm.s32 $0x8608  }
.LBB2_44:
0x1bc: {  	[hbm4b:s14+s2] =	stream.linear.scatter [tilespmem:s1], [sflag:$0x3], $0x200, $0x38;
	[tilespmem:$0x15740] =	vst v63  }
0x1bd: {  	s14 =	smov.u32 s6;
	s1 =	smov.u32 s8;
	p0 =	sne.s32 s6, $0xF800  }
.Ltmp21:
0x1be: {  	s6 =	sadd.s32 $0x800, s6;
	(pc) =	sbr.rel @p0 .LBB2_44-.Ltmp21, $2  }
0x1bf: {  	_ =	sdelay $0x2  }
0x1c0: {  	s8 =	sadd.s32 $0x208, s8;
	s14 =	sadd.s32 s14, s3  }
0x1c1: {  	[hbm4b:s14+s2] =	stream.linear.scatter [tilespmem:s1], [sflag:$0x3], $0x200, $0x38;
	[tilespmem:$0x15740] =	vst v63  }
0x1c2: {  	_ =	swait.ge [sflag:s16], $0x200  }
0x1c3: {  	[sflag:s16] =	ssyncset.done $0x0  }
0x1c4: {  	[sflag:s16] =	ssyncadd.s32 $0xFFFFFE00  }
0x1c5: {  	_ =	swait.ge [sflag:s20], $0x4000  }
0x1c6: {  	[sflag:s20] =	ssyncset.done $0x0  }
0x1c7: {  	s1 =	simm.s32 $0x0;
	s8 =	simm.s32 $0x8400;
	[sflag:s20] =	ssyncadd.s32 $0xFFFFC000  }
.LBB2_46:
0x1c8: {  	s6 =	sshll.u32 s1, $0x4  }
0x1c9: {  	v19 =	vld [tilespmem:s6+$0x12E00]  }
0x1ca: {  	v17 =	vld [tilespmem:s6+$0x14800];
	s6 =	simm.s32 $0x0  }
0x1cb: {  	v20 =	vld [tilespmem:s6+$0x11470]  }
0x1cc: {  	v21 =	vld [tilespmem:s6+$0x11400]  }
0x1cd: {  	v22 =	vld [tilespmem:s6+$0x11410]  }
0x1ce: {  	v23 =	vld [tilespmem:s6+$0x11420]  }
0x1cf: {  	v18 =	vmov s8;
	v24 =	vld [tilespmem:s6+$0x11430]  }
0x1d0: {  	v25 =	vld [tilespmem:s6+$0x11440];
	v20 =	vmul.f32 v20, v19  }
0x1d1: {  	v26 =	vld [tilespmem:s6+$0x11450];
	v21 =	vmul.f32 v21, v19  }
0x1d2: {  	s14 =	simm.s32 $0x80;
	v27 =	vld [tilespmem:s6+$0x11460];
	v22 =	vmul.f32 v22, v19;
	v20 =	vadd.f32 v20, v17  }
0x1d3: {  	v28 =	vld [tilespmem:s14+$0x11470];
	v23 =	vmul.f32 v23, v19;
	v21 =	vadd.f32 v21, v17  }
0x1d4: {  	v29 =	vld [tilespmem:s14+$0x11400];
	v31 =	vmul.f32 v24, v19;
	v30 =	vadd.f32 v22, v17;
	[tilespmem:v18+s6+$0x4170 ss:$0x1] =	vst.idx.msk $0xffff, v20  }
0x1d5: {  	v24 =	vld [tilespmem:s14+$0x11410];
	[tilespmem:v18+s6+$0x4100 ss:$0x1] =	vst.idx.msk $0xffff, v21;
	v20 =	vadd.f32 v23, v17;
	v23 =	vmul.f32 v25, v19  }
0x1d6: {  	v26 =	vmul.f32 v26, v19;
	v22 =	vld [tilespmem:s14+$0x11420];
	[tilespmem:v18+s6+$0x4110 ss:$0x1] =	vst.idx.msk $0xffff, v30;
	v30 =	vadd.f32 v31, v17  }
0x1d7: {  	v32 =	vmul.f32 v27, v19;
	v21 =	vld [tilespmem:s14+$0x11430];
	[tilespmem:v18+s6+$0x4120 ss:$0x1] =	vst.idx.msk $0xffff, v20;
	v31 =	vadd.f32 v23, v17  }
0x1d8: {  	v27 =	vadd.f32 v26, v17;
	v25 =	vmul.f32 v28, v19;
	v20 =	vld [tilespmem:s14+$0x11440];
	[tilespmem:v18+s6+$0x4130 ss:$0x1] =	vst.idx.msk $0xffff, v30  }
0x1d9: {  	s15 =	simm.s32 $0x8;
	s17 =	simm.s32 $0x400;
	v26 =	vmul.f32 v29, v19;
	v28 =	vadd.f32 v32, v17;
	v23 =	vld [tilespmem:s14+$0x11450];
	[tilespmem:v18+s6+$0x4140 ss:$0x1] =	vst.idx.msk $0xffff, v31  }
.LBB2_47:
0x1da: {  	s18 =	sshra.s32 s17, $0x2;
	s15 =	sadd.s32 $0x8, s15;
	v24 =	vmul.f32 v24, v19;
	v29 =	vld [tilespmem:s14+$0x11460];
	v25 =	vadd.f32 v25, v17;
	[tilespmem:v18+s6+$0x4150 ss:$0x1] =	vst.idx.msk $0xffff, v27  }
0x1db: {  	v27 =	vld [tilespmem:s18+$0x11470];
	p0 =	slt.u32 s15, $0x18;
	v26 =	vadd.f32 v26, v17;
	v22 =	vmul.f32 v22, v19;
	[tilespmem:v18+s6+$0x4160 ss:$0x1] =	vst.idx.msk $0xffff, v28;
	s6 =	smov.u32 s14;
	s14 =	smov.u32 s18  }
0x1dc: {  	v28 =	vld [tilespmem:s14+$0x11400];
	v30 =	vadd.f32 v24, v17;
	v21 =	vmul.f32 v21, v19;
	[tilespmem:v18+s6+$0x4170 ss:$0x1] =	vst.idx.msk $0xffff, v25  }
.Ltmp22:
0x1dd: {  	v24 =	vld [tilespmem:s14+$0x11410];
	[tilespmem:v18+s6+$0x4100 ss:$0x1] =	vst.idx.msk $0xffff, v26;
	v25 =	vadd.f32 v22, v17;
	v20 =	vmul.f32 v20, v19;
	(pc) =	sbr.rel @p0 .LBB2_47-.Ltmp22, $4  }
0x1de: {  	v22 =	vld [tilespmem:s14+$0x11420];
	[tilespmem:v18+s6+$0x4110 ss:$0x1] =	vst.idx.msk $0xffff, v30;
	v26 =	vadd.f32 v21, v17;
	v23 =	vmul.f32 v23, v19  }
0x1df: {  	v21 =	vld [tilespmem:s14+$0x11430];
	[tilespmem:v18+s6+$0x4120 ss:$0x1] =	vst.idx.msk $0xffff, v25;
	v30 =	vadd.f32 v20, v17;
	v29 =	vmul.f32 v29, v19  }
0x1e0: {  	v20 =	vld [tilespmem:s14+$0x11440];
	v25 =	vmul.f32 v27, v19;
	[tilespmem:v18+s6+$0x4130 ss:$0x1] =	vst.idx.msk $0xffff, v26;
	v27 =	vadd.f32 v23, v17  }
0x1e1: {  	s17 =	sadd.s32 $0x200, s17;
	v26 =	vmul.f32 v28, v19;
	v23 =	vld [tilespmem:s14+$0x11450];
	[tilespmem:v18+s6+$0x4140 ss:$0x1] =	vst.idx.msk $0xffff, v30;
	v28 =	vadd.f32 v29, v17  }
0x1e2: {  	_ =	sdelay $0x3  }
0x1e3: {  	v24 =	vmul.f32 v24, v19;
	v29 =	vld [tilespmem:s14+$0x11460];
	v25 =	vadd.f32 v25, v17;
	[tilespmem:v18+s6+$0x4150 ss:$0x1] =	vst.idx.msk $0xffff, v27  }
0x1e4: {  	v26 =	vadd.f32 v26, v17;
	v22 =	vmul.f32 v22, v19;
	[tilespmem:v18+s6+$0x4160 ss:$0x1] =	vst.idx.msk $0xffff, v28  }
0x1e5: {  	v24 =	vadd.f32 v24, v17;
	v21 =	vmul.f32 v21, v19;
	[tilespmem:v18+s14+$0x4170 ss:$0x1] =	vst.idx.msk $0xffff, v25  }
0x1e6: {  	s1 =	sadd.s32 $0x1, s1;
	[tilespmem:v18+s14+$0x4100 ss:$0x1] =	vst.idx.msk $0xffff, v26;
	v22 =	vadd.f32 v22, v17;
	v20 =	vmul.f32 v20, v19  }
0x1e7: {  	p0 =	sne.s32 s1, $0x20;
	[tilespmem:v18+s14+$0x4110 ss:$0x1] =	vst.idx.msk $0xffff, v24;
	v21 =	vadd.f32 v21, v17;
	v23 =	vmul.f32 v23, v19  }
.Ltmp23:
0x1e8: {  	[tilespmem:v18+s14+$0x4120 ss:$0x1] =	vst.idx.msk $0xffff, v22;
	v20 =	vadd.f32 v20, v17;
	v62 =	vmul.f32 v29, v19;
	(pc) =	sbr.rel @p0 .LBB2_46-.Ltmp23, $4  }
0x1e9: {  	[tilespmem:v18+s14+$0x4130 ss:$0x1] =	vst.idx.msk $0xffff, v21;
	v63 =	vadd.f32 v23, v17  }
0x1ea: {  	[tilespmem:v18+s14+$0x4140 ss:$0x1] =	vst.idx.msk $0xffff, v20;
	v17 =	vadd.f32 v62, v17  }
0x1eb: {  	[tilespmem:v18+s14+$0x4150 ss:$0x1] =	vst.idx.msk $0xffff, v63  }
0x1ec: {  	s8 =	sadd.s32 $0x208, s8;
	[tilespmem:v18+s14+$0x4160 ss:$0x1] =	vst.idx.msk $0xffff, v17  }
0x1ed: {  	s1 =	simm.s32 $0xC500  }
0x1ee: {  	s6 =	simm.s32 $0x800;
	s14 =	sadd.s32 $0x0, s4;
	s8 =	simm.s32 $0xC708  }
.LBB2_50:
0x1ef: {  	[hbm4b:s14+s2] =	stream.linear.scatter [tilespmem:s1], [sflag:$0x4], $0x200, $0x38;
	[tilespmem:$0x15740] =	vst v63  }
0x1f0: {  	s14 =	smov.u32 s6;
	s1 =	smov.u32 s8;
	p0 =	sne.s32 s6, $0xF800  }
.Ltmp24:
0x1f1: {  	s6 =	sadd.s32 $0x800, s6;
	(pc) =	sbr.rel @p0 .LBB2_50-.Ltmp24, $2  }
0x1f2: {  	_ =	sdelay $0x2  }
0x1f3: {  	s8 =	sadd.s32 $0x208, s8;
	s14 =	sadd.s32 s14, s4  }
0x1f4: {  	[hbm4b:s14+s2] =	stream.linear.scatter [tilespmem:s1], [sflag:$0x4], $0x200, $0x38;
	[tilespmem:$0x15740] =	vst v63  }
0x1f5: {  	_ =	swait.ge [sflag:s16], $0x200  }
0x1f6: {  	[sflag:s16] =	ssyncset.done $0x0  }
0x1f7: {  	[sflag:s16] =	ssyncadd.s32 $0xFFFFFE00  }
0x1f8: {  	_ =	swait.ge [sflag:s19], $0x4000  }
0x1f9: {  	[sflag:s19] =	ssyncset.done $0x0  }
0x1fa: {  	s1 =	simm.s32 $0x0;
	s8 =	simm.s32 $0x8440;
	[sflag:s19] =	ssyncadd.s32 $0xFFFFC000  }
.LBB2_52:
0x1fb: {  	s6 =	sshll.u32 s1, $0x4  }
0x1fc: {  	v18 =	vld [tilespmem:s6+$0x13000]  }
0x1fd: {  	s26 =	simm.s32 $0x11670;
	v17 =	vld [tilespmem:s6+$0x14A00]  }
0x1fe: {  	v19 =	vld [tilespmem:s26+$0x0]  }
0x1ff: {  	v20 =	vld [tilespmem:s26+$0xFFFFFFA0]  }
0x200: {  	v21 =	vld [tilespmem:s26+$0xFFFFFFB0]  }
0x201: {  	v22 =	vld [tilespmem:s26+$0xFFFFFFC0]  }
0x202: {  	v23 =	vld [tilespmem:s26+$0xFFFFFFD0];
	_ =	sdelay $0x1  }
0x203: {  	v24 =	vld [tilespmem:s26+$0xFFFFFFE0];
	v19 =	vmul.f32 v19, v18  }
0x204: {  	v25 =	vld [tilespmem:s26+$0xFFFFFFF0];
	v20 =	vmul.f32 v20, v18  }
0x205: {  	s14 =	simm.s32 $0x116F0;
	v26 =	vld [tilespmem:s26+$0xFFFFFF90];
	v21 =	vmul.f32 v21, v18;
	v19 =	vadd.f32 v19, v17  }
0x206: {  	v27 =	vld [tilespmem:s14+$0x0];
	v22 =	vmul.f32 v22, v18;
	v23 =	vmul.f32 v23, v18;
	v20 =	vadd.f32 v20, v17  }
0x207: {  	v28 =	vld [tilespmem:s14+$0xFFFFFFA0];
	v29 =	vadd.f32 v21, v17;
	[tilespmem:s8+$0x30] =	vst v19  }
0x208: {  	v30 =	vld [tilespmem:s14+$0xFFFFFFB0];
	v23 =	vadd.f32 v23, v17;
	[tilespmem:s8+$0xFFFFFFD0] =	vst v20;
	v19 =	vadd.f32 v22, v17;
	v22 =	vmul.f32 v24, v18  }
0x209: {  	v21 =	vld [tilespmem:s14+$0xFFFFFFC0];
	[tilespmem:s8+$0xFFFFFFE0] =	vst v29;
	v24 =	vmul.f32 v25, v18  }
0x20a: {  	v26 =	vmul.f32 v26, v18;
	v20 =	vld [tilespmem:s14+$0xFFFFFFD0];
	[tilespmem:s8+$0x0] =	vst v23;
	v29 =	vadd.f32 v22, v17  }
0x20b: {  	v31 =	vmul.f32 v27, v18;
	[tilespmem:s8+$0xFFFFFFF0] =	vst v19;
	v19 =	vld [tilespmem:s14+$0xFFFFFFE0];
	v32 =	vadd.f32 v24, v17  }
0x20c: {  	v27 =	vadd.f32 v26, v17;
	v25 =	vmul.f32 v28, v18;
	v22 =	vld [tilespmem:s14+$0xFFFFFFF0];
	[tilespmem:s8+$0x10] =	vst v29  }
0x20d: {  	s15 =	simm.s32 $0x11770;
	s6 =	simm.s32 $0x8;
	v26 =	vmul.f32 v30, v18;
	v23 =	vld [tilespmem:s14+$0xFFFFFF90];
	v24 =	vadd.f32 v31, v17;
	s14 =	smov.u32 s8;
	[tilespmem:s8+$0x20] =	vst v32  }
.LBB2_53:
0x20e: {  	v28 =	vld [tilespmem:s15+$0x0];
	s6 =	sadd.s32 $0x8, s6;
	v25 =	vadd.f32 v25, v17;
	v21 =	vmul.f32 v21, v18;
	[tilespmem:s14+$0xFFFFFFC0] =	vst v27;
	s14 =	sadd.s32 $0x80, s14  }
0x20f: {  	v27 =	vld [tilespmem:s15+$0xFFFFFFA0];
	p0 =	slt.u32 s6, $0x18;
	v26 =	vadd.f32 v26, v17;
	v20 =	vmul.f32 v20, v18;
	[tilespmem:s14+$0x30] =	vst v24  }
0x210: {  	v24 =	vld [tilespmem:s15+$0xFFFFFFB0];
	[tilespmem:s14+$0xFFFFFFD0] =	vst v25;
	v25 =	vadd.f32 v21, v17;
	v19 =	vmul.f32 v19, v18  }
.Ltmp25:
0x211: {  	v21 =	vld [tilespmem:s15+$0xFFFFFFC0];
	[tilespmem:s14+$0xFFFFFFE0] =	vst v26;
	v26 =	vadd.f32 v20, v17;
	v22 =	vmul.f32 v22, v18;
	(pc) =	sbr.rel @p0 .LBB2_53-.Ltmp25, $4  }
0x212: {  	v20 =	vld [tilespmem:s15+$0xFFFFFFD0];
	v23 =	vmul.f32 v23, v18;
	[tilespmem:s14+$0xFFFFFFF0] =	vst v25;
	v29 =	vadd.f32 v19, v17  }
0x213: {  	v19 =	vld [tilespmem:s15+$0xFFFFFFE0];
	v28 =	vmul.f32 v28, v18;
	[tilespmem:s14+$0x0] =	vst v26;
	v30 =	vadd.f32 v22, v17  }
0x214: {  	v25 =	vmul.f32 v27, v18;
	v22 =	vld [tilespmem:s15+$0xFFFFFFF0];
	v27 =	vadd.f32 v23, v17;
	[tilespmem:s14+$0x10] =	vst v29  }
0x215: {  	v23 =	vld [tilespmem:s15+$0xFFFFFF90];
	v26 =	vmul.f32 v24, v18;
	v24 =	vadd.f32 v28, v17;
	s15 =	sadd.s32 $0x80, s15;
	[tilespmem:s14+$0x20] =	vst v30  }
0x216: {  	v25 =	vadd.f32 v25, v17;
	v21 =	vmul.f32 v21, v18;
	[tilespmem:s14+$0xFFFFFFC0] =	vst v27;
	s6 =	sadd.s32 $0x80, s14  }
0x217: {  	v26 =	vadd.f32 v26, v17;
	v20 =	vmul.f32 v20, v18;
	[tilespmem:s6+$0x30] =	vst v24  }
0x218: {  	s1 =	sadd.s32 $0x1, s1;
	[tilespmem:s6+$0xFFFFFFD0] =	vst v25;
	v21 =	vadd.f32 v21, v17;
	v19 =	vmul.f32 v19, v18  }
0x219: {  	p0 =	sne.s32 s1, $0x20;
	[tilespmem:s6+$0xFFFFFFE0] =	vst v26;
	v20 =	vadd.f32 v20, v17;
	v22 =	vmul.f32 v22, v18  }
.Ltmp26:
0x21a: {  	v62 =	vmul.f32 v23, v18;
	[tilespmem:s6+$0xFFFFFFF0] =	vst v21;
	v19 =	vadd.f32 v19, v17;
	(pc) =	sbr.rel @p0 .LBB2_52-.Ltmp26, $4  }
0x21b: {  	[tilespmem:s6+$0x0] =	vst v20;
	v63 =	vadd.f32 v22, v17  }
0x21c: {  	v17 =	vadd.f32 v62, v17;
	[tilespmem:s6+$0x10] =	vst v19  }
0x21d: {  	[tilespmem:s6+$0x20] =	vst v63  }
0x21e: {  	s8 =	sadd.s32 $0x208, s8;
	[tilespmem:s6+$0xFFFFFFC0] =	vst v17  }
0x21f: {  	s1 =	simm.s32 $0x8400  }
0x220: {  	s6 =	simm.s32 $0x800;
	s14 =	sadd.s32 $0x0, s5;
	s8 =	simm.s32 $0x8608  }
.LBB2_56:
0x221: {  	[hbm4b:s14+s2] =	stream.linear.scatter [tilespmem:s1], [sflag:$0x3], $0x200, $0x38;
	[tilespmem:$0x15740] =	vst v63  }
0x222: {  	s14 =	smov.u32 s6;
	s1 =	smov.u32 s8;
	p0 =	sne.s32 s6, $0xF800  }
.Ltmp27:
0x223: {  	s6 =	sadd.s32 $0x800, s6;
	(pc) =	sbr.rel @p0 .LBB2_56-.Ltmp27, $2  }
0x224: {  	_ =	sdelay $0x2  }
0x225: {  	s8 =	sadd.s32 $0x208, s8;
	s14 =	sadd.s32 s14, s5  }
0x226: {  	[hbm4b:s14+s2] =	stream.linear.scatter [tilespmem:s1], [sflag:$0x3], $0x200, $0x38;
	[tilespmem:$0x15740] =	vst v63  }
0x227: {  	_ =	swait.ge [sflag:s16], $0x200  }
0x228: {  	[sflag:s16] =	ssyncset.done $0x0  }
0x229: {  	[sflag:s16] =	ssyncadd.s32 $0xFFFFFE00  }
0x22a: {  	_ =	swait.ge [sflag:s20], $0x4000  }
0x22b: {  	[sflag:s20] =	ssyncset.done $0x0  }
0x22c: {  	s1 =	simm.s32 $0x0;
	s8 =	simm.s32 $0x8400;
	[sflag:s20] =	ssyncadd.s32 $0xFFFFC000  }
.LBB2_58:
0x22d: {  	s6 =	sshll.u32 s1, $0x4  }
0x22e: {  	v19 =	vld [tilespmem:s6+$0x13200]  }
0x22f: {  	v17 =	vld [tilespmem:s6+$0x14C00];
	s6 =	simm.s32 $0x0  }
0x230: {  	v20 =	vld [tilespmem:s6+$0x11870]  }
0x231: {  	v21 =	vld [tilespmem:s6+$0x11800]  }
0x232: {  	v22 =	vld [tilespmem:s6+$0x11810]  }
0x233: {  	v23 =	vld [tilespmem:s6+$0x11820]  }
0x234: {  	v18 =	vmov s8;
	v24 =	vld [tilespmem:s6+$0x11830]  }
0x235: {  	v25 =	vld [tilespmem:s6+$0x11840];
	v20 =	vmul.f32 v20, v19  }
0x236: {  	v26 =	vld [tilespmem:s6+$0x11850];
	v21 =	vmul.f32 v21, v19  }
0x237: {  	s14 =	simm.s32 $0x80;
	v27 =	vld [tilespmem:s6+$0x11860];
	v22 =	vmul.f32 v22, v19;
	v20 =	vadd.f32 v20, v17  }
0x238: {  	v28 =	vld [tilespmem:s14+$0x11870];
	v23 =	vmul.f32 v23, v19;
	v21 =	vadd.f32 v21, v17  }
0x239: {  	v29 =	vld [tilespmem:s14+$0x11800];
	v31 =	vmul.f32 v24, v19;
	v30 =	vadd.f32 v22, v17;
	[tilespmem:v18+s6+$0x4170 ss:$0x1] =	vst.idx.msk $0xffff, v20  }
0x23a: {  	v24 =	vld [tilespmem:s14+$0x11810];
	[tilespmem:v18+s6+$0x4100 ss:$0x1] =	vst.idx.msk $0xffff, v21;
	v20 =	vadd.f32 v23, v17;
	v23 =	vmul.f32 v25, v19  }
0x23b: {  	v26 =	vmul.f32 v26, v19;
	v22 =	vld [tilespmem:s14+$0x11820];
	[tilespmem:v18+s6+$0x4110 ss:$0x1] =	vst.idx.msk $0xffff, v30;
	v30 =	vadd.f32 v31, v17  }
0x23c: {  	v32 =	vmul.f32 v27, v19;
	v21 =	vld [tilespmem:s14+$0x11830];
	[tilespmem:v18+s6+$0x4120 ss:$0x1] =	vst.idx.msk $0xffff, v20;
	v31 =	vadd.f32 v23, v17  }
0x23d: {  	v27 =	vadd.f32 v26, v17;
	v25 =	vmul.f32 v28, v19;
	v20 =	vld [tilespmem:s14+$0x11840];
	[tilespmem:v18+s6+$0x4130 ss:$0x1] =	vst.idx.msk $0xffff, v30  }
0x23e: {  	s15 =	simm.s32 $0x8;
	s17 =	simm.s32 $0x400;
	v26 =	vmul.f32 v29, v19;
	v28 =	vadd.f32 v32, v17;
	v23 =	vld [tilespmem:s14+$0x11850];
	[tilespmem:v18+s6+$0x4140 ss:$0x1] =	vst.idx.msk $0xffff, v31  }
.LBB2_59:
0x23f: {  	s18 =	sshra.s32 s17, $0x2;
	s15 =	sadd.s32 $0x8, s15;
	v24 =	vmul.f32 v24, v19;
	v29 =	vld [tilespmem:s14+$0x11860];
	v25 =	vadd.f32 v25, v17;
	[tilespmem:v18+s6+$0x4150 ss:$0x1] =	vst.idx.msk $0xffff, v27  }
0x240: {  	v27 =	vld [tilespmem:s18+$0x11870];
	p0 =	slt.u32 s15, $0x18;
	v26 =	vadd.f32 v26, v17;
	v22 =	vmul.f32 v22, v19;
	[tilespmem:v18+s6+$0x4160 ss:$0x1] =	vst.idx.msk $0xffff, v28;
	s6 =	smov.u32 s14;
	s14 =	smov.u32 s18  }
0x241: {  	v28 =	vld [tilespmem:s14+$0x11800];
	v30 =	vadd.f32 v24, v17;
	v21 =	vmul.f32 v21, v19;
	[tilespmem:v18+s6+$0x4170 ss:$0x1] =	vst.idx.msk $0xffff, v25  }
.Ltmp28:
0x242: {  	v24 =	vld [tilespmem:s14+$0x11810];
	[tilespmem:v18+s6+$0x4100 ss:$0x1] =	vst.idx.msk $0xffff, v26;
	v25 =	vadd.f32 v22, v17;
	v20 =	vmul.f32 v20, v19;
	(pc) =	sbr.rel @p0 .LBB2_59-.Ltmp28, $4  }
0x243: {  	v22 =	vld [tilespmem:s14+$0x11820];
	[tilespmem:v18+s6+$0x4110 ss:$0x1] =	vst.idx.msk $0xffff, v30;
	v26 =	vadd.f32 v21, v17;
	v23 =	vmul.f32 v23, v19  }
0x244: {  	v21 =	vld [tilespmem:s14+$0x11830];
	[tilespmem:v18+s6+$0x4120 ss:$0x1] =	vst.idx.msk $0xffff, v25;
	v30 =	vadd.f32 v20, v17;
	v29 =	vmul.f32 v29, v19  }
0x245: {  	v20 =	vld [tilespmem:s14+$0x11840];
	v25 =	vmul.f32 v27, v19;
	[tilespmem:v18+s6+$0x4130 ss:$0x1] =	vst.idx.msk $0xffff, v26;
	v27 =	vadd.f32 v23, v17  }
0x246: {  	s17 =	sadd.s32 $0x200, s17;
	v26 =	vmul.f32 v28, v19;
	v23 =	vld [tilespmem:s14+$0x11850];
	[tilespmem:v18+s6+$0x4140 ss:$0x1] =	vst.idx.msk $0xffff, v30;
	v28 =	vadd.f32 v29, v17  }
0x247: {  	_ =	sdelay $0x3  }
0x248: {  	v24 =	vmul.f32 v24, v19;
	v29 =	vld [tilespmem:s14+$0x11860];
	v25 =	vadd.f32 v25, v17;
	[tilespmem:v18+s6+$0x4150 ss:$0x1] =	vst.idx.msk $0xffff, v27  }
0x249: {  	v26 =	vadd.f32 v26, v17;
	v22 =	vmul.f32 v22, v19;
	[tilespmem:v18+s6+$0x4160 ss:$0x1] =	vst.idx.msk $0xffff, v28  }
0x24a: {  	v24 =	vadd.f32 v24, v17;
	v21 =	vmul.f32 v21, v19;
	[tilespmem:v18+s14+$0x4170 ss:$0x1] =	vst.idx.msk $0xffff, v25  }
0x24b: {  	s1 =	sadd.s32 $0x1, s1;
	[tilespmem:v18+s14+$0x4100 ss:$0x1] =	vst.idx.msk $0xffff, v26;
	v22 =	vadd.f32 v22, v17;
	v20 =	vmul.f32 v20, v19  }
0x24c: {  	p0 =	sne.s32 s1, $0x20;
	[tilespmem:v18+s14+$0x4110 ss:$0x1] =	vst.idx.msk $0xffff, v24;
	v21 =	vadd.f32 v21, v17;
	v23 =	vmul.f32 v23, v19  }
.Ltmp29:
0x24d: {  	[tilespmem:v18+s14+$0x4120 ss:$0x1] =	vst.idx.msk $0xffff, v22;
	v20 =	vadd.f32 v20, v17;
	v62 =	vmul.f32 v29, v19;
	(pc) =	sbr.rel @p0 .LBB2_58-.Ltmp29, $4  }
0x24e: {  	[tilespmem:v18+s14+$0x4130 ss:$0x1] =	vst.idx.msk $0xffff, v21;
	v63 =	vadd.f32 v23, v17  }
0x24f: {  	[tilespmem:v18+s14+$0x4140 ss:$0x1] =	vst.idx.msk $0xffff, v20;
	v17 =	vadd.f32 v62, v17  }
0x250: {  	[tilespmem:v18+s14+$0x4150 ss:$0x1] =	vst.idx.msk $0xffff, v63  }
0x251: {  	s8 =	sadd.s32 $0x208, s8;
	[tilespmem:v18+s14+$0x4160 ss:$0x1] =	vst.idx.msk $0xffff, v17  }
0x252: {  	s1 =	simm.s32 $0xC500  }
0x253: {  	s6 =	simm.s32 $0x800;
	s14 =	sadd.s32 $0x0, s7;
	s8 =	simm.s32 $0xC708  }
.LBB2_62:
0x254: {  	[hbm4b:s14+s2] =	stream.linear.scatter [tilespmem:s1], [sflag:$0x4], $0x200, $0x38;
	[tilespmem:$0x15740] =	vst v63  }
0x255: {  	s14 =	smov.u32 s6;
	s1 =	smov.u32 s8;
	p0 =	sne.s32 s6, $0xF800  }
.Ltmp30:
0x256: {  	s6 =	sadd.s32 $0x800, s6;
	(pc) =	sbr.rel @p0 .LBB2_62-.Ltmp30, $2  }
0x257: {  	_ =	sdelay $0x2  }
0x258: {  	s8 =	sadd.s32 $0x208, s8;
	s14 =	sadd.s32 s14, s7  }
0x259: {  	[hbm4b:s14+s2] =	stream.linear.scatter [tilespmem:s1], [sflag:$0x4], $0x200, $0x38;
	[tilespmem:$0x15740] =	vst v63  }
0x25a: {  	_ =	swait.ge [sflag:s16], $0x200  }
0x25b: {  	[sflag:s16] =	ssyncset.done $0x0  }
0x25c: {  	[sflag:s16] =	ssyncadd.s32 $0xFFFFFE00  }
0x25d: {  	_ =	swait.ge [sflag:s19], $0x4000  }
0x25e: {  	[sflag:s19] =	ssyncset.done $0x0  }
0x25f: {  	s1 =	simm.s32 $0x0;
	s8 =	simm.s32 $0x8440;
	[sflag:s19] =	ssyncadd.s32 $0xFFFFC000  }
.LBB2_64:
0x260: {  	s6 =	sshll.u32 s1, $0x4  }
0x261: {  	v18 =	vld [tilespmem:s6+$0x13400]  }
0x262: {  	s26 =	simm.s32 $0x11A70;
	v17 =	vld [tilespmem:s6+$0x14E00]  }
0x263: {  	v19 =	vld [tilespmem:s26+$0x0]  }
0x264: {  	v20 =	vld [tilespmem:s26+$0xFFFFFFA0]  }
0x265: {  	v21 =	vld [tilespmem:s26+$0xFFFFFFB0]  }
0x266: {  	v22 =	vld [tilespmem:s26+$0xFFFFFFC0]  }
0x267: {  	v23 =	vld [tilespmem:s26+$0xFFFFFFD0];
	_ =	sdelay $0x1  }
0x268: {  	v24 =	vld [tilespmem:s26+$0xFFFFFFE0];
	v19 =	vmul.f32 v19, v18  }
0x269: {  	v25 =	vld [tilespmem:s26+$0xFFFFFFF0];
	v20 =	vmul.f32 v20, v18  }
0x26a: {  	s14 =	simm.s32 $0x11AF0;
	v26 =	vld [tilespmem:s26+$0xFFFFFF90];
	v21 =	vmul.f32 v21, v18;
	v19 =	vadd.f32 v19, v17  }
0x26b: {  	v27 =	vld [tilespmem:s14+$0x0];
	v22 =	vmul.f32 v22, v18;
	v23 =	vmul.f32 v23, v18;
	v20 =	vadd.f32 v20, v17  }
0x26c: {  	v28 =	vld [tilespmem:s14+$0xFFFFFFA0];
	v29 =	vadd.f32 v21, v17;
	[tilespmem:s8+$0x30] =	vst v19  }
0x26d: {  	v30 =	vld [tilespmem:s14+$0xFFFFFFB0];
	v23 =	vadd.f32 v23, v17;
	[tilespmem:s8+$0xFFFFFFD0] =	vst v20;
	v19 =	vadd.f32 v22, v17;
	v22 =	vmul.f32 v24, v18  }
0x26e: {  	v21 =	vld [tilespmem:s14+$0xFFFFFFC0];
	[tilespmem:s8+$0xFFFFFFE0] =	vst v29;
	v24 =	vmul.f32 v25, v18  }
0x26f: {  	v26 =	vmul.f32 v26, v18;
	v20 =	vld [tilespmem:s14+$0xFFFFFFD0];
	[tilespmem:s8+$0x0] =	vst v23;
	v29 =	vadd.f32 v22, v17  }
0x270: {  	v31 =	vmul.f32 v27, v18;
	[tilespmem:s8+$0xFFFFFFF0] =	vst v19;
	v19 =	vld [tilespmem:s14+$0xFFFFFFE0];
	v32 =	vadd.f32 v24, v17  }
0x271: {  	v27 =	vadd.f32 v26, v17;
	v25 =	vmul.f32 v28, v18;
	v22 =	vld [tilespmem:s14+$0xFFFFFFF0];
	[tilespmem:s8+$0x10] =	vst v29  }
0x272: {  	s15 =	simm.s32 $0x11B70;
	s6 =	simm.s32 $0x8;
	v26 =	vmul.f32 v30, v18;
	v23 =	vld [tilespmem:s14+$0xFFFFFF90];
	v24 =	vadd.f32 v31, v17;
	s14 =	smov.u32 s8;
	[tilespmem:s8+$0x20] =	vst v32  }
.LBB2_65:
0x273: {  	v28 =	vld [tilespmem:s15+$0x0];
	s6 =	sadd.s32 $0x8, s6;
	v25 =	vadd.f32 v25, v17;
	v21 =	vmul.f32 v21, v18;
	[tilespmem:s14+$0xFFFFFFC0] =	vst v27;
	s14 =	sadd.s32 $0x80, s14  }
0x274: {  	v27 =	vld [tilespmem:s15+$0xFFFFFFA0];
	p0 =	slt.u32 s6, $0x18;
	v26 =	vadd.f32 v26, v17;
	v20 =	vmul.f32 v20, v18;
	[tilespmem:s14+$0x30] =	vst v24  }
0x275: {  	v24 =	vld [tilespmem:s15+$0xFFFFFFB0];
	[tilespmem:s14+$0xFFFFFFD0] =	vst v25;
	v25 =	vadd.f32 v21, v17;
	v19 =	vmul.f32 v19, v18  }
.Ltmp31:
0x276: {  	v21 =	vld [tilespmem:s15+$0xFFFFFFC0];
	[tilespmem:s14+$0xFFFFFFE0] =	vst v26;
	v26 =	vadd.f32 v20, v17;
	v22 =	vmul.f32 v22, v18;
	(pc) =	sbr.rel @p0 .LBB2_65-.Ltmp31, $4  }
0x277: {  	v20 =	vld [tilespmem:s15+$0xFFFFFFD0];
	v23 =	vmul.f32 v23, v18;
	[tilespmem:s14+$0xFFFFFFF0] =	vst v25;
	v29 =	vadd.f32 v19, v17  }
0x278: {  	v19 =	vld [tilespmem:s15+$0xFFFFFFE0];
	v28 =	vmul.f32 v28, v18;
	[tilespmem:s14+$0x0] =	vst v26;
	v30 =	vadd.f32 v22, v17  }
0x279: {  	v25 =	vmul.f32 v27, v18;
	v22 =	vld [tilespmem:s15+$0xFFFFFFF0];
	v27 =	vadd.f32 v23, v17;
	[tilespmem:s14+$0x10] =	vst v29  }
0x27a: {  	v23 =	vld [tilespmem:s15+$0xFFFFFF90];
	v26 =	vmul.f32 v24, v18;
	v24 =	vadd.f32 v28, v17;
	s15 =	sadd.s32 $0x80, s15;
	[tilespmem:s14+$0x20] =	vst v30  }
0x27b: {  	v25 =	vadd.f32 v25, v17;
	v21 =	vmul.f32 v21, v18;
	[tilespmem:s14+$0xFFFFFFC0] =	vst v27;
	s6 =	sadd.s32 $0x80, s14  }
0x27c: {  	v26 =	vadd.f32 v26, v17;
	v20 =	vmul.f32 v20, v18;
	[tilespmem:s6+$0x30] =	vst v24  }
0x27d: {  	s1 =	sadd.s32 $0x1, s1;
	[tilespmem:s6+$0xFFFFFFD0] =	vst v25;
	v21 =	vadd.f32 v21, v17;
	v19 =	vmul.f32 v19, v18  }
0x27e: {  	p0 =	sne.s32 s1, $0x20;
	[tilespmem:s6+$0xFFFFFFE0] =	vst v26;
	v20 =	vadd.f32 v20, v17;
	v22 =	vmul.f32 v22, v18  }
.Ltmp32:
0x27f: {  	v62 =	vmul.f32 v23, v18;
	[tilespmem:s6+$0xFFFFFFF0] =	vst v21;
	v19 =	vadd.f32 v19, v17;
	(pc) =	sbr.rel @p0 .LBB2_64-.Ltmp32, $4  }
0x280: {  	[tilespmem:s6+$0x0] =	vst v20;
	v63 =	vadd.f32 v22, v17  }
0x281: {  	v17 =	vadd.f32 v62, v17;
	[tilespmem:s6+$0x10] =	vst v19  }
0x282: {  	[tilespmem:s6+$0x20] =	vst v63  }
0x283: {  	s8 =	sadd.s32 $0x208, s8;
	[tilespmem:s6+$0xFFFFFFC0] =	vst v17  }
0x284: {  	s1 =	simm.s32 $0x8400  }
0x285: {  	s6 =	simm.s32 $0x800;
	s14 =	sadd.s32 $0x0, s10;
	s8 =	simm.s32 $0x8608  }
.LBB2_68:
0x286: {  	[hbm4b:s14+s2] =	stream.linear.scatter [tilespmem:s1], [sflag:$0x3], $0x200, $0x38;
	[tilespmem:$0x15740] =	vst v63  }
0x287: {  	s14 =	smov.u32 s6;
	s1 =	smov.u32 s8;
	p0 =	sne.s32 s6, $0xF800  }
.Ltmp33:
0x288: {  	s6 =	sadd.s32 $0x800, s6;
	(pc) =	sbr.rel @p0 .LBB2_68-.Ltmp33, $2  }
0x289: {  	_ =	sdelay $0x2  }
0x28a: {  	s8 =	sadd.s32 $0x208, s8;
	s14 =	sadd.s32 s14, s10  }
0x28b: {  	[hbm4b:s14+s2] =	stream.linear.scatter [tilespmem:s1], [sflag:$0x3], $0x200, $0x38;
	[tilespmem:$0x15740] =	vst v63  }
0x28c: {  	_ =	swait.ge [sflag:s16], $0x200  }
0x28d: {  	[sflag:s16] =	ssyncset.done $0x0  }
0x28e: {  	[sflag:s16] =	ssyncadd.s32 $0xFFFFFE00  }
0x28f: {  	_ =	swait.ge [sflag:s20], $0x4000  }
0x290: {  	[sflag:s20] =	ssyncset.done $0x0  }
0x291: {  	s1 =	simm.s32 $0x0;
	s8 =	simm.s32 $0x8400;
	[sflag:s20] =	ssyncadd.s32 $0xFFFFC000  }
.LBB2_70:
0x292: {  	s6 =	sshll.u32 s1, $0x4  }
0x293: {  	v19 =	vld [tilespmem:s6+$0x13600]  }
0x294: {  	v17 =	vld [tilespmem:s6+$0x15000];
	s6 =	simm.s32 $0x0  }
0x295: {  	v20 =	vld [tilespmem:s6+$0x11C70]  }
0x296: {  	v21 =	vld [tilespmem:s6+$0x11C00]  }
0x297: {  	v22 =	vld [tilespmem:s6+$0x11C10]  }
0x298: {  	v23 =	vld [tilespmem:s6+$0x11C20]  }
0x299: {  	v18 =	vmov s8;
	v24 =	vld [tilespmem:s6+$0x11C30]  }
0x29a: {  	v25 =	vld [tilespmem:s6+$0x11C40];
	v20 =	vmul.f32 v20, v19  }
0x29b: {  	v26 =	vld [tilespmem:s6+$0x11C50];
	v21 =	vmul.f32 v21, v19  }
0x29c: {  	s14 =	simm.s32 $0x80;
	v27 =	vld [tilespmem:s6+$0x11C60];
	v22 =	vmul.f32 v22, v19;
	v20 =	vadd.f32 v20, v17  }
0x29d: {  	v28 =	vld [tilespmem:s14+$0x11C70];
	v23 =	vmul.f32 v23, v19;
	v21 =	vadd.f32 v21, v17  }
0x29e: {  	v29 =	vld [tilespmem:s14+$0x11C00];
	v31 =	vmul.f32 v24, v19;
	v30 =	vadd.f32 v22, v17;
	[tilespmem:v18+s6+$0x4170 ss:$0x1] =	vst.idx.msk $0xffff, v20  }
0x29f: {  	v24 =	vld [tilespmem:s14+$0x11C10];
	[tilespmem:v18+s6+$0x4100 ss:$0x1] =	vst.idx.msk $0xffff, v21;
	v20 =	vadd.f32 v23, v17;
	v23 =	vmul.f32 v25, v19  }
0x2a0: {  	v26 =	vmul.f32 v26, v19;
	v22 =	vld [tilespmem:s14+$0x11C20];
	[tilespmem:v18+s6+$0x4110 ss:$0x1] =	vst.idx.msk $0xffff, v30;
	v30 =	vadd.f32 v31, v17  }
0x2a1: {  	v32 =	vmul.f32 v27, v19;
	v21 =	vld [tilespmem:s14+$0x11C30];
	[tilespmem:v18+s6+$0x4120 ss:$0x1] =	vst.idx.msk $0xffff, v20;
	v31 =	vadd.f32 v23, v17  }
0x2a2: {  	v27 =	vadd.f32 v26, v17;
	v25 =	vmul.f32 v28, v19;
	v20 =	vld [tilespmem:s14+$0x11C40];
	[tilespmem:v18+s6+$0x4130 ss:$0x1] =	vst.idx.msk $0xffff, v30  }
0x2a3: {  	s15 =	simm.s32 $0x8;
	s17 =	simm.s32 $0x400;
	v26 =	vmul.f32 v29, v19;
	v28 =	vadd.f32 v32, v17;
	v23 =	vld [tilespmem:s14+$0x11C50];
	[tilespmem:v18+s6+$0x4140 ss:$0x1] =	vst.idx.msk $0xffff, v31  }
.LBB2_71:
0x2a4: {  	s18 =	sshra.s32 s17, $0x2;
	s15 =	sadd.s32 $0x8, s15;
	v24 =	vmul.f32 v24, v19;
	v29 =	vld [tilespmem:s14+$0x11C60];
	v25 =	vadd.f32 v25, v17;
	[tilespmem:v18+s6+$0x4150 ss:$0x1] =	vst.idx.msk $0xffff, v27  }
0x2a5: {  	v27 =	vld [tilespmem:s18+$0x11C70];
	p0 =	slt.u32 s15, $0x18;
	v26 =	vadd.f32 v26, v17;
	v22 =	vmul.f32 v22, v19;
	[tilespmem:v18+s6+$0x4160 ss:$0x1] =	vst.idx.msk $0xffff, v28;
	s6 =	smov.u32 s14;
	s14 =	smov.u32 s18  }
0x2a6: {  	v28 =	vld [tilespmem:s14+$0x11C00];
	v30 =	vadd.f32 v24, v17;
	v21 =	vmul.f32 v21, v19;
	[tilespmem:v18+s6+$0x4170 ss:$0x1] =	vst.idx.msk $0xffff, v25  }
.Ltmp34:
0x2a7: {  	v24 =	vld [tilespmem:s14+$0x11C10];
	[tilespmem:v18+s6+$0x4100 ss:$0x1] =	vst.idx.msk $0xffff, v26;
	v25 =	vadd.f32 v22, v17;
	v20 =	vmul.f32 v20, v19;
	(pc) =	sbr.rel @p0 .LBB2_71-.Ltmp34, $4  }
0x2a8: {  	v22 =	vld [tilespmem:s14+$0x11C20];
	[tilespmem:v18+s6+$0x4110 ss:$0x1] =	vst.idx.msk $0xffff, v30;
	v26 =	vadd.f32 v21, v17;
	v23 =	vmul.f32 v23, v19  }
0x2a9: {  	v21 =	vld [tilespmem:s14+$0x11C30];
	[tilespmem:v18+s6+$0x4120 ss:$0x1] =	vst.idx.msk $0xffff, v25;
	v30 =	vadd.f32 v20, v17;
	v29 =	vmul.f32 v29, v19  }
0x2aa: {  	v20 =	vld [tilespmem:s14+$0x11C40];
	v25 =	vmul.f32 v27, v19;
	[tilespmem:v18+s6+$0x4130 ss:$0x1] =	vst.idx.msk $0xffff, v26;
	v27 =	vadd.f32 v23, v17  }
0x2ab: {  	s17 =	sadd.s32 $0x200, s17;
	v26 =	vmul.f32 v28, v19;
	v23 =	vld [tilespmem:s14+$0x11C50];
	[tilespmem:v18+s6+$0x4140 ss:$0x1] =	vst.idx.msk $0xffff, v30;
	v28 =	vadd.f32 v29, v17  }
0x2ac: {  	_ =	sdelay $0x3  }
0x2ad: {  	v24 =	vmul.f32 v24, v19;
	v29 =	vld [tilespmem:s14+$0x11C60];
	v25 =	vadd.f32 v25, v17;
	[tilespmem:v18+s6+$0x4150 ss:$0x1] =	vst.idx.msk $0xffff, v27  }
0x2ae: {  	v26 =	vadd.f32 v26, v17;
	v22 =	vmul.f32 v22, v19;
	[tilespmem:v18+s6+$0x4160 ss:$0x1] =	vst.idx.msk $0xffff, v28  }
0x2af: {  	v24 =	vadd.f32 v24, v17;
	v21 =	vmul.f32 v21, v19;
	[tilespmem:v18+s14+$0x4170 ss:$0x1] =	vst.idx.msk $0xffff, v25  }
0x2b0: {  	s1 =	sadd.s32 $0x1, s1;
	[tilespmem:v18+s14+$0x4100 ss:$0x1] =	vst.idx.msk $0xffff, v26;
	v22 =	vadd.f32 v22, v17;
	v20 =	vmul.f32 v20, v19  }
0x2b1: {  	p0 =	sne.s32 s1, $0x20;
	[tilespmem:v18+s14+$0x4110 ss:$0x1] =	vst.idx.msk $0xffff, v24;
	v21 =	vadd.f32 v21, v17;
	v23 =	vmul.f32 v23, v19  }
.Ltmp35:
0x2b2: {  	[tilespmem:v18+s14+$0x4120 ss:$0x1] =	vst.idx.msk $0xffff, v22;
	v20 =	vadd.f32 v20, v17;
	v62 =	vmul.f32 v29, v19;
	(pc) =	sbr.rel @p0 .LBB2_70-.Ltmp35, $4  }
0x2b3: {  	[tilespmem:v18+s14+$0x4130 ss:$0x1] =	vst.idx.msk $0xffff, v21;
	v63 =	vadd.f32 v23, v17  }
0x2b4: {  	[tilespmem:v18+s14+$0x4140 ss:$0x1] =	vst.idx.msk $0xffff, v20;
	v17 =	vadd.f32 v62, v17  }
0x2b5: {  	[tilespmem:v18+s14+$0x4150 ss:$0x1] =	vst.idx.msk $0xffff, v63  }
0x2b6: {  	s8 =	sadd.s32 $0x208, s8;
	[tilespmem:v18+s14+$0x4160 ss:$0x1] =	vst.idx.msk $0xffff, v17  }
0x2b7: {  	s1 =	simm.s32 $0xC500  }
0x2b8: {  	s6 =	simm.s32 $0x800;
	s14 =	sadd.s32 $0x0, s12;
	s8 =	simm.s32 $0xC708  }
.LBB2_74:
0x2b9: {  	[hbm4b:s14+s2] =	stream.linear.scatter [tilespmem:s1], [sflag:$0x4], $0x200, $0x38;
	[tilespmem:$0x15740] =	vst v63  }
0x2ba: {  	s14 =	smov.u32 s6;
	s1 =	smov.u32 s8;
	p0 =	sne.s32 s6, $0xF800  }
.Ltmp36:
0x2bb: {  	s6 =	sadd.s32 $0x800, s6;
	(pc) =	sbr.rel @p0 .LBB2_74-.Ltmp36, $2  }
0x2bc: {  	_ =	sdelay $0x2  }
0x2bd: {  	s8 =	sadd.s32 $0x208, s8;
	s14 =	sadd.s32 s14, s12  }
0x2be: {  	[hbm4b:s14+s2] =	stream.linear.scatter [tilespmem:s1], [sflag:$0x4], $0x200, $0x38;
	[tilespmem:$0x15740] =	vst v63  }
0x2bf: {  	_ =	swait.ge [sflag:s16], $0x200  }
0x2c0: {  	[sflag:s16] =	ssyncset.done $0x0  }
0x2c1: {  	[sflag:s16] =	ssyncadd.s32 $0xFFFFFE00  }
0x2c2: {  	_ =	swait.ge [sflag:s19], $0x4000  }
0x2c3: {  	[sflag:s19] =	ssyncset.done $0x0  }
0x2c4: {  	s1 =	simm.s32 $0x0;
	s8 =	simm.s32 $0x8440;
	[sflag:s19] =	ssyncadd.s32 $0xFFFFC000  }
.LBB2_76:
0x2c5: {  	s6 =	sshll.u32 s1, $0x4  }
0x2c6: {  	v18 =	vld [tilespmem:s6+$0x13800]  }
0x2c7: {  	s26 =	simm.s32 $0x11E70;
	v17 =	vld [tilespmem:s6+$0x15200]  }
0x2c8: {  	v19 =	vld [tilespmem:s26+$0x0]  }
0x2c9: {  	v20 =	vld [tilespmem:s26+$0xFFFFFFA0]  }
0x2ca: {  	v21 =	vld [tilespmem:s26+$0xFFFFFFB0]  }
0x2cb: {  	v22 =	vld [tilespmem:s26+$0xFFFFFFC0]  }
0x2cc: {  	v23 =	vld [tilespmem:s26+$0xFFFFFFD0];
	_ =	sdelay $0x1  }
0x2cd: {  	v24 =	vld [tilespmem:s26+$0xFFFFFFE0];
	v19 =	vmul.f32 v19, v18  }
0x2ce: {  	v25 =	vld [tilespmem:s26+$0xFFFFFFF0];
	v20 =	vmul.f32 v20, v18  }
0x2cf: {  	s14 =	simm.s32 $0x11EF0;
	v26 =	vld [tilespmem:s26+$0xFFFFFF90];
	v21 =	vmul.f32 v21, v18;
	v19 =	vadd.f32 v19, v17  }
0x2d0: {  	v27 =	vld [tilespmem:s14+$0x0];
	v22 =	vmul.f32 v22, v18;
	v23 =	vmul.f32 v23, v18;
	v20 =	vadd.f32 v20, v17  }
0x2d1: {  	v28 =	vld [tilespmem:s14+$0xFFFFFFA0];
	v29 =	vadd.f32 v21, v17;
	[tilespmem:s8+$0x30] =	vst v19  }
0x2d2: {  	v30 =	vld [tilespmem:s14+$0xFFFFFFB0];
	v23 =	vadd.f32 v23, v17;
	[tilespmem:s8+$0xFFFFFFD0] =	vst v20;
	v19 =	vadd.f32 v22, v17;
	v22 =	vmul.f32 v24, v18  }
0x2d3: {  	v21 =	vld [tilespmem:s14+$0xFFFFFFC0];
	[tilespmem:s8+$0xFFFFFFE0] =	vst v29;
	v24 =	vmul.f32 v25, v18  }
0x2d4: {  	v26 =	vmul.f32 v26, v18;
	v20 =	vld [tilespmem:s14+$0xFFFFFFD0];
	[tilespmem:s8+$0x0] =	vst v23;
	v29 =	vadd.f32 v22, v17  }
0x2d5: {  	v31 =	vmul.f32 v27, v18;
	[tilespmem:s8+$0xFFFFFFF0] =	vst v19;
	v19 =	vld [tilespmem:s14+$0xFFFFFFE0];
	v32 =	vadd.f32 v24, v17  }
0x2d6: {  	v27 =	vadd.f32 v26, v17;
	v25 =	vmul.f32 v28, v18;
	v22 =	vld [tilespmem:s14+$0xFFFFFFF0];
	[tilespmem:s8+$0x10] =	vst v29  }
0x2d7: {  	s15 =	simm.s32 $0x11F70;
	s6 =	simm.s32 $0x8;
	v26 =	vmul.f32 v30, v18;
	v23 =	vld [tilespmem:s14+$0xFFFFFF90];
	v24 =	vadd.f32 v31, v17;
	s14 =	smov.u32 s8;
	[tilespmem:s8+$0x20] =	vst v32  }
.LBB2_77:
0x2d8: {  	v28 =	vld [tilespmem:s15+$0x0];
	s6 =	sadd.s32 $0x8, s6;
	v25 =	vadd.f32 v25, v17;
	v21 =	vmul.f32 v21, v18;
	[tilespmem:s14+$0xFFFFFFC0] =	vst v27;
	s14 =	sadd.s32 $0x80, s14  }
0x2d9: {  	v27 =	vld [tilespmem:s15+$0xFFFFFFA0];
	p0 =	slt.u32 s6, $0x18;
	v26 =	vadd.f32 v26, v17;
	v20 =	vmul.f32 v20, v18;
	[tilespmem:s14+$0x30] =	vst v24  }
0x2da: {  	v24 =	vld [tilespmem:s15+$0xFFFFFFB0];
	[tilespmem:s14+$0xFFFFFFD0] =	vst v25;
	v25 =	vadd.f32 v21, v17;
	v19 =	vmul.f32 v19, v18  }
.Ltmp37:
0x2db: {  	v21 =	vld [tilespmem:s15+$0xFFFFFFC0];
	[tilespmem:s14+$0xFFFFFFE0] =	vst v26;
	v26 =	vadd.f32 v20, v17;
	v22 =	vmul.f32 v22, v18;
	(pc) =	sbr.rel @p0 .LBB2_77-.Ltmp37, $4  }
0x2dc: {  	v20 =	vld [tilespmem:s15+$0xFFFFFFD0];
	v23 =	vmul.f32 v23, v18;
	[tilespmem:s14+$0xFFFFFFF0] =	vst v25;
	v29 =	vadd.f32 v19, v17  }
0x2dd: {  	v19 =	vld [tilespmem:s15+$0xFFFFFFE0];
	v28 =	vmul.f32 v28, v18;
	[tilespmem:s14+$0x0] =	vst v26;
	v30 =	vadd.f32 v22, v17  }
0x2de: {  	v25 =	vmul.f32 v27, v18;
	v22 =	vld [tilespmem:s15+$0xFFFFFFF0];
	v27 =	vadd.f32 v23, v17;
	[tilespmem:s14+$0x10] =	vst v29  }
0x2df: {  	v23 =	vld [tilespmem:s15+$0xFFFFFF90];
	v26 =	vmul.f32 v24, v18;
	v24 =	vadd.f32 v28, v17;
	s15 =	sadd.s32 $0x80, s15;
	[tilespmem:s14+$0x20] =	vst v30  }
0x2e0: {  	v25 =	vadd.f32 v25, v17;
	v21 =	vmul.f32 v21, v18;
	[tilespmem:s14+$0xFFFFFFC0] =	vst v27;
	s6 =	sadd.s32 $0x80, s14  }
0x2e1: {  	v26 =	vadd.f32 v26, v17;
	v20 =	vmul.f32 v20, v18;
	[tilespmem:s6+$0x30] =	vst v24  }
0x2e2: {  	s1 =	sadd.s32 $0x1, s1;
	[tilespmem:s6+$0xFFFFFFD0] =	vst v25;
	v21 =	vadd.f32 v21, v17;
	v19 =	vmul.f32 v19, v18  }
0x2e3: {  	p0 =	sne.s32 s1, $0x20;
	[tilespmem:s6+$0xFFFFFFE0] =	vst v26;
	v20 =	vadd.f32 v20, v17;
	v22 =	vmul.f32 v22, v18  }
.Ltmp38:
0x2e4: {  	v62 =	vmul.f32 v23, v18;
	[tilespmem:s6+$0xFFFFFFF0] =	vst v21;
	v19 =	vadd.f32 v19, v17;
	(pc) =	sbr.rel @p0 .LBB2_76-.Ltmp38, $4  }
0x2e5: {  	[tilespmem:s6+$0x0] =	vst v20;
	v63 =	vadd.f32 v22, v17  }
0x2e6: {  	v17 =	vadd.f32 v62, v17;
	[tilespmem:s6+$0x10] =	vst v19  }
0x2e7: {  	[tilespmem:s6+$0x20] =	vst v63  }
0x2e8: {  	s8 =	sadd.s32 $0x208, s8;
	[tilespmem:s6+$0xFFFFFFC0] =	vst v17  }
0x2e9: {  	s1 =	simm.s32 $0x8400  }
0x2ea: {  	s6 =	simm.s32 $0x800;
	s14 =	sadd.s32 $0x0, s13;
	s8 =	simm.s32 $0x8608  }
.LBB2_80:
0x2eb: {  	[hbm4b:s14+s2] =	stream.linear.scatter [tilespmem:s1], [sflag:$0x3], $0x200, $0x38;
	[tilespmem:$0x15740] =	vst v63  }
0x2ec: {  	s14 =	smov.u32 s6;
	s1 =	smov.u32 s8;
	p0 =	sne.s32 s6, $0xF800  }
.Ltmp39:
0x2ed: {  	s6 =	sadd.s32 $0x800, s6;
	(pc) =	sbr.rel @p0 .LBB2_80-.Ltmp39, $2  }
0x2ee: {  	_ =	sdelay $0x2  }
0x2ef: {  	s8 =	sadd.s32 $0x208, s8;
	s14 =	sadd.s32 s14, s13  }
0x2f0: {  	[hbm4b:s14+s2] =	stream.linear.scatter [tilespmem:s1], [sflag:$0x3], $0x200, $0x38;
	[tilespmem:$0x15740] =	vst v63  }
0x2f1: {  	_ =	swait.ge [sflag:s20], $0x4000  }
0x2f2: {  	[sflag:s20] =	ssyncset.done $0x0  }
0x2f3: {  	[sflag:s20] =	ssyncadd.s32 $0xFFFFC000  }
0x2f4: {  	_ =	swait.ge [sflag:s19], $0x4000  }
0x2f5: {  	[sflag:s19] =	ssyncset.done $0x0  }
0x2f6: {  	[sflag:s19] =	ssyncadd.s32 $0xFFFFC000;
	s19 =	simm.s32 $0x0  }
.LBB2_82:
0x2f7: {  	s1 =	simm.s32 $0x1  }
0x2f8: {  	s20 =	simm.s32 $0x1;
	s8 =	simm.s32 $0x2;
	s14 =	simm.s32 $0x4  }
0x2f9: {  	s22 =	simm.s32 $0x5;
	s23 =	simm.s32 $0x7;
	s26 =	simm.s32 $0x8;
	v33 =	vmov s20;
	v22 =	vmov s8  }
0x2fa: {  	s15 =	simm.s32 $0xE;
	s16 =	simm.s32 $0xD;
	s17 =	simm.s32 $0xF;
	v19 =	vmov s14;
	v21 =	vmov s22;
	v20 =	vmov s23  }
0x2fb: {  	s18 =	simm.s32 $0x3;
	_ =	swait.ge [sflag:s1], $0x4000;
	v23 =	vmov s26;
	s8 =	simm.s32 $0xA;
	v27 =	vmov s15;
	v29 =	vmov s16  }
0x2fc: {  	p0 =	seq.s32 s19, $0x0;
	s14 =	simm.s32 $0xB;
	v28 =	vmov s17;
	v39 =	vmov s18;
	[sflag:s1] =	ssyncset.done $0x0;
	v25 =	vmov s8  }
0x2fd: {  	s6 =	sshll.u32 s19, $0x6;
	v26 =	vmov s14;
	v27 =	vshrl.u32 v27, $0x3;
	v20 =	vshrl.u32 v20, $0x3;
	[sflag:s1] =	ssyncadd.s32 $0xFFFFC000;
	s1 =	simm.s32 @!p0 $0x3  }
0x2fe: {  	s20 =	simm.s32 $0x9;
	s22 =	simm.s32 $0x6;
	v28 =	vshrl.u32 v28, $0x3;
	v35 =	vshrl.u32 v19, $0x3;
	v29 =	vshrl.u32 v29, $0x3;
	_ =	swait.ge @!p0 [sflag:s1], $0x4000  }
0x2ff: {  	s23 =	simm.s32 $0xC;
	s26 =	simm.s32 $0x0;
	v43 =	vshrl.u32 v23, $0x3;
	v22 =	vshrl.u32 v22, $0x3;
	v23 =	vmov s20;
	[sflag:s1] =	ssyncset.done @!p0 $0x0  }
0x300: {  	s21 =	sand.u32 $0x3FFFFFC0, s6;
	v46 =	vmov s22;
	v59 =	vmov s23;
	v60 =	vmov s26;
	[sflag:s1] =	ssyncadd.s32 @!p0 $0xFFFFC000  }
0x301: {  	v39 =	vshrl.u32 v39, $0x3;
	v33 =	vshrl.u32 v33, $0x3;
	v34 =	vshll.u32 v20, v1;
	s1 =	simm.s32 $0x500;
	v17 =	vld [tilespmem:s21+$0x15400]  }
0x302: {  	v28 =	vshll.u32 v28, v1;
	v26 =	vshrl.u32 v26, $0x3;
	v22 =	vshll.u32 v22, v1;
	v18 =	vld [tilespmem:s1+$0xFFFFFF20]  }
0x303: {  	v44 =	vshrl.u32 v23, $0x3;
	v35 =	vshll.u32 v35, v1;
	v62 =	vshrl.u32 v46, $0x3;
	v24 =	vld [tilespmem:s1+$0xA0]  }
0x304: {  	v43 =	vshll.u32 v43, v1;
	v29 =	vshll.u32 v29, v1;
	v19 =	vbroadcast v28, $0x0;
	v30 =	vld [tilespmem:s1+$0x0]  }
0x305: {  	v26 =	vshll.u32 v26, v1;
	v22 =	vbroadcast v22, $0x0;
	v51 =	vbroadcast v34, $0x0;
	v31 =	vld [tilespmem:s1+$0xFFFFFFE0]  }
0x306: {  	v61 =	vshll.u32 v44, v1;
	v34 =	vshrl.u32 v60, $0x3;
	v43 =	vbroadcast v43, $0x0;
	v32 =	vld [tilespmem:s1+$0x20]  }
0x307: {  	v44 =	vshll.u32 v62, v1;
	v62 =	vbroadcast v29, $0x0;
	v26 =	vbroadcast v26, $0x0;
	v37 =	vld [tilespmem:s1+$0xFFFFFF40]  }
0x308: {  	v34 =	vshll.u32 v34, v1;
	v63 =	vbroadcast v44, $0x0;
	v48 =	vadd.s32 v2, v22;
	v41 =	vld [tilespmem:s1+$0xFFFFFF80]  }
0x309: {  	v23 =	vadd.s32 v3, v22;
	v36 =	vld [tilespmem:s1+$0x40];
	v57 =	vadd.s32 v6, v26;
	v20 =	vadd.f32 v24, v17  }
0x30a: {  	v40 =	vld [tilespmem:s1+$0xFFFFFF60];
	v24 =	vshrl.u32 v25, $0x3;
	v25 =	vshll.u32 v27, v1;
	v27 =	vshrl.u32 v21, $0x3  }
0x30b: {  	v47 =	vld [tilespmem:s1+$0xC0];
	v18 =	vadd.f32 v18, v17;
	v38 =	vshll.u32 v24, v1;
	v24 =	vshll.u32 v27, v1  }
0x30c: {  	v28 =	vadd.f32 v31, v17;
	v30 =	vadd.f32 v30, v17;
	v27 =	vld [tilespmem:s1+$0xFFFFFFA0];
	v24 =	vbroadcast v24, $0x0  }
0x30d: {  	v54 =	vld [tilespmem:s1+$0xFFFFFF00];
	v21 =	vadd.s32 v10, v19;
	v45 =	vadd.f32 v37, v17;
	v37 =	vadd.f32 v41, v17  }
0x30e: {  	v41 =	vbroadcast v35, $0x0;
	v35 =	vld [tilespmem:s1+$0x60];
	v38 =	vbroadcast v38, $0x0;
	v42 =	vadd.s32 v11, v24  }
0x30f: {  	v19 =	vadd.s32 v15, v19;
	v36 =	vadd.f32 v36, v17;
	v25 =	vbroadcast v25, $0x0  }
0x310: {  	v31 =	vadd.f32 v32, v17;
	v32 =	vadd.f32 v40, v17;
	v55 =	vadd.s32 v2, v38  }
0x311: {  	v50 =	vadd.f32 v47, v17;
	v53 =	vadd.s32 v13, v25;
	v27 =	vadd.f32 v27, v17  }
0x312: {  	v52 =	vld [tilespmem:s1+$0x80];
	v47 =	vadd.s32 v10, v51;
	v56 =	vadd.f32 v54, v17;
	v51 =	vadd.s32 v15, v51  }
0x313: {  	v22 =	vld [tilespmem:s21+$0x15410];
	v40 =	vshrl.u32 v59, $0x3;
	v24 =	vadd.s32 v12, v24;
	v59 =	vadd.f32 v35, v17;
	[tilespmem:v42+s25+$0x0] =	vst.idx.msk $0xffff, v27  }
0x314: {  	v34 =	vbroadcast v34, $0x0;
	v35 =	vshll.u32 v39, v1;
	v39 =	vadd.s32 v7, v26;
	v16 =	vld [tilespmem:$0x1FF00];
	[tilespmem:v48+s25+$0x0] =	vst.idx.msk $0xffff, v45  }
0x315: {  	v26 =	vadd.s32 v3, v38;
	v54 =	vbroadcast v35, $0x0;
	v27 =	vshll.u32 v40, v1;
	v40 =	vld [tilespmem:s1+$0xFFFFFFB0];
	[tilespmem:v55+s25+$0x0] =	vst.idx.msk $0xffff, v36  }
0x316: {  	v35 =	vadd.s32 v14, v25;
	v25 =	vadd.s32 v0, v34;
	v27 =	vbroadcast v27, $0x0;
	v48 =	vld [tilespmem:s1+$0xFFFFFFC0];
	[tilespmem:v53+s25+$0x0] =	vst.idx.msk $0xffff, v50  }
0x317: {  	v42 =	vbroadcast v61, $0x0;
	v61 =	vadd.f32 v52, v17;
	v55 =	vadd.s32 v13, v63;
	[tilespmem:v57+s25+$0x0] =	vst.idx.msk $0xffff, v59  }
0x318: {  	v50 =	vadd.s32 v11, v62;
	v59 =	vadd.s32 v8, v41;
	v60 =	vadd.s32 v8, v27  }
0x319: {  	v29 =	vld [tilespmem:s1+$0xE0];
	v46 =	vadd.s32 v4, v42;
	v38 =	vadd.s32 v9, v27;
	v52 =	vadd.s32 v16, v43  }
0x31a: {  	v53 =	vld [tilespmem:s1+$0xD0];
	v27 =	vadd.s32 v0, v43;
	v49 =	vadd.s32 v16, v34;
	v45 =	vadd.f32 v40, v22  }
0x31b: {  	v44 =	vld [tilespmem:s1+$0xFFFFFF50];
	v9 =	vmovc v3;
	v40 =	vadd.s32 v7, v54;
	v34 =	vadd.s32 v5, v42;
	v58 =	vadd.f32 v48, v17  }
0x31c: {  	v57 =	vld [tilespmem:s1+$0x70];
	v42 =	vadd.s32 v14, v63;
	v63 =	vshll.u32 v33, v1;
	v33 =	vadd.s32 v12, v62;
	v14 =	vmovc v11  }
0x31d: {  	s17 =	simm.s32 $0x10;
	s22 =	sshll.u32 s19, $0x1;
	s20 =	simm.s32 $0x700;
	v43 =	vld [tilespmem:s1+$0x50];
	v11 =	vmovc v7;
	v7 =	vmovc v8;
	v8 =	vmov v2;
	v16 =	vmov v13;
	v48 =	vbroadcast v63, $0x0;
	[tilespmem:v60+s25+$0x0] =	vst.idx.msk $0xffff, v61  }
.LBB2_83:
0x31e: {  	v60 =	vld [tilespmem:s20+$0x0];
	[tilespmem:v52+s25+$0x0] =	vst.idx.msk $0xffff, v30  }
0x31f: {  	s6 =	sadd.s32 $0x1, s17;
	v6 =	vld [tilespmem:$0x1FFE0];
	s8 =	smov.u32 s17;
	[tilespmem:v47+s25+$0x0] =	vst.idx.msk $0xffff, v28  }
0x320: {  	s23 =	sadd.s32 $0x4, s17;
	s15 =	sadd.s32 $0x5, s17;
	v4 =	vld [tilespmem:$0x1FFC0];
	s26 =	sadd.s32 $0x7, s17;
	[tilespmem:v46+s25+$0x0] =	vst.idx.msk $0xffff, v31;
	v29 =	vadd.f32 v29, v17;
	v36 =	vmov s6  }
0x321: {  	s16 =	sadd.s32 $0xA, s17;
	v5 =	vld [tilespmem:$0x1FFF0];
	[tilespmem:v24+s25+$0x0] =	vst.idx.msk $0xffff, v45;
	v52 =	vmov s23;
	v61 =	vmov s15;
	s23 =	sadd.s32 $0x8, s17;
	v28 =	vmov s26;
	s26 =	sadd.s32 $0xB, s17  }
0x322: {  	v13 =	vld [tilespmem:$0x1FFD0];
	[tilespmem:v55+s25+$0x0] =	vst.idx.msk $0xffff, v58;
	v58 =	vmov s16;
	s16 =	sadd.s32 $0xE, s8;
	v47 =	vmov s23;
	v63 =	vmov s26  }
0x323: {  	v0 =	vld [tilespmem:s20+$0xA0];
	[tilespmem:v50+s25+$0x0] =	vst.idx.msk $0xffff, v20;
	s26 =	sadd.s32 $0xD, s8;
	v2 =	vmov s16;
	v28 =	vshrl.u32 v28, $0x3;
	v52 =	vshrl.u32 v52, $0x3  }
0x324: {  	[tilespmem:v49+s25+$0x0] =	vst.idx.msk $0xffff, v56;
	v56 =	vld [tilespmem:s1+$0x90];
	v50 =	vshrl.u32 v58, $0x3;
	v46 =	vmov s26;
	v2 =	vshrl.u32 v2, $0x3  }
0x325: {  	v45 =	vshll.u32 v28, v1;
	v28 =	vld [tilespmem:s1+$0xFFFFFFD0];
	v50 =	vshll.u32 v50, v1;
	v62 =	vadd.f32 v44, v22  }
0x326: {  	v31 =	vld [tilespmem:s20+$0xFFFFFFE0];
	v57 =	vadd.f32 v57, v22;
	v2 =	vshll.u32 v2, v1;
	v54 =	vadd.s32 v4, v54  }
0x327: {  	v30 =	vld [tilespmem:s20+$0xFFFFFF20];
	[tilespmem:v59+s25+$0x0] =	vst.idx.msk $0xffff, v37;
	v46 =	vshrl.u32 v46, $0x3;
	v44 =	vadd.s32 v5, v48;
	v48 =	vadd.s32 v13, v48  }
0x328: {  	s14 =	sadd.s32 $0x2, s17;
	v49 =	vadd.s32 v6, v41;
	v41 =	vadd.f32 v53, v22;
	v20 =	vadd.f32 v0, v17;
	v0 =	vld [tilespmem:s20+$0x20]  }
0x329: {  	v55 =	vld [tilespmem:s1+$0xFFFFFFF0];
	s26 =	sadd.s32 $0xF, s8;
	v43 =	vadd.f32 v43, v22;
	v53 =	vmov s14;
	v2 =	vbroadcast v2, $0x0;
	[tilespmem:v39+s25+$0x0] =	vst.idx.msk $0xffff, v57  }
0x32a: {  	s6 =	sadd.s32 $0x9, s17;
	v37 =	vadd.f32 v56, v22;
	v56 =	vmov s26;
	v57 =	vld [tilespmem:s20+$0x40];
	[tilespmem:v35+s25+$0x0] =	vst.idx.msk $0xffff, v41;
	v59 =	vadd.f32 v28, v22  }
0x32b: {  	v28 =	vadd.f32 v31, v17;
	v31 =	vshrl.u32 v53, $0x3;
	v53 =	vmov s6;
	[tilespmem:v54+s25+$0x0] =	vst.idx.msk $0xffff, v32  }
0x32c: {  	s14 =	sadd.s32 $0x6, s17;
	v32 =	vld [tilespmem:s1+$0xFFFFFF90];
	v54 =	vadd.f32 v30, v17;
	v30 =	vshrl.u32 v56, $0x3;
	[tilespmem:v48+s25+$0x0] =	vst.idx.msk $0xffff, v18;
	v48 =	vshll.u32 v31, v1  }
0x32d: {  	v58 =	vld [tilespmem:s1+$0x30];
	[tilespmem:v42+s25+$0x0] =	vst.idx.msk $0xffff, v59;
	v31 =	vadd.f32 v0, v17;
	v0 =	vshrl.u32 v53, $0x3;
	v53 =	vmov s14  }
0x32e: {  	s15 =	sadd.s32 $0xC, s17;
	v59 =	vshll.u32 v52, v1;
	v56 =	vld [tilespmem:s1+$0xFFFFFF70];
	v24 =	vshll.u32 v30, v1;
	v30 =	vadd.f32 v55, v22  }
0x32f: {  	v52 =	vmov s15;
	v55 =	vld [tilespmem:s20+$0xE0];
	[tilespmem:v21+s25+$0x0] =	vst.idx.msk $0xffff, v29;
	v42 =	vadd.f32 v57, v17;
	v41 =	vbroadcast v59, $0x0  }
0x330: {  	v24 =	vbroadcast v24, $0x0;
	v18 =	vmovc v54;
	v54 =	vld [tilespmem:s20+$0xC0];
	[tilespmem:v51+s25+$0x0] =	vst.idx.msk $0xffff, v30;
	v30 =	vshrl.u32 v63, $0x3;
	v63 =	vshrl.u32 v61, $0x3  }
0x331: {  	v0 =	vshll.u32 v0, v1;
	v61 =	vld [tilespmem:s1+$0xF0];
	v29 =	vshll.u32 v63, v1;
	v32 =	vadd.f32 v32, v22  }
0x332: {  	v51 =	vadd.s32 v10, v24;
	v39 =	vshll.u32 v30, v1;
	v63 =	vld [tilespmem:s20+$0xFFFFFFA0];
	v3 =	vbroadcast v29, $0x0  }
0x333: {  	v0 =	vbroadcast v0, $0x0;
	v56 =	vadd.f32 v56, v22;
	[tilespmem:v49+s25+$0x0] =	vst.idx.msk $0xffff, v32;
	v32 =	vld [tilespmem:s20+$0xFFFFFF40];
	v49 =	vadd.s32 v15, v24  }
0x334: {  	v29 =	vmovc v55;
	v55 =	vadd.s32 v14, v3;
	v24 =	vadd.s32 v12, v3;
	v3 =	vshrl.u32 v47, $0x3;
	v47 =	vld [tilespmem:s1+$0xB0]  }
0x335: {  	s18 =	sadd.s32 $0x3, s17;
	v30 =	vadd.f32 v60, v17;
	v60 =	vbroadcast v45, $0x0;
	[tilespmem:v23+s25+$0x0] =	vst.idx.msk $0xffff, v62;
	v62 =	vshrl.u32 v52, $0x3;
	v52 =	vld [tilespmem:s20+$0x60]  }
0x336: {  	v21 =	vmovc v51;
	v51 =	vmov s18;
	v23 =	vadd.f32 v58, v22;
	v58 =	vbroadcast v48, $0x0;
	[tilespmem:v40+s25+$0x0] =	vst.idx.msk $0xffff, v56;
	v56 =	vld [tilespmem:s1+$0x10]  }
0x337: {  	[tilespmem:v38+s25+$0x0] =	vst.idx.msk $0xffff, v37;
	v48 =	vbroadcast v50, $0x0;
	v37 =	vadd.f32 v61, v22;
	v38 =	vld [tilespmem:s20+$0xFFFFFF80];
	v61 =	vshrl.u32 v53, $0x3  }
0x338: {  	v53 =	vadd.f32 v54, v17;
	v3 =	vshll.u32 v3, v1;
	v40 =	vld [tilespmem:s20+$0xFFFFFF60];
	v57 =	vadd.f32 v63, v17  }
0x339: {  	v39 =	vbroadcast v39, $0x0;
	v54 =	vld [tilespmem:s20+$0x80];
	[tilespmem:v34+s25+$0x0] =	vst.idx.msk $0xffff, v23;
	v23 =	vadd.s32 v9, v58;
	v34 =	vshll.u32 v61, v1  }
0x33a: {  	[tilespmem:v26+s25+$0x0] =	vst.idx.msk $0xffff, v43;
	v63 =	vld [tilespmem:$0x1FF00];
	v43 =	vadd.s32 v8, v48;
	v3 =	vbroadcast v3, $0x0;
	v35 =	vadd.f32 v32, v17  }
0x33b: {  	[tilespmem:v55+s25+$0x0] =	vst.idx.msk $0xffff, v57;
	v55 =	vadd.f32 v47, v22;
	v57 =	vadd.s32 v8, v58;
	v58 =	vmov s8  }
0x33c: {  	[tilespmem:v19+s25+$0x0] =	vst.idx.msk $0xffff, v37;
	v47 =	vadd.s32 v10, v60;
	v37 =	vadd.f32 v38, v17;
	v59 =	vshrl.u32 v58, $0x3  }
0x33d: {  	v38 =	vshll.u32 v62, v1;
	v26 =	vadd.f32 v56, v22;
	v32 =	vadd.f32 v40, v17;
	v40 =	vld [tilespmem:s1+$0xFFFFFF10]  }
0x33e: {  	v45 =	vld [tilespmem:s1+$0xFFFFFF30];
	v51 =	vshrl.u32 v51, $0x3;
	v62 =	vadd.f32 v54, v17;
	[tilespmem:v33+s25+$0x0] =	vst.idx.msk $0xffff, v55;
	v33 =	vshll.u32 v59, v1  }
0x33f: {  	v50 =	vld [tilespmem:s20+$0xFFFFFFB0];
	v38 =	vbroadcast v38, $0x0;
	v59 =	vadd.f32 v52, v17;
	v52 =	vadd.s32 v63, v3;
	[tilespmem:v27+s25+$0x0] =	vst.idx.msk $0xffff, v26  }
0x340: {  	v33 =	vbroadcast v33, $0x0;
	[tilespmem:v57+s25+$0x0] =	vst.idx.msk $0xffff, v35;
	v35 =	vadd.s32 v16, v2;
	v57 =	vadd.s32 v4, v39;
	v4 =	vld [tilespmem:$0x1FF60]  }
0x341: {  	v26 =	vshll.u32 v46, v1;
	v27 =	vshll.u32 v51, v1;
	v46 =	vadd.s32 v13, v0  }
0x342: {  	v55 =	vld [tilespmem:s20+$0xFFFFFF00];
	v61 =	vadd.s32 v7, v38;
	v51 =	vbroadcast v26, $0x0;
	v40 =	vadd.f32 v40, v22  }
0x343: {  	v19 =	vmovc v49;
	v26 =	vadd.s32 v9, v48;
	v38 =	vadd.s32 v6, v38;
	v49 =	vadd.s32 v63, v33  }
0x344: {  	[tilespmem:v25+s25+$0x0] =	vst.idx.msk $0xffff, v40;
	v25 =	vadd.f32 v45, v22;
	v45 =	vadd.f32 v50, v22;
	v50 =	vld [tilespmem:s20+$0xFFFFFFC0]  }
0x345: {  	v54 =	vbroadcast v27, $0x0;
	v39 =	vadd.s32 v11, v39;
	[tilespmem:v35+s25+$0x0] =	vst.idx.msk $0xffff, v53;
	v35 =	vadd.s32 v4, v2;
	v2 =	vld [tilespmem:$0x1FF10]  }
0x346: {  	p1 =	slt.u32 s17, $0x1F0;
	[tilespmem:v43+s25+$0x0] =	vst.idx.msk $0xffff, v42;
	v63 =	vbroadcast v34, $0x0;
	v34 =	vadd.s32 v5, v0;
	v0 =	vshrl.u32 v36, $0x3  }
.Ltmp40:
0x347: {  	s1 =	smov.u32 s20;
	v0 =	vshll.u32 v0, v1;
	v56 =	vadd.f32 v55, v17;
	[tilespmem:v61+s25+$0x0] =	vst.idx.msk $0xffff, v62;
	(pc) =	sbr.rel @p1 .LBB2_83-.Ltmp40, $4  }
0x348: {  	v43 =	vld [tilespmem:s1+$0x50];
	v55 =	vadd.s32 v16, v63;
	v40 =	vadd.s32 v11, v54;
	[tilespmem:v57+s25+$0x0] =	vst.idx.msk $0xffff, v59  }
0x349: {  	v48 =	vbroadcast v0, $0x0;
	v42 =	vadd.s32 v4, v63;
	v59 =	vadd.s32 v7, v41;
	[tilespmem:v44+s25+$0x0] =	vst.idx.msk $0xffff, v25;
	v53 =	vld [tilespmem:s20+$0xD0]  }
0x34a: {  	s23 =	sadd.s32 $0x10, s17;
	v44 =	vld [tilespmem:s20+$0xFFFFFF50];
	v58 =	vadd.f32 v50, v17;
	v50 =	vadd.s32 v14, v51;
	v25 =	vadd.s32 v2, v33  }
0x34b: {  	s17 =	smov.u32 s23;
	v57 =	vld [tilespmem:s20+$0x70];
	s20 =	sadd.s32 $0x200, s20;
	v27 =	vadd.s32 v2, v3;
	v33 =	vadd.s32 v12, v51;
	v51 =	vadd.s32 v15, v60  }
0x34c: {  	_ =	sdelay $0x3  }
0x34d: {  	[tilespmem:v49+s25+$0x0] =	vst.idx.msk $0xffff, v56  }
0x34e: {  	v36 =	vmov v10;
	v10 =	vld [tilespmem:$0x1FFC0];
	_ =	sdelay $0x4  }
0x34f: {  	[tilespmem:v47+s25+$0x0] =	vst.idx.msk $0xffff, v28;
	v0 =	vadd.s32 v10, v54  }
0x350: {  	[tilespmem:v52+s25+$0x0] =	vst.idx.msk $0xffff, v30;
	v2 =	vld [tilespmem:s1+$0xFFFFFFF0]  }
0x351: {  	[tilespmem:v55+s25+$0x0] =	vst.idx.msk $0xffff, v58  }
0x352: {  	[tilespmem:v59+s25+$0x0] =	vst.idx.msk $0xffff, v37  }
0x353: {  	[tilespmem:v46+s25+$0x0] =	vst.idx.msk $0xffff, v31  }
0x354: {  	[tilespmem:v0+s25+$0x0] =	vst.idx.msk $0xffff, v32  }
0x355: {  	v2 =	vadd.f32 v2, v22;
	v4 =	vld [tilespmem:$0x1FFE0];
	[tilespmem:v24+s25+$0x0] =	vst.idx.msk $0xffff, v45  }
0x356: {  	v54 =	vld [tilespmem:s1+$0xFFFFFFD0];
	[tilespmem:v50+s25+$0x0] =	vst.idx.msk $0xffff, v20  }
0x357: {  	v3 =	vld [tilespmem:s1+$0xFFFFFF70];
	[tilespmem:v51+s25+$0x0] =	vst.idx.msk $0xffff, v2  }
0x358: {  	v2 =	vadd.f32 v29, v17;
	v6 =	vld [tilespmem:$0x1FFD0]  }
0x359: {  	v56 =	vld [tilespmem:s1+$0x90]  }
0x35a: {  	v55 =	vadd.f32 v57, v22;
	[tilespmem:v21+s25+$0x0] =	vst.idx.msk $0xffff, v2;
	v2 =	vld [tilespmem:s1+$0x30]  }
0x35b: {  	v57 =	vadd.f32 v54, v22  }
0x35c: {  	v0 =	vld [tilespmem:s1+$0xFFFFFF90];
	[tilespmem:v39+s25+$0x0] =	vst.idx.msk $0xffff, v55;
	v3 =	vadd.f32 v3, v22  }
0x35d: {  	v59 =	vadd.f32 v53, v22;
	[tilespmem:v42+s25+$0x0] =	vst.idx.msk $0xffff, v57;
	v17 =	vadd.s32 v6, v48  }
0x35e: {  	v52 =	vadd.s32 v4, v41;
	[tilespmem:v40+s25+$0x0] =	vst.idx.msk $0xffff, v3;
	v3 =	vadd.f32 v56, v22  }
0x35f: {  	[tilespmem:v35+s25+$0x0] =	vst.idx.msk $0xffff, v59;
	v2 =	vadd.f32 v2, v22  }
0x360: {  	[tilespmem:v38+s25+$0x0] =	vst.idx.msk $0xffff, v3  }
0x361: {  	v0 =	vadd.f32 v0, v22;
	[tilespmem:v34+s25+$0x0] =	vst.idx.msk $0xffff, v2  }
0x362: {  	[tilespmem:v17+s25+$0x0] =	vst.idx.msk $0xffff, v18;
	v17 =	vadd.f32 v44, v22  }
0x363: {  	v58 =	vld [tilespmem:s1+$0xB0];
	[tilespmem:v52+s25+$0x0] =	vst.idx.msk $0xffff, v0  }
0x364: {  	v0 =	vld [tilespmem:s1+$0xF0];
	[tilespmem:v23+s25+$0x0] =	vst.idx.msk $0xffff, v17  }
0x365: {  	v60 =	vmov v15;
	v15 =	vmov v12;
	v12 =	vmov v7;
	v7 =	vld [tilespmem:$0x1FFF0]  }
0x366: {  	v18 =	vld [tilespmem:s1+$0x10]  }
0x367: {  	v3 =	vld [tilespmem:s1+$0xFFFFFF10]  }
0x368: {  	v2 =	vadd.f32 v58, v22;
	v17 =	vld [tilespmem:s1+$0xFFFFFF30]  }
0x369: {  	v0 =	vadd.f32 v0, v22  }
0x36a: {  	p1 =	seq.s32 s19, $0xC;
	v63 =	vadd.f32 v43, v22;
	[tilespmem:v33+s25+$0x0] =	vst.idx.msk $0xffff, v2;
	v61 =	vadd.s32 v7, v48  }
.Ltmp41:
0x36b: {  	[tilespmem:v19+s25+$0x0] =	vst.idx.msk $0xffff, v0;
	v0 =	vadd.f32 v18, v22;
	(pc) =	sbr.rel @p1 .LBB2_88-.Ltmp41, $4  }
0x36c: {  	[tilespmem:v26+s25+$0x0] =	vst.idx.msk $0xffff, v63;
	v2 =	vadd.f32 v3, v22  }
0x36d: {  	[tilespmem:v27+s25+$0x0] =	vst.idx.msk $0xffff, v0;
	v0 =	vadd.f32 v17, v22  }
0x36e: {  	[tilespmem:v25+s25+$0x0] =	vst.idx.msk $0xffff, v2  }
0x36f: {  	v62 =	vmov v14;
	[tilespmem:v61+s25+$0x0] =	vst.idx.msk $0xffff, v0  }
0x370: {  	s6 =	sadd.s32 $0x2, s22  }
0x371: {  	s8 =	rddreg [dreg:$0x7];
	s1 =	sshll.u32 s6, $0xE  }
0x372: {  	s1 =	sor.u32 s8, s1  }
0x373: {  	s23 =	rddreg [dreg:$0x1];
	s1 =	sshrl.u32 s1, $0x3  }
0x374: {  	s26 =	simm.s32 $0x6;
	s1 =	sadd.s32 s23, s1  }
0x375: {  	[tilespmem:s2], [sflag:$0x6] =	stream.linear.gather [hbm4b:s1+s2], $0x200, $0x38;
	[tilespmem:$0x15740] =	vst v63  }
0x376: {  	_ =	swait.ge [sflag:s26], $0x200  }
0x377: {  	[sflag:s26] =	ssyncset.done $0x0  }
0x378: {  	s1 =	simm.s32 $0x40;
	[sflag:s26] =	ssyncadd.s32 $0xFFFFFE00  }
0x379: {  	v0 =	vld [tilespmem:s1+$0x30]  }
0x37a: {  	v2 =	vld [tilespmem:s1+$0xFFFFFFD0]  }
0x37b: {  	s6 =	smul.u32 $0x186A0, s6;
	v3 =	vld [tilespmem:s1+$0xFFFFFFE0]  }
0x37c: {  	v20 =	vld [tilespmem:s1+$0xFFFFFFF0]  }
0x37d: {  	v17 =	vmov s6;
	v19 =	vld [tilespmem:s1+$0x0]  }
0x37e: {  	v18 =	vld [tilespmem:s1+$0x10];
	v0 =	vadd.s32 v17, v0  }
0x37f: {  	v21 =	vld [tilespmem:s1+$0x20];
	v2 =	vadd.s32 v17, v2;
	[tilespmem:s1+$0x30] =	vst v0  }
0x380: {  	s8 =	simm.s32 $0xC0;
	s6 =	simm.s32 $0x0;
	v22 =	vld [tilespmem:s1+$0xFFFFFFC0];
	v23 =	vadd.s32 v17, v3;
	[tilespmem:s1+$0xFFFFFFD0] =	vst v2  }
.LBB2_86:
0x381: {  	v0 =	vld [tilespmem:s8+$0x30];
	s6 =	sadd.s32 $0x8, s6;
	[tilespmem:s1+$0xFFFFFFE0] =	vst v23;
	v2 =	vadd.s32 v17, v20  }
0x382: {  	v3 =	vld [tilespmem:s8+$0xFFFFFFD0];
	p2 =	slt.u32 s6, $0x18;
	[tilespmem:s1+$0xFFFFFFF0] =	vst v2;
	v2 =	vadd.s32 v17, v19  }
0x383: {  	v23 =	vld [tilespmem:s8+$0xFFFFFFE0];
	[tilespmem:s1+$0x0] =	vst v2;
	v2 =	vadd.s32 v17, v18  }
.Ltmp42:
0x384: {  	v20 =	vld [tilespmem:s8+$0xFFFFFFF0];
	[tilespmem:s1+$0x10] =	vst v2;
	v2 =	vadd.s32 v17, v21;
	(pc) =	sbr.rel @p2 .LBB2_86-.Ltmp42, $4  }
0x385: {  	v19 =	vld [tilespmem:s8+$0x0];
	v21 =	vadd.s32 v17, v22;
	[tilespmem:s1+$0x20] =	vst v2  }
0x386: {  	v18 =	vld [tilespmem:s8+$0x10];
	v0 =	vadd.s32 v17, v0;
	[tilespmem:s1+$0xFFFFFFC0] =	vst v21;
	s1 =	smov.u32 s8  }
0x387: {  	v2 =	vadd.s32 v17, v3;
	v21 =	vld [tilespmem:s8+$0x20];
	[tilespmem:s8+$0x30] =	vst v0  }
0x388: {  	s8 =	sadd.s32 $0x80, s8;
	v22 =	vld [tilespmem:s1+$0xFFFFFFC0];
	[tilespmem:s1+$0xFFFFFFD0] =	vst v2;
	v23 =	vadd.s32 v17, v23  }
0x389: {  	[tilespmem:s1+$0xFFFFFFE0] =	vst v23;
	v0 =	vadd.s32 v17, v20  }
0x38a: {  	[tilespmem:s1+$0xFFFFFFF0] =	vst v0;
	v0 =	vadd.s32 v17, v19  }
0x38b: {  	[tilespmem:s1+$0x0] =	vst v0;
	v0 =	vadd.s32 v17, v18  }
0x38c: {  	[tilespmem:s1+$0x10] =	vst v0;
	v0 =	vadd.s32 v17, v21  }
0x38d: {  	v2 =	vadd.s32 v17, v22;
	[tilespmem:s1+$0x20] =	vst v0  }
0x38e: {  	[tilespmem:s1+$0xFFFFFFC0] =	vst v2  }
0x38f: {  	s6 =	simm.s32 $0x200;
	s8 =	simm.s32 $0x400;
	s1 =	rddreg [dreg:$0x5]  }
0x390: {  	[tilespmem:s8], [sflag:$0x1] =	stream.indirect.gather [hbm4b:s1+s6], $0x20, s2, s6, $0xb8;
	[tilespmem:$0x15740] =	vst v63  }
.LBB2_88:
0x391: {  	s1 =	sshll.u32 s19, $0x14;
	s6 =	rddreg [dreg:$0x18]  }
0x392: {  	s6 =	sadd.s32 s6, s1  }
0x393: {  	s6 =	sshrl.u32 s6, $0x3  }
0x394: {  	s8 =	simm.s32 $0x8400;
	s6 =	sadd.s32 s9, s6  }
0x395: {  	s14 =	simm.s32 $0x800;
	s15 =	simm.s32 $0x8608;
	s17 =	sadd.s32 $0x0, s6  }
.LBB2_89:
0x396: {  	[hbm4b:s17+s2] =	stream.linear.scatter [tilespmem:s8], [sflag:$0x3], $0x200, $0x38;
	[tilespmem:$0x15740] =	vst v63  }
0x397: {  	s16 =	smov.u32 s14;
	s8 =	smov.u32 s15;
	p2 =	sne.s32 s14, $0xF800  }
.Ltmp43:
0x398: {  	s14 =	sadd.s32 $0x800, s14;
	(pc) =	sbr.rel @p2 .LBB2_89-.Ltmp43, $2  }
0x399: {  	_ =	sdelay $0x2  }
0x39a: {  	s15 =	sadd.s32 $0x208, s15;
	s17 =	sadd.s32 s16, s6  }
0x39b: {  	[hbm4b:s17+s2] =	stream.linear.scatter [tilespmem:s8], [sflag:$0x3], $0x200, $0x38;
	[tilespmem:$0x15740] =	vst v63  }
0x39c: {  	s6 =	simm.s32 $0x2;
	s23 =	simm.s32 $0x1  }
0x39d: {  	s26 =	simm.s32 $0x2;
	s14 =	simm.s32 $0x4;
	_ =	swait.ge [sflag:s6], $0x4000  }
0x39e: {  	s15 =	simm.s32 $0x5;
	s16 =	simm.s32 $0x7;
	[sflag:s6] =	ssyncset.done $0x0  }
0x39f: {  	s17 =	simm.s32 $0x8;
	v33 =	vmov s23;
	[sflag:s6] =	ssyncadd.s32 $0xFFFFC000;
	s6 =	simm.s32 @!p0 $0x4  }
0x3a0: {  	s18 =	simm.s32 $0xA;
	s8 =	simm.s32 $0xD;
	v2 =	vmov s26;
	v3 =	vmov s14;
	v19 =	vmov s15;
	_ =	swait.ge @!p0 [sflag:s6], $0x4000  }
0x3a1: {  	v20 =	vmov s16;
	v22 =	vmov s17;
	s23 =	simm.s32 $0xB;
	s26 =	simm.s32 $0xE;
	v23 =	vmov s18;
	[sflag:s6] =	ssyncset.done @!p0 $0x0  }
0x3a2: {  	s15 =	simm.s32 $0xF;
	v25 =	vmov s8;
	v24 =	vmov s23;
	v18 =	vmov s26;
	[sflag:s6] =	ssyncadd.s32 @!p0 $0xFFFFC000  }
0x3a3: {  	s20 =	simm.s32 $0x45F0;
	s16 =	simm.s32 $0x3;
	v27 =	vmov s15;
	v3 =	vshrl.u32 v3, $0x3;
	v23 =	vshrl.u32 v23, $0x3;
	v17 =	vld [tilespmem:s21+$0x15420]  }
0x3a4: {  	s17 =	simm.s32 $0x9;
	v19 =	vshrl.u32 v19, $0x3;
	v38 =	vmov s16;
	v25 =	vshrl.u32 v25, $0x3;
	v0 =	vld [tilespmem:s20+$0xFFFFFE30]  }
0x3a5: {  	s18 =	simm.s32 $0x6;
	v39 =	vshrl.u32 v22, $0x3;
	v2 =	vshrl.u32 v2, $0x3;
	v22 =	vmov s17;
	v8 =	vld [tilespmem:$0x1FF20]  }
0x3a6: {  	v44 =	vmov s18;
	v26 =	vshrl.u32 v18, $0x3;
	v24 =	vshrl.u32 v24, $0x3;
	v9 =	vld [tilespmem:$0x1FF30]  }
0x3a7: {  	v35 =	vshll.u32 v23, v1;
	v19 =	vshll.u32 v19, v1;
	v2 =	vshll.u32 v2, v1;
	v21 =	vld [tilespmem:s20+$0xFFFFFFB0]  }
0x3a8: {  	v22 =	vshrl.u32 v22, $0x3;
	v3 =	vshll.u32 v3, v1;
	v63 =	vshrl.u32 v44, $0x3;
	v29 =	vld [tilespmem:s20+$0xFFFFFF10]  }
0x3a9: {  	v18 =	vadd.f32 v0, v17;
	v0 =	vshrl.u32 v20, $0x3;
	v20 =	vshrl.u32 v27, $0x3;
	v27 =	vld [tilespmem:s20+$0xFFFFFEF0]  }
0x3aa: {  	v38 =	vshrl.u32 v38, $0x3;
	v39 =	vshll.u32 v39, v1;
	v25 =	vshll.u32 v25, v1;
	v32 =	vld [tilespmem:s20+$0xFFFFFF30]  }
0x3ab: {  	v26 =	vshll.u32 v26, v1;
	v61 =	vshll.u32 v24, v1;
	v24 =	vbroadcast v19, $0x0;
	v34 =	vld [tilespmem:s20+$0xFFFFFF50]  }
0x3ac: {  	v2 =	vbroadcast v2, $0x0;
	v41 =	vbroadcast v3, $0x0;
	v3 =	vshll.u32 v22, v1;
	v23 =	vld [tilespmem:s20+$0xFFFFFEB0]  }
0x3ad: {  	v35 =	vbroadcast v35, $0x0;
	v3 =	vbroadcast v3, $0x0;
	v37 =	vld [tilespmem:s20+$0xFFFFFE50];
	v28 =	vshll.u32 v20, v1  }
0x3ae: {  	v58 =	vbroadcast v39, $0x0;
	v31 =	vbroadcast v28, $0x0;
	v28 =	vadd.f32 v27, v17;
	v27 =	vld [tilespmem:s20+$0xFFFFFE70]  }
0x3af: {  	v13 =	vbroadcast v25, $0x0;
	v40 =	vld [tilespmem:s20+$0xFFFFFE90];
	v46 =	vadd.s32 v6, v3;
	v48 =	vadd.s32 v8, v2  }
0x3b0: {  	v51 =	vadd.s32 v8, v35;
	v30 =	vadd.f32 v29, v17;
	v29 =	vadd.s32 v62, v24  }
0x3b1: {  	v45 =	vld [tilespmem:s20+$0xFFFFFFD0];
	v24 =	vadd.s32 v15, v24;
	v34 =	vadd.f32 v34, v17;
	v42 =	vadd.f32 v23, v17  }
0x3b2: {  	v53 =	vld [tilespmem:s20+$0xFFFFFE10];
	v20 =	vadd.f32 v21, v17;
	v21 =	vadd.s32 v36, v31;
	v19 =	vadd.s32 v60, v31  }
0x3b3: {  	v52 =	vld [tilespmem:s20+$0xFFFFFF90];
	v31 =	vadd.f32 v32, v17;
	v32 =	vadd.f32 v27, v17;
	v27 =	vbroadcast v26, $0x0  }
0x3b4: {  	s26 =	simm.s32 $0x0;
	v43 =	vadd.f32 v37, v17;
	v23 =	vadd.s32 v9, v2;
	v37 =	vadd.f32 v40, v17  }
0x3b5: {  	v22 =	vld [tilespmem:s21+$0x15430];
	v2 =	vmov s26;
	v0 =	vshll.u32 v0, v1;
	v40 =	vadd.s32 v16, v27  }
0x3b6: {  	v44 =	vadd.f32 v45, v17;
	v2 =	vshrl.u32 v2, $0x3;
	v0 =	vbroadcast v0, $0x0;
	[tilespmem:v29+s11+$0x0] =	vst.idx.msk $0xffff, v42;
	v29 =	vld [tilespmem:s20+$0xFFFFFF70]  }
0x3b7: {  	v5 =	vmovc v36;
	v56 =	vadd.f32 v53, v17;
	v2 =	vshll.u32 v2, v1;
	v36 =	vbroadcast v61, $0x0;
	v14 =	vld [tilespmem:$0x1FF00]  }
0x3b8: {  	s23 =	simm.s32 $0xC;
	v2 =	vbroadcast v2, $0x0;
	v47 =	vadd.s32 v5, v0;
	v61 =	vadd.f32 v52, v17;
	v42 =	vld [tilespmem:s20+$0xFFFFFEC0];
	[tilespmem:v48+s11+$0x0] =	vst.idx.msk $0xffff, v43  }
0x3b9: {  	v57 =	vadd.s32 v10, v36;
	v39 =	vadd.s32 v11, v36;
	[tilespmem:v51+s11+$0x0] =	vst.idx.msk $0xffff, v34;
	v26 =	vmov s23  }
0x3ba: {  	v34 =	vadd.s32 v7, v3;
	v51 =	vadd.s32 v60, v0;
	v26 =	vshrl.u32 v26, $0x3;
	[tilespmem:v40+s11+$0x0] =	vst.idx.msk $0xffff, v44  }
0x3bb: {  	v59 =	vadd.f32 v29, v17;
	v29 =	vshll.u32 v38, v1;
	v26 =	vshll.u32 v26, v1;
	v10 =	vld [tilespmem:$0x1FF60]  }
0x3bc: {  	v49 =	vadd.s32 v14, v2;
	v50 =	vbroadcast v26, $0x0;
	v26 =	vshll.u32 v63, v1;
	v5 =	vld [tilespmem:$0x1FF10]  }
0x3bd: {  	v36 =	vld [tilespmem:s20+$0xFFFFFED0];
	v45 =	vadd.f32 v42, v22;
	v54 =	vbroadcast v29, $0x0;
	v48 =	vbroadcast v26, $0x0  }
0x3be: {  	v52 =	vadd.s32 v14, v58;
	v63 =	vmovc v12;
	v26 =	vadd.s32 v9, v35;
	v12 =	vadd.s32 v12, v50  }
0x3bf: {  	v43 =	vld [tilespmem:s20+$0xFFFFFF60];
	v38 =	vadd.s32 v4, v50;
	v50 =	vadd.s32 v62, v13;
	v55 =	vadd.s32 v16, v48  }
0x3c0: {  	v29 =	vld [tilespmem:s20+$0xFFFFFFF0];
	v40 =	vadd.s32 v11, v54;
	[tilespmem:v57+s11+$0x0] =	vst.idx.msk $0xffff, v59;
	v59 =	vadd.s32 v63, v41  }
0x3c1: {  	v44 =	vld [tilespmem:s20+$0xFFFFFE60];
	v35 =	vadd.s32 v10, v27;
	v25 =	vadd.s32 v5, v2;
	v2 =	vshrl.u32 v33, $0x3  }
0x3c2: {  	v53 =	vld [tilespmem:s20+$0xFFFFFFE0];
	v27 =	vadd.s32 v5, v58;
	v58 =	vadd.f32 v36, v17;
	v2 =	vshll.u32 v2, v1  }
0x3c3: {  	s21 =	simm.s32 $0x47F0;
	s23 =	simm.s32 $0x10;
	v57 =	vld [tilespmem:s20+$0xFFFFFF80];
	[tilespmem:v12+s11+$0x0] =	vst.idx.msk $0xffff, v61;
	v42 =	vadd.s32 v10, v48;
	v33 =	vadd.s32 v15, v13;
	v48 =	vbroadcast v2, $0x0  }
.LBB2_91:
0x3c4: {  	v8 =	vld [tilespmem:$0x1FFE0]  }
0x3c5: {  	v2 =	vld [tilespmem:s20+$0xFFFFFFA0]  }
0x3c6: {  	[tilespmem:v49+s11+$0x0] =	vst.idx.msk $0xffff, v56;
	v49 =	vld [tilespmem:s21+$0xFFFFFF10]  }
0x3c7: {  	v6 =	vld [tilespmem:$0x1FFC0]  }
0x3c8: {  	[tilespmem:v52+s11+$0x0] =	vst.idx.msk $0xffff, v30;
	v30 =	vld [tilespmem:s21+$0xFFFFFE30]  }
0x3c9: {  	v61 =	vld [tilespmem:s21+$0xFFFFFFB0]  }
0x3ca: {  	s6 =	sadd.s32 $0x1, s23;
	s14 =	sadd.s32 $0x2, s23;
	s8 =	smov.u32 s23;
	v11 =	vld [tilespmem:$0x1FFD0]  }
0x3cb: {  	s16 =	sadd.s32 $0x4, s23;
	s17 =	sadd.s32 $0x7, s23;
	[tilespmem:v47+s11+$0x0] =	vst.idx.msk $0xffff, v28;
	s26 =	sadd.s32 $0xA, s23;
	v29 =	vadd.f32 v29, v17;
	v10 =	vld [tilespmem:$0x1FF40];
	v36 =	vmov s6;
	v3 =	vmov s14  }
0x3cc: {  	[tilespmem:v46+s11+$0x0] =	vst.idx.msk $0xffff, v31;
	v15 =	vld [tilespmem:$0x1FF50];
	v52 =	vmov s16;
	s16 =	sadd.s32 $0x8, s23;
	v28 =	vmov s17;
	s17 =	sadd.s32 $0xB, s23;
	v13 =	vmov s26;
	s26 =	sadd.s32 $0xE, s8  }
0x3cd: {  	[tilespmem:v59+s11+$0x0] =	vst.idx.msk $0xffff, v37;
	v16 =	vld [tilespmem:$0x1FF70];
	v47 =	vmov s16;
	v60 =	vmov s17;
	v62 =	vmov s26  }
0x3ce: {  	[tilespmem:v55+s11+$0x0] =	vst.idx.msk $0xffff, v58;
	v12 =	vld [tilespmem:s20+$0xFFFFFF00];
	v28 =	vshrl.u32 v28, $0x3;
	v52 =	vshrl.u32 v52, $0x3;
	v58 =	vshrl.u32 v13, $0x3  }
0x3cf: {  	v31 =	vld [tilespmem:s21+$0xFFFFFEF0];
	s16 =	sadd.s32 $0xD, s8;
	v0 =	vadd.s32 v8, v41;
	v41 =	vadd.f32 v53, v22;
	v53 =	vadd.s32 v6, v54  }
0x3d0: {  	[tilespmem:v50+s11+$0x0] =	vst.idx.msk $0xffff, v20;
	v63 =	vld [tilespmem:s20+$0xFFFFFEA0];
	s26 =	sadd.s32 $0xF, s8;
	v3 =	vshrl.u32 v3, $0x3;
	v46 =	vmov s16;
	v14 =	vshrl.u32 v62, $0x3  }
0x3d1: {  	s15 =	sadd.s32 $0x5, s23;
	[tilespmem:v24+s11+$0x0] =	vst.idx.msk $0xffff, v45;
	v50 =	vld [tilespmem:s21+$0xFFFFFF30];
	v62 =	vmov s26;
	v45 =	vshll.u32 v28, v1;
	v57 =	vadd.f32 v57, v22  }
0x3d2: {  	v28 =	vld [tilespmem:s20+$0xFFFFFEE0];
	v3 =	vshll.u32 v3, v1;
	v56 =	vadd.f32 v44, v22;
	v54 =	vmov s15  }
0x3d3: {  	v37 =	vshll.u32 v14, v1;
	v2 =	vadd.f32 v2, v22;
	[tilespmem:v39+s11+$0x0] =	vst.idx.msk $0xffff, v57;
	v14 =	vshrl.u32 v54, $0x3;
	v54 =	vld [tilespmem:s21+$0xFFFFFF50]  }
0x3d4: {  	v4 =	vshll.u32 v14, v1;
	[tilespmem:v53+s11+$0x0] =	vst.idx.msk $0xffff, v32;
	v53 =	vadd.f32 v30, v17;
	v30 =	vshrl.u32 v62, $0x3;
	v62 =	vld [tilespmem:s21+$0xFFFFFEB0]  }
0x3d5: {  	v44 =	vadd.s32 v7, v48;
	[tilespmem:v38+s11+$0x0] =	vst.idx.msk $0xffff, v2;
	v32 =	vadd.f32 v63, v22;
	v63 =	vbroadcast v4, $0x0;
	v4 =	vld [tilespmem:$0x1FF00]  }
0x3d6: {  	v55 =	vshrl.u32 v47, $0x3;
	v43 =	vadd.f32 v43, v22;
	v48 =	vadd.s32 v11, v48;
	[tilespmem:v35+s11+$0x0] =	vst.idx.msk $0xffff, v41;
	v59 =	vld [tilespmem:s20+$0xFFFFFE80]  }
0x3d7: {  	v46 =	vshrl.u32 v46, $0x3;
	v24 =	vshll.u32 v30, v1;
	v30 =	vadd.f32 v12, v22;
	v12 =	vld [tilespmem:s21+$0xFFFFFFF0];
	[tilespmem:v21+s11+$0x0] =	vst.idx.msk $0xffff, v29  }
0x3d8: {  	s14 =	sadd.s32 $0x6, s23;
	v3 =	vbroadcast v3, $0x0;
	v20 =	vadd.f32 v61, v17;
	v24 =	vbroadcast v24, $0x0;
	v61 =	vld [tilespmem:s20+$0x0];
	[tilespmem:v0+s11+$0x0] =	vst.idx.msk $0xffff, v32  }
0x3d9: {  	s18 =	sadd.s32 $0x3, s23;
	v57 =	vshll.u32 v58, v1;
	v35 =	vmov s14;
	v41 =	vshll.u32 v52, v1;
	v0 =	vld [tilespmem:s21+$0xFFFFFE50];
	[tilespmem:v23+s11+$0x0] =	vst.idx.msk $0xffff, v56  }
0x3da: {  	v56 =	vld [tilespmem:s21+$0xFFFFFFD0];
	[tilespmem:v51+s11+$0x0] =	vst.idx.msk $0xffff, v30;
	v30 =	vshrl.u32 v60, $0x3;
	v51 =	vmov s18;
	v13 =	vadd.s32 v10, v24  }
0x3db: {  	v60 =	vld [tilespmem:s20+$0xFFFFFF40];
	v39 =	vshll.u32 v30, v1;
	v30 =	vadd.f32 v49, v17;
	v49 =	vadd.s32 v15, v24  }
0x3dc: {  	s6 =	sadd.s32 $0x9, s23;
	[tilespmem:v48+s11+$0x0] =	vst.idx.msk $0xffff, v18;
	v38 =	vld [tilespmem:s21+$0xFFFFFE90];
	v51 =	vshrl.u32 v51, $0x3;
	v14 =	vadd.f32 v62, v17;
	v58 =	vadd.f32 v59, v22  }
0x3dd: {  	v21 =	vmovc v13;
	v13 =	vmov s6;
	v59 =	vadd.f32 v28, v22;
	v28 =	vadd.f32 v31, v17;
	v29 =	vmovc v12;
	v12 =	vld [tilespmem:$0x1FF80]  }
0x3de: {  	v39 =	vbroadcast v39, $0x0;
	v31 =	vadd.f32 v50, v17;
	v50 =	vld [tilespmem:s20+$0xFFFFFE20];
	v2 =	vadd.f32 v61, v22;
	[tilespmem:v40+s11+$0x0] =	vst.idx.msk $0xffff, v58  }
0x3df: {  	v62 =	vshrl.u32 v35, $0x3;
	v58 =	vadd.s32 v16, v63;
	[tilespmem:v42+s11+$0x0] =	vst.idx.msk $0xffff, v59;
	v42 =	vadd.f32 v54, v17;
	v54 =	vld [tilespmem:s20+$0xFFFFFF20]  }
0x3e0: {  	[tilespmem:v26+s11+$0x0] =	vst.idx.msk $0xffff, v43;
	v0 =	vadd.f32 v0, v17;
	v23 =	vadd.f32 v60, v22;
	v60 =	vbroadcast v45, $0x0;
	v45 =	vld [tilespmem:s20+$0xFFFFFE40]  }
0x3e1: {  	v40 =	vbroadcast v37, $0x0;
	v37 =	vadd.f32 v38, v17;
	v32 =	vld [tilespmem:s21+$0xFFFFFE70];
	[tilespmem:v19+s11+$0x0] =	vst.idx.msk $0xffff, v2;
	v2 =	vmov s8  }
0x3e2: {  	v38 =	vbroadcast v57, $0x0;
	[tilespmem:v34+s11+$0x0] =	vst.idx.msk $0xffff, v23;
	v2 =	vshrl.u32 v2, $0x3;
	v47 =	vadd.s32 v10, v60;
	v10 =	vld [tilespmem:$0x1FFB0]  }
0x3e3: {  	v24 =	vadd.s32 v12, v63;
	v63 =	vld [tilespmem:s20+$0xFFFFFFC0];
	v2 =	vshll.u32 v2, v1;
	v50 =	vadd.f32 v50, v22  }
0x3e4: {  	v57 =	vadd.s32 v6, v39;
	v2 =	vbroadcast v2, $0x0;
	[tilespmem:v58+s11+$0x0] =	vst.idx.msk $0xffff, v14;
	v14 =	vld [tilespmem:$0x1FF20];
	v26 =	vadd.f32 v54, v22  }
0x3e5: {  	s15 =	sadd.s32 $0xC, s23;
	v48 =	vshrl.u32 v13, $0x3;
	v23 =	vadd.s32 v9, v3;
	v54 =	vld [tilespmem:s21+$0xFFFFFE10];
	[tilespmem:v25+s11+$0x0] =	vst.idx.msk $0xffff, v50;
	v25 =	vadd.f32 v45, v22  }
0x3e6: {  	v52 =	vmov s15;
	v19 =	vmovc v49;
	v32 =	vadd.f32 v32, v17;
	v49 =	vadd.s32 v4, v2;
	[tilespmem:v27+s11+$0x0] =	vst.idx.msk $0xffff, v26  }
0x3e7: {  	v18 =	vmovc v53;
	v53 =	vld [tilespmem:s21+$0xFFFFFF90];
	v26 =	vshll.u32 v55, v1;
	v27 =	vshll.u32 v46, v1;
	v39 =	vadd.s32 v10, v39  }
0x3e8: {  	v35 =	vld [tilespmem:s21+$0xFFFFFEC0];
	[tilespmem:v44+s11+$0x0] =	vst.idx.msk $0xffff, v25;
	v25 =	vadd.s32 v5, v2;
	v58 =	vadd.f32 v63, v22;
	v63 =	vshrl.u32 v52, $0x3  }
0x3e9: {  	v34 =	vshll.u32 v63, v1;
	v63 =	vld [tilespmem:$0x1FF90];
	v59 =	vadd.s32 v14, v3;
	v3 =	vshll.u32 v48, v1  }
0x3ea: {  	v52 =	vld [tilespmem:s21+$0xFFFFFF70];
	v13 =	vbroadcast v27, $0x0;
	[tilespmem:v33+s11+$0x0] =	vst.idx.msk $0xffff, v58;
	v48 =	vadd.f32 v56, v17;
	v33 =	vshll.u32 v62, v1  }
0x3eb: {  	v34 =	vbroadcast v34, $0x0;
	v43 =	vadd.s32 v14, v38;
	v14 =	vld [tilespmem:$0x1FFA0];
	v58 =	vbroadcast v26, $0x0  }
0x3ec: {  	v26 =	vshll.u32 v51, v1;
	v62 =	vadd.f32 v53, v17;
	v56 =	vadd.f32 v54, v17  }
0x3ed: {  	v50 =	vld [tilespmem:s21+$0xFFFFFED0];
	v51 =	vadd.s32 v15, v60;
	v3 =	vbroadcast v3, $0x0;
	v45 =	vadd.f32 v35, v22  }
0x3ee: {  	v54 =	vbroadcast v26, $0x0;
	v33 =	vbroadcast v33, $0x0;
	[tilespmem:v59+s11+$0x0] =	vst.idx.msk $0xffff, v0;
	v0 =	vadd.s32 v63, v40  }
0x3ef: {  	v26 =	vadd.s32 v9, v38;
	v59 =	vadd.f32 v52, v17;
	v52 =	vadd.s32 v4, v58;
	v4 =	vld [tilespmem:$0x1FF60]  }
0x3f0: {  	p0 =	slt.u32 s23, $0x1F0;
	v38 =	vadd.s32 v8, v34;
	v27 =	vadd.s32 v5, v58;
	v61 =	vadd.s32 v14, v34  }
.Ltmp44:
0x3f1: {  	v41 =	vbroadcast v41, $0x0;
	v46 =	vadd.s32 v11, v3;
	v55 =	vadd.s32 v63, v33;
	[tilespmem:v43+s11+$0x0] =	vst.idx.msk $0xffff, v42;
	(pc) =	sbr.rel @p0 .LBB2_91-.Ltmp44, $4  }
0x3f2: {  	s20 =	smov.u32 s21;
	v34 =	vadd.s32 v7, v3;
	v58 =	vadd.f32 v50, v17;
	v44 =	vld [tilespmem:s21+$0xFFFFFE60];
	[tilespmem:v57+s11+$0x0] =	vst.idx.msk $0xffff, v59  }
0x3f3: {  	v50 =	vadd.s32 v16, v13;
	v43 =	vld [tilespmem:s20+$0xFFFFFF60];
	v59 =	vadd.s32 v14, v41;
	[tilespmem:v0+s11+$0x0] =	vst.idx.msk $0xffff, v48;
	v0 =	vshrl.u32 v36, $0x3  }
0x3f4: {  	s17 =	sadd.s32 $0x10, s23;
	v57 =	vld [tilespmem:s21+$0xFFFFFF80];
	v35 =	vadd.s32 v4, v40;
	v40 =	vadd.s32 v10, v54;
	v0 =	vshll.u32 v0, v1  }
0x3f5: {  	s23 =	smov.u32 s17;
	v42 =	vadd.s32 v4, v33;
	v33 =	vadd.s32 v12, v13;
	[tilespmem:v61+s11+$0x0] =	vst.idx.msk $0xffff, v62;
	v53 =	vld [tilespmem:s21+$0xFFFFFFE0];
	s21 =	sadd.s32 $0x200, s21;
	v48 =	vbroadcast v0, $0x0  }
0x3f6: {  	_ =	sdelay $0x3  }
0x3f7: {  	[tilespmem:v49+s11+$0x0] =	vst.idx.msk $0xffff, v56  }
0x3f8: {  	v6 =	vld [tilespmem:$0x1FFC0];
	_ =	sdelay $0x4  }
0x3f9: {  	[tilespmem:v47+s11+$0x0] =	vst.idx.msk $0xffff, v28;
	v0 =	vadd.s32 v6, v54  }
0x3fa: {  	[tilespmem:v52+s11+$0x0] =	vst.idx.msk $0xffff, v30;
	v2 =	vld [tilespmem:s20+$0xFFFFFF00]  }
0x3fb: {  	[tilespmem:v55+s11+$0x0] =	vst.idx.msk $0xffff, v58  }
0x3fc: {  	[tilespmem:v59+s11+$0x0] =	vst.idx.msk $0xffff, v37  }
0x3fd: {  	[tilespmem:v46+s11+$0x0] =	vst.idx.msk $0xffff, v31  }
0x3fe: {  	[tilespmem:v0+s11+$0x0] =	vst.idx.msk $0xffff, v32  }
0x3ff: {  	v2 =	vadd.f32 v2, v22;
	v9 =	vld [tilespmem:$0x1FFE0];
	[tilespmem:v24+s11+$0x0] =	vst.idx.msk $0xffff, v45  }
0x400: {  	v55 =	vld [tilespmem:s20+$0xFFFFFEE0];
	[tilespmem:v50+s11+$0x0] =	vst.idx.msk $0xffff, v20  }
0x401: {  	[tilespmem:v51+s11+$0x0] =	vst.idx.msk $0xffff, v2  }
0x402: {  	v4 =	vld [tilespmem:$0x1FFD0]  }
0x403: {  	v0 =	vld [tilespmem:s20+$0xFFFFFEA0]  }
0x404: {  	v56 =	vadd.f32 v57, v22;
	v3 =	vld [tilespmem:s20+$0xFFFFFE80]  }
0x405: {  	v58 =	vadd.f32 v55, v22;
	v54 =	vadd.s32 v9, v41  }
0x406: {  	v57 =	vld [tilespmem:s20+$0xFFFFFFA0];
	v60 =	vadd.f32 v53, v22;
	[tilespmem:v39+s11+$0x0] =	vst.idx.msk $0xffff, v56  }
0x407: {  	v2 =	vadd.f32 v29, v17;
	[tilespmem:v42+s11+$0x0] =	vst.idx.msk $0xffff, v58;
	v17 =	vadd.s32 v4, v48  }
0x408: {  	[tilespmem:v35+s11+$0x0] =	vst.idx.msk $0xffff, v60;
	v0 =	vadd.f32 v0, v22  }
0x409: {  	[tilespmem:v21+s11+$0x0] =	vst.idx.msk $0xffff, v2;
	v2 =	vld [tilespmem:s20+$0xFFFFFF40];
	v3 =	vadd.f32 v3, v22  }
0x40a: {  	[tilespmem:v54+s11+$0x0] =	vst.idx.msk $0xffff, v0;
	v0 =	vld [tilespmem:s20+$0x0]  }
0x40b: {  	v59 =	vld [tilespmem:s20+$0xFFFFFFC0];
	[tilespmem:v40+s11+$0x0] =	vst.idx.msk $0xffff, v3;
	v3 =	vadd.f32 v57, v22  }
0x40c: {  	v61 =	vld [tilespmem:s20+$0xFFFFFF20];
	[tilespmem:v17+s11+$0x0] =	vst.idx.msk $0xffff, v18;
	v17 =	vadd.f32 v44, v22  }
0x40d: {  	v63 =	vadd.f32 v43, v22;
	[tilespmem:v38+s11+$0x0] =	vst.idx.msk $0xffff, v3;
	v3 =	vld [tilespmem:s20+$0xFFFFFE20]  }
0x40e: {  	v2 =	vadd.f32 v2, v22;
	[tilespmem:v23+s11+$0x0] =	vst.idx.msk $0xffff, v17;
	v17 =	vld [tilespmem:s20+$0xFFFFFE40]  }
0x40f: {  	[tilespmem:v26+s11+$0x0] =	vst.idx.msk $0xffff, v63;
	v0 =	vadd.f32 v0, v22  }
0x410: {  	v62 =	vadd.s32 v7, v48;
	[tilespmem:v34+s11+$0x0] =	vst.idx.msk $0xffff, v2;
	v2 =	vadd.f32 v59, v22  }
0x411: {  	[tilespmem:v19+s11+$0x0] =	vst.idx.msk $0xffff, v0;
	v0 =	vadd.f32 v61, v22  }
0x412: {  	[tilespmem:v33+s11+$0x0] =	vst.idx.msk $0xffff, v2;
	v2 =	vadd.f32 v3, v22  }
0x413: {  	[tilespmem:v27+s11+$0x0] =	vst.idx.msk $0xffff, v0;
	v0 =	vadd.f32 v17, v22  }
0x414: {  	[tilespmem:v25+s11+$0x0] =	vst.idx.msk $0xffff, v2  }
0x415: {  	[tilespmem:v62+s11+$0x0] =	vst.idx.msk $0xffff, v0  }
0x416: {  	v5 =	vmov v7;
	v7 =	vld [tilespmem:$0x1FFB0]  }
0x417: {  	v8 =	vld [tilespmem:$0x1FFA0]  }
0x418: {  	v11 =	vld [tilespmem:$0x1FF70]  }
.Ltmp45:
0x419: {  	v12 =	vld [tilespmem:$0x1FF80];
	(pc) =	sbr.rel @p1 .LBB2_96-.Ltmp45, $4  }
0x41a: {  	v13 =	vld [tilespmem:$0x1FF90]  }
0x41b: {  	v14 =	vld [tilespmem:$0x1FF60]  }
0x41c: {  	v10 =	vld [tilespmem:$0x1FF40]  }
0x41d: {  	v15 =	vld [tilespmem:$0x1FF50]  }
0x41e: {  	s8 =	sadd.s32 $0x3, s22  }
0x41f: {  	s14 =	rddreg [dreg:$0x7];
	s6 =	sshll.u32 s8, $0xE  }
0x420: {  	s6 =	sor.u32 s14, s6  }
0x421: {  	s22 =	rddreg [dreg:$0x1];
	s6 =	sshrl.u32 s6, $0x3  }
0x422: {  	s23 =	simm.s32 $0x200;
	s26 =	simm.s32 $0x6;
	s6 =	sadd.s32 s22, s6  }
0x423: {  	[tilespmem:s23], [sflag:$0x6] =	stream.linear.gather [hbm4b:s6+s2], $0x200, $0x38;
	[tilespmem:$0x15740] =	vst v63  }
0x424: {  	_ =	swait.ge [sflag:s26], $0x200  }
0x425: {  	[sflag:s26] =	ssyncset.done $0x0  }
0x426: {  	s6 =	simm.s32 $0x270;
	[sflag:s26] =	ssyncadd.s32 $0xFFFFFE00  }
0x427: {  	v0 =	vld [tilespmem:s6+$0x0]  }
0x428: {  	v2 =	vld [tilespmem:s6+$0xFFFFFFA0]  }
0x429: {  	s8 =	smul.u32 $0x186A0, s8;
	v3 =	vld [tilespmem:s6+$0xFFFFFFB0]  }
0x42a: {  	v20 =	vld [tilespmem:s6+$0xFFFFFFC0]  }
0x42b: {  	v17 =	vmov s8;
	v19 =	vld [tilespmem:s6+$0xFFFFFFD0]  }
0x42c: {  	v18 =	vld [tilespmem:s6+$0xFFFFFFE0];
	v0 =	vadd.s32 v17, v0  }
0x42d: {  	v21 =	vld [tilespmem:s6+$0xFFFFFFF0];
	v2 =	vadd.s32 v17, v2;
	[tilespmem:s6+$0x0] =	vst v0  }
0x42e: {  	s14 =	simm.s32 $0x2F0;
	s8 =	simm.s32 $0x0;
	v22 =	vld [tilespmem:s6+$0xFFFFFF90];
	v23 =	vadd.s32 v17, v3;
	[tilespmem:s6+$0xFFFFFFA0] =	vst v2  }
.LBB2_94:
0x42f: {  	v0 =	vld [tilespmem:s14+$0x0];
	s8 =	sadd.s32 $0x8, s8;
	[tilespmem:s6+$0xFFFFFFB0] =	vst v23;
	v2 =	vadd.s32 v17, v20  }
0x430: {  	v3 =	vld [tilespmem:s14+$0xFFFFFFA0];
	p0 =	slt.u32 s8, $0x18;
	[tilespmem:s6+$0xFFFFFFC0] =	vst v2;
	v2 =	vadd.s32 v17, v19  }
0x431: {  	v23 =	vld [tilespmem:s14+$0xFFFFFFB0];
	[tilespmem:s6+$0xFFFFFFD0] =	vst v2;
	v2 =	vadd.s32 v17, v18  }
.Ltmp46:
0x432: {  	v20 =	vld [tilespmem:s14+$0xFFFFFFC0];
	[tilespmem:s6+$0xFFFFFFE0] =	vst v2;
	v2 =	vadd.s32 v17, v21;
	(pc) =	sbr.rel @p0 .LBB2_94-.Ltmp46, $4  }
0x433: {  	v19 =	vld [tilespmem:s14+$0xFFFFFFD0];
	v21 =	vadd.s32 v17, v22;
	[tilespmem:s6+$0xFFFFFFF0] =	vst v2  }
0x434: {  	v18 =	vld [tilespmem:s14+$0xFFFFFFE0];
	v0 =	vadd.s32 v17, v0;
	[tilespmem:s6+$0xFFFFFF90] =	vst v21;
	s6 =	smov.u32 s14  }
0x435: {  	v2 =	vadd.s32 v17, v3;
	v21 =	vld [tilespmem:s14+$0xFFFFFFF0];
	[tilespmem:s14+$0x0] =	vst v0  }
0x436: {  	s14 =	sadd.s32 $0x80, s14;
	v22 =	vld [tilespmem:s6+$0xFFFFFF90];
	[tilespmem:s6+$0xFFFFFFA0] =	vst v2;
	v23 =	vadd.s32 v17, v23  }
0x437: {  	[tilespmem:s6+$0xFFFFFFB0] =	vst v23;
	v0 =	vadd.s32 v17, v20  }
0x438: {  	[tilespmem:s6+$0xFFFFFFC0] =	vst v0;
	v0 =	vadd.s32 v17, v19  }
0x439: {  	[tilespmem:s6+$0xFFFFFFD0] =	vst v0;
	v0 =	vadd.s32 v17, v18  }
0x43a: {  	[tilespmem:s6+$0xFFFFFFE0] =	vst v0;
	v0 =	vadd.s32 v17, v21  }
0x43b: {  	v2 =	vadd.s32 v17, v22;
	[tilespmem:s6+$0xFFFFFFF0] =	vst v0  }
0x43c: {  	[tilespmem:s6+$0xFFFFFF90] =	vst v2  }
0x43d: {  	s8 =	simm.s32 $0x200;
	s14 =	simm.s32 $0x4400;
	s6 =	rddreg [dreg:$0x5]  }
0x43e: {  	[tilespmem:s14], [sflag:$0x2] =	stream.indirect.gather [hbm4b:s6+s8], $0x20, s8, s8, $0xb8;
	[tilespmem:$0x15740] =	vst v63  }
.LBB2_96:
0x43f: {  	s6 =	rddreg [dreg:$0x19]  }
0x440: {  	s1 =	sadd.s32 s6, s1  }
0x441: {  	s1 =	sshrl.u32 s1, $0x3  }
0x442: {  	s8 =	simm.s32 $0x800;
	s1 =	sadd.s32 s9, s1  }
0x443: {  	s14 =	simm.s32 $0xC708;
	s6 =	simm.s32 $0xC500;
	s15 =	sadd.s32 $0x0, s1  }
.LBB2_97:
0x444: {  	[hbm4b:s15+s2] =	stream.linear.scatter [tilespmem:s6], [sflag:$0x4], $0x200, $0x38;
	[tilespmem:$0x15740] =	vst v63  }
0x445: {  	s15 =	smov.u32 s8;
	s6 =	smov.u32 s14;
	p0 =	sne.s32 s8, $0xF800  }
.Ltmp47:
0x446: {  	s8 =	sadd.s32 $0x800, s8;
	(pc) =	sbr.rel @p0 .LBB2_97-.Ltmp47, $2  }
0x447: {  	_ =	sdelay $0x2  }
0x448: {  	s14 =	sadd.s32 $0x208, s14;
	s15 =	sadd.s32 s15, s1  }
0x449: {  	s19 =	sadd.s32 $0x1, s19  }
0x44a: {  	p0 =	sne.s32 s19, $0xD  }
.Ltmp48:
0x44b: {  	_ = 	snop;
	(pc) =	sbr.rel @p0 .LBB2_82-.Ltmp48, $4  }
0x44c: {  	_ = 	snop  }
0x44d: {  	v0 =	vld [tilespmem:$0x1FF10]  }
0x44e: {  	v2 =	vld [tilespmem:$0x1FF20]  }
0x44f: {  	[hbm4b:s15+s2] =	stream.linear.scatter [tilespmem:s6], [sflag:$0x4], $0x200, $0x38;
	v3 =	vld [tilespmem:$0x1FF30]  }
0x450: {  	s19 =	simm.s32 $0x3  }
0x451: {  	_ =	swait.ge [sflag:s19], $0x4000  }
0x452: {  	[sflag:s19] =	ssyncset.done $0x0  }
0x453: {  	s20 =	simm.s32 $0x4;
	[sflag:s19] =	ssyncadd.s32 $0xFFFFC000  }
0x454: {  	_ =	swait.ge [sflag:s20], $0x4000  }
0x455: {  	s6 =	rddreg [dreg:$0x1a]  }
0x456: {  	s1 =	rddreg [dreg:$0x16];
	s6 =	sadd.s32 $0x1, s6  }
0x457: {  	p0 =	sne.s32 s6, s1  }
.Ltmp49:
0x458: {  	_ = 	snop;
	(pc) =	sbr.rel @p0 .LBB2_1-.Ltmp49, $3  }
0x459: {  	_ =	sdelay $0x1  }
0x45a: {  	[sflag:s20] =	ssyncset.done $0x0  }
0x45b: {  	s16 =	simm.s32 $0x5;
	[sflag:s20] =	ssyncadd.s32 $0xFFFFC000  }
0x45c: {  	_ =	sfence.sel $0x180000  }
0x45d: {  	[bflag:$0x0] =	sbarrier.arrive $0xFFFF  }
0x45e: {  	_ =	strace $0x90000047  }
0x45f: {  	s0 =	stileid.u32;
	[bflag:$0x2] =	sbarrier.arrive $0xFFFF  }
0x460: {  	p0 =	sne.s32 s0, $0x0;
	s0 =	rddreg [dreg:$0x2]  }
0x461: {  	s0 =	sadd.s32 @!p0 $0x100000, s0  }
0x462: {  	[sflag:s0] =	ssyncadd.tile.s32 @!p0 $0x1;
	_ =	shalt  }
.Lfunc_end2:
_tile_overlayer_lowered:
.L_overlay_start_2:
0x463: {  	(tag) =	ssettag $0x2  }
0x464: {  	s0 =	rddreg [dreg:$0x0];
	s2 =	stileid.u32  }
0x465: {  	s1 =	rddreg [dreg:$0x1];
	p0 =	sne.s32 s2, $0x0  }
0x466: {  	s3 =	rddreg [dreg:$0x2];
	[bflag:$0x3] =	sbarrier.arrive $0xFFFF;
	s2 =	simm.s32 @!p0 $0x1C06  }
0x467: {  	[timem:s3], [sflag:s2] =	dma.local @!p0 [hbm:s0], s1  }
0x468: {  	s0 =	simm.s32 @!p0 $0x6  }
0x469: {  	_ =	swait.ge @!p0 [sflag:s0], s1  }
0x46a: {  	s1 =	ssub.s32 @!p0 $0x0, s1;
	[sflag:s0] =	ssyncset.done @!p0 $0x0  }
0x46b: {  	[sflag:s0] =	ssyncadd.s32 @!p0 s1  }
0x46c: {  	[bflag:$0x3] =	sbarrier.arrive $0xFFFF  }
0x46d: {  	_ =	shalt  }

</sc_bundles>
